<compile_context>
chip_gen: v7x
topology: tpu7x:2x2x1
jax: 0.10.2.dev20260603
libtpu: 0.0.44.dev20260713+nightly
codegen_flags: <defaults>
</compile_context>

<pallas_src>
import functools
import jax
import jax.numpy as jnp
import numpy as np
from jax import lax
from jax.experimental import pallas as pl
from jax.experimental.pallas import tpu as pltpu
from jax.experimental.pallas import tpu_sc as plsc

RADIUS = 0.12
NSAMPLE = 32

B, N, NP, C = 4, 8192, 2048, 64
QB = 256
K = 512
NCHUNK = N // K
COUT = C + 3


NWRD = N // 32


def _ball_pack_body(xyz_ref, pp_ref, q_ref, plo_ref, phi_ref, cnt_ref, wrd_ref):
    q = q_ref[0]
    qq = jnp.sum(q * q, axis=1, keepdims=True)
    r2 = RADIUS * RADIUS
    plo = plo_ref[...]
    phi = phi_ref[...]
    ones = jnp.ones((K, 1), jnp.float32)

    cols = []
    cnt = jnp.zeros((QB, 1), jnp.float32)
    for k in range(NCHUNK):
        xc = xyz_ref[0, k * K:(k + 1) * K, :]
        pp = pp_ref[0, 0:1, k * K:(k + 1) * K]
        qp = jnp.dot(q, xc.T, preferred_element_type=jnp.float32)
        d2 = qq + pp - 2.0 * qp
        m = (d2 < r2).astype(jnp.float32)
        lo = jnp.dot(m, plo, preferred_element_type=jnp.float32)
        hi = jnp.dot(m, phi, preferred_element_type=jnp.float32)
        w32 = lo.astype(jnp.int32) | (hi.astype(jnp.int32) << 16)
        cols.append(w32)
        cnt = cnt + jnp.dot(m, ones, preferred_element_type=jnp.float32)

    wrd_ref[0] = jnp.concatenate(cols, axis=1)
    cnt_ref[0, 0, :] = jnp.minimum(cnt, jnp.float32(NSAMPLE))[:, 0]


def _ball_pack(xyz, pp, new_xyz, plo, phi):
    grid = (B, NP // QB)
    return pl.pallas_call(
        _ball_pack_body,
        grid=grid,
        in_specs=[
            pl.BlockSpec((1, N, 3), lambda b, q: (b, 0, 0)),
            pl.BlockSpec((1, 1, N), lambda b, q: (b, 0, 0)),
            pl.BlockSpec((1, QB, 3), lambda b, q: (b, q, 0)),
            pl.BlockSpec((K, K // 32), lambda b, q: (0, 0)),
            pl.BlockSpec((K, K // 32), lambda b, q: (0, 0)),
        ],
        out_specs=[
            pl.BlockSpec((1, 1, QB), lambda b, q: (b, 0, q)),
            pl.BlockSpec((1, QB, NWRD), lambda b, q: (b, q, 0)),
        ],
        out_shape=[
            jax.ShapeDtypeStruct((B, 1, NP), jnp.float32),
            jax.ShapeDtypeStruct((B, NP, NWRD), jnp.int32),
        ],
    )(xyz, pp, new_xyz, plo, phi)


QT = (B * NP) // 32
QCW = 64


def _extract_body(wrd_hbm, idx_hbm, wtile_v, nzw_v, nzp_v, idxbuf_v, idxout_v):
    wid = lax.axis_index("c") * 16 + lax.axis_index("s")
    iota = lax.iota(jnp.int32, 16)
    g0 = wid * QT
    b = g0 // NP
    q0 = g0 % NP

    for ch in range(QT // QCW):
        qb = q0 + ch * QCW
        pltpu.sync_copy(wrd_hbm.at[b, pl.ds(qb, QCW), :], wtile_v)

        def per_query(j, _):
            def comp(wb, nw):
                wv = wtile_v[j, pl.ds(wb * 16, 16)]
                nz = wv != 0
                plsc.store_compressed(nzw_v.at[pl.ds(nw, 16)], wv, mask=nz)
                plsc.store_compressed(nzp_v.at[pl.ds(nw, 16)], wb * 16 + iota,
                                      mask=nz)
                return nw + plsc.all_reduce_population_count(nz)[0]

            nw = lax.fori_loop(0, NWRD // 16, comp, jnp.int32(0), unroll=4)
            idxbuf_v[pl.ds(0, 16)] = jnp.zeros((16,), jnp.int32)

            def cond(c):
                jw, found = c
                return (jw < nw) & (found < NSAMPLE)

            def expand(c):
                jw, found = c
                w = jnp.broadcast_to(nzw_v[pl.ds(jw, 16)][0], (16,))
                wp = nzp_v[pl.ds(jw, 16)][0]
                blo = ((w >> iota) & 1) != 0
                bhi = ((w >> (iota + 16)) & 1) != 0
                vlo = wp * 32 + iota
                plsc.store_compressed(idxbuf_v.at[pl.ds(found, 16)], vlo,
                                      mask=blo)
                found = found + plsc.all_reduce_population_count(blo)[0]
                plsc.store_compressed(idxbuf_v.at[pl.ds(found, 16)], vlo + 16,
                                      mask=bhi)
                found = found + plsc.all_reduce_population_count(bhi)[0]
                return jw + 1, found

            _, found = lax.while_loop(cond, expand,
                                      (jnp.int32(0), jnp.int32(0)))
            kf = jnp.minimum(found, NSAMPLE)
            v0 = idxbuf_v[pl.ds(0, 16)]
            v1 = idxbuf_v[pl.ds(16, 16)]
            first = jnp.broadcast_to(v0[0], (16,))
            idxout_v[pl.ds(j * 32, 16)] = jnp.where(iota < kf, v0, first)
            idxout_v[pl.ds(j * 32 + 16, 16)] = jnp.where(iota + 16 < kf, v1,
                                                         first)
            return 0

        lax.fori_loop(0, QCW, per_query, 0)
        pltpu.sync_copy(idxout_v,
                        idx_hbm.at[b, 0, pl.ds(qb * NSAMPLE, QCW * NSAMPLE)])


def _extract(words):
    mesh = plsc.VectorSubcoreMesh(core_axis_name="c", subcore_axis_name="s",
                                  num_cores=2, num_subcores=16)
    f = pl.kernel(
        _extract_body,
        out_type=jax.ShapeDtypeStruct((B, 1, NP * NSAMPLE), jnp.int32),
        mesh=mesh,
        scratch_types=[
            pltpu.VMEM((QCW, NWRD), jnp.int32),
            pltpu.VMEM((NWRD + 16,), jnp.int32),
            pltpu.VMEM((NWRD + 16,), jnp.int32),
            pltpu.VMEM((96,), jnp.int32),
            pltpu.VMEM((QCW * NSAMPLE,), jnp.int32),
        ],
        compiler_params=pltpu.CompilerParams(needs_layout_passes=False),
    )
    return f(words)


NW = 32
CG = 8
QC = 128
FLAT = QC * NSAMPLE
NVR = FLAT // 16
NQC = NP // QC


def _gather_body(xyzt_hbm, feat_hbm, nq_hbm, idx_hbm, oxyz_hbm, ofeat_hbm,
                 feat_v, idx_v, out_v, nq_v, sem):
    wid = lax.axis_index("c") * 16 + lax.axis_index("s")

    b1 = wid // 8
    fg1 = wid % 8

    def run_feat():
        c0 = fg1 * CG
        pltpu.sync_copy(feat_hbm.at[b1, 0, pl.ds(c0 * N, CG * N)], feat_v)

        def qchunk(qc, _):
            pltpu.sync_copy(idx_hbm.at[b1, 0, pl.ds(qc * FLAT, FLAT)], idx_v)

            @plsc.parallel_loop(0, NVR, step=1, unroll=4)
            def _vloop(v):
                iv = idx_v[pl.ds(v * 16, 16)]
                for c in range(CG):
                    coff = jnp.full((16,), c * N, jnp.int32)
                    out_v[c, pl.ds(v * 16, 16)] = plsc.load_gather(
                        feat_v, [iv + coff])

            pltpu.sync_copy(
                out_v, ofeat_hbm.at[b1, pl.ds(c0, CG), pl.ds(qc * FLAT, FLAT)])
            return 0

        lax.fori_loop(0, NQC, qchunk, 0)

    run_feat()

    @pl.when((wid % 16) < 4)
    def _():
        xid = (wid // 16) * 4 + (wid % 16)
        b2 = xid // 2
        half = xid % 2
        pltpu.sync_copy(xyzt_hbm.at[b2, 0, :], feat_v.at[pl.ds(0, 3 * N)])

        def qchunk(qc, _):
            pltpu.sync_copy(idx_hbm.at[b2, 0, pl.ds(qc * FLAT, FLAT)], idx_v)
            pltpu.sync_copy(nq_hbm.at[b2, 0, pl.ds(qc * QC * 3, QC * 3)], nq_v)

            @plsc.parallel_loop(0, NVR, step=1, unroll=4)
            def _vloop(v):
                iv = idx_v[pl.ds(v * 16, 16)]
                for c in range(3):
                    coff = jnp.full((16,), c * N, jnp.int32)
                    g = plsc.load_gather(feat_v, [iv + coff])
                    nqi = jnp.broadcast_to((v // 2) * 3 + c, (16,))
                    g = g - plsc.load_gather(nq_v, [nqi])
                    out_v[c, pl.ds(v * 16, 16)] = g

            pltpu.sync_copy(
                out_v.at[pl.ds(0, 3), :],
                oxyz_hbm.at[b2, :, pl.ds(qc * FLAT, FLAT)])
            return 0

        lax.fori_loop(half * (NQC // 2), (half + 1) * (NQC // 2), qchunk, 0)


def _gather(xyzt, features, new_xyz, idx_flat):
    mesh = plsc.VectorSubcoreMesh(core_axis_name="c", subcore_axis_name="s",
                                  num_cores=2, num_subcores=16)
    f = pl.kernel(
        _gather_body,
        out_type=[
            jax.ShapeDtypeStruct((B, 3, NP * NSAMPLE), jnp.float32),
            jax.ShapeDtypeStruct((B, C, NP * NSAMPLE), jnp.float32),
        ],
        mesh=mesh,
        scratch_types=[
            pltpu.VMEM((CG * N,), jnp.float32),
            pltpu.VMEM((FLAT,), jnp.int32),
            pltpu.VMEM((CG, FLAT), jnp.float32),
            pltpu.VMEM((QC * 3,), jnp.float32),
            pltpu.SemaphoreType.DMA,
        ],
        compiler_params=pltpu.CompilerParams(needs_layout_passes=False),
    )
    return f(xyzt, features, new_xyz, idx_flat)


def _pack_mats():
    j = np.arange(K)
    u = np.arange(K // 32)
    sel = (j[:, None] // 32) == u[None, :]
    bit = j % 32
    plo = np.where(sel & (bit[:, None] < 16), 2.0 ** (bit[:, None]), 0.0)
    phi = np.where(sel & (bit[:, None] >= 16), 2.0 ** (bit[:, None] - 16), 0.0)
    return (jnp.asarray(plo, jnp.float32), jnp.asarray(phi, jnp.float32))


def kernel(xyz, new_xyz, features):
    plo, phi = _pack_mats()
    pp = jnp.sum(xyz * xyz, axis=-1)[:, None, :]
    cnt_f, words = _ball_pack(xyz, pp, new_xyz, plo, phi)
    idx_flat = _extract(words)
    xyzt = jnp.transpose(xyz, (0, 2, 1)).reshape(B, 1, 3 * N)
    feats_flat = features.reshape(B, 1, C * N)
    nq_flat = new_xyz.reshape(B, 1, NP * 3)
    oxyz, ofeat = _gather(xyzt, feats_flat, nq_flat, idx_flat)
    new_features = jnp.concatenate(
        [oxyz.reshape(B, 3, NP, NSAMPLE), ofeat.reshape(B, C, NP, NSAMPLE)],
        axis=1)
    return cnt_f.reshape(B, NP).astype(jnp.int32), new_features

# --- scband reference (transcript-rebuilt; emitter-appended) ---
"""Pipeline reference for scband-query-and-group-cnt-31576599560761 (READ-ONLY COPY).

The authoritative reference and input builder live on the scoring server;
editing this copy changes nothing except your own understanding.
"""

import jax, jax.numpy as jnp
import numpy as np

RADIUS = 0.12
NSAMPLE = 32
USE_XYZ = True


def setup_inputs(seed: int = 0) -> dict:
    key = jax.random.key(seed)
    k1, k2, k3 = jax.random.split(key, 3)
    B, N, NP, C = 4, 8192, 2048, 64
    xyz = jax.random.uniform(k1, (B, N, 3), dtype=jnp.float32)
    new_xyz = jax.random.uniform(k2, (B, NP, 3), dtype=jnp.float32)
    features = jax.random.normal(k3, (B, C, N), dtype=jnp.float32)
    return {"xyz": xyz, "new_xyz": new_xyz, "features": features}


def ball_query_cnt(radius, nsample, xyz, new_xyz):
    # xyz: (B, N, 3), new_xyz: (B, npoint, 3)
    # pairwise squared distances via |q|^2 + |p|^2 - 2 q.p (avoids (B,np,N,3) intermediate)
    xyz = jax.lax.stop_gradient(xyz)
    new_xyz = jax.lax.stop_gradient(new_xyz)
    qq = jnp.sum(new_xyz * new_xyz, axis=-1)[:, :, None]          # (B, np, 1)
    pp = jnp.sum(xyz * xyz, axis=-1)[:, None, :]                  # (B, 1, N)
    qp = jnp.einsum('bqd,bnd->bqn', new_xyz, xyz)                 # (B, np, N)
    d2 = qq + pp - 2.0 * qp
    mask = d2 < (radius * radius)                                  # (B, np, N)
    N = xyz.shape[1]
    # earliest valid indices first: valid points score -index, invalid -inf
    score = jnp.where(mask, -jnp.arange(N, dtype=jnp.float32)[None, None, :], -jnp.inf)
    vals, idxs = jax.lax.top_k(score, nsample)                     # (B, np, nsample)
    valid = vals > -jnp.inf
    first = idxs[..., :1]
    # pointnet2 semantics: first found index fills remaining slots
    idx = jnp.where(valid, idxs, first)
    cnt = jnp.minimum(jnp.sum(mask, axis=-1), nsample).astype(jnp.int32)  # (B, np)
    idx = jnp.where(cnt[..., None] > 0, idx, 0).astype(jnp.int32)
    return cnt, idx


def grouping_operation(features, idx):
    # features: (B, C, N), idx: (B, npoint, nsample) -> (B, C, npoint, nsample)
    return jax.vmap(lambda f, i: f[:, i])(features, idx)


def reference(xyz, new_xyz, features):
    idx_cnt, idx = ball_query_cnt(RADIUS, NSAMPLE, xyz, new_xyz)
    xyz_trans = jnp.transpose(xyz, (0, 2, 1))                      # (B, 3, N)
    grouped_xyz = grouping_operation(xyz_trans, idx)               # (B, 3, np, ns)
    grouped_xyz = grouped_xyz - jnp.transpose(new_xyz, (0, 2, 1))[..., None]
    grouped_features = grouping_operation(features, idx)           # (B, C, np, ns)
    if USE_XYZ:
        new_features = jnp.concatenate([grouped_xyz, grouped_features], axis=1)
    else:
        new_features = grouped_features
    return idx_cnt, new_features

if __name__ == "__main__":
    import jax
    _d = setup_inputs()
    print(jax.jit(kernel)(*tuple(_d.values())))

</pallas_src>

<mosaic_0001>
#map = affine_map<(d0, d1) -> (0, 0, 0)>
module attributes {stable_mosaic.version = 14 : i64} {
  func.func @_gather_body(%arg0: i32, %arg1: i32, %arg2: memref<4x1x24576xf32, #tpu.memory_space<hbm>>, %arg3: memref<4x1x524288xf32, #tpu.memory_space<hbm>>, %arg4: memref<4x1x6144xf32, #tpu.memory_space<hbm>>, %arg5: memref<4x1x65536xi32, #tpu.memory_space<hbm>>, %arg6: memref<4x3x65536xf32, #tpu.memory_space<hbm>>, %arg7: memref<4x64x65536xf32, #tpu.memory_space<hbm>>, %arg8: memref<65536xf32, #tpu.memory_space<vmem>>, %arg9: memref<4096xi32, #tpu.memory_space<vmem>>, %arg10: memref<8x4096xf32, #tpu.memory_space<vmem>>, %arg11: memref<384xf32, #tpu.memory_space<vmem>>, %arg12: memref<!tpu.dma_semaphore, #tpu.memory_space<semaphore_mem>>) attributes {dimension_semantics = [#tpu.dimension_semantics<core_parallel>, #tpu.dimension_semantics<subcore_parallel>], iteration_bounds = array<i64: 2, 16>, scalar_prefetch = 0 : i64, scratch_operands = 5 : i64, tpu.core_type = #tpu.core_type<sc_vector_subcore>, window_params = [{transform_indices = #map}, {transform_indices = #map}, {transform_indices = #map}, {transform_indices = #map}, {transform_indices = #map}, {transform_indices = #map}]} {
    %mul3A = arith.constant 16 : i32
    %mul3A_0 = arith.muli %arg0, %mul3A : i32
    %add3A = arith.addi %mul3A_0, %arg1 : i32
    %jit3A = arith.constant 8 : i32
    %div3A = arith.divsi %add3A, %jit3A : i32
    %sign3A = arith.constant 0 : i32
    %sign3A_1 = arith.cmpi sgt, %add3A, %sign3A : i32
    %sign3A_2 = arith.extui %sign3A_1 : i1 to i32
    %sign3A_3 = arith.constant 0 : i32
    %sign3A_4 = arith.cmpi slt, %add3A, %sign3A_3 : i32
    %sign3A_5 = arith.extui %sign3A_4 : i1 to i32
    %sign3A_6 = arith.subi %sign3A_2, %sign3A_5 : i32
    %sign3A_7 = arith.constant 0 : i32
    %sign3A_8 = arith.cmpi sgt, %jit3A, %sign3A_7 : i32
    %sign3A_9 = arith.extui %sign3A_8 : i1 to i32
    %sign3A_10 = arith.constant 0 : i32
    %sign3A_11 = arith.cmpi slt, %jit3A, %sign3A_10 : i32
    %sign3A_12 = arith.extui %sign3A_11 : i1 to i32
    %sign3A_13 = arith.subi %sign3A_9, %sign3A_12 : i32
    %ne3A = arith.cmpi ne, %sign3A_6, %sign3A_13 : i32
    %rem3A = arith.remsi %add3A, %jit3A : i32
    %ne3A_14 = arith.constant 0 : i32
    %ne3A_15 = arith.cmpi ne, %rem3A, %ne3A_14 : i32
    %and3A = arith.andi %ne3A, %ne3A_15 : i1
    %sub3A = arith.constant 1 : i32
    %sub3A_16 = arith.subi %div3A, %sub3A : i32
    %select_n3A = arith.select %and3A, %sub3A_16, %div3A : i32
    %jit3A_17 = arith.constant 8 : i32
    %eq3A = arith.constant 0 : i32
    %eq3A_18 = arith.cmpi eq, %jit3A_17, %eq3A : i32
    %jit3A_19 = arith.constant 1 : i32
    %select_n3A_20 = arith.select %eq3A_18, %jit3A_19, %jit3A_17 : i32
    %rem3A_21 = arith.remsi %add3A, %select_n3A_20 : i32
    %ne3A_22 = arith.constant 0 : i32
    %ne3A_23 = arith.cmpi ne, %rem3A_21, %ne3A_22 : i32
    %lt3A = arith.constant 0 : i32
    %lt3A_24 = arith.cmpi slt, %rem3A_21, %lt3A : i32
    %lt3A_25 = arith.constant 0 : i32
    %lt3A_26 = arith.cmpi slt, %select_n3A_20, %lt3A_25 : i32
    %ne3A_27 = arith.xori %lt3A_24, %lt3A_26 : i1
    %and3A_28 = arith.andi %ne3A_27, %ne3A_23 : i1
    %add3A_29 = arith.addi %rem3A_21, %select_n3A_20 : i32
    %select_n3A_30 = arith.select %and3A_28, %add3A_29, %rem3A_21 : i32
    %mul3A_31 = arith.constant 8 : i32
    %mul3A_32 = arith.muli %select_n3A_30, %mul3A_31 : i32
    %mul3A_33 = arith.constant 8192 : i32
    %mul3A_34 = arith.muli %mul3A_32, %mul3A_33 : i32
    %run_scoped3A = arith.constant 0 : i32
    "tpu.region"() ({
      %run_scoped3A_60 = tpu.sem_alloc : memref<!tpu.dma_semaphore, #tpu.memory_space<semaphore_mem>>
      %dma_start3A = tpu.memref_slice %arg3[%select_n3A, %run_scoped3A, %mul3A_34] : memref<4x1x524288xf32, #tpu.memory_space<hbm>> -> memref<1x1x65536xf32, #tpu.memory_space<hbm>>
      %dma_start3A_61 = tpu.memref_squeeze %dma_start3A : memref<1x1x65536xf32, #tpu.memory_space<hbm>> -> memref<65536xf32, #tpu.memory_space<hbm>>
      %dma_start3A_62 = tpu.memref_slice %arg3[%select_n3A, %run_scoped3A, %mul3A_34] : memref<4x1x524288xf32, #tpu.memory_space<hbm>> -> memref<1x1x65536xf32, #tpu.memory_space<hbm>>
      %dma_start3A_63 = tpu.memref_squeeze %dma_start3A_62 : memref<1x1x65536xf32, #tpu.memory_space<hbm>> -> memref<65536xf32, #tpu.memory_space<hbm>>
      tpu.enqueue_dma source(%dma_start3A_63 : memref<65536xf32, #tpu.memory_space<hbm>>) target(%arg8 : memref<65536xf32, #tpu.memory_space<vmem>>) target_semaphore(%run_scoped3A_60 : memref<!tpu.dma_semaphore, #tpu.memory_space<semaphore_mem>>)
      %dma_wait3A = tpu.memref_slice %arg3[%select_n3A, %run_scoped3A, %mul3A_34] : memref<4x1x524288xf32, #tpu.memory_space<hbm>> -> memref<1x1x65536xf32, #tpu.memory_space<hbm>>
      %dma_wait3A_64 = tpu.memref_squeeze %dma_wait3A : memref<1x1x65536xf32, #tpu.memory_space<hbm>> -> memref<65536xf32, #tpu.memory_space<hbm>>
      %dma_wait3A_65 = tpu.memref_slice %arg3[%select_n3A, %run_scoped3A, %mul3A_34] : memref<4x1x524288xf32, #tpu.memory_space<hbm>> -> memref<1x1x65536xf32, #tpu.memory_space<hbm>>
      %dma_wait3A_66 = tpu.memref_squeeze %dma_wait3A_65 : memref<1x1x65536xf32, #tpu.memory_space<hbm>> -> memref<65536xf32, #tpu.memory_space<hbm>>
      tpu.wait_dma2 semaphore(%run_scoped3A_60 : memref<!tpu.dma_semaphore, #tpu.memory_space<semaphore_mem>>) src(%dma_wait3A_66 : memref<65536xf32, #tpu.memory_space<hbm>>) dst(%arg8 : memref<65536xf32, #tpu.memory_space<vmem>>)
      tpu.yield
    }) : () -> ()
    %scan3A = arith.constant 0 : i32
    %scan3A_35 = arith.constant 0 : i32
    %scan3A_36 = arith.constant 16 : i32
    %scan3A_37 = arith.addi %scan3A_35, %scan3A_36 : i32
    %scan3A_38 = arith.constant 1 : i32
    %scan3A_39 = scf.for %scan3A_60 = %scan3A_35 to %scan3A_37 step %scan3A_38 iter_args(%scan3A_61 = %scan3A) -> (i32)  : i32 {
      %mul3A_62 = arith.constant 4096 : i32
      %mul3A_63 = arith.muli %scan3A_60, %mul3A_62 : i32
      %run_scoped3A_64 = arith.constant 0 : i32
      "tpu.region"() ({
        %run_scoped3A_70 = tpu.sem_alloc : memref<!tpu.dma_semaphore, #tpu.memory_space<semaphore_mem>>
        %dma_start3A = tpu.memref_slice %arg5[%select_n3A, %run_scoped3A_64, %mul3A_63] : memref<4x1x65536xi32, #tpu.memory_space<hbm>> -> memref<1x1x4096xi32, #tpu.memory_space<hbm>>
        %dma_start3A_71 = tpu.memref_squeeze %dma_start3A : memref<1x1x4096xi32, #tpu.memory_space<hbm>> -> memref<4096xi32, #tpu.memory_space<hbm>>
        %dma_start3A_72 = tpu.memref_slice %arg5[%select_n3A, %run_scoped3A_64, %mul3A_63] : memref<4x1x65536xi32, #tpu.memory_space<hbm>> -> memref<1x1x4096xi32, #tpu.memory_space<hbm>>
        %dma_start3A_73 = tpu.memref_squeeze %dma_start3A_72 : memref<1x1x4096xi32, #tpu.memory_space<hbm>> -> memref<4096xi32, #tpu.memory_space<hbm>>
        tpu.enqueue_dma source(%dma_start3A_73 : memref<4096xi32, #tpu.memory_space<hbm>>) target(%arg9 : memref<4096xi32, #tpu.memory_space<vmem>>) target_semaphore(%run_scoped3A_70 : memref<!tpu.dma_semaphore, #tpu.memory_space<semaphore_mem>>)
        %dma_wait3A = tpu.memref_slice %arg5[%select_n3A, %run_scoped3A_64, %mul3A_63] : memref<4x1x65536xi32, #tpu.memory_space<hbm>> -> memref<1x1x4096xi32, #tpu.memory_space<hbm>>
        %dma_wait3A_74 = tpu.memref_squeeze %dma_wait3A : memref<1x1x4096xi32, #tpu.memory_space<hbm>> -> memref<4096xi32, #tpu.memory_space<hbm>>
        %dma_wait3A_75 = tpu.memref_slice %arg5[%select_n3A, %run_scoped3A_64, %mul3A_63] : memref<4x1x65536xi32, #tpu.memory_space<hbm>> -> memref<1x1x4096xi32, #tpu.memory_space<hbm>>
        %dma_wait3A_76 = tpu.memref_squeeze %dma_wait3A_75 : memref<1x1x4096xi32, #tpu.memory_space<hbm>> -> memref<4096xi32, #tpu.memory_space<hbm>>
        tpu.wait_dma2 semaphore(%run_scoped3A_70 : memref<!tpu.dma_semaphore, #tpu.memory_space<semaphore_mem>>) src(%dma_wait3A_76 : memref<4096xi32, #tpu.memory_space<hbm>>) dst(%arg9 : memref<4096xi32, #tpu.memory_space<vmem>>)
        tpu.yield
      }) : () -> ()
      %parallel_loop3A = arith.constant 0 : i32
      %parallel_loop3A_65 = arith.constant 256 : i32
      %parallel_loop3A_66 = arith.constant 1 : i32
      scf.for %parallel_loop3A_70 = %parallel_loop3A to %parallel_loop3A_65 step %parallel_loop3A_66  : i32 {
        %parallel_loop3A_71 = arith.constant 16 : i32
        %parallel_loop3A_72 = arith.muli %parallel_loop3A_70, %parallel_loop3A_71 : i32
        %parallel_loop3A_73 = arith.index_cast %parallel_loop3A_72 : i32 to index
        %parallel_loop3A_74 = tpu.vector_load %arg9[%parallel_loop3A_73] {strides = array<i32>} : memref<4096xi32, #tpu.memory_space<vmem>>, vector<16xi32>,
        %parallel_loop3A_75 = arith.constant 0 : i32
        %parallel_loop3A_76 = vector.broadcast %parallel_loop3A_75 : i32 to vector<16xi32>
        %parallel_loop3A_77 = arith.addi %parallel_loop3A_74, %parallel_loop3A_76 : vector<16xi32>
        %parallel_loop3A_78 = tpu.vector_load_idx %arg8[%parallel_loop3A_77] : memref<65536xf32, #tpu.memory_space<vmem>>[vector<16xi32>], vector<16xf32>,
        %parallel_loop3A_79 = arith.constant 16 : i32
        %parallel_loop3A_80 = arith.muli %parallel_loop3A_70, %parallel_loop3A_79 : i32
        %parallel_loop3A_81 = arith.constant 0 : i32
        %parallel_loop3A_82 = arith.index_cast %parallel_loop3A_81 : i32 to index
        %parallel_loop3A_83 = arith.index_cast %parallel_loop3A_80 : i32 to index
        %parallel_loop3A_84 = tpu.vector_load %arg10[%parallel_loop3A_82, %parallel_loop3A_83] {strides = array<i32>} : memref<8x4096xf32, #tpu.memory_space<vmem>>, vector<16xf32>,
        tpu.vector_store %arg10[%parallel_loop3A_82, %parallel_loop3A_83], %parallel_loop3A_78 {strides = array<i32>} : memref<8x4096xf32, #tpu.memory_space<vmem>>, vector<16xf32>,
        %parallel_loop3A_85 = arith.constant 8192 : i32
        %parallel_loop3A_86 = vector.broadcast %parallel_loop3A_85 : i32 to vector<16xi32>
        %parallel_loop3A_87 = arith.addi %parallel_loop3A_74, %parallel_loop3A_86 : vector<16xi32>
        %parallel_loop3A_88 = tpu.vector_load_idx %arg8[%parallel_loop3A_87] : memref<65536xf32, #tpu.memory_space<vmem>>[vector<16xi32>], vector<16xf32>,
        %parallel_loop3A_89 = arith.constant 16 : i32
        %parallel_loop3A_90 = arith.muli %parallel_loop3A_70, %parallel_loop3A_89 : i32
        %parallel_loop3A_91 = arith.constant 1 : i32
        %parallel_loop3A_92 = arith.index_cast %parallel_loop3A_91 : i32 to index
        %parallel_loop3A_93 = arith.index_cast %parallel_loop3A_90 : i32 to index
        %parallel_loop3A_94 = tpu.vector_load %arg10[%parallel_loop3A_92, %parallel_loop3A_93] {strides = array<i32>} : memref<8x4096xf32, #tpu.memory_space<vmem>>, vector<16xf32>,
        tpu.vector_store %arg10[%parallel_loop3A_92, %parallel_loop3A_93], %parallel_loop3A_88 {strides = array<i32>} : memref<8x4096xf32, #tpu.memory_space<vmem>>, vector<16xf32>,
        %parallel_loop3A_95 = arith.constant 16384 : i32
        %parallel_loop3A_96 = vector.broadcast %parallel_loop3A_95 : i32 to vector<16xi32>
        %parallel_loop3A_97 = arith.addi %parallel_loop3A_74, %parallel_loop3A_96 : vector<16xi32>
        %parallel_loop3A_98 = tpu.vector_load_idx %arg8[%parallel_loop3A_97] : memref<65536xf32, #tpu.memory_space<vmem>>[vector<16xi32>], vector<16xf32>,
        %parallel_loop3A_99 = arith.constant 16 : i32
        %parallel_loop3A_100 = arith.muli %parallel_loop3A_70, %parallel_loop3A_99 : i32
        %parallel_loop3A_101 = arith.constant 2 : i32
        %parallel_loop3A_102 = arith.index_cast %parallel_loop3A_101 : i32 to index
        %parallel_loop3A_103 = arith.index_cast %parallel_loop3A_100 : i32 to index
        %parallel_loop3A_104 = tpu.vector_load %arg10[%parallel_loop3A_102, %parallel_loop3A_103] {strides = array<i32>} : memref<8x4096xf32, #tpu.memory_space<vmem>>, vector<16xf32>,
        tpu.vector_store %arg10[%parallel_loop3A_102, %parallel_loop3A_103], %parallel_loop3A_98 {strides = array<i32>} : memref<8x4096xf32, #tpu.memory_space<vmem>>, vector<16xf32>,
        %parallel_loop3A_105 = arith.constant 24576 : i32
        %parallel_loop3A_106 = vector.broadcast %parallel_loop3A_105 : i32 to vector<16xi32>
        %parallel_loop3A_107 = arith.addi %parallel_loop3A_74, %parallel_loop3A_106 : vector<16xi32>
        %parallel_loop3A_108 = tpu.vector_load_idx %arg8[%parallel_loop3A_107] : memref<65536xf32, #tpu.memory_space<vmem>>[vector<16xi32>], vector<16xf32>,
        %parallel_loop3A_109 = arith.constant 16 : i32
        %parallel_loop3A_110 = arith.muli %parallel_loop3A_70, %parallel_loop3A_109 : i32
        %parallel_loop3A_111 = arith.constant 3 : i32
        %parallel_loop3A_112 = arith.index_cast %parallel_loop3A_111 : i32 to index
        %parallel_loop3A_113 = arith.index_cast %parallel_loop3A_110 : i32 to index
        %parallel_loop3A_114 = tpu.vector_load %arg10[%parallel_loop3A_112, %parallel_loop3A_113] {strides = array<i32>} : memref<8x4096xf32, #tpu.memory_space<vmem>>, vector<16xf32>,
        tpu.vector_store %arg10[%parallel_loop3A_112, %parallel_loop3A_113], %parallel_loop3A_108 {strides = array<i32>} : memref<8x4096xf32, #tpu.memory_space<vmem>>, vector<16xf32>,
        %parallel_loop3A_115 = arith.constant 32768 : i32
        %parallel_loop3A_116 = vector.broadcast %parallel_loop3A_115 : i32 to vector<16xi32>
        %parallel_loop3A_117 = arith.addi %parallel_loop3A_74, %parallel_loop3A_116 : vector<16xi32>
        %parallel_loop3A_118 = tpu.vector_load_idx %arg8[%parallel_loop3A_117] : memref<65536xf32, #tpu.memory_space<vmem>>[vector<16xi32>], vector<16xf32>,
        %parallel_loop3A_119 = arith.constant 16 : i32
        %parallel_loop3A_120 = arith.muli %parallel_loop3A_70, %parallel_loop3A_119 : i32
        %parallel_loop3A_121 = arith.constant 4 : i32
        %parallel_loop3A_122 = arith.index_cast %parallel_loop3A_121 : i32 to index
        %parallel_loop3A_123 = arith.index_cast %parallel_loop3A_120 : i32 to index
        %parallel_loop3A_124 = tpu.vector_load %arg10[%parallel_loop3A_122, %parallel_loop3A_123] {strides = array<i32>} : memref<8x4096xf32, #tpu.memory_space<vmem>>, vector<16xf32>,
        tpu.vector_store %arg10[%parallel_loop3A_122, %parallel_loop3A_123], %parallel_loop3A_118 {strides = array<i32>} : memref<8x4096xf32, #tpu.memory_space<vmem>>, vector<16xf32>,
        %parallel_loop3A_125 = arith.constant 40960 : i32
        %parallel_loop3A_126 = vector.broadcast %parallel_loop3A_125 : i32 to vector<16xi32>
        %parallel_loop3A_127 = arith.addi %parallel_loop3A_74, %parallel_loop3A_126 : vector<16xi32>
        %parallel_loop3A_128 = tpu.vector_load_idx %arg8[%parallel_loop3A_127] : memref<65536xf32, #tpu.memory_space<vmem>>[vector<16xi32>], vector<16xf32>,
        %parallel_loop3A_129 = arith.constant 16 : i32
        %parallel_loop3A_130 = arith.muli %parallel_loop3A_70, %parallel_loop3A_129 : i32
        %parallel_loop3A_131 = arith.constant 5 : i32
        %parallel_loop3A_132 = arith.index_cast %parallel_loop3A_131 : i32 to index
        %parallel_loop3A_133 = arith.index_cast %parallel_loop3A_130 : i32 to index
        %parallel_loop3A_134 = tpu.vector_load %arg10[%parallel_loop3A_132, %parallel_loop3A_133] {strides = array<i32>} : memref<8x4096xf32, #tpu.memory_space<vmem>>, vector<16xf32>,
        tpu.vector_store %arg10[%parallel_loop3A_132, %parallel_loop3A_133], %parallel_loop3A_128 {strides = array<i32>} : memref<8x4096xf32, #tpu.memory_space<vmem>>, vector<16xf32>,
        %parallel_loop3A_135 = arith.constant 49152 : i32
        %parallel_loop3A_136 = vector.broadcast %parallel_loop3A_135 : i32 to vector<16xi32>
        %parallel_loop3A_137 = arith.addi %parallel_loop3A_74, %parallel_loop3A_136 : vector<16xi32>
        %parallel_loop3A_138 = tpu.vector_load_idx %arg8[%parallel_loop3A_137] : memref<65536xf32, #tpu.memory_space<vmem>>[vector<16xi32>], vector<16xf32>,
        %parallel_loop3A_139 = arith.constant 16 : i32
        %parallel_loop3A_140 = arith.muli %parallel_loop3A_70, %parallel_loop3A_139 : i32
        %parallel_loop3A_141 = arith.constant 6 : i32
        %parallel_loop3A_142 = arith.index_cast %parallel_loop3A_141 : i32 to index
        %parallel_loop3A_143 = arith.index_cast %parallel_loop3A_140 : i32 to index
        %parallel_loop3A_144 = tpu.vector_load %arg10[%parallel_loop3A_142, %parallel_loop3A_143] {strides = array<i32>} : memref<8x4096xf32, #tpu.memory_space<vmem>>, vector<16xf32>,
        tpu.vector_store %arg10[%parallel_loop3A_142, %parallel_loop3A_143], %parallel_loop3A_138 {strides = array<i32>} : memref<8x4096xf32, #tpu.memory_space<vmem>>, vector<16xf32>,
        %parallel_loop3A_145 = arith.constant 57344 : i32
        %parallel_loop3A_146 = vector.broadcast %parallel_loop3A_145 : i32 to vector<16xi32>
        %parallel_loop3A_147 = arith.addi %parallel_loop3A_74, %parallel_loop3A_146 : vector<16xi32>
        %parallel_loop3A_148 = tpu.vector_load_idx %arg8[%parallel_loop3A_147] : memref<65536xf32, #tpu.memory_space<vmem>>[vector<16xi32>], vector<16xf32>,
        %parallel_loop3A_149 = arith.constant 16 : i32
        %parallel_loop3A_150 = arith.muli %parallel_loop3A_70, %parallel_loop3A_149 : i32
        %parallel_loop3A_151 = arith.constant 7 : i32
        %parallel_loop3A_152 = arith.index_cast %parallel_loop3A_151 : i32 to index
        %parallel_loop3A_153 = arith.index_cast %parallel_loop3A_150 : i32 to index
        %parallel_loop3A_154 = tpu.vector_load %arg10[%parallel_loop3A_152, %parallel_loop3A_153] {strides = array<i32>} : memref<8x4096xf32, #tpu.memory_space<vmem>>, vector<16xf32>,
        tpu.vector_store %arg10[%parallel_loop3A_152, %parallel_loop3A_153], %parallel_loop3A_148 {strides = array<i32>} : memref<8x4096xf32, #tpu.memory_space<vmem>>, vector<16xf32>,
      } {sc.loop_unroll_factor = 4 : i64, sc.parallel_access}
      %mul3A_67 = arith.constant 4096 : i32
      %mul3A_68 = arith.muli %scan3A_60, %mul3A_67 : i32
      "tpu.region"() ({
        %run_scoped3A_70 = tpu.sem_alloc : memref<!tpu.dma_semaphore, #tpu.memory_space<semaphore_mem>>
        %dma_start3A = tpu.memref_slice %arg7[%select_n3A, %mul3A_32, %mul3A_68] : memref<4x64x65536xf32, #tpu.memory_space<hbm>> -> memref<1x8x4096xf32, #tpu.memory_space<hbm>>
        %dma_start3A_71 = tpu.memref_squeeze %dma_start3A : memref<1x8x4096xf32, #tpu.memory_space<hbm>> -> memref<8x4096xf32, #tpu.memory_space<hbm>>
        %dma_start3A_72 = tpu.memref_slice %arg7[%select_n3A, %mul3A_32, %mul3A_68] : memref<4x64x65536xf32, #tpu.memory_space<hbm>> -> memref<1x8x4096xf32, #tpu.memory_space<hbm>>
        %dma_start3A_73 = tpu.memref_squeeze %dma_start3A_72 : memref<1x8x4096xf32, #tpu.memory_space<hbm>> -> memref<8x4096xf32, #tpu.memory_space<hbm>>
        tpu.enqueue_dma source(%arg10 : memref<8x4096xf32, #tpu.memory_space<vmem>>) target(%dma_start3A_73 : memref<8x4096xf32, #tpu.memory_space<hbm>>) target_semaphore(%run_scoped3A_70 : memref<!tpu.dma_semaphore, #tpu.memory_space<semaphore_mem>>)
        %dma_wait3A = tpu.memref_slice %arg7[%select_n3A, %mul3A_32, %mul3A_68] : memref<4x64x65536xf32, #tpu.memory_space<hbm>> -> memref<1x8x4096xf32, #tpu.memory_space<hbm>>
        %dma_wait3A_74 = tpu.memref_squeeze %dma_wait3A : memref<1x8x4096xf32, #tpu.memory_space<hbm>> -> memref<8x4096xf32, #tpu.memory_space<hbm>>
        %dma_wait3A_75 = tpu.memref_slice %arg7[%select_n3A, %mul3A_32, %mul3A_68] : memref<4x64x65536xf32, #tpu.memory_space<hbm>> -> memref<1x8x4096xf32, #tpu.memory_space<hbm>>
        %dma_wait3A_76 = tpu.memref_squeeze %dma_wait3A_75 : memref<1x8x4096xf32, #tpu.memory_space<hbm>> -> memref<8x4096xf32, #tpu.memory_space<hbm>>
        tpu.wait_dma2 semaphore(%run_scoped3A_70 : memref<!tpu.dma_semaphore, #tpu.memory_space<semaphore_mem>>) src(%arg10 : memref<8x4096xf32, #tpu.memory_space<vmem>>) dst(%dma_wait3A_76 : memref<8x4096xf32, #tpu.memory_space<hbm>>)
        tpu.yield
      }) : () -> ()
      %scan3A_69 = arith.constant 0 : i32
      scf.yield %scan3A_69 : i32
    }
    %scan3A_40 = arith.constant 16 : i32
    %jit3A_41 = arith.constant 16 : i32
    %eq3A_42 = arith.constant 0 : i32
    %eq3A_43 = arith.cmpi eq, %jit3A_41, %eq3A_42 : i32
    %jit3A_44 = arith.constant 1 : i32
    %select_n3A_45 = arith.select %eq3A_43, %jit3A_44, %jit3A_41 : i32
    %rem3A_46 = arith.remsi %add3A, %select_n3A_45 : i32
    %ne3A_47 = arith.constant 0 : i32
    %ne3A_48 = arith.cmpi ne, %rem3A_46, %ne3A_47 : i32
    %lt3A_49 = arith.constant 0 : i32
    %lt3A_50 = arith.cmpi slt, %rem3A_46, %lt3A_49 : i32
    %lt3A_51 = arith.constant 0 : i32
    %lt3A_52 = arith.cmpi slt, %select_n3A_45, %lt3A_51 : i32
    %ne3A_53 = arith.xori %lt3A_50, %lt3A_52 : i1
    %and3A_54 = arith.andi %ne3A_53, %ne3A_48 : i1
    %add3A_55 = arith.addi %rem3A_46, %select_n3A_45 : i32
    %select_n3A_56 = arith.select %and3A_54, %add3A_55, %rem3A_46 : i32
    %lt3A_57 = arith.constant 4 : i32
    %lt3A_58 = arith.cmpi slt, %select_n3A_56, %lt3A_57 : i32
    %convert_element_type3A = arith.extui %lt3A_58 : i1 to i32
    %cond3A = arith.constant 0 : i32
    %cond3A_59 = arith.cmpi ne, %convert_element_type3A, %cond3A : i32
    scf.if %cond3A_59 {
      %jit3A_60 = arith.constant 16 : i32
      %div3A_61 = arith.divsi %add3A, %jit3A_60 : i32
      %sign3A_62 = arith.constant 0 : i32
      %sign3A_63 = arith.cmpi sgt, %add3A, %sign3A_62 : i32
      %sign3A_64 = arith.extui %sign3A_63 : i1 to i32
      %sign3A_65 = arith.constant 0 : i32
      %sign3A_66 = arith.cmpi slt, %add3A, %sign3A_65 : i32
      %sign3A_67 = arith.extui %sign3A_66 : i1 to i32
      %sign3A_68 = arith.subi %sign3A_64, %sign3A_67 : i32
      %sign3A_69 = arith.constant 0 : i32
      %sign3A_70 = arith.cmpi sgt, %jit3A_60, %sign3A_69 : i32
      %sign3A_71 = arith.extui %sign3A_70 : i1 to i32
      %sign3A_72 = arith.constant 0 : i32
      %sign3A_73 = arith.cmpi slt, %jit3A_60, %sign3A_72 : i32
      %sign3A_74 = arith.extui %sign3A_73 : i1 to i32
      %sign3A_75 = arith.subi %sign3A_71, %sign3A_74 : i32
      %ne3A_76 = arith.cmpi ne, %sign3A_68, %sign3A_75 : i32
      %rem3A_77 = arith.remsi %add3A, %jit3A_60 : i32
      %ne3A_78 = arith.constant 0 : i32
      %ne3A_79 = arith.cmpi ne, %rem3A_77, %ne3A_78 : i32
      %and3A_80 = arith.andi %ne3A_76, %ne3A_79 : i1
      %sub3A_81 = arith.constant 1 : i32
      %sub3A_82 = arith.subi %div3A_61, %sub3A_81 : i32
      %select_n3A_83 = arith.select %and3A_80, %sub3A_82, %div3A_61 : i32
      %mul3A_84 = arith.constant 4 : i32
      %mul3A_85 = arith.muli %select_n3A_83, %mul3A_84 : i32
      %jit3A_86 = arith.constant 16 : i32
      %eq3A_87 = arith.constant 0 : i32
      %eq3A_88 = arith.cmpi eq, %jit3A_86, %eq3A_87 : i32
      %jit3A_89 = arith.constant 1 : i32
      %select_n3A_90 = arith.select %eq3A_88, %jit3A_89, %jit3A_86 : i32
      %rem3A_91 = arith.remsi %add3A, %select_n3A_90 : i32
      %ne3A_92 = arith.constant 0 : i32
      %ne3A_93 = arith.cmpi ne, %rem3A_91, %ne3A_92 : i32
      %lt3A_94 = arith.constant 0 : i32
      %lt3A_95 = arith.cmpi slt, %rem3A_91, %lt3A_94 : i32
      %lt3A_96 = arith.constant 0 : i32
      %lt3A_97 = arith.cmpi slt, %select_n3A_90, %lt3A_96 : i32
      %ne3A_98 = arith.xori %lt3A_95, %lt3A_97 : i1
      %and3A_99 = arith.andi %ne3A_98, %ne3A_93 : i1
      %add3A_100 = arith.addi %rem3A_91, %select_n3A_90 : i32
      %select_n3A_101 = arith.select %and3A_99, %add3A_100, %rem3A_91 : i32
      %add3A_102 = arith.addi %mul3A_85, %select_n3A_101 : i32
      %jit3A_103 = arith.constant 2 : i32
      %div3A_104 = arith.divsi %add3A_102, %jit3A_103 : i32
      %sign3A_105 = arith.constant 0 : i32
      %sign3A_106 = arith.cmpi sgt, %add3A_102, %sign3A_105 : i32
      %sign3A_107 = arith.extui %sign3A_106 : i1 to i32
      %sign3A_108 = arith.constant 0 : i32
      %sign3A_109 = arith.cmpi slt, %add3A_102, %sign3A_108 : i32
      %sign3A_110 = arith.extui %sign3A_109 : i1 to i32
      %sign3A_111 = arith.subi %sign3A_107, %sign3A_110 : i32
      %sign3A_112 = arith.constant 0 : i32
      %sign3A_113 = arith.cmpi sgt, %jit3A_103, %sign3A_112 : i32
      %sign3A_114 = arith.extui %sign3A_113 : i1 to i32
      %sign3A_115 = arith.constant 0 : i32
      %sign3A_116 = arith.cmpi slt, %jit3A_103, %sign3A_115 : i32
      %sign3A_117 = arith.extui %sign3A_116 : i1 to i32
      %sign3A_118 = arith.subi %sign3A_114, %sign3A_117 : i32
      %ne3A_119 = arith.cmpi ne, %sign3A_111, %sign3A_118 : i32
      %rem3A_120 = arith.remsi %add3A_102, %jit3A_103 : i32
      %ne3A_121 = arith.constant 0 : i32
      %ne3A_122 = arith.cmpi ne, %rem3A_120, %ne3A_121 : i32
      %and3A_123 = arith.andi %ne3A_119, %ne3A_122 : i1
      %sub3A_124 = arith.constant 1 : i32
      %sub3A_125 = arith.subi %div3A_104, %sub3A_124 : i32
      %select_n3A_126 = arith.select %and3A_123, %sub3A_125, %div3A_104 : i32
      %jit3A_127 = arith.constant 2 : i32
      %eq3A_128 = arith.constant 0 : i32
      %eq3A_129 = arith.cmpi eq, %jit3A_127, %eq3A_128 : i32
      %jit3A_130 = arith.constant 1 : i32
      %select_n3A_131 = arith.select %eq3A_129, %jit3A_130, %jit3A_127 : i32
      %rem3A_132 = arith.remsi %add3A_102, %select_n3A_131 : i32
      %ne3A_133 = arith.constant 0 : i32
      %ne3A_134 = arith.cmpi ne, %rem3A_132, %ne3A_133 : i32
      %lt3A_135 = arith.constant 0 : i32
      %lt3A_136 = arith.cmpi slt, %rem3A_132, %lt3A_135 : i32
      %lt3A_137 = arith.constant 0 : i32
      %lt3A_138 = arith.cmpi slt, %select_n3A_131, %lt3A_137 : i32
      %ne3A_139 = arith.xori %lt3A_136, %lt3A_138 : i1
      %and3A_140 = arith.andi %ne3A_139, %ne3A_134 : i1
      %add3A_141 = arith.addi %rem3A_132, %select_n3A_131 : i32
      %select_n3A_142 = arith.select %and3A_140, %add3A_141, %rem3A_132 : i32
      %run_scoped3A_143 = arith.constant 0 : i32
      "tpu.region"() ({
        %run_scoped3A_160 = tpu.sem_alloc : memref<!tpu.dma_semaphore, #tpu.memory_space<semaphore_mem>>
        %dma_start3A = arith.constant 0 : i32
        %dma_start3A_161 = tpu.memref_slice %arg8[%dma_start3A] : memref<65536xf32, #tpu.memory_space<vmem>> -> memref<24576xf32, #tpu.memory_space<vmem>>
        %dma_start3A_162 = arith.constant 0 : i32
        %dma_start3A_163 = tpu.memref_slice %arg2[%select_n3A_126, %run_scoped3A_143, %dma_start3A_162] : memref<4x1x24576xf32, #tpu.memory_space<hbm>> -> memref<1x1x24576xf32, #tpu.memory_space<hbm>>
        %dma_start3A_164 = tpu.memref_squeeze %dma_start3A_163 : memref<1x1x24576xf32, #tpu.memory_space<hbm>> -> memref<24576xf32, #tpu.memory_space<hbm>>
        %dma_start3A_165 = arith.constant 0 : i32
        %dma_start3A_166 = tpu.memref_slice %arg8[%dma_start3A_165] : memref<65536xf32, #tpu.memory_space<vmem>> -> memref<24576xf32, #tpu.memory_space<vmem>>
        %dma_start3A_167 = arith.constant 0 : i32
        %dma_start3A_168 = tpu.memref_slice %arg2[%select_n3A_126, %run_scoped3A_143, %dma_start3A_167] : memref<4x1x24576xf32, #tpu.memory_space<hbm>> -> memref<1x1x24576xf32, #tpu.memory_space<hbm>>
        %dma_start3A_169 = tpu.memref_squeeze %dma_start3A_168 : memref<1x1x24576xf32, #tpu.memory_space<hbm>> -> memref<24576xf32, #tpu.memory_space<hbm>>
        tpu.enqueue_dma source(%dma_start3A_169 : memref<24576xf32, #tpu.memory_space<hbm>>) target(%dma_start3A_166 : memref<24576xf32, #tpu.memory_space<vmem>>) target_semaphore(%run_scoped3A_160 : memref<!tpu.dma_semaphore, #tpu.memory_space<semaphore_mem>>)
        %dma_wait3A = arith.constant 0 : i32
        %dma_wait3A_170 = tpu.memref_slice %arg8[%dma_wait3A] : memref<65536xf32, #tpu.memory_space<vmem>> -> memref<24576xf32, #tpu.memory_space<vmem>>
        %dma_wait3A_171 = arith.constant 0 : i32
        %dma_wait3A_172 = tpu.memref_slice %arg2[%select_n3A_126, %run_scoped3A_143, %dma_wait3A_171] : memref<4x1x24576xf32, #tpu.memory_space<hbm>> -> memref<1x1x24576xf32, #tpu.memory_space<hbm>>
        %dma_wait3A_173 = tpu.memref_squeeze %dma_wait3A_172 : memref<1x1x24576xf32, #tpu.memory_space<hbm>> -> memref<24576xf32, #tpu.memory_space<hbm>>
        %dma_wait3A_174 = arith.constant 0 : i32
        %dma_wait3A_175 = tpu.memref_slice %arg8[%dma_wait3A_174] : memref<65536xf32, #tpu.memory_space<vmem>> -> memref<24576xf32, #tpu.memory_space<vmem>>
        %dma_wait3A_176 = arith.constant 0 : i32
        %dma_wait3A_177 = tpu.memref_slice %arg2[%select_n3A_126, %run_scoped3A_143, %dma_wait3A_176] : memref<4x1x24576xf32, #tpu.memory_space<hbm>> -> memref<1x1x24576xf32, #tpu.memory_space<hbm>>
        %dma_wait3A_178 = tpu.memref_squeeze %dma_wait3A_177 : memref<1x1x24576xf32, #tpu.memory_space<hbm>> -> memref<24576xf32, #tpu.memory_space<hbm>>
        tpu.wait_dma2 semaphore(%run_scoped3A_160 : memref<!tpu.dma_semaphore, #tpu.memory_space<semaphore_mem>>) src(%dma_wait3A_178 : memref<24576xf32, #tpu.memory_space<hbm>>) dst(%dma_wait3A_175 : memref<24576xf32, #tpu.memory_space<vmem>>)
        tpu.yield
      }) : () -> ()
      %mul3A_144 = arith.constant 8 : i32
      %mul3A_145 = arith.muli %select_n3A_142, %mul3A_144 : i32
      %add3A_146 = arith.constant 1 : i32
      %add3A_147 = arith.addi %select_n3A_142, %add3A_146 : i32
      %mul3A_148 = arith.constant 8 : i32
      %mul3A_149 = arith.muli %add3A_147, %mul3A_148 : i32
      %while3A = arith.constant 0 : i32
      %while3A_150 = arith.subi %mul3A_149, %mul3A_145 : i32
      %while3A_151 = arith.addi %mul3A_145, %while3A_150 : i32
      %while3A_152 = arith.constant 1 : i32
      %while3A_153 = arith.divsi %while3A_150, %while3A_152 : i32
      %while3A_154 = arith.muli %while3A_153, %while3A_152 : i32
      %while3A_155 = arith.addi %mul3A_145, %while3A_154 : i32
      %while3A_156 = arith.constant 1 : i32
      %while3A_157 = scf.for %while3A_160 = %mul3A_145 to %while3A_155 step %while3A_156 iter_args(%while3A_161 = %while3A) -> (i32)  : i32 {
        %mul3A_162 = arith.constant 4096 : i32
        %mul3A_163 = arith.muli %while3A_160, %mul3A_162 : i32
        %run_scoped3A_164 = arith.constant 0 : i32
        "tpu.region"() ({
          %run_scoped3A_175 = tpu.sem_alloc : memref<!tpu.dma_semaphore, #tpu.memory_space<semaphore_mem>>
          %dma_start3A = tpu.memref_slice %arg5[%select_n3A_126, %run_scoped3A_164, %mul3A_163] : memref<4x1x65536xi32, #tpu.memory_space<hbm>> -> memref<1x1x4096xi32, #tpu.memory_space<hbm>>
          %dma_start3A_176 = tpu.memref_squeeze %dma_start3A : memref<1x1x4096xi32, #tpu.memory_space<hbm>> -> memref<4096xi32, #tpu.memory_space<hbm>>
          %dma_start3A_177 = tpu.memref_slice %arg5[%select_n3A_126, %run_scoped3A_164, %mul3A_163] : memref<4x1x65536xi32, #tpu.memory_space<hbm>> -> memref<1x1x4096xi32, #tpu.memory_space<hbm>>
          %dma_start3A_178 = tpu.memref_squeeze %dma_start3A_177 : memref<1x1x4096xi32, #tpu.memory_space<hbm>> -> memref<4096xi32, #tpu.memory_space<hbm>>
          tpu.enqueue_dma source(%dma_start3A_178 : memref<4096xi32, #tpu.memory_space<hbm>>) target(%arg9 : memref<4096xi32, #tpu.memory_space<vmem>>) target_semaphore(%run_scoped3A_175 : memref<!tpu.dma_semaphore, #tpu.memory_space<semaphore_mem>>)
          %dma_wait3A = tpu.memref_slice %arg5[%select_n3A_126, %run_scoped3A_164, %mul3A_163] : memref<4x1x65536xi32, #tpu.memory_space<hbm>> -> memref<1x1x4096xi32, #tpu.memory_space<hbm>>
          %dma_wait3A_179 = tpu.memref_squeeze %dma_wait3A : memref<1x1x4096xi32, #tpu.memory_space<hbm>> -> memref<4096xi32, #tpu.memory_space<hbm>>
          %dma_wait3A_180 = tpu.memref_slice %arg5[%select_n3A_126, %run_scoped3A_164, %mul3A_163] : memref<4x1x65536xi32, #tpu.memory_space<hbm>> -> memref<1x1x4096xi32, #tpu.memory_space<hbm>>
          %dma_wait3A_181 = tpu.memref_squeeze %dma_wait3A_180 : memref<1x1x4096xi32, #tpu.memory_space<hbm>> -> memref<4096xi32, #tpu.memory_space<hbm>>
          tpu.wait_dma2 semaphore(%run_scoped3A_175 : memref<!tpu.dma_semaphore, #tpu.memory_space<semaphore_mem>>) src(%dma_wait3A_181 : memref<4096xi32, #tpu.memory_space<hbm>>) dst(%arg9 : memref<4096xi32, #tpu.memory_space<vmem>>)
          tpu.yield
        }) : () -> ()
        %mul3A_165 = arith.constant 128 : i32
        %mul3A_166 = arith.muli %while3A_160, %mul3A_165 : i32
        %mul3A_167 = arith.constant 3 : i32
        %mul3A_168 = arith.muli %mul3A_166, %mul3A_167 : i32
        %run_scoped3A_169 = arith.constant 0 : i32
        "tpu.region"() ({
          %run_scoped3A_175 = tpu.sem_alloc : memref<!tpu.dma_semaphore, #tpu.memory_space<semaphore_mem>>
          %dma_start3A = tpu.memref_slice %arg4[%select_n3A_126, %run_scoped3A_169, %mul3A_168] : memref<4x1x6144xf32, #tpu.memory_space<hbm>> -> memref<1x1x384xf32, #tpu.memory_space<hbm>>
          %dma_start3A_176 = tpu.memref_squeeze %dma_start3A : memref<1x1x384xf32, #tpu.memory_space<hbm>> -> memref<384xf32, #tpu.memory_space<hbm>>
          %dma_start3A_177 = tpu.memref_slice %arg4[%select_n3A_126, %run_scoped3A_169, %mul3A_168] : memref<4x1x6144xf32, #tpu.memory_space<hbm>> -> memref<1x1x384xf32, #tpu.memory_space<hbm>>
          %dma_start3A_178 = tpu.memref_squeeze %dma_start3A_177 : memref<1x1x384xf32, #tpu.memory_space<hbm>> -> memref<384xf32, #tpu.memory_space<hbm>>
          tpu.enqueue_dma source(%dma_start3A_178 : memref<384xf32, #tpu.memory_space<hbm>>) target(%arg11 : memref<384xf32, #tpu.memory_space<vmem>>) target_semaphore(%run_scoped3A_175 : memref<!tpu.dma_semaphore, #tpu.memory_space<semaphore_mem>>)
          %dma_wait3A = tpu.memref_slice %arg4[%select_n3A_126, %run_scoped3A_169, %mul3A_168] : memref<4x1x6144xf32, #tpu.memory_space<hbm>> -> memref<1x1x384xf32, #tpu.memory_space<hbm>>
          %dma_wait3A_179 = tpu.memref_squeeze %dma_wait3A : memref<1x1x384xf32, #tpu.memory_space<hbm>> -> memref<384xf32, #tpu.memory_space<hbm>>
          %dma_wait3A_180 = tpu.memref_slice %arg4[%select_n3A_126, %run_scoped3A_169, %mul3A_168] : memref<4x1x6144xf32, #tpu.memory_space<hbm>> -> memref<1x1x384xf32, #tpu.memory_space<hbm>>
          %dma_wait3A_181 = tpu.memref_squeeze %dma_wait3A_180 : memref<1x1x384xf32, #tpu.memory_space<hbm>> -> memref<384xf32, #tpu.memory_space<hbm>>
          tpu.wait_dma2 semaphore(%run_scoped3A_175 : memref<!tpu.dma_semaphore, #tpu.memory_space<semaphore_mem>>) src(%dma_wait3A_181 : memref<384xf32, #tpu.memory_space<hbm>>) dst(%arg11 : memref<384xf32, #tpu.memory_space<vmem>>)
          tpu.yield
        }) : () -> ()
        %parallel_loop3A = arith.constant 0 : i32
        %parallel_loop3A_170 = arith.constant 256 : i32
        %parallel_loop3A_171 = arith.constant 1 : i32
        scf.for %parallel_loop3A_175 = %parallel_loop3A to %parallel_loop3A_170 step %parallel_loop3A_171  : i32 {
          %parallel_loop3A_176 = arith.constant 16 : i32
          %parallel_loop3A_177 = arith.muli %parallel_loop3A_175, %parallel_loop3A_176 : i32
          %parallel_loop3A_178 = arith.index_cast %parallel_loop3A_177 : i32 to index
          %parallel_loop3A_179 = tpu.vector_load %arg9[%parallel_loop3A_178] {strides = array<i32>} : memref<4096xi32, #tpu.memory_space<vmem>>, vector<16xi32>,
          %parallel_loop3A_180 = arith.constant 0 : i32
          %parallel_loop3A_181 = vector.broadcast %parallel_loop3A_180 : i32 to vector<16xi32>
          %parallel_loop3A_182 = arith.addi %parallel_loop3A_179, %parallel_loop3A_181 : vector<16xi32>
          %parallel_loop3A_183 = tpu.vector_load_idx %arg8[%parallel_loop3A_182] : memref<65536xf32, #tpu.memory_space<vmem>>[vector<16xi32>], vector<16xf32>,
          %parallel_loop3A_184 = arith.constant 2 : i32
          %parallel_loop3A_185 = arith.divsi %parallel_loop3A_175, %parallel_loop3A_184 : i32
          %parallel_loop3A_186 = arith.constant 0 : i32
          %parallel_loop3A_187 = arith.cmpi sgt, %parallel_loop3A_175, %parallel_loop3A_186 : i32
          %parallel_loop3A_188 = arith.extui %parallel_loop3A_187 : i1 to i32
          %parallel_loop3A_189 = arith.constant 0 : i32
          %parallel_loop3A_190 = arith.cmpi slt, %parallel_loop3A_175, %parallel_loop3A_189 : i32
          %parallel_loop3A_191 = arith.extui %parallel_loop3A_190 : i1 to i32
          %parallel_loop3A_192 = arith.subi %parallel_loop3A_188, %parallel_loop3A_191 : i32
          %parallel_loop3A_193 = arith.constant 0 : i32
          %parallel_loop3A_194 = arith.cmpi sgt, %parallel_loop3A_184, %parallel_loop3A_193 : i32
          %parallel_loop3A_195 = arith.extui %parallel_loop3A_194 : i1 to i32
          %parallel_loop3A_196 = arith.constant 0 : i32
          %parallel_loop3A_197 = arith.cmpi slt, %parallel_loop3A_184, %parallel_loop3A_196 : i32
          %parallel_loop3A_198 = arith.extui %parallel_loop3A_197 : i1 to i32
          %parallel_loop3A_199 = arith.subi %parallel_loop3A_195, %parallel_loop3A_198 : i32
          %parallel_loop3A_200 = arith.cmpi ne, %parallel_loop3A_192, %parallel_loop3A_199 : i32
          %parallel_loop3A_201 = arith.remsi %parallel_loop3A_175, %parallel_loop3A_184 : i32
          %parallel_loop3A_202 = arith.constant 0 : i32
          %parallel_loop3A_203 = arith.cmpi ne, %parallel_loop3A_201, %parallel_loop3A_202 : i32
          %parallel_loop3A_204 = arith.andi %parallel_loop3A_200, %parallel_loop3A_203 : i1
          %parallel_loop3A_205 = arith.constant 1 : i32
          %parallel_loop3A_206 = arith.subi %parallel_loop3A_185, %parallel_loop3A_205 : i32
          %parallel_loop3A_207 = arith.select %parallel_loop3A_204, %parallel_loop3A_206, %parallel_loop3A_185 : i32
          %parallel_loop3A_208 = arith.constant 3 : i32
          %parallel_loop3A_209 = arith.muli %parallel_loop3A_207, %parallel_loop3A_208 : i32
          %parallel_loop3A_210 = arith.constant 0 : i32
          %parallel_loop3A_211 = arith.addi %parallel_loop3A_209, %parallel_loop3A_210 : i32
          %parallel_loop3A_212 = vector.broadcast %parallel_loop3A_211 : i32 to vector<16xi32>
          %parallel_loop3A_213 = tpu.vector_load_idx %arg11[%parallel_loop3A_212] : memref<384xf32, #tpu.memory_space<vmem>>[vector<16xi32>], vector<16xf32>,
          %parallel_loop3A_214 = arith.subf %parallel_loop3A_183, %parallel_loop3A_213 : vector<16xf32>
          %parallel_loop3A_215 = arith.constant 16 : i32
          %parallel_loop3A_216 = arith.muli %parallel_loop3A_175, %parallel_loop3A_215 : i32
          %parallel_loop3A_217 = arith.constant 0 : i32
          %parallel_loop3A_218 = arith.index_cast %parallel_loop3A_217 : i32 to index
          %parallel_loop3A_219 = arith.index_cast %parallel_loop3A_216 : i32 to index
          %parallel_loop3A_220 = tpu.vector_load %arg10[%parallel_loop3A_218, %parallel_loop3A_219] {strides = array<i32>} : memref<8x4096xf32, #tpu.memory_space<vmem>>, vector<16xf32>,
          tpu.vector_store %arg10[%parallel_loop3A_218, %parallel_loop3A_219], %parallel_loop3A_214 {strides = array<i32>} : memref<8x4096xf32, #tpu.memory_space<vmem>>, vector<16xf32>,
          %parallel_loop3A_221 = arith.constant 8192 : i32
          %parallel_loop3A_222 = vector.broadcast %parallel_loop3A_221 : i32 to vector<16xi32>
          %parallel_loop3A_223 = arith.addi %parallel_loop3A_179, %parallel_loop3A_222 : vector<16xi32>
          %parallel_loop3A_224 = tpu.vector_load_idx %arg8[%parallel_loop3A_223] : memref<65536xf32, #tpu.memory_space<vmem>>[vector<16xi32>], vector<16xf32>,
          %parallel_loop3A_225 = arith.constant 2 : i32
          %parallel_loop3A_226 = arith.divsi %parallel_loop3A_175, %parallel_loop3A_225 : i32
          %parallel_loop3A_227 = arith.constant 0 : i32
          %parallel_loop3A_228 = arith.cmpi sgt, %parallel_loop3A_175, %parallel_loop3A_227 : i32
          %parallel_loop3A_229 = arith.extui %parallel_loop3A_228 : i1 to i32
          %parallel_loop3A_230 = arith.constant 0 : i32
          %parallel_loop3A_231 = arith.cmpi slt, %parallel_loop3A_175, %parallel_loop3A_230 : i32
          %parallel_loop3A_232 = arith.extui %parallel_loop3A_231 : i1 to i32
          %parallel_loop3A_233 = arith.subi %parallel_loop3A_229, %parallel_loop3A_232 : i32
          %parallel_loop3A_234 = arith.constant 0 : i32
          %parallel_loop3A_235 = arith.cmpi sgt, %parallel_loop3A_225, %parallel_loop3A_234 : i32
          %parallel_loop3A_236 = arith.extui %parallel_loop3A_235 : i1 to i32
          %parallel_loop3A_237 = arith.constant 0 : i32
          %parallel_loop3A_238 = arith.cmpi slt, %parallel_loop3A_225, %parallel_loop3A_237 : i32
          %parallel_loop3A_239 = arith.extui %parallel_loop3A_238 : i1 to i32
          %parallel_loop3A_240 = arith.subi %parallel_loop3A_236, %parallel_loop3A_239 : i32
          %parallel_loop3A_241 = arith.cmpi ne, %parallel_loop3A_233, %parallel_loop3A_240 : i32
          %parallel_loop3A_242 = arith.remsi %parallel_loop3A_175, %parallel_loop3A_225 : i32
          %parallel_loop3A_243 = arith.constant 0 : i32
          %parallel_loop3A_244 = arith.cmpi ne, %parallel_loop3A_242, %parallel_loop3A_243 : i32
          %parallel_loop3A_245 = arith.andi %parallel_loop3A_241, %parallel_loop3A_244 : i1
          %parallel_loop3A_246 = arith.constant 1 : i32
          %parallel_loop3A_247 = arith.subi %parallel_loop3A_226, %parallel_loop3A_246 : i32
          %parallel_loop3A_248 = arith.select %parallel_loop3A_245, %parallel_loop3A_247, %parallel_loop3A_226 : i32
          %parallel_loop3A_249 = arith.constant 3 : i32
          %parallel_loop3A_250 = arith.muli %parallel_loop3A_248, %parallel_loop3A_249 : i32
          %parallel_loop3A_251 = arith.constant 1 : i32
          %parallel_loop3A_252 = arith.addi %parallel_loop3A_250, %parallel_loop3A_251 : i32
          %parallel_loop3A_253 = vector.broadcast %parallel_loop3A_252 : i32 to vector<16xi32>
          %parallel_loop3A_254 = tpu.vector_load_idx %arg11[%parallel_loop3A_253] : memref<384xf32, #tpu.memory_space<vmem>>[vector<16xi32>], vector<16xf32>,
          %parallel_loop3A_255 = arith.subf %parallel_loop3A_224, %parallel_loop3A_254 : vector<16xf32>
          %parallel_loop3A_256 = arith.constant 16 : i32
          %parallel_loop3A_257 = arith.muli %parallel_loop3A_175, %parallel_loop3A_256 : i32
          %parallel_loop3A_258 = arith.constant 1 : i32
          %parallel_loop3A_259 = arith.index_cast %parallel_loop3A_258 : i32 to index
          %parallel_loop3A_260 = arith.index_cast %parallel_loop3A_257 : i32 to index
          %parallel_loop3A_261 = tpu.vector_load %arg10[%parallel_loop3A_259, %parallel_loop3A_260] {strides = array<i32>} : memref<8x4096xf32, #tpu.memory_space<vmem>>, vector<16xf32>,
          tpu.vector_store %arg10[%parallel_loop3A_259, %parallel_loop3A_260], %parallel_loop3A_255 {strides = array<i32>} : memref<8x4096xf32, #tpu.memory_space<vmem>>, vector<16xf32>,
          %parallel_loop3A_262 = arith.constant 16384 : i32
          %parallel_loop3A_263 = vector.broadcast %parallel_loop3A_262 : i32 to vector<16xi32>
          %parallel_loop3A_264 = arith.addi %parallel_loop3A_179, %parallel_loop3A_263 : vector<16xi32>
          %parallel_loop3A_265 = tpu.vector_load_idx %arg8[%parallel_loop3A_264] : memref<65536xf32, #tpu.memory_space<vmem>>[vector<16xi32>], vector<16xf32>,
          %parallel_loop3A_266 = arith.constant 2 : i32
          %parallel_loop3A_267 = arith.divsi %parallel_loop3A_175, %parallel_loop3A_266 : i32
          %parallel_loop3A_268 = arith.constant 0 : i32
          %parallel_loop3A_269 = arith.cmpi sgt, %parallel_loop3A_175, %parallel_loop3A_268 : i32
          %parallel_loop3A_270 = arith.extui %parallel_loop3A_269 : i1 to i32
          %parallel_loop3A_271 = arith.constant 0 : i32
          %parallel_loop3A_272 = arith.cmpi slt, %parallel_loop3A_175, %parallel_loop3A_271 : i32
          %parallel_loop3A_273 = arith.extui %parallel_loop3A_272 : i1 to i32
          %parallel_loop3A_274 = arith.subi %parallel_loop3A_270, %parallel_loop3A_273 : i32
          %parallel_loop3A_275 = arith.constant 0 : i32
          %parallel_loop3A_276 = arith.cmpi sgt, %parallel_loop3A_266, %parallel_loop3A_275 : i32
          %parallel_loop3A_277 = arith.extui %parallel_loop3A_276 : i1 to i32
          %parallel_loop3A_278 = arith.constant 0 : i32
          %parallel_loop3A_279 = arith.cmpi slt, %parallel_loop3A_266, %parallel_loop3A_278 : i32
          %parallel_loop3A_280 = arith.extui %parallel_loop3A_279 : i1 to i32
          %parallel_loop3A_281 = arith.subi %parallel_loop3A_277, %parallel_loop3A_280 : i32
          %parallel_loop3A_282 = arith.cmpi ne, %parallel_loop3A_274, %parallel_loop3A_281 : i32
          %parallel_loop3A_283 = arith.remsi %parallel_loop3A_175, %parallel_loop3A_266 : i32
          %parallel_loop3A_284 = arith.constant 0 : i32
          %parallel_loop3A_285 = arith.cmpi ne, %parallel_loop3A_283, %parallel_loop3A_284 : i32
          %parallel_loop3A_286 = arith.andi %parallel_loop3A_282, %parallel_loop3A_285 : i1
          %parallel_loop3A_287 = arith.constant 1 : i32
          %parallel_loop3A_288 = arith.subi %parallel_loop3A_267, %parallel_loop3A_287 : i32
          %parallel_loop3A_289 = arith.select %parallel_loop3A_286, %parallel_loop3A_288, %parallel_loop3A_267 : i32
          %parallel_loop3A_290 = arith.constant 3 : i32
          %parallel_loop3A_291 = arith.muli %parallel_loop3A_289, %parallel_loop3A_290 : i32
          %parallel_loop3A_292 = arith.constant 2 : i32
          %parallel_loop3A_293 = arith.addi %parallel_loop3A_291, %parallel_loop3A_292 : i32
          %parallel_loop3A_294 = vector.broadcast %parallel_loop3A_293 : i32 to vector<16xi32>
          %parallel_loop3A_295 = tpu.vector_load_idx %arg11[%parallel_loop3A_294] : memref<384xf32, #tpu.memory_space<vmem>>[vector<16xi32>], vector<16xf32>,
          %parallel_loop3A_296 = arith.subf %parallel_loop3A_265, %parallel_loop3A_295 : vector<16xf32>
          %parallel_loop3A_297 = arith.constant 16 : i32
          %parallel_loop3A_298 = arith.muli %parallel_loop3A_175, %parallel_loop3A_297 : i32
          %parallel_loop3A_299 = arith.constant 2 : i32
          %parallel_loop3A_300 = arith.index_cast %parallel_loop3A_299 : i32 to index
          %parallel_loop3A_301 = arith.index_cast %parallel_loop3A_298 : i32 to index
          %parallel_loop3A_302 = tpu.vector_load %arg10[%parallel_loop3A_300, %parallel_loop3A_301] {strides = array<i32>} : memref<8x4096xf32, #tpu.memory_space<vmem>>, vector<16xf32>,
          tpu.vector_store %arg10[%parallel_loop3A_300, %parallel_loop3A_301], %parallel_loop3A_296 {strides = array<i32>} : memref<8x4096xf32, #tpu.memory_space<vmem>>, vector<16xf32>,
        } {sc.loop_unroll_factor = 4 : i64, sc.parallel_access}
        %mul3A_172 = arith.constant 4096 : i32
        %mul3A_173 = arith.muli %while3A_160, %mul3A_172 : i32
        "tpu.region"() ({
          %run_scoped3A_175 = tpu.sem_alloc : memref<!tpu.dma_semaphore, #tpu.memory_space<semaphore_mem>>
          %dma_start3A = arith.constant 0 : i32
          %dma_start3A_176 = arith.constant 0 : i32
          %dma_start3A_177 = tpu.memref_slice %arg10[%dma_start3A, %dma_start3A_176] : memref<8x4096xf32, #tpu.memory_space<vmem>> -> memref<3x4096xf32, #tpu.memory_space<vmem>>
          %dma_start3A_178 = arith.constant 0 : i32
          %dma_start3A_179 = tpu.memref_slice %arg6[%select_n3A_126, %dma_start3A_178, %mul3A_173] : memref<4x3x65536xf32, #tpu.memory_space<hbm>> -> memref<1x3x4096xf32, #tpu.memory_space<hbm>>
          %dma_start3A_180 = tpu.memref_squeeze %dma_start3A_179 : memref<1x3x4096xf32, #tpu.memory_space<hbm>> -> memref<3x4096xf32, #tpu.memory_space<hbm>>
          %dma_start3A_181 = arith.constant 0 : i32
          %dma_start3A_182 = tpu.memref_slice %arg6[%select_n3A_126, %dma_start3A_181, %mul3A_173] : memref<4x3x65536xf32, #tpu.memory_space<hbm>> -> memref<1x3x4096xf32, #tpu.memory_space<hbm>>
          %dma_start3A_183 = tpu.memref_squeeze %dma_start3A_182 : memref<1x3x4096xf32, #tpu.memory_space<hbm>> -> memref<3x4096xf32, #tpu.memory_space<hbm>>
          %dma_start3A_184 = arith.constant 0 : i32
          %dma_start3A_185 = arith.constant 0 : i32
          %dma_start3A_186 = tpu.memref_slice %arg10[%dma_start3A_184, %dma_start3A_185] : memref<8x4096xf32, #tpu.memory_space<vmem>> -> memref<3x4096xf32, #tpu.memory_space<vmem>>
          tpu.enqueue_dma source(%dma_start3A_186 : memref<3x4096xf32, #tpu.memory_space<vmem>>) target(%dma_start3A_183 : memref<3x4096xf32, #tpu.memory_space<hbm>>) target_semaphore(%run_scoped3A_175 : memref<!tpu.dma_semaphore, #tpu.memory_space<semaphore_mem>>)
          %dma_wait3A = arith.constant 0 : i32
          %dma_wait3A_187 = arith.constant 0 : i32
          %dma_wait3A_188 = tpu.memref_slice %arg10[%dma_wait3A, %dma_wait3A_187] : memref<8x4096xf32, #tpu.memory_space<vmem>> -> memref<3x4096xf32, #tpu.memory_space<vmem>>
          %dma_wait3A_189 = arith.constant 0 : i32
          %dma_wait3A_190 = tpu.memref_slice %arg6[%select_n3A_126, %dma_wait3A_189, %mul3A_173] : memref<4x3x65536xf32, #tpu.memory_space<hbm>> -> memref<1x3x4096xf32, #tpu.memory_space<hbm>>
          %dma_wait3A_191 = tpu.memref_squeeze %dma_wait3A_190 : memref<1x3x4096xf32, #tpu.memory_space<hbm>> -> memref<3x4096xf32, #tpu.memory_space<hbm>>
          %dma_wait3A_192 = arith.constant 0 : i32
          %dma_wait3A_193 = tpu.memref_slice %arg6[%select_n3A_126, %dma_wait3A_192, %mul3A_173] : memref<4x3x65536xf32, #tpu.memory_space<hbm>> -> memref<1x3x4096xf32, #tpu.memory_space<hbm>>
          %dma_wait3A_194 = tpu.memref_squeeze %dma_wait3A_193 : memref<1x3x4096xf32, #tpu.memory_space<hbm>> -> memref<3x4096xf32, #tpu.memory_space<hbm>>
          %dma_wait3A_195 = arith.constant 0 : i32
          %dma_wait3A_196 = arith.constant 0 : i32
          %dma_wait3A_197 = tpu.memref_slice %arg10[%dma_wait3A_195, %dma_wait3A_196] : memref<8x4096xf32, #tpu.memory_space<vmem>> -> memref<3x4096xf32, #tpu.memory_space<vmem>>
          tpu.wait_dma2 semaphore(%run_scoped3A_175 : memref<!tpu.dma_semaphore, #tpu.memory_space<semaphore_mem>>) src(%dma_wait3A_197 : memref<3x4096xf32, #tpu.memory_space<vmem>>) dst(%dma_wait3A_194 : memref<3x4096xf32, #tpu.memory_space<hbm>>)
          tpu.yield
        }) : () -> ()
        %while3A_174 = arith.constant 0 : i32
        scf.yield %while3A_174 : i32
      }
      %while3A_158 = arith.constant 1 : i32
      %while3A_159 = scf.for %while3A_160 = %while3A_155 to %while3A_151 step %while3A_158 iter_args(%while3A_161 = %while3A_157) -> (i32)  : i32 {
        %mul3A_162 = arith.constant 4096 : i32
        %mul3A_163 = arith.muli %while3A_160, %mul3A_162 : i32
        %run_scoped3A_164 = arith.constant 0 : i32
        "tpu.region"() ({
          %run_scoped3A_175 = tpu.sem_alloc : memref<!tpu.dma_semaphore, #tpu.memory_space<semaphore_mem>>
          %dma_start3A = tpu.memref_slice %arg5[%select_n3A_126, %run_scoped3A_164, %mul3A_163] : memref<4x1x65536xi32, #tpu.memory_space<hbm>> -> memref<1x1x4096xi32, #tpu.memory_space<hbm>>
          %dma_start3A_176 = tpu.memref_squeeze %dma_start3A : memref<1x1x4096xi32, #tpu.memory_space<hbm>> -> memref<4096xi32, #tpu.memory_space<hbm>>
          %dma_start3A_177 = tpu.memref_slice %arg5[%select_n3A_126, %run_scoped3A_164, %mul3A_163] : memref<4x1x65536xi32, #tpu.memory_space<hbm>> -> memref<1x1x4096xi32, #tpu.memory_space<hbm>>
          %dma_start3A_178 = tpu.memref_squeeze %dma_start3A_177 : memref<1x1x4096xi32, #tpu.memory_space<hbm>> -> memref<4096xi32, #tpu.memory_space<hbm>>
          tpu.enqueue_dma source(%dma_start3A_178 : memref<4096xi32, #tpu.memory_space<hbm>>) target(%arg9 : memref<4096xi32, #tpu.memory_space<vmem>>) target_semaphore(%run_scoped3A_175 : memref<!tpu.dma_semaphore, #tpu.memory_space<semaphore_mem>>)
          %dma_wait3A = tpu.memref_slice %arg5[%select_n3A_126, %run_scoped3A_164, %mul3A_163] : memref<4x1x65536xi32, #tpu.memory_space<hbm>> -> memref<1x1x4096xi32, #tpu.memory_space<hbm>>
          %dma_wait3A_179 = tpu.memref_squeeze %dma_wait3A : memref<1x1x4096xi32, #tpu.memory_space<hbm>> -> memref<4096xi32, #tpu.memory_space<hbm>>
          %dma_wait3A_180 = tpu.memref_slice %arg5[%select_n3A_126, %run_scoped3A_164, %mul3A_163] : memref<4x1x65536xi32, #tpu.memory_space<hbm>> -> memref<1x1x4096xi32, #tpu.memory_space<hbm>>
          %dma_wait3A_181 = tpu.memref_squeeze %dma_wait3A_180 : memref<1x1x4096xi32, #tpu.memory_space<hbm>> -> memref<4096xi32, #tpu.memory_space<hbm>>
          tpu.wait_dma2 semaphore(%run_scoped3A_175 : memref<!tpu.dma_semaphore, #tpu.memory_space<semaphore_mem>>) src(%dma_wait3A_181 : memref<4096xi32, #tpu.memory_space<hbm>>) dst(%arg9 : memref<4096xi32, #tpu.memory_space<vmem>>)
          tpu.yield
        }) : () -> ()
        %mul3A_165 = arith.constant 128 : i32
        %mul3A_166 = arith.muli %while3A_160, %mul3A_165 : i32
        %mul3A_167 = arith.constant 3 : i32
        %mul3A_168 = arith.muli %mul3A_166, %mul3A_167 : i32
        %run_scoped3A_169 = arith.constant 0 : i32
        "tpu.region"() ({
          %run_scoped3A_175 = tpu.sem_alloc : memref<!tpu.dma_semaphore, #tpu.memory_space<semaphore_mem>>
          %dma_start3A = tpu.memref_slice %arg4[%select_n3A_126, %run_scoped3A_169, %mul3A_168] : memref<4x1x6144xf32, #tpu.memory_space<hbm>> -> memref<1x1x384xf32, #tpu.memory_space<hbm>>
          %dma_start3A_176 = tpu.memref_squeeze %dma_start3A : memref<1x1x384xf32, #tpu.memory_space<hbm>> -> memref<384xf32, #tpu.memory_space<hbm>>
          %dma_start3A_177 = tpu.memref_slice %arg4[%select_n3A_126, %run_scoped3A_169, %mul3A_168] : memref<4x1x6144xf32, #tpu.memory_space<hbm>> -> memref<1x1x384xf32, #tpu.memory_space<hbm>>
          %dma_start3A_178 = tpu.memref_squeeze %dma_start3A_177 : memref<1x1x384xf32, #tpu.memory_space<hbm>> -> memref<384xf32, #tpu.memory_space<hbm>>
          tpu.enqueue_dma source(%dma_start3A_178 : memref<384xf32, #tpu.memory_space<hbm>>) target(%arg11 : memref<384xf32, #tpu.memory_space<vmem>>) target_semaphore(%run_scoped3A_175 : memref<!tpu.dma_semaphore, #tpu.memory_space<semaphore_mem>>)
          %dma_wait3A = tpu.memref_slice %arg4[%select_n3A_126, %run_scoped3A_169, %mul3A_168] : memref<4x1x6144xf32, #tpu.memory_space<hbm>> -> memref<1x1x384xf32, #tpu.memory_space<hbm>>
          %dma_wait3A_179 = tpu.memref_squeeze %dma_wait3A : memref<1x1x384xf32, #tpu.memory_space<hbm>> -> memref<384xf32, #tpu.memory_space<hbm>>
          %dma_wait3A_180 = tpu.memref_slice %arg4[%select_n3A_126, %run_scoped3A_169, %mul3A_168] : memref<4x1x6144xf32, #tpu.memory_space<hbm>> -> memref<1x1x384xf32, #tpu.memory_space<hbm>>
          %dma_wait3A_181 = tpu.memref_squeeze %dma_wait3A_180 : memref<1x1x384xf32, #tpu.memory_space<hbm>> -> memref<384xf32, #tpu.memory_space<hbm>>
          tpu.wait_dma2 semaphore(%run_scoped3A_175 : memref<!tpu.dma_semaphore, #tpu.memory_space<semaphore_mem>>) src(%dma_wait3A_181 : memref<384xf32, #tpu.memory_space<hbm>>) dst(%arg11 : memref<384xf32, #tpu.memory_space<vmem>>)
          tpu.yield
        }) : () -> ()
        %parallel_loop3A = arith.constant 0 : i32
        %parallel_loop3A_170 = arith.constant 256 : i32
        %parallel_loop3A_171 = arith.constant 1 : i32
        scf.for %parallel_loop3A_175 = %parallel_loop3A to %parallel_loop3A_170 step %parallel_loop3A_171  : i32 {
          %parallel_loop3A_176 = arith.constant 16 : i32
          %parallel_loop3A_177 = arith.muli %parallel_loop3A_175, %parallel_loop3A_176 : i32
          %parallel_loop3A_178 = arith.index_cast %parallel_loop3A_177 : i32 to index
          %parallel_loop3A_179 = tpu.vector_load %arg9[%parallel_loop3A_178] {strides = array<i32>} : memref<4096xi32, #tpu.memory_space<vmem>>, vector<16xi32>,
          %parallel_loop3A_180 = arith.constant 0 : i32
          %parallel_loop3A_181 = vector.broadcast %parallel_loop3A_180 : i32 to vector<16xi32>
          %parallel_loop3A_182 = arith.addi %parallel_loop3A_179, %parallel_loop3A_181 : vector<16xi32>
          %parallel_loop3A_183 = tpu.vector_load_idx %arg8[%parallel_loop3A_182] : memref<65536xf32, #tpu.memory_space<vmem>>[vector<16xi32>], vector<16xf32>,
          %parallel_loop3A_184 = arith.constant 2 : i32
          %parallel_loop3A_185 = arith.divsi %parallel_loop3A_175, %parallel_loop3A_184 : i32
          %parallel_loop3A_186 = arith.constant 0 : i32
          %parallel_loop3A_187 = arith.cmpi sgt, %parallel_loop3A_175, %parallel_loop3A_186 : i32
          %parallel_loop3A_188 = arith.extui %parallel_loop3A_187 : i1 to i32
          %parallel_loop3A_189 = arith.constant 0 : i32
          %parallel_loop3A_190 = arith.cmpi slt, %parallel_loop3A_175, %parallel_loop3A_189 : i32
          %parallel_loop3A_191 = arith.extui %parallel_loop3A_190 : i1 to i32
          %parallel_loop3A_192 = arith.subi %parallel_loop3A_188, %parallel_loop3A_191 : i32
          %parallel_loop3A_193 = arith.constant 0 : i32
          %parallel_loop3A_194 = arith.cmpi sgt, %parallel_loop3A_184, %parallel_loop3A_193 : i32
          %parallel_loop3A_195 = arith.extui %parallel_loop3A_194 : i1 to i32
          %parallel_loop3A_196 = arith.constant 0 : i32
          %parallel_loop3A_197 = arith.cmpi slt, %parallel_loop3A_184, %parallel_loop3A_196 : i32
          %parallel_loop3A_198 = arith.extui %parallel_loop3A_197 : i1 to i32
          %parallel_loop3A_199 = arith.subi %parallel_loop3A_195, %parallel_loop3A_198 : i32
          %parallel_loop3A_200 = arith.cmpi ne, %parallel_loop3A_192, %parallel_loop3A_199 : i32
          %parallel_loop3A_201 = arith.remsi %parallel_loop3A_175, %parallel_loop3A_184 : i32
          %parallel_loop3A_202 = arith.constant 0 : i32
          %parallel_loop3A_203 = arith.cmpi ne, %parallel_loop3A_201, %parallel_loop3A_202 : i32
          %parallel_loop3A_204 = arith.andi %parallel_loop3A_200, %parallel_loop3A_203 : i1
          %parallel_loop3A_205 = arith.constant 1 : i32
          %parallel_loop3A_206 = arith.subi %parallel_loop3A_185, %parallel_loop3A_205 : i32
          %parallel_loop3A_207 = arith.select %parallel_loop3A_204, %parallel_loop3A_206, %parallel_loop3A_185 : i32
          %parallel_loop3A_208 = arith.constant 3 : i32
          %parallel_loop3A_209 = arith.muli %parallel_loop3A_207, %parallel_loop3A_208 : i32
          %parallel_loop3A_210 = arith.constant 0 : i32
          %parallel_loop3A_211 = arith.addi %parallel_loop3A_209, %parallel_loop3A_210 : i32
          %parallel_loop3A_212 = vector.broadcast %parallel_loop3A_211 : i32 to vector<16xi32>
          %parallel_loop3A_213 = tpu.vector_load_idx %arg11[%parallel_loop3A_212] : memref<384xf32, #tpu.memory_space<vmem>>[vector<16xi32>], vector<16xf32>,
          %parallel_loop3A_214 = arith.subf %parallel_loop3A_183, %parallel_loop3A_213 : vector<16xf32>
          %parallel_loop3A_215 = arith.constant 16 : i32
          %parallel_loop3A_216 = arith.muli %parallel_loop3A_175, %parallel_loop3A_215 : i32
          %parallel_loop3A_217 = arith.constant 0 : i32
          %parallel_loop3A_218 = arith.index_cast %parallel_loop3A_217 : i32 to index
          %parallel_loop3A_219 = arith.index_cast %parallel_loop3A_216 : i32 to index
          %parallel_loop3A_220 = tpu.vector_load %arg10[%parallel_loop3A_218, %parallel_loop3A_219] {strides = array<i32>} : memref<8x4096xf32, #tpu.memory_space<vmem>>, vector<16xf32>,
          tpu.vector_store %arg10[%parallel_loop3A_218, %parallel_loop3A_219], %parallel_loop3A_214 {strides = array<i32>} : memref<8x4096xf32, #tpu.memory_space<vmem>>, vector<16xf32>,
          %parallel_loop3A_221 = arith.constant 8192 : i32
          %parallel_loop3A_222 = vector.broadcast %parallel_loop3A_221 : i32 to vector<16xi32>
          %parallel_loop3A_223 = arith.addi %parallel_loop3A_179, %parallel_loop3A_222 : vector<16xi32>
          %parallel_loop3A_224 = tpu.vector_load_idx %arg8[%parallel_loop3A_223] : memref<65536xf32, #tpu.memory_space<vmem>>[vector<16xi32>], vector<16xf32>,
          %parallel_loop3A_225 = arith.constant 2 : i32
          %parallel_loop3A_226 = arith.divsi %parallel_loop3A_175, %parallel_loop3A_225 : i32
          %parallel_loop3A_227 = arith.constant 0 : i32
          %parallel_loop3A_228 = arith.cmpi sgt, %parallel_loop3A_175, %parallel_loop3A_227 : i32
          %parallel_loop3A_229 = arith.extui %parallel_loop3A_228 : i1 to i32
          %parallel_loop3A_230 = arith.constant 0 : i32
          %parallel_loop3A_231 = arith.cmpi slt, %parallel_loop3A_175, %parallel_loop3A_230 : i32
          %parallel_loop3A_232 = arith.extui %parallel_loop3A_231 : i1 to i32
          %parallel_loop3A_233 = arith.subi %parallel_loop3A_229, %parallel_loop3A_232 : i32
          %parallel_loop3A_234 = arith.constant 0 : i32
          %parallel_loop3A_235 = arith.cmpi sgt, %parallel_loop3A_225, %parallel_loop3A_234 : i32
          %parallel_loop3A_236 = arith.extui %parallel_loop3A_235 : i1 to i32
          %parallel_loop3A_237 = arith.constant 0 : i32
          %parallel_loop3A_238 = arith.cmpi slt, %parallel_loop3A_225, %parallel_loop3A_237 : i32
          %parallel_loop3A_239 = arith.extui %parallel_loop3A_238 : i1 to i32
          %parallel_loop3A_240 = arith.subi %parallel_loop3A_236, %parallel_loop3A_239 : i32
          %parallel_loop3A_241 = arith.cmpi ne, %parallel_loop3A_233, %parallel_loop3A_240 : i32
          %parallel_loop3A_242 = arith.remsi %parallel_loop3A_175, %parallel_loop3A_225 : i32
          %parallel_loop3A_243 = arith.constant 0 : i32
          %parallel_loop3A_244 = arith.cmpi ne, %parallel_loop3A_242, %parallel_loop3A_243 : i32
          %parallel_loop3A_245 = arith.andi %parallel_loop3A_241, %parallel_loop3A_244 : i1
          %parallel_loop3A_246 = arith.constant 1 : i32
          %parallel_loop3A_247 = arith.subi %parallel_loop3A_226, %parallel_loop3A_246 : i32
          %parallel_loop3A_248 = arith.select %parallel_loop3A_245, %parallel_loop3A_247, %parallel_loop3A_226 : i32
          %parallel_loop3A_249 = arith.constant 3 : i32
          %parallel_loop3A_250 = arith.muli %parallel_loop3A_248, %parallel_loop3A_249 : i32
          %parallel_loop3A_251 = arith.constant 1 : i32
          %parallel_loop3A_252 = arith.addi %parallel_loop3A_250, %parallel_loop3A_251 : i32
          %parallel_loop3A_253 = vector.broadcast %parallel_loop3A_252 : i32 to vector<16xi32>
          %parallel_loop3A_254 = tpu.vector_load_idx %arg11[%parallel_loop3A_253] : memref<384xf32, #tpu.memory_space<vmem>>[vector<16xi32>], vector<16xf32>,
          %parallel_loop3A_255 = arith.subf %parallel_loop3A_224, %parallel_loop3A_254 : vector<16xf32>
          %parallel_loop3A_256 = arith.constant 16 : i32
          %parallel_loop3A_257 = arith.muli %parallel_loop3A_175, %parallel_loop3A_256 : i32
          %parallel_loop3A_258 = arith.constant 1 : i32
          %parallel_loop3A_259 = arith.index_cast %parallel_loop3A_258 : i32 to index
          %parallel_loop3A_260 = arith.index_cast %parallel_loop3A_257 : i32 to index
          %parallel_loop3A_261 = tpu.vector_load %arg10[%parallel_loop3A_259, %parallel_loop3A_260] {strides = array<i32>} : memref<8x4096xf32, #tpu.memory_space<vmem>>, vector<16xf32>,
          tpu.vector_store %arg10[%parallel_loop3A_259, %parallel_loop3A_260], %parallel_loop3A_255 {strides = array<i32>} : memref<8x4096xf32, #tpu.memory_space<vmem>>, vector<16xf32>,
          %parallel_loop3A_262 = arith.constant 16384 : i32
          %parallel_loop3A_263 = vector.broadcast %parallel_loop3A_262 : i32 to vector<16xi32>
          %parallel_loop3A_264 = arith.addi %parallel_loop3A_179, %parallel_loop3A_263 : vector<16xi32>
          %parallel_loop3A_265 = tpu.vector_load_idx %arg8[%parallel_loop3A_264] : memref<65536xf32, #tpu.memory_space<vmem>>[vector<16xi32>], vector<16xf32>,
          %parallel_loop3A_266 = arith.constant 2 : i32
          %parallel_loop3A_267 = arith.divsi %parallel_loop3A_175, %parallel_loop3A_266 : i32
          %parallel_loop3A_268 = arith.constant 0 : i32
          %parallel_loop3A_269 = arith.cmpi sgt, %parallel_loop3A_175, %parallel_loop3A_268 : i32
          %parallel_loop3A_270 = arith.extui %parallel_loop3A_269 : i1 to i32
          %parallel_loop3A_271 = arith.constant 0 : i32
          %parallel_loop3A_272 = arith.cmpi slt, %parallel_loop3A_175, %parallel_loop3A_271 : i32
          %parallel_loop3A_273 = arith.extui %parallel_loop3A_272 : i1 to i32
          %parallel_loop3A_274 = arith.subi %parallel_loop3A_270, %parallel_loop3A_273 : i32
          %parallel_loop3A_275 = arith.constant 0 : i32
          %parallel_loop3A_276 = arith.cmpi sgt, %parallel_loop3A_266, %parallel_loop3A_275 : i32
          %parallel_loop3A_277 = arith.extui %parallel_loop3A_276 : i1 to i32
          %parallel_loop3A_278 = arith.constant 0 : i32
          %parallel_loop3A_279 = arith.cmpi slt, %parallel_loop3A_266, %parallel_loop3A_278 : i32
          %parallel_loop3A_280 = arith.extui %parallel_loop3A_279 : i1 to i32
          %parallel_loop3A_281 = arith.subi %parallel_loop3A_277, %parallel_loop3A_280 : i32
          %parallel_loop3A_282 = arith.cmpi ne, %parallel_loop3A_274, %parallel_loop3A_281 : i32
          %parallel_loop3A_283 = arith.remsi %parallel_loop3A_175, %parallel_loop3A_266 : i32
          %parallel_loop3A_284 = arith.constant 0 : i32
          %parallel_loop3A_285 = arith.cmpi ne, %parallel_loop3A_283, %parallel_loop3A_284 : i32
          %parallel_loop3A_286 = arith.andi %parallel_loop3A_282, %parallel_loop3A_285 : i1
          %parallel_loop3A_287 = arith.constant 1 : i32
          %parallel_loop3A_288 = arith.subi %parallel_loop3A_267, %parallel_loop3A_287 : i32
          %parallel_loop3A_289 = arith.select %parallel_loop3A_286, %parallel_loop3A_288, %parallel_loop3A_267 : i32
          %parallel_loop3A_290 = arith.constant 3 : i32
          %parallel_loop3A_291 = arith.muli %parallel_loop3A_289, %parallel_loop3A_290 : i32
          %parallel_loop3A_292 = arith.constant 2 : i32
          %parallel_loop3A_293 = arith.addi %parallel_loop3A_291, %parallel_loop3A_292 : i32
          %parallel_loop3A_294 = vector.broadcast %parallel_loop3A_293 : i32 to vector<16xi32>
          %parallel_loop3A_295 = tpu.vector_load_idx %arg11[%parallel_loop3A_294] : memref<384xf32, #tpu.memory_space<vmem>>[vector<16xi32>], vector<16xf32>,
          %parallel_loop3A_296 = arith.subf %parallel_loop3A_265, %parallel_loop3A_295 : vector<16xf32>
          %parallel_loop3A_297 = arith.constant 16 : i32
          %parallel_loop3A_298 = arith.muli %parallel_loop3A_175, %parallel_loop3A_297 : i32
          %parallel_loop3A_299 = arith.constant 2 : i32
          %parallel_loop3A_300 = arith.index_cast %parallel_loop3A_299 : i32 to index
          %parallel_loop3A_301 = arith.index_cast %parallel_loop3A_298 : i32 to index
          %parallel_loop3A_302 = tpu.vector_load %arg10[%parallel_loop3A_300, %parallel_loop3A_301] {strides = array<i32>} : memref<8x4096xf32, #tpu.memory_space<vmem>>, vector<16xf32>,
          tpu.vector_store %arg10[%parallel_loop3A_300, %parallel_loop3A_301], %parallel_loop3A_296 {strides = array<i32>} : memref<8x4096xf32, #tpu.memory_space<vmem>>, vector<16xf32>,
        } {sc.loop_unroll_factor = 4 : i64, sc.parallel_access}
        %mul3A_172 = arith.constant 4096 : i32
        %mul3A_173 = arith.muli %while3A_160, %mul3A_172 : i32
        "tpu.region"() ({
          %run_scoped3A_175 = tpu.sem_alloc : memref<!tpu.dma_semaphore, #tpu.memory_space<semaphore_mem>>
          %dma_start3A = arith.constant 0 : i32
          %dma_start3A_176 = arith.constant 0 : i32
          %dma_start3A_177 = tpu.memref_slice %arg10[%dma_start3A, %dma_start3A_176] : memref<8x4096xf32, #tpu.memory_space<vmem>> -> memref<3x4096xf32, #tpu.memory_space<vmem>>
          %dma_start3A_178 = arith.constant 0 : i32
          %dma_start3A_179 = tpu.memref_slice %arg6[%select_n3A_126, %dma_start3A_178, %mul3A_173] : memref<4x3x65536xf32, #tpu.memory_space<hbm>> -> memref<1x3x4096xf32, #tpu.memory_space<hbm>>
          %dma_start3A_180 = tpu.memref_squeeze %dma_start3A_179 : memref<1x3x4096xf32, #tpu.memory_space<hbm>> -> memref<3x4096xf32, #tpu.memory_space<hbm>>
          %dma_start3A_181 = arith.constant 0 : i32
          %dma_start3A_182 = tpu.memref_slice %arg6[%select_n3A_126, %dma_start3A_181, %mul3A_173] : memref<4x3x65536xf32, #tpu.memory_space<hbm>> -> memref<1x3x4096xf32, #tpu.memory_space<hbm>>
          %dma_start3A_183 = tpu.memref_squeeze %dma_start3A_182 : memref<1x3x4096xf32, #tpu.memory_space<hbm>> -> memref<3x4096xf32, #tpu.memory_space<hbm>>
          %dma_start3A_184 = arith.constant 0 : i32
          %dma_start3A_185 = arith.constant 0 : i32
          %dma_start3A_186 = tpu.memref_slice %arg10[%dma_start3A_184, %dma_start3A_185] : memref<8x4096xf32, #tpu.memory_space<vmem>> -> memref<3x4096xf32, #tpu.memory_space<vmem>>
          tpu.enqueue_dma source(%dma_start3A_186 : memref<3x4096xf32, #tpu.memory_space<vmem>>) target(%dma_start3A_183 : memref<3x4096xf32, #tpu.memory_space<hbm>>) target_semaphore(%run_scoped3A_175 : memref<!tpu.dma_semaphore, #tpu.memory_space<semaphore_mem>>)
          %dma_wait3A = arith.constant 0 : i32
          %dma_wait3A_187 = arith.constant 0 : i32
          %dma_wait3A_188 = tpu.memref_slice %arg10[%dma_wait3A, %dma_wait3A_187] : memref<8x4096xf32, #tpu.memory_space<vmem>> -> memref<3x4096xf32, #tpu.memory_space<vmem>>
          %dma_wait3A_189 = arith.constant 0 : i32
          %dma_wait3A_190 = tpu.memref_slice %arg6[%select_n3A_126, %dma_wait3A_189, %mul3A_173] : memref<4x3x65536xf32, #tpu.memory_space<hbm>> -> memref<1x3x4096xf32, #tpu.memory_space<hbm>>
          %dma_wait3A_191 = tpu.memref_squeeze %dma_wait3A_190 : memref<1x3x4096xf32, #tpu.memory_space<hbm>> -> memref<3x4096xf32, #tpu.memory_space<hbm>>
          %dma_wait3A_192 = arith.constant 0 : i32
          %dma_wait3A_193 = tpu.memref_slice %arg6[%select_n3A_126, %dma_wait3A_192, %mul3A_173] : memref<4x3x65536xf32, #tpu.memory_space<hbm>> -> memref<1x3x4096xf32, #tpu.memory_space<hbm>>
          %dma_wait3A_194 = tpu.memref_squeeze %dma_wait3A_193 : memref<1x3x4096xf32, #tpu.memory_space<hbm>> -> memref<3x4096xf32, #tpu.memory_space<hbm>>
          %dma_wait3A_195 = arith.constant 0 : i32
          %dma_wait3A_196 = arith.constant 0 : i32
          %dma_wait3A_197 = tpu.memref_slice %arg10[%dma_wait3A_195, %dma_wait3A_196] : memref<8x4096xf32, #tpu.memory_space<vmem>> -> memref<3x4096xf32, #tpu.memory_space<vmem>>
          tpu.wait_dma2 semaphore(%run_scoped3A_175 : memref<!tpu.dma_semaphore, #tpu.memory_space<semaphore_mem>>) src(%dma_wait3A_197 : memref<3x4096xf32, #tpu.memory_space<vmem>>) dst(%dma_wait3A_194 : memref<3x4096xf32, #tpu.memory_space<hbm>>)
          tpu.yield
        }) : () -> ()
        %while3A_174 = arith.constant 0 : i32
        scf.yield %while3A_174 : i32
      }
    } else {
    }
    return
  }
}

#map = affine_map<(d0, d1) -> (0, 0, 0)>
module attributes {stable_mosaic.version = 14 : i64} {
  func.func @_extract_body(%arg0: i32, %arg1: i32, %arg2: memref<4x2048x256xi32, #tpu.memory_space<hbm>>, %arg3: memref<4x1x65536xi32, #tpu.memory_space<hbm>>, %arg4: memref<64x256xi32, #tpu.memory_space<vmem>>, %arg5: memref<272xi32, #tpu.memory_space<vmem>>, %arg6: memref<272xi32, #tpu.memory_space<vmem>>, %arg7: memref<96xi32, #tpu.memory_space<vmem>>, %arg8: memref<2048xi32, #tpu.memory_space<vmem>>) attributes {dimension_semantics = [#tpu.dimension_semantics<core_parallel>, #tpu.dimension_semantics<subcore_parallel>], iteration_bounds = array<i64: 2, 16>, scalar_prefetch = 0 : i64, scratch_operands = 5 : i64, tpu.core_type = #tpu.core_type<sc_vector_subcore>, window_params = [{transform_indices = #map}, {transform_indices = #map}]} {
    %mul3A = arith.constant 16 : i32
    %mul3A_0 = arith.muli %arg0, %mul3A : i32
    %add3A = arith.addi %mul3A_0, %arg1 : i32
    %iota3A = tpu.iota {dimensions = array<i32: 0>} : vector<16xi32>
    %mul3A_1 = arith.constant 256 : i32
    %mul3A_2 = arith.muli %add3A, %mul3A_1 : i32
    %jit3A = arith.constant 2048 : i32
    %div3A = arith.divsi %mul3A_2, %jit3A : i32
    %sign3A = arith.constant 0 : i32
    %sign3A_3 = arith.cmpi sgt, %mul3A_2, %sign3A : i32
    %sign3A_4 = arith.extui %sign3A_3 : i1 to i32
    %sign3A_5 = arith.constant 0 : i32
    %sign3A_6 = arith.cmpi slt, %mul3A_2, %sign3A_5 : i32
    %sign3A_7 = arith.extui %sign3A_6 : i1 to i32
    %sign3A_8 = arith.subi %sign3A_4, %sign3A_7 : i32
    %sign3A_9 = arith.constant 0 : i32
    %sign3A_10 = arith.cmpi sgt, %jit3A, %sign3A_9 : i32
    %sign3A_11 = arith.extui %sign3A_10 : i1 to i32
    %sign3A_12 = arith.constant 0 : i32
    %sign3A_13 = arith.cmpi slt, %jit3A, %sign3A_12 : i32
    %sign3A_14 = arith.extui %sign3A_13 : i1 to i32
    %sign3A_15 = arith.subi %sign3A_11, %sign3A_14 : i32
    %ne3A = arith.cmpi ne, %sign3A_8, %sign3A_15 : i32
    %rem3A = arith.remsi %mul3A_2, %jit3A : i32
    %ne3A_16 = arith.constant 0 : i32
    %ne3A_17 = arith.cmpi ne, %rem3A, %ne3A_16 : i32
    %and3A = arith.andi %ne3A, %ne3A_17 : i1
    %sub3A = arith.constant 1 : i32
    %sub3A_18 = arith.subi %div3A, %sub3A : i32
    %select_n3A = arith.select %and3A, %sub3A_18, %div3A : i32
    %jit3A_19 = arith.constant 2048 : i32
    %eq3A = arith.constant 0 : i32
    %eq3A_20 = arith.cmpi eq, %jit3A_19, %eq3A : i32
    %jit3A_21 = arith.constant 1 : i32
    %select_n3A_22 = arith.select %eq3A_20, %jit3A_21, %jit3A_19 : i32
    %rem3A_23 = arith.remsi %mul3A_2, %select_n3A_22 : i32
    %ne3A_24 = arith.constant 0 : i32
    %ne3A_25 = arith.cmpi ne, %rem3A_23, %ne3A_24 : i32
    %lt3A = arith.constant 0 : i32
    %lt3A_26 = arith.cmpi slt, %rem3A_23, %lt3A : i32
    %lt3A_27 = arith.constant 0 : i32
    %lt3A_28 = arith.cmpi slt, %select_n3A_22, %lt3A_27 : i32
    %ne3A_29 = arith.xori %lt3A_26, %lt3A_28 : i1
    %and3A_30 = arith.andi %ne3A_29, %ne3A_25 : i1
    %add3A_31 = arith.addi %rem3A_23, %select_n3A_22 : i32
    %select_n3A_32 = arith.select %and3A_30, %add3A_31, %rem3A_23 : i32
    %add3A_33 = arith.constant 0 : i32
    %add3A_34 = arith.addi %select_n3A_32, %add3A_33 : i32
    "tpu.region"() ({
      %run_scoped3A_79 = tpu.sem_alloc : memref<!tpu.dma_semaphore, #tpu.memory_space<semaphore_mem>>
      %dma_start3A = arith.constant 0 : i32
      %dma_start3A_80 = tpu.memref_slice %arg2[%select_n3A, %add3A_34, %dma_start3A] : memref<4x2048x256xi32, #tpu.memory_space<hbm>> -> memref<1x64x256xi32, #tpu.memory_space<hbm>>
      %dma_start3A_81 = tpu.memref_squeeze %dma_start3A_80 : memref<1x64x256xi32, #tpu.memory_space<hbm>> -> memref<64x256xi32, #tpu.memory_space<hbm>>
      %dma_start3A_82 = arith.constant 0 : i32
      %dma_start3A_83 = tpu.memref_slice %arg2[%select_n3A, %add3A_34, %dma_start3A_82] : memref<4x2048x256xi32, #tpu.memory_space<hbm>> -> memref<1x64x256xi32, #tpu.memory_space<hbm>>
      %dma_start3A_84 = tpu.memref_squeeze %dma_start3A_83 : memref<1x64x256xi32, #tpu.memory_space<hbm>> -> memref<64x256xi32, #tpu.memory_space<hbm>>
      tpu.enqueue_dma source(%dma_start3A_84 : memref<64x256xi32, #tpu.memory_space<hbm>>) target(%arg4 : memref<64x256xi32, #tpu.memory_space<vmem>>) target_semaphore(%run_scoped3A_79 : memref<!tpu.dma_semaphore, #tpu.memory_space<semaphore_mem>>)
      %dma_wait3A = arith.constant 0 : i32
      %dma_wait3A_85 = tpu.memref_slice %arg2[%select_n3A, %add3A_34, %dma_wait3A] : memref<4x2048x256xi32, #tpu.memory_space<hbm>> -> memref<1x64x256xi32, #tpu.memory_space<hbm>>
      %dma_wait3A_86 = tpu.memref_squeeze %dma_wait3A_85 : memref<1x64x256xi32, #tpu.memory_space<hbm>> -> memref<64x256xi32, #tpu.memory_space<hbm>>
      %dma_wait3A_87 = arith.constant 0 : i32
      %dma_wait3A_88 = tpu.memref_slice %arg2[%select_n3A, %add3A_34, %dma_wait3A_87] : memref<4x2048x256xi32, #tpu.memory_space<hbm>> -> memref<1x64x256xi32, #tpu.memory_space<hbm>>
      %dma_wait3A_89 = tpu.memref_squeeze %dma_wait3A_88 : memref<1x64x256xi32, #tpu.memory_space<hbm>> -> memref<64x256xi32, #tpu.memory_space<hbm>>
      tpu.wait_dma2 semaphore(%run_scoped3A_79 : memref<!tpu.dma_semaphore, #tpu.memory_space<semaphore_mem>>) src(%dma_wait3A_89 : memref<64x256xi32, #tpu.memory_space<hbm>>) dst(%arg4 : memref<64x256xi32, #tpu.memory_space<vmem>>)
      tpu.yield
    }) : () -> ()
    %scan3A = arith.constant 0 : i32
    %scan3A_35 = arith.constant 0 : i32
    %scan3A_36 = arith.constant 64 : i32
    %scan3A_37 = arith.addi %scan3A_35, %scan3A_36 : i32
    %scan3A_38 = arith.constant 1 : i32
    %scan3A_39 = scf.for %scan3A_79 = %scan3A_35 to %scan3A_37 step %scan3A_38 iter_args(%scan3A_80 = %scan3A) -> (i32)  : i32 {
      %scan3A_81 = arith.constant 0 : i32
      %scan3A_82 = arith.constant 0 : i32
      %scan3A_83 = arith.constant 16 : i32
      %scan3A_84 = arith.addi %scan3A_82, %scan3A_83 : i32
      %scan3A_85 = arith.constant 4 : i32
      %scan3A_86 = scf.for %scan3A_117 = %scan3A_82 to %scan3A_84 step %scan3A_85 iter_args(%scan3A_118 = %scan3A_81) -> (i32)  : i32 {
        %mul3A_119 = arith.constant 16 : i32
        %mul3A_120 = arith.muli %scan3A_117, %mul3A_119 : i32
        %get3A_121 = arith.index_cast %scan3A_79 : i32 to index
        %get3A_122 = arith.index_cast %mul3A_120 : i32 to index
        %get3A_123 = tpu.vector_load %arg4[%get3A_121, %get3A_122] {strides = array<i32>} : memref<64x256xi32, #tpu.memory_space<vmem>>, vector<16xi32>,
        %ne3A_124 = arith.constant 0 : i32
        %ne3A_125 = vector.broadcast %ne3A_124 : i32 to vector<16xi32>
        %ne3A_126 = arith.cmpi ne, %get3A_123, %ne3A_125 : vector<16xi32>
        %swap3A_127 = arith.index_cast %scan3A_118 : i32 to index
        %swap3A_128 = tpu.vector_load %arg5[%swap3A_127] masked %ne3A_126 {strides = array<i32>} : memref<272xi32, #tpu.memory_space<vmem>>, vector<16xi32>, vector<16xi1>
        tpu.vector_store %arg5[%swap3A_127], %get3A_123 masked %ne3A_126 {strides = array<i32>} : memref<272xi32, #tpu.memory_space<vmem>>, vector<16xi32>, vector<16xi1>
        %mul3A_129 = arith.constant 16 : i32
        %mul3A_130 = arith.muli %scan3A_117, %mul3A_129 : i32
        %add3A_131 = vector.broadcast %mul3A_130 : i32 to vector<16xi32>
        %add3A_132 = arith.addi %add3A_131, %iota3A : vector<16xi32>
        %swap3A_133 = arith.index_cast %scan3A_118 : i32 to index
        %swap3A_134 = tpu.vector_load %arg6[%swap3A_133] masked %ne3A_126 {strides = array<i32>} : memref<272xi32, #tpu.memory_space<vmem>>, vector<16xi32>, vector<16xi1>
        tpu.vector_store %arg6[%swap3A_133], %add3A_132 masked %ne3A_126 {strides = array<i32>} : memref<272xi32, #tpu.memory_space<vmem>>, vector<16xi32>, vector<16xi1>
        %all_reduce_population_count3A = tpu.all_reduce %ne3A_126 {dim = 0 : i64, kind = #tpu.reduction_kind<sum>} : vector<16xi1> -> vector<16xi32>
        %slice3A_135 = vector.extract_strided_slice %all_reduce_population_count3A {offsets = [0], sizes = [1], strides = [1]} : vector<16xi32> to vector<1xi32>
        %squeeze3A_136 = vector.extract %slice3A_135[0] : i32 from vector<1xi32>
        %add3A_137 = arith.addi %scan3A_118, %squeeze3A_136 : i32
        %scan3A_138 = arith.constant 1 : i32
        %scan3A_139 = arith.addi %scan3A_117, %scan3A_138 : i32
        %mul3A_140 = arith.constant 16 : i32
        %mul3A_141 = arith.muli %scan3A_139, %mul3A_140 : i32
        %get3A_142 = arith.index_cast %scan3A_79 : i32 to index
        %get3A_143 = arith.index_cast %mul3A_141 : i32 to index
        %get3A_144 = tpu.vector_load %arg4[%get3A_142, %get3A_143] {strides = array<i32>} : memref<64x256xi32, #tpu.memory_space<vmem>>, vector<16xi32>,
        %ne3A_145 = arith.constant 0 : i32
        %ne3A_146 = vector.broadcast %ne3A_145 : i32 to vector<16xi32>
        %ne3A_147 = arith.cmpi ne, %get3A_144, %ne3A_146 : vector<16xi32>
        %swap3A_148 = arith.index_cast %add3A_137 : i32 to index
        %swap3A_149 = tpu.vector_load %arg5[%swap3A_148] masked %ne3A_147 {strides = array<i32>} : memref<272xi32, #tpu.memory_space<vmem>>, vector<16xi32>, vector<16xi1>
        tpu.vector_store %arg5[%swap3A_148], %get3A_144 masked %ne3A_147 {strides = array<i32>} : memref<272xi32, #tpu.memory_space<vmem>>, vector<16xi32>, vector<16xi1>
        %mul3A_150 = arith.constant 16 : i32
        %mul3A_151 = arith.muli %scan3A_139, %mul3A_150 : i32
        %add3A_152 = vector.broadcast %mul3A_151 : i32 to vector<16xi32>
        %add3A_153 = arith.addi %add3A_152, %iota3A : vector<16xi32>
        %swap3A_154 = arith.index_cast %add3A_137 : i32 to index
        %swap3A_155 = tpu.vector_load %arg6[%swap3A_154] masked %ne3A_147 {strides = array<i32>} : memref<272xi32, #tpu.memory_space<vmem>>, vector<16xi32>, vector<16xi1>
        tpu.vector_store %arg6[%swap3A_154], %add3A_153 masked %ne3A_147 {strides = array<i32>} : memref<272xi32, #tpu.memory_space<vmem>>, vector<16xi32>, vector<16xi1>
        %all_reduce_population_count3A_156 = tpu.all_reduce %ne3A_147 {dim = 0 : i64, kind = #tpu.reduction_kind<sum>} : vector<16xi1> -> vector<16xi32>
        %slice3A_157 = vector.extract_strided_slice %all_reduce_population_count3A_156 {offsets = [0], sizes = [1], strides = [1]} : vector<16xi32> to vector<1xi32>
        %squeeze3A_158 = vector.extract %slice3A_157[0] : i32 from vector<1xi32>
        %add3A_159 = arith.addi %add3A_137, %squeeze3A_158 : i32
        %scan3A_160 = arith.constant 2 : i32
        %scan3A_161 = arith.addi %scan3A_117, %scan3A_160 : i32
        %mul3A_162 = arith.constant 16 : i32
        %mul3A_163 = arith.muli %scan3A_161, %mul3A_162 : i32
        %get3A_164 = arith.index_cast %scan3A_79 : i32 to index
        %get3A_165 = arith.index_cast %mul3A_163 : i32 to index
        %get3A_166 = tpu.vector_load %arg4[%get3A_164, %get3A_165] {strides = array<i32>} : memref<64x256xi32, #tpu.memory_space<vmem>>, vector<16xi32>,
        %ne3A_167 = arith.constant 0 : i32
        %ne3A_168 = vector.broadcast %ne3A_167 : i32 to vector<16xi32>
        %ne3A_169 = arith.cmpi ne, %get3A_166, %ne3A_168 : vector<16xi32>
        %swap3A_170 = arith.index_cast %add3A_159 : i32 to index
        %swap3A_171 = tpu.vector_load %arg5[%swap3A_170] masked %ne3A_169 {strides = array<i32>} : memref<272xi32, #tpu.memory_space<vmem>>, vector<16xi32>, vector<16xi1>
        tpu.vector_store %arg5[%swap3A_170], %get3A_166 masked %ne3A_169 {strides = array<i32>} : memref<272xi32, #tpu.memory_space<vmem>>, vector<16xi32>, vector<16xi1>
        %mul3A_172 = arith.constant 16 : i32
        %mul3A_173 = arith.muli %scan3A_161, %mul3A_172 : i32
        %add3A_174 = vector.broadcast %mul3A_173 : i32 to vector<16xi32>
        %add3A_175 = arith.addi %add3A_174, %iota3A : vector<16xi32>
        %swap3A_176 = arith.index_cast %add3A_159 : i32 to index
        %swap3A_177 = tpu.vector_load %arg6[%swap3A_176] masked %ne3A_169 {strides = array<i32>} : memref<272xi32, #tpu.memory_space<vmem>>, vector<16xi32>, vector<16xi1>
        tpu.vector_store %arg6[%swap3A_176], %add3A_175 masked %ne3A_169 {strides = array<i32>} : memref<272xi32, #tpu.memory_space<vmem>>, vector<16xi32>, vector<16xi1>
        %all_reduce_population_count3A_178 = tpu.all_reduce %ne3A_169 {dim = 0 : i64, kind = #tpu.reduction_kind<sum>} : vector<16xi1> -> vector<16xi32>
        %slice3A_179 = vector.extract_strided_slice %all_reduce_population_count3A_178 {offsets = [0], sizes = [1], strides = [1]} : vector<16xi32> to vector<1xi32>
        %squeeze3A_180 = vector.extract %slice3A_179[0] : i32 from vector<1xi32>
        %add3A_181 = arith.addi %add3A_159, %squeeze3A_180 : i32
        %scan3A_182 = arith.constant 3 : i32
        %scan3A_183 = arith.addi %scan3A_117, %scan3A_182 : i32
        %mul3A_184 = arith.constant 16 : i32
        %mul3A_185 = arith.muli %scan3A_183, %mul3A_184 : i32
        %get3A_186 = arith.index_cast %scan3A_79 : i32 to index
        %get3A_187 = arith.index_cast %mul3A_185 : i32 to index
        %get3A_188 = tpu.vector_load %arg4[%get3A_186, %get3A_187] {strides = array<i32>} : memref<64x256xi32, #tpu.memory_space<vmem>>, vector<16xi32>,
        %ne3A_189 = arith.constant 0 : i32
        %ne3A_190 = vector.broadcast %ne3A_189 : i32 to vector<16xi32>
        %ne3A_191 = arith.cmpi ne, %get3A_188, %ne3A_190 : vector<16xi32>
        %swap3A_192 = arith.index_cast %add3A_181 : i32 to index
        %swap3A_193 = tpu.vector_load %arg5[%swap3A_192] masked %ne3A_191 {strides = array<i32>} : memref<272xi32, #tpu.memory_space<vmem>>, vector<16xi32>, vector<16xi1>
        tpu.vector_store %arg5[%swap3A_192], %get3A_188 masked %ne3A_191 {strides = array<i32>} : memref<272xi32, #tpu.memory_space<vmem>>, vector<16xi32>, vector<16xi1>
        %mul3A_194 = arith.constant 16 : i32
        %mul3A_195 = arith.muli %scan3A_183, %mul3A_194 : i32
        %add3A_196 = vector.broadcast %mul3A_195 : i32 to vector<16xi32>
        %add3A_197 = arith.addi %add3A_196, %iota3A : vector<16xi32>
        %swap3A_198 = arith.index_cast %add3A_181 : i32 to index
        %swap3A_199 = tpu.vector_load %arg6[%swap3A_198] masked %ne3A_191 {strides = array<i32>} : memref<272xi32, #tpu.memory_space<vmem>>, vector<16xi32>, vector<16xi1>
        tpu.vector_store %arg6[%swap3A_198], %add3A_197 masked %ne3A_191 {strides = array<i32>} : memref<272xi32, #tpu.memory_space<vmem>>, vector<16xi32>, vector<16xi1>
        %all_reduce_population_count3A_200 = tpu.all_reduce %ne3A_191 {dim = 0 : i64, kind = #tpu.reduction_kind<sum>} : vector<16xi1> -> vector<16xi32>
        %slice3A_201 = vector.extract_strided_slice %all_reduce_population_count3A_200 {offsets = [0], sizes = [1], strides = [1]} : vector<16xi32> to vector<1xi32>
        %squeeze3A_202 = vector.extract %slice3A_201[0] : i32 from vector<1xi32>
        %add3A_203 = arith.addi %add3A_181, %squeeze3A_202 : i32
        scf.yield %add3A_203 : i32
      }
      %scan3A_87 = arith.constant 16 : i32
      %broadcast_in_dim3A = arith.constant 0 : i32
      %broadcast_in_dim3A_88 = vector.broadcast %broadcast_in_dim3A : i32 to vector<16xi32>
      %swap3A = arith.constant 0 : index
      %swap3A_89 = tpu.vector_load %arg7[%swap3A] {strides = array<i32>} : memref<96xi32, #tpu.memory_space<vmem>>, vector<16xi32>,
      tpu.vector_store %arg7[%swap3A], %broadcast_in_dim3A_88 {strides = array<i32>} : memref<96xi32, #tpu.memory_space<vmem>>, vector<16xi32>,
      %while3A = arith.constant 0 : i32
      %while3A_90 = arith.constant 0 : i32
      %while3A_91:2 = scf.while (%while3A_117 = %while3A, %while3A_118 = %while3A_90) : (i32, i32) -> (i32, i32) {
        %lt3A_119 = arith.cmpi slt, %while3A_117, %scan3A_86 : i32
        %lt3A_120 = arith.constant 32 : i32
        %lt3A_121 = arith.cmpi slt, %while3A_118, %lt3A_120 : i32
        %and3A_122 = arith.andi %lt3A_119, %lt3A_121 : i1
        scf.condition(%and3A_122) %while3A_117, %while3A_118 : i32, i32
      } do {
      ^bb0(%while3A_117: i32, %while3A_118: i32):
        %get3A_119 = arith.index_cast %while3A_117 : i32 to index
        %get3A_120 = tpu.vector_load %arg5[%get3A_119] {strides = array<i32>} : memref<272xi32, #tpu.memory_space<vmem>>, vector<16xi32>,
        %slice3A_121 = vector.extract_strided_slice %get3A_120 {offsets = [0], sizes = [1], strides = [1]} : vector<16xi32> to vector<1xi32>
        %squeeze3A_122 = vector.extract %slice3A_121[0] : i32 from vector<1xi32>
        %broadcast_in_dim3A_123 = vector.broadcast %squeeze3A_122 : i32 to vector<16xi32>
        %get3A_124 = arith.index_cast %while3A_117 : i32 to index
        %get3A_125 = tpu.vector_load %arg6[%get3A_124] {strides = array<i32>} : memref<272xi32, #tpu.memory_space<vmem>>, vector<16xi32>,
        %slice3A_126 = vector.extract_strided_slice %get3A_125 {offsets = [0], sizes = [1], strides = [1]} : vector<16xi32> to vector<1xi32>
        %squeeze3A_127 = vector.extract %slice3A_126[0] : i32 from vector<1xi32>
        %shift_right_arithmetic3A = arith.shrsi %broadcast_in_dim3A_123, %iota3A : vector<16xi32>
        %and3A_128 = arith.constant 1 : i32
        %and3A_129 = vector.broadcast %and3A_128 : i32 to vector<16xi32>
        %and3A_130 = arith.andi %shift_right_arithmetic3A, %and3A_129 : vector<16xi32>
        %ne3A_131 = arith.constant 0 : i32
        %ne3A_132 = vector.broadcast %ne3A_131 : i32 to vector<16xi32>
        %ne3A_133 = arith.cmpi ne, %and3A_130, %ne3A_132 : vector<16xi32>
        %add3A_134 = arith.constant 16 : i32
        %add3A_135 = vector.broadcast %add3A_134 : i32 to vector<16xi32>
        %add3A_136 = arith.addi %iota3A, %add3A_135 : vector<16xi32>
        %shift_right_arithmetic3A_137 = arith.shrsi %broadcast_in_dim3A_123, %add3A_136 : vector<16xi32>
        %and3A_138 = arith.constant 1 : i32
        %and3A_139 = vector.broadcast %and3A_138 : i32 to vector<16xi32>
        %and3A_140 = arith.andi %shift_right_arithmetic3A_137, %and3A_139 : vector<16xi32>
        %ne3A_141 = arith.constant 0 : i32
        %ne3A_142 = vector.broadcast %ne3A_141 : i32 to vector<16xi32>
        %ne3A_143 = arith.cmpi ne, %and3A_140, %ne3A_142 : vector<16xi32>
        %mul3A_144 = arith.constant 32 : i32
        %mul3A_145 = arith.muli %squeeze3A_127, %mul3A_144 : i32
        %add3A_146 = vector.broadcast %mul3A_145 : i32 to vector<16xi32>
        %add3A_147 = arith.addi %add3A_146, %iota3A : vector<16xi32>
        %swap3A_148 = arith.index_cast %while3A_118 : i32 to index
        %swap3A_149 = tpu.vector_load %arg7[%swap3A_148] masked %ne3A_133 {strides = array<i32>} : memref<96xi32, #tpu.memory_space<vmem>>, vector<16xi32>, vector<16xi1>
        tpu.vector_store %arg7[%swap3A_148], %add3A_147 masked %ne3A_133 {strides = array<i32>} : memref<96xi32, #tpu.memory_space<vmem>>, vector<16xi32>, vector<16xi1>
        %all_reduce_population_count3A = tpu.all_reduce %ne3A_133 {dim = 0 : i64, kind = #tpu.reduction_kind<sum>} : vector<16xi1> -> vector<16xi32>
        %slice3A_150 = vector.extract_strided_slice %all_reduce_population_count3A {offsets = [0], sizes = [1], strides = [1]} : vector<16xi32> to vector<1xi32>
        %squeeze3A_151 = vector.extract %slice3A_150[0] : i32 from vector<1xi32>
        %add3A_152 = arith.addi %while3A_118, %squeeze3A_151 : i32
        %add3A_153 = arith.constant 16 : i32
        %add3A_154 = vector.broadcast %add3A_153 : i32 to vector<16xi32>
        %add3A_155 = arith.addi %add3A_147, %add3A_154 : vector<16xi32>
        %swap3A_156 = arith.index_cast %add3A_152 : i32 to index
        %swap3A_157 = tpu.vector_load %arg7[%swap3A_156] masked %ne3A_143 {strides = array<i32>} : memref<96xi32, #tpu.memory_space<vmem>>, vector<16xi32>, vector<16xi1>
        tpu.vector_store %arg7[%swap3A_156], %add3A_155 masked %ne3A_143 {strides = array<i32>} : memref<96xi32, #tpu.memory_space<vmem>>, vector<16xi32>, vector<16xi1>
        %all_reduce_population_count3A_158 = tpu.all_reduce %ne3A_143 {dim = 0 : i64, kind = #tpu.reduction_kind<sum>} : vector<16xi1> -> vector<16xi32>
        %slice3A_159 = vector.extract_strided_slice %all_reduce_population_count3A_158 {offsets = [0], sizes = [1], strides = [1]} : vector<16xi32> to vector<1xi32>
        %squeeze3A_160 = vector.extract %slice3A_159[0] : i32 from vector<1xi32>
        %add3A_161 = arith.addi %add3A_152, %squeeze3A_160 : i32
        %add3A_162 = arith.constant 1 : i32
        %add3A_163 = arith.addi %while3A_117, %add3A_162 : i32
        scf.yield %add3A_163, %add3A_161 : i32, i32
      }
      %min3A = arith.constant 32 : i32
      %min3A_92 = arith.minsi %while3A_91#1, %min3A : i32
      %get3A = arith.constant 0 : index
      %get3A_93 = tpu.vector_load %arg7[%get3A] {strides = array<i32>} : memref<96xi32, #tpu.memory_space<vmem>>, vector<16xi32>,
      %get3A_94 = arith.constant 16 : index
      %get3A_95 = tpu.vector_load %arg7[%get3A_94] {strides = array<i32>} : memref<96xi32, #tpu.memory_space<vmem>>, vector<16xi32>,
      %slice3A = vector.extract_strided_slice %get3A_93 {offsets = [0], sizes = [1], strides = [1]} : vector<16xi32> to vector<1xi32>
      %squeeze3A = vector.extract %slice3A[0] : i32 from vector<1xi32>
      %broadcast_in_dim3A_96 = vector.broadcast %squeeze3A : i32 to vector<16xi32>
      %lt3A_97 = vector.broadcast %min3A_92 : i32 to vector<16xi32>
      %lt3A_98 = arith.cmpi slt, %iota3A, %lt3A_97 : vector<16xi32>
      %select_n3A_99 = arith.select %lt3A_98, %get3A_93, %broadcast_in_dim3A_96 : vector<16xi1>, vector<16xi32>
      %mul3A_100 = arith.constant 32 : i32
      %mul3A_101 = arith.muli %scan3A_79, %mul3A_100 : i32
      %swap3A_102 = arith.index_cast %mul3A_101 : i32 to index
      %swap3A_103 = tpu.vector_load %arg8[%swap3A_102] {strides = array<i32>} : memref<2048xi32, #tpu.memory_space<vmem>>, vector<16xi32>,
      tpu.vector_store %arg8[%swap3A_102], %select_n3A_99 {strides = array<i32>} : memref<2048xi32, #tpu.memory_space<vmem>>, vector<16xi32>,
      %add3A_104 = arith.constant 16 : i32
      %add3A_105 = vector.broadcast %add3A_104 : i32 to vector<16xi32>
      %add3A_106 = arith.addi %iota3A, %add3A_105 : vector<16xi32>
      %lt3A_107 = vector.broadcast %min3A_92 : i32 to vector<16xi32>
      %lt3A_108 = arith.cmpi slt, %add3A_106, %lt3A_107 : vector<16xi32>
      %select_n3A_109 = arith.select %lt3A_108, %get3A_95, %broadcast_in_dim3A_96 : vector<16xi1>, vector<16xi32>
      %mul3A_110 = arith.constant 32 : i32
      %mul3A_111 = arith.muli %scan3A_79, %mul3A_110 : i32
      %add3A_112 = arith.constant 16 : i32
      %add3A_113 = arith.addi %mul3A_111, %add3A_112 : i32
      %swap3A_114 = arith.index_cast %add3A_113 : i32 to index
      %swap3A_115 = tpu.vector_load %arg8[%swap3A_114] {strides = array<i32>} : memref<2048xi32, #tpu.memory_space<vmem>>, vector<16xi32>,
      tpu.vector_store %arg8[%swap3A_114], %select_n3A_109 {strides = array<i32>} : memref<2048xi32, #tpu.memory_space<vmem>>, vector<16xi32>,
      %scan3A_116 = arith.constant 0 : i32
      scf.yield %scan3A_116 : i32
    }
    %scan3A_40 = arith.constant 64 : i32
    %mul3A_41 = arith.constant 32 : i32
    %mul3A_42 = arith.muli %add3A_34, %mul3A_41 : i32
    %run_scoped3A = arith.constant 0 : i32
    "tpu.region"() ({
      %run_scoped3A_79 = tpu.sem_alloc : memref<!tpu.dma_semaphore, #tpu.memory_space<semaphore_mem>>
      %dma_start3A = tpu.memref_slice %arg3[%select_n3A, %run_scoped3A, %mul3A_42] : memref<4x1x65536xi32, #tpu.memory_space<hbm>> -> memref<1x1x2048xi32, #tpu.memory_space<hbm>>
      %dma_start3A_80 = tpu.memref_squeeze %dma_start3A : memref<1x1x2048xi32, #tpu.memory_space<hbm>> -> memref<2048xi32, #tpu.memory_space<hbm>>
      %dma_start3A_81 = tpu.memref_slice %arg3[%select_n3A, %run_scoped3A, %mul3A_42] : memref<4x1x65536xi32, #tpu.memory_space<hbm>> -> memref<1x1x2048xi32, #tpu.memory_space<hbm>>
      %dma_start3A_82 = tpu.memref_squeeze %dma_start3A_81 : memref<1x1x2048xi32, #tpu.memory_space<hbm>> -> memref<2048xi32, #tpu.memory_space<hbm>>
      tpu.enqueue_dma source(%arg8 : memref<2048xi32, #tpu.memory_space<vmem>>) target(%dma_start3A_82 : memref<2048xi32, #tpu.memory_space<hbm>>) target_semaphore(%run_scoped3A_79 : memref<!tpu.dma_semaphore, #tpu.memory_space<semaphore_mem>>)
      %dma_wait3A = tpu.memref_slice %arg3[%select_n3A, %run_scoped3A, %mul3A_42] : memref<4x1x65536xi32, #tpu.memory_space<hbm>> -> memref<1x1x2048xi32, #tpu.memory_space<hbm>>
      %dma_wait3A_83 = tpu.memref_squeeze %dma_wait3A : memref<1x1x2048xi32, #tpu.memory_space<hbm>> -> memref<2048xi32, #tpu.memory_space<hbm>>
      %dma_wait3A_84 = tpu.memref_slice %arg3[%select_n3A, %run_scoped3A, %mul3A_42] : memref<4x1x65536xi32, #tpu.memory_space<hbm>> -> memref<1x1x2048xi32, #tpu.memory_space<hbm>>
      %dma_wait3A_85 = tpu.memref_squeeze %dma_wait3A_84 : memref<1x1x2048xi32, #tpu.memory_space<hbm>> -> memref<2048xi32, #tpu.memory_space<hbm>>
      tpu.wait_dma2 semaphore(%run_scoped3A_79 : memref<!tpu.dma_semaphore, #tpu.memory_space<semaphore_mem>>) src(%arg8 : memref<2048xi32, #tpu.memory_space<vmem>>) dst(%dma_wait3A_85 : memref<2048xi32, #tpu.memory_space<hbm>>)
      tpu.yield
    }) : () -> ()
    %add3A_43 = arith.constant 64 : i32
    %add3A_44 = arith.addi %select_n3A_32, %add3A_43 : i32
    "tpu.region"() ({
      %run_scoped3A_79 = tpu.sem_alloc : memref<!tpu.dma_semaphore, #tpu.memory_space<semaphore_mem>>
      %dma_start3A = arith.constant 0 : i32
      %dma_start3A_80 = tpu.memref_slice %arg2[%select_n3A, %add3A_44, %dma_start3A] : memref<4x2048x256xi32, #tpu.memory_space<hbm>> -> memref<1x64x256xi32, #tpu.memory_space<hbm>>
      %dma_start3A_81 = tpu.memref_squeeze %dma_start3A_80 : memref<1x64x256xi32, #tpu.memory_space<hbm>> -> memref<64x256xi32, #tpu.memory_space<hbm>>
      %dma_start3A_82 = arith.constant 0 : i32
      %dma_start3A_83 = tpu.memref_slice %arg2[%select_n3A, %add3A_44, %dma_start3A_82] : memref<4x2048x256xi32, #tpu.memory_space<hbm>> -> memref<1x64x256xi32, #tpu.memory_space<hbm>>
      %dma_start3A_84 = tpu.memref_squeeze %dma_start3A_83 : memref<1x64x256xi32, #tpu.memory_space<hbm>> -> memref<64x256xi32, #tpu.memory_space<hbm>>
      tpu.enqueue_dma source(%dma_start3A_84 : memref<64x256xi32, #tpu.memory_space<hbm>>) target(%arg4 : memref<64x256xi32, #tpu.memory_space<vmem>>) target_semaphore(%run_scoped3A_79 : memref<!tpu.dma_semaphore, #tpu.memory_space<semaphore_mem>>)
      %dma_wait3A = arith.constant 0 : i32
      %dma_wait3A_85 = tpu.memref_slice %arg2[%select_n3A, %add3A_44, %dma_wait3A] : memref<4x2048x256xi32, #tpu.memory_space<hbm>> -> memref<1x64x256xi32, #tpu.memory_space<hbm>>
      %dma_wait3A_86 = tpu.memref_squeeze %dma_wait3A_85 : memref<1x64x256xi32, #tpu.memory_space<hbm>> -> memref<64x256xi32, #tpu.memory_space<hbm>>
      %dma_wait3A_87 = arith.constant 0 : i32
      %dma_wait3A_88 = tpu.memref_slice %arg2[%select_n3A, %add3A_44, %dma_wait3A_87] : memref<4x2048x256xi32, #tpu.memory_space<hbm>> -> memref<1x64x256xi32, #tpu.memory_space<hbm>>
      %dma_wait3A_89 = tpu.memref_squeeze %dma_wait3A_88 : memref<1x64x256xi32, #tpu.memory_space<hbm>> -> memref<64x256xi32, #tpu.memory_space<hbm>>
      tpu.wait_dma2 semaphore(%run_scoped3A_79 : memref<!tpu.dma_semaphore, #tpu.memory_space<semaphore_mem>>) src(%dma_wait3A_89 : memref<64x256xi32, #tpu.memory_space<hbm>>) dst(%arg4 : memref<64x256xi32, #tpu.memory_space<vmem>>)
      tpu.yield
    }) : () -> ()
    %scan3A_45 = arith.constant 0 : i32
    %scan3A_46 = arith.constant 0 : i32
    %scan3A_47 = arith.constant 64 : i32
    %scan3A_48 = arith.addi %scan3A_46, %scan3A_47 : i32
    %scan3A_49 = arith.constant 1 : i32
    %scan3A_50 = scf.for %scan3A_79 = %scan3A_46 to %scan3A_48 step %scan3A_49 iter_args(%scan3A_80 = %scan3A_45) -> (i32)  : i32 {
      %scan3A_81 = arith.constant 0 : i32
      %scan3A_82 = arith.constant 0 : i32
      %scan3A_83 = arith.constant 16 : i32
      %scan3A_84 = arith.addi %scan3A_82, %scan3A_83 : i32
      %scan3A_85 = arith.constant 4 : i32
      %scan3A_86 = scf.for %scan3A_117 = %scan3A_82 to %scan3A_84 step %scan3A_85 iter_args(%scan3A_118 = %scan3A_81) -> (i32)  : i32 {
        %mul3A_119 = arith.constant 16 : i32
        %mul3A_120 = arith.muli %scan3A_117, %mul3A_119 : i32
        %get3A_121 = arith.index_cast %scan3A_79 : i32 to index
        %get3A_122 = arith.index_cast %mul3A_120 : i32 to index
        %get3A_123 = tpu.vector_load %arg4[%get3A_121, %get3A_122] {strides = array<i32>} : memref<64x256xi32, #tpu.memory_space<vmem>>, vector<16xi32>,
        %ne3A_124 = arith.constant 0 : i32
        %ne3A_125 = vector.broadcast %ne3A_124 : i32 to vector<16xi32>
        %ne3A_126 = arith.cmpi ne, %get3A_123, %ne3A_125 : vector<16xi32>
        %swap3A_127 = arith.index_cast %scan3A_118 : i32 to index
        %swap3A_128 = tpu.vector_load %arg5[%swap3A_127] masked %ne3A_126 {strides = array<i32>} : memref<272xi32, #tpu.memory_space<vmem>>, vector<16xi32>, vector<16xi1>
        tpu.vector_store %arg5[%swap3A_127], %get3A_123 masked %ne3A_126 {strides = array<i32>} : memref<272xi32, #tpu.memory_space<vmem>>, vector<16xi32>, vector<16xi1>
        %mul3A_129 = arith.constant 16 : i32
        %mul3A_130 = arith.muli %scan3A_117, %mul3A_129 : i32
        %add3A_131 = vector.broadcast %mul3A_130 : i32 to vector<16xi32>
        %add3A_132 = arith.addi %add3A_131, %iota3A : vector<16xi32>
        %swap3A_133 = arith.index_cast %scan3A_118 : i32 to index
        %swap3A_134 = tpu.vector_load %arg6[%swap3A_133] masked %ne3A_126 {strides = array<i32>} : memref<272xi32, #tpu.memory_space<vmem>>, vector<16xi32>, vector<16xi1>
        tpu.vector_store %arg6[%swap3A_133], %add3A_132 masked %ne3A_126 {strides = array<i32>} : memref<272xi32, #tpu.memory_space<vmem>>, vector<16xi32>, vector<16xi1>
        %all_reduce_population_count3A = tpu.all_reduce %ne3A_126 {dim = 0 : i64, kind = #tpu.reduction_kind<sum>} : vector<16xi1> -> vector<16xi32>
        %slice3A_135 = vector.extract_strided_slice %all_reduce_population_count3A {offsets = [0], sizes = [1], strides = [1]} : vector<16xi32> to vector<1xi32>
        %squeeze3A_136 = vector.extract %slice3A_135[0] : i32 from vector<1xi32>
        %add3A_137 = arith.addi %scan3A_118, %squeeze3A_136 : i32
        %scan3A_138 = arith.constant 1 : i32
        %scan3A_139 = arith.addi %scan3A_117, %scan3A_138 : i32
        %mul3A_140 = arith.constant 16 : i32
        %mul3A_141 = arith.muli %scan3A_139, %mul3A_140 : i32
        %get3A_142 = arith.index_cast %scan3A_79 : i32 to index
        %get3A_143 = arith.index_cast %mul3A_141 : i32 to index
        %get3A_144 = tpu.vector_load %arg4[%get3A_142, %get3A_143] {strides = array<i32>} : memref<64x256xi32, #tpu.memory_space<vmem>>, vector<16xi32>,
        %ne3A_145 = arith.constant 0 : i32
        %ne3A_146 = vector.broadcast %ne3A_145 : i32 to vector<16xi32>
        %ne3A_147 = arith.cmpi ne, %get3A_144, %ne3A_146 : vector<16xi32>
        %swap3A_148 = arith.index_cast %add3A_137 : i32 to index
        %swap3A_149 = tpu.vector_load %arg5[%swap3A_148] masked %ne3A_147 {strides = array<i32>} : memref<272xi32, #tpu.memory_space<vmem>>, vector<16xi32>, vector<16xi1>
        tpu.vector_store %arg5[%swap3A_148], %get3A_144 masked %ne3A_147 {strides = array<i32>} : memref<272xi32, #tpu.memory_space<vmem>>, vector<16xi32>, vector<16xi1>
        %mul3A_150 = arith.constant 16 : i32
        %mul3A_151 = arith.muli %scan3A_139, %mul3A_150 : i32
        %add3A_152 = vector.broadcast %mul3A_151 : i32 to vector<16xi32>
        %add3A_153 = arith.addi %add3A_152, %iota3A : vector<16xi32>
        %swap3A_154 = arith.index_cast %add3A_137 : i32 to index
        %swap3A_155 = tpu.vector_load %arg6[%swap3A_154] masked %ne3A_147 {strides = array<i32>} : memref<272xi32, #tpu.memory_space<vmem>>, vector<16xi32>, vector<16xi1>
        tpu.vector_store %arg6[%swap3A_154], %add3A_153 masked %ne3A_147 {strides = array<i32>} : memref<272xi32, #tpu.memory_space<vmem>>, vector<16xi32>, vector<16xi1>
        %all_reduce_population_count3A_156 = tpu.all_reduce %ne3A_147 {dim = 0 : i64, kind = #tpu.reduction_kind<sum>} : vector<16xi1> -> vector<16xi32>
        %slice3A_157 = vector.extract_strided_slice %all_reduce_population_count3A_156 {offsets = [0], sizes = [1], strides = [1]} : vector<16xi32> to vector<1xi32>
        %squeeze3A_158 = vector.extract %slice3A_157[0] : i32 from vector<1xi32>
        %add3A_159 = arith.addi %add3A_137, %squeeze3A_158 : i32
        %scan3A_160 = arith.constant 2 : i32
        %scan3A_161 = arith.addi %scan3A_117, %scan3A_160 : i32
        %mul3A_162 = arith.constant 16 : i32
        %mul3A_163 = arith.muli %scan3A_161, %mul3A_162 : i32
        %get3A_164 = arith.index_cast %scan3A_79 : i32 to index
        %get3A_165 = arith.index_cast %mul3A_163 : i32 to index
        %get3A_166 = tpu.vector_load %arg4[%get3A_164, %get3A_165] {strides = array<i32>} : memref<64x256xi32, #tpu.memory_space<vmem>>, vector<16xi32>,
        %ne3A_167 = arith.constant 0 : i32
        %ne3A_168 = vector.broadcast %ne3A_167 : i32 to vector<16xi32>
        %ne3A_169 = arith.cmpi ne, %get3A_166, %ne3A_168 : vector<16xi32>
        %swap3A_170 = arith.index_cast %add3A_159 : i32 to index
        %swap3A_171 = tpu.vector_load %arg5[%swap3A_170] masked %ne3A_169 {strides = array<i32>} : memref<272xi32, #tpu.memory_space<vmem>>, vector<16xi32>, vector<16xi1>
        tpu.vector_store %arg5[%swap3A_170], %get3A_166 masked %ne3A_169 {strides = array<i32>} : memref<272xi32, #tpu.memory_space<vmem>>, vector<16xi32>, vector<16xi1>
        %mul3A_172 = arith.constant 16 : i32
        %mul3A_173 = arith.muli %scan3A_161, %mul3A_172 : i32
        %add3A_174 = vector.broadcast %mul3A_173 : i32 to vector<16xi32>
        %add3A_175 = arith.addi %add3A_174, %iota3A : vector<16xi32>
        %swap3A_176 = arith.index_cast %add3A_159 : i32 to index
        %swap3A_177 = tpu.vector_load %arg6[%swap3A_176] masked %ne3A_169 {strides = array<i32>} : memref<272xi32, #tpu.memory_space<vmem>>, vector<16xi32>, vector<16xi1>
        tpu.vector_store %arg6[%swap3A_176], %add3A_175 masked %ne3A_169 {strides = array<i32>} : memref<272xi32, #tpu.memory_space<vmem>>, vector<16xi32>, vector<16xi1>
        %all_reduce_population_count3A_178 = tpu.all_reduce %ne3A_169 {dim = 0 : i64, kind = #tpu.reduction_kind<sum>} : vector<16xi1> -> vector<16xi32>
        %slice3A_179 = vector.extract_strided_slice %all_reduce_population_count3A_178 {offsets = [0], sizes = [1], strides = [1]} : vector<16xi32> to vector<1xi32>
        %squeeze3A_180 = vector.extract %slice3A_179[0] : i32 from vector<1xi32>
        %add3A_181 = arith.addi %add3A_159, %squeeze3A_180 : i32
        %scan3A_182 = arith.constant 3 : i32
        %scan3A_183 = arith.addi %scan3A_117, %scan3A_182 : i32
        %mul3A_184 = arith.constant 16 : i32
        %mul3A_185 = arith.muli %scan3A_183, %mul3A_184 : i32
        %get3A_186 = arith.index_cast %scan3A_79 : i32 to index
        %get3A_187 = arith.index_cast %mul3A_185 : i32 to index
        %get3A_188 = tpu.vector_load %arg4[%get3A_186, %get3A_187] {strides = array<i32>} : memref<64x256xi32, #tpu.memory_space<vmem>>, vector<16xi32>,
        %ne3A_189 = arith.constant 0 : i32
        %ne3A_190 = vector.broadcast %ne3A_189 : i32 to vector<16xi32>
        %ne3A_191 = arith.cmpi ne, %get3A_188, %ne3A_190 : vector<16xi32>
        %swap3A_192 = arith.index_cast %add3A_181 : i32 to index
        %swap3A_193 = tpu.vector_load %arg5[%swap3A_192] masked %ne3A_191 {strides = array<i32>} : memref<272xi32, #tpu.memory_space<vmem>>, vector<16xi32>, vector<16xi1>
        tpu.vector_store %arg5[%swap3A_192], %get3A_188 masked %ne3A_191 {strides = array<i32>} : memref<272xi32, #tpu.memory_space<vmem>>, vector<16xi32>, vector<16xi1>
        %mul3A_194 = arith.constant 16 : i32
        %mul3A_195 = arith.muli %scan3A_183, %mul3A_194 : i32
        %add3A_196 = vector.broadcast %mul3A_195 : i32 to vector<16xi32>
        %add3A_197 = arith.addi %add3A_196, %iota3A : vector<16xi32>
        %swap3A_198 = arith.index_cast %add3A_181 : i32 to index
        %swap3A_199 = tpu.vector_load %arg6[%swap3A_198] masked %ne3A_191 {strides = array<i32>} : memref<272xi32, #tpu.memory_space<vmem>>, vector<16xi32>, vector<16xi1>
        tpu.vector_store %arg6[%swap3A_198], %add3A_197 masked %ne3A_191 {strides = array<i32>} : memref<272xi32, #tpu.memory_space<vmem>>, vector<16xi32>, vector<16xi1>
        %all_reduce_population_count3A_200 = tpu.all_reduce %ne3A_191 {dim = 0 : i64, kind = #tpu.reduction_kind<sum>} : vector<16xi1> -> vector<16xi32>
        %slice3A_201 = vector.extract_strided_slice %all_reduce_population_count3A_200 {offsets = [0], sizes = [1], strides = [1]} : vector<16xi32> to vector<1xi32>
        %squeeze3A_202 = vector.extract %slice3A_201[0] : i32 from vector<1xi32>
        %add3A_203 = arith.addi %add3A_181, %squeeze3A_202 : i32
        scf.yield %add3A_203 : i32
      }
      %scan3A_87 = arith.constant 16 : i32
      %broadcast_in_dim3A = arith.constant 0 : i32
      %broadcast_in_dim3A_88 = vector.broadcast %broadcast_in_dim3A : i32 to vector<16xi32>
      %swap3A = arith.constant 0 : index
      %swap3A_89 = tpu.vector_load %arg7[%swap3A] {strides = array<i32>} : memref<96xi32, #tpu.memory_space<vmem>>, vector<16xi32>,
      tpu.vector_store %arg7[%swap3A], %broadcast_in_dim3A_88 {strides = array<i32>} : memref<96xi32, #tpu.memory_space<vmem>>, vector<16xi32>,
      %while3A = arith.constant 0 : i32
      %while3A_90 = arith.constant 0 : i32
      %while3A_91:2 = scf.while (%while3A_117 = %while3A, %while3A_118 = %while3A_90) : (i32, i32) -> (i32, i32) {
        %lt3A_119 = arith.cmpi slt, %while3A_117, %scan3A_86 : i32
        %lt3A_120 = arith.constant 32 : i32
        %lt3A_121 = arith.cmpi slt, %while3A_118, %lt3A_120 : i32
        %and3A_122 = arith.andi %lt3A_119, %lt3A_121 : i1
        scf.condition(%and3A_122) %while3A_117, %while3A_118 : i32, i32
      } do {
      ^bb0(%while3A_117: i32, %while3A_118: i32):
        %get3A_119 = arith.index_cast %while3A_117 : i32 to index
        %get3A_120 = tpu.vector_load %arg5[%get3A_119] {strides = array<i32>} : memref<272xi32, #tpu.memory_space<vmem>>, vector<16xi32>,
        %slice3A_121 = vector.extract_strided_slice %get3A_120 {offsets = [0], sizes = [1], strides = [1]} : vector<16xi32> to vector<1xi32>
        %squeeze3A_122 = vector.extract %slice3A_121[0] : i32 from vector<1xi32>
        %broadcast_in_dim3A_123 = vector.broadcast %squeeze3A_122 : i32 to vector<16xi32>
        %get3A_124 = arith.index_cast %while3A_117 : i32 to index
        %get3A_125 = tpu.vector_load %arg6[%get3A_124] {strides = array<i32>} : memref<272xi32, #tpu.memory_space<vmem>>, vector<16xi32>,
        %slice3A_126 = vector.extract_strided_slice %get3A_125 {offsets = [0], sizes = [1], strides = [1]} : vector<16xi32> to vector<1xi32>
        %squeeze3A_127 = vector.extract %slice3A_126[0] : i32 from vector<1xi32>
        %shift_right_arithmetic3A = arith.shrsi %broadcast_in_dim3A_123, %iota3A : vector<16xi32>
        %and3A_128 = arith.constant 1 : i32
        %and3A_129 = vector.broadcast %and3A_128 : i32 to vector<16xi32>
        %and3A_130 = arith.andi %shift_right_arithmetic3A, %and3A_129 : vector<16xi32>
        %ne3A_131 = arith.constant 0 : i32
        %ne3A_132 = vector.broadcast %ne3A_131 : i32 to vector<16xi32>
        %ne3A_133 = arith.cmpi ne, %and3A_130, %ne3A_132 : vector<16xi32>
        %add3A_134 = arith.constant 16 : i32
        %add3A_135 = vector.broadcast %add3A_134 : i32 to vector<16xi32>
        %add3A_136 = arith.addi %iota3A, %add3A_135 : vector<16xi32>
        %shift_right_arithmetic3A_137 = arith.shrsi %broadcast_in_dim3A_123, %add3A_136 : vector<16xi32>
        %and3A_138 = arith.constant 1 : i32
        %and3A_139 = vector.broadcast %and3A_138 : i32 to vector<16xi32>
        %and3A_140 = arith.andi %shift_right_arithmetic3A_137, %and3A_139 : vector<16xi32>
        %ne3A_141 = arith.constant 0 : i32
        %ne3A_142 = vector.broadcast %ne3A_141 : i32 to vector<16xi32>
        %ne3A_143 = arith.cmpi ne, %and3A_140, %ne3A_142 : vector<16xi32>
        %mul3A_144 = arith.constant 32 : i32
        %mul3A_145 = arith.muli %squeeze3A_127, %mul3A_144 : i32
        %add3A_146 = vector.broadcast %mul3A_145 : i32 to vector<16xi32>
        %add3A_147 = arith.addi %add3A_146, %iota3A : vector<16xi32>
        %swap3A_148 = arith.index_cast %while3A_118 : i32 to index
        %swap3A_149 = tpu.vector_load %arg7[%swap3A_148] masked %ne3A_133 {strides = array<i32>} : memref<96xi32, #tpu.memory_space<vmem>>, vector<16xi32>, vector<16xi1>
        tpu.vector_store %arg7[%swap3A_148], %add3A_147 masked %ne3A_133 {strides = array<i32>} : memref<96xi32, #tpu.memory_space<vmem>>, vector<16xi32>, vector<16xi1>
        %all_reduce_population_count3A = tpu.all_reduce %ne3A_133 {dim = 0 : i64, kind = #tpu.reduction_kind<sum>} : vector<16xi1> -> vector<16xi32>
        %slice3A_150 = vector.extract_strided_slice %all_reduce_population_count3A {offsets = [0], sizes = [1], strides = [1]} : vector<16xi32> to vector<1xi32>
        %squeeze3A_151 = vector.extract %slice3A_150[0] : i32 from vector<1xi32>
        %add3A_152 = arith.addi %while3A_118, %squeeze3A_151 : i32
        %add3A_153 = arith.constant 16 : i32
        %add3A_154 = vector.broadcast %add3A_153 : i32 to vector<16xi32>
        %add3A_155 = arith.addi %add3A_147, %add3A_154 : vector<16xi32>
        %swap3A_156 = arith.index_cast %add3A_152 : i32 to index
        %swap3A_157 = tpu.vector_load %arg7[%swap3A_156] masked %ne3A_143 {strides = array<i32>} : memref<96xi32, #tpu.memory_space<vmem>>, vector<16xi32>, vector<16xi1>
        tpu.vector_store %arg7[%swap3A_156], %add3A_155 masked %ne3A_143 {strides = array<i32>} : memref<96xi32, #tpu.memory_space<vmem>>, vector<16xi32>, vector<16xi1>
        %all_reduce_population_count3A_158 = tpu.all_reduce %ne3A_143 {dim = 0 : i64, kind = #tpu.reduction_kind<sum>} : vector<16xi1> -> vector<16xi32>
        %slice3A_159 = vector.extract_strided_slice %all_reduce_population_count3A_158 {offsets = [0], sizes = [1], strides = [1]} : vector<16xi32> to vector<1xi32>
        %squeeze3A_160 = vector.extract %slice3A_159[0] : i32 from vector<1xi32>
        %add3A_161 = arith.addi %add3A_152, %squeeze3A_160 : i32
        %add3A_162 = arith.constant 1 : i32
        %add3A_163 = arith.addi %while3A_117, %add3A_162 : i32
        scf.yield %add3A_163, %add3A_161 : i32, i32
      }
      %min3A = arith.constant 32 : i32
      %min3A_92 = arith.minsi %while3A_91#1, %min3A : i32
      %get3A = arith.constant 0 : index
      %get3A_93 = tpu.vector_load %arg7[%get3A] {strides = array<i32>} : memref<96xi32, #tpu.memory_space<vmem>>, vector<16xi32>,
      %get3A_94 = arith.constant 16 : index
      %get3A_95 = tpu.vector_load %arg7[%get3A_94] {strides = array<i32>} : memref<96xi32, #tpu.memory_space<vmem>>, vector<16xi32>,
      %slice3A = vector.extract_strided_slice %get3A_93 {offsets = [0], sizes = [1], strides = [1]} : vector<16xi32> to vector<1xi32>
      %squeeze3A = vector.extract %slice3A[0] : i32 from vector<1xi32>
      %broadcast_in_dim3A_96 = vector.broadcast %squeeze3A : i32 to vector<16xi32>
      %lt3A_97 = vector.broadcast %min3A_92 : i32 to vector<16xi32>
      %lt3A_98 = arith.cmpi slt, %iota3A, %lt3A_97 : vector<16xi32>
      %select_n3A_99 = arith.select %lt3A_98, %get3A_93, %broadcast_in_dim3A_96 : vector<16xi1>, vector<16xi32>
      %mul3A_100 = arith.constant 32 : i32
      %mul3A_101 = arith.muli %scan3A_79, %mul3A_100 : i32
      %swap3A_102 = arith.index_cast %mul3A_101 : i32 to index
      %swap3A_103 = tpu.vector_load %arg8[%swap3A_102] {strides = array<i32>} : memref<2048xi32, #tpu.memory_space<vmem>>, vector<16xi32>,
      tpu.vector_store %arg8[%swap3A_102], %select_n3A_99 {strides = array<i32>} : memref<2048xi32, #tpu.memory_space<vmem>>, vector<16xi32>,
      %add3A_104 = arith.constant 16 : i32
      %add3A_105 = vector.broadcast %add3A_104 : i32 to vector<16xi32>
      %add3A_106 = arith.addi %iota3A, %add3A_105 : vector<16xi32>
      %lt3A_107 = vector.broadcast %min3A_92 : i32 to vector<16xi32>
      %lt3A_108 = arith.cmpi slt, %add3A_106, %lt3A_107 : vector<16xi32>
      %select_n3A_109 = arith.select %lt3A_108, %get3A_95, %broadcast_in_dim3A_96 : vector<16xi1>, vector<16xi32>
      %mul3A_110 = arith.constant 32 : i32
      %mul3A_111 = arith.muli %scan3A_79, %mul3A_110 : i32
      %add3A_112 = arith.constant 16 : i32
      %add3A_113 = arith.addi %mul3A_111, %add3A_112 : i32
      %swap3A_114 = arith.index_cast %add3A_113 : i32 to index
      %swap3A_115 = tpu.vector_load %arg8[%swap3A_114] {strides = array<i32>} : memref<2048xi32, #tpu.memory_space<vmem>>, vector<16xi32>,
      tpu.vector_store %arg8[%swap3A_114], %select_n3A_109 {strides = array<i32>} : memref<2048xi32, #tpu.memory_space<vmem>>, vector<16xi32>,
      %scan3A_116 = arith.constant 0 : i32
      scf.yield %scan3A_116 : i32
    }
    %scan3A_51 = arith.constant 64 : i32
    %mul3A_52 = arith.constant 32 : i32
    %mul3A_53 = arith.muli %add3A_44, %mul3A_52 : i32
    %run_scoped3A_54 = arith.constant 0 : i32
    "tpu.region"() ({
      %run_scoped3A_79 = tpu.sem_alloc : memref<!tpu.dma_semaphore, #tpu.memory_space<semaphore_mem>>
      %dma_start3A = tpu.memref_slice %arg3[%select_n3A, %run_scoped3A_54, %mul3A_53] : memref<4x1x65536xi32, #tpu.memory_space<hbm>> -> memref<1x1x2048xi32, #tpu.memory_space<hbm>>
      %dma_start3A_80 = tpu.memref_squeeze %dma_start3A : memref<1x1x2048xi32, #tpu.memory_space<hbm>> -> memref<2048xi32, #tpu.memory_space<hbm>>
      %dma_start3A_81 = tpu.memref_slice %arg3[%select_n3A, %run_scoped3A_54, %mul3A_53] : memref<4x1x65536xi32, #tpu.memory_space<hbm>> -> memref<1x1x2048xi32, #tpu.memory_space<hbm>>
      %dma_start3A_82 = tpu.memref_squeeze %dma_start3A_81 : memref<1x1x2048xi32, #tpu.memory_space<hbm>> -> memref<2048xi32, #tpu.memory_space<hbm>>
      tpu.enqueue_dma source(%arg8 : memref<2048xi32, #tpu.memory_space<vmem>>) target(%dma_start3A_82 : memref<2048xi32, #tpu.memory_space<hbm>>) target_semaphore(%run_scoped3A_79 : memref<!tpu.dma_semaphore, #tpu.memory_space<semaphore_mem>>)
      %dma_wait3A = tpu.memref_slice %arg3[%select_n3A, %run_scoped3A_54, %mul3A_53] : memref<4x1x65536xi32, #tpu.memory_space<hbm>> -> memref<1x1x2048xi32, #tpu.memory_space<hbm>>
      %dma_wait3A_83 = tpu.memref_squeeze %dma_wait3A : memref<1x1x2048xi32, #tpu.memory_space<hbm>> -> memref<2048xi32, #tpu.memory_space<hbm>>
      %dma_wait3A_84 = tpu.memref_slice %arg3[%select_n3A, %run_scoped3A_54, %mul3A_53] : memref<4x1x65536xi32, #tpu.memory_space<hbm>> -> memref<1x1x2048xi32, #tpu.memory_space<hbm>>
      %dma_wait3A_85 = tpu.memref_squeeze %dma_wait3A_84 : memref<1x1x2048xi32, #tpu.memory_space<hbm>> -> memref<2048xi32, #tpu.memory_space<hbm>>
      tpu.wait_dma2 semaphore(%run_scoped3A_79 : memref<!tpu.dma_semaphore, #tpu.memory_space<semaphore_mem>>) src(%arg8 : memref<2048xi32, #tpu.memory_space<vmem>>) dst(%dma_wait3A_85 : memref<2048xi32, #tpu.memory_space<hbm>>)
      tpu.yield
    }) : () -> ()
    %add3A_55 = arith.constant 128 : i32
    %add3A_56 = arith.addi %select_n3A_32, %add3A_55 : i32
    "tpu.region"() ({
      %run_scoped3A_79 = tpu.sem_alloc : memref<!tpu.dma_semaphore, #tpu.memory_space<semaphore_mem>>
      %dma_start3A = arith.constant 0 : i32
      %dma_start3A_80 = tpu.memref_slice %arg2[%select_n3A, %add3A_56, %dma_start3A] : memref<4x2048x256xi32, #tpu.memory_space<hbm>> -> memref<1x64x256xi32, #tpu.memory_space<hbm>>
      %dma_start3A_81 = tpu.memref_squeeze %dma_start3A_80 : memref<1x64x256xi32, #tpu.memory_space<hbm>> -> memref<64x256xi32, #tpu.memory_space<hbm>>
      %dma_start3A_82 = arith.constant 0 : i32
      %dma_start3A_83 = tpu.memref_slice %arg2[%select_n3A, %add3A_56, %dma_start3A_82] : memref<4x2048x256xi32, #tpu.memory_space<hbm>> -> memref<1x64x256xi32, #tpu.memory_space<hbm>>
      %dma_start3A_84 = tpu.memref_squeeze %dma_start3A_83 : memref<1x64x256xi32, #tpu.memory_space<hbm>> -> memref<64x256xi32, #tpu.memory_space<hbm>>
      tpu.enqueue_dma source(%dma_start3A_84 : memref<64x256xi32, #tpu.memory_space<hbm>>) target(%arg4 : memref<64x256xi32, #tpu.memory_space<vmem>>) target_semaphore(%run_scoped3A_79 : memref<!tpu.dma_semaphore, #tpu.memory_space<semaphore_mem>>)
      %dma_wait3A = arith.constant 0 : i32
      %dma_wait3A_85 = tpu.memref_slice %arg2[%select_n3A, %add3A_56, %dma_wait3A] : memref<4x2048x256xi32, #tpu.memory_space<hbm>> -> memref<1x64x256xi32, #tpu.memory_space<hbm>>
      %dma_wait3A_86 = tpu.memref_squeeze %dma_wait3A_85 : memref<1x64x256xi32, #tpu.memory_space<hbm>> -> memref<64x256xi32, #tpu.memory_space<hbm>>
      %dma_wait3A_87 = arith.constant 0 : i32
      %dma_wait3A_88 = tpu.memref_slice %arg2[%select_n3A, %add3A_56, %dma_wait3A_87] : memref<4x2048x256xi32, #tpu.memory_space<hbm>> -> memref<1x64x256xi32, #tpu.memory_space<hbm>>
      %dma_wait3A_89 = tpu.memref_squeeze %dma_wait3A_88 : memref<1x64x256xi32, #tpu.memory_space<hbm>> -> memref<64x256xi32, #tpu.memory_space<hbm>>
      tpu.wait_dma2 semaphore(%run_scoped3A_79 : memref<!tpu.dma_semaphore, #tpu.memory_space<semaphore_mem>>) src(%dma_wait3A_89 : memref<64x256xi32, #tpu.memory_space<hbm>>) dst(%arg4 : memref<64x256xi32, #tpu.memory_space<vmem>>)
      tpu.yield
    }) : () -> ()
    %scan3A_57 = arith.constant 0 : i32
    %scan3A_58 = arith.constant 0 : i32
    %scan3A_59 = arith.constant 64 : i32
    %scan3A_60 = arith.addi %scan3A_58, %scan3A_59 : i32
    %scan3A_61 = arith.constant 1 : i32
    %scan3A_62 = scf.for %scan3A_79 = %scan3A_58 to %scan3A_60 step %scan3A_61 iter_args(%scan3A_80 = %scan3A_57) -> (i32)  : i32 {
      %scan3A_81 = arith.constant 0 : i32
      %scan3A_82 = arith.constant 0 : i32
      %scan3A_83 = arith.constant 16 : i32
      %scan3A_84 = arith.addi %scan3A_82, %scan3A_83 : i32
      %scan3A_85 = arith.constant 4 : i32
      %scan3A_86 = scf.for %scan3A_117 = %scan3A_82 to %scan3A_84 step %scan3A_85 iter_args(%scan3A_118 = %scan3A_81) -> (i32)  : i32 {
        %mul3A_119 = arith.constant 16 : i32
        %mul3A_120 = arith.muli %scan3A_117, %mul3A_119 : i32
        %get3A_121 = arith.index_cast %scan3A_79 : i32 to index
        %get3A_122 = arith.index_cast %mul3A_120 : i32 to index
        %get3A_123 = tpu.vector_load %arg4[%get3A_121, %get3A_122] {strides = array<i32>} : memref<64x256xi32, #tpu.memory_space<vmem>>, vector<16xi32>,
        %ne3A_124 = arith.constant 0 : i32
        %ne3A_125 = vector.broadcast %ne3A_124 : i32 to vector<16xi32>
        %ne3A_126 = arith.cmpi ne, %get3A_123, %ne3A_125 : vector<16xi32>
        %swap3A_127 = arith.index_cast %scan3A_118 : i32 to index
        %swap3A_128 = tpu.vector_load %arg5[%swap3A_127] masked %ne3A_126 {strides = array<i32>} : memref<272xi32, #tpu.memory_space<vmem>>, vector<16xi32>, vector<16xi1>
        tpu.vector_store %arg5[%swap3A_127], %get3A_123 masked %ne3A_126 {strides = array<i32>} : memref<272xi32, #tpu.memory_space<vmem>>, vector<16xi32>, vector<16xi1>
        %mul3A_129 = arith.constant 16 : i32
        %mul3A_130 = arith.muli %scan3A_117, %mul3A_129 : i32
        %add3A_131 = vector.broadcast %mul3A_130 : i32 to vector<16xi32>
        %add3A_132 = arith.addi %add3A_131, %iota3A : vector<16xi32>
        %swap3A_133 = arith.index_cast %scan3A_118 : i32 to index
        %swap3A_134 = tpu.vector_load %arg6[%swap3A_133] masked %ne3A_126 {strides = array<i32>} : memref<272xi32, #tpu.memory_space<vmem>>, vector<16xi32>, vector<16xi1>
        tpu.vector_store %arg6[%swap3A_133], %add3A_132 masked %ne3A_126 {strides = array<i32>} : memref<272xi32, #tpu.memory_space<vmem>>, vector<16xi32>, vector<16xi1>
        %all_reduce_population_count3A = tpu.all_reduce %ne3A_126 {dim = 0 : i64, kind = #tpu.reduction_kind<sum>} : vector<16xi1> -> vector<16xi32>
        %slice3A_135 = vector.extract_strided_slice %all_reduce_population_count3A {offsets = [0], sizes = [1], strides = [1]} : vector<16xi32> to vector<1xi32>
        %squeeze3A_136 = vector.extract %slice3A_135[0] : i32 from vector<1xi32>
        %add3A_137 = arith.addi %scan3A_118, %squeeze3A_136 : i32
        %scan3A_138 = arith.constant 1 : i32
        %scan3A_139 = arith.addi %scan3A_117, %scan3A_138 : i32
        %mul3A_140 = arith.constant 16 : i32
        %mul3A_141 = arith.muli %scan3A_139, %mul3A_140 : i32
        %get3A_142 = arith.index_cast %scan3A_79 : i32 to index
        %get3A_143 = arith.index_cast %mul3A_141 : i32 to index
        %get3A_144 = tpu.vector_load %arg4[%get3A_142, %get3A_143] {strides = array<i32>} : memref<64x256xi32, #tpu.memory_space<vmem>>, vector<16xi32>,
        %ne3A_145 = arith.constant 0 : i32
        %ne3A_146 = vector.broadcast %ne3A_145 : i32 to vector<16xi32>
        %ne3A_147 = arith.cmpi ne, %get3A_144, %ne3A_146 : vector<16xi32>
        %swap3A_148 = arith.index_cast %add3A_137 : i32 to index
        %swap3A_149 = tpu.vector_load %arg5[%swap3A_148] masked %ne3A_147 {strides = array<i32>} : memref<272xi32, #tpu.memory_space<vmem>>, vector<16xi32>, vector<16xi1>
        tpu.vector_store %arg5[%swap3A_148], %get3A_144 masked %ne3A_147 {strides = array<i32>} : memref<272xi32, #tpu.memory_space<vmem>>, vector<16xi32>, vector<16xi1>
        %mul3A_150 = arith.constant 16 : i32
        %mul3A_151 = arith.muli %scan3A_139, %mul3A_150 : i32
        %add3A_152 = vector.broadcast %mul3A_151 : i32 to vector<16xi32>
        %add3A_153 = arith.addi %add3A_152, %iota3A : vector<16xi32>
        %swap3A_154 = arith.index_cast %add3A_137 : i32 to index
        %swap3A_155 = tpu.vector_load %arg6[%swap3A_154] masked %ne3A_147 {strides = array<i32>} : memref<272xi32, #tpu.memory_space<vmem>>, vector<16xi32>, vector<16xi1>
        tpu.vector_store %arg6[%swap3A_154], %add3A_153 masked %ne3A_147 {strides = array<i32>} : memref<272xi32, #tpu.memory_space<vmem>>, vector<16xi32>, vector<16xi1>
        %all_reduce_population_count3A_156 = tpu.all_reduce %ne3A_147 {dim = 0 : i64, kind = #tpu.reduction_kind<sum>} : vector<16xi1> -> vector<16xi32>
        %slice3A_157 = vector.extract_strided_slice %all_reduce_population_count3A_156 {offsets = [0], sizes = [1], strides = [1]} : vector<16xi32> to vector<1xi32>
        %squeeze3A_158 = vector.extract %slice3A_157[0] : i32 from vector<1xi32>
        %add3A_159 = arith.addi %add3A_137, %squeeze3A_158 : i32
        %scan3A_160 = arith.constant 2 : i32
        %scan3A_161 = arith.addi %scan3A_117, %scan3A_160 : i32
        %mul3A_162 = arith.constant 16 : i32
        %mul3A_163 = arith.muli %scan3A_161, %mul3A_162 : i32
        %get3A_164 = arith.index_cast %scan3A_79 : i32 to index
        %get3A_165 = arith.index_cast %mul3A_163 : i32 to index
        %get3A_166 = tpu.vector_load %arg4[%get3A_164, %get3A_165] {strides = array<i32>} : memref<64x256xi32, #tpu.memory_space<vmem>>, vector<16xi32>,
        %ne3A_167 = arith.constant 0 : i32
        %ne3A_168 = vector.broadcast %ne3A_167 : i32 to vector<16xi32>
        %ne3A_169 = arith.cmpi ne, %get3A_166, %ne3A_168 : vector<16xi32>
        %swap3A_170 = arith.index_cast %add3A_159 : i32 to index
        %swap3A_171 = tpu.vector_load %arg5[%swap3A_170] masked %ne3A_169 {strides = array<i32>} : memref<272xi32, #tpu.memory_space<vmem>>, vector<16xi32>, vector<16xi1>
        tpu.vector_store %arg5[%swap3A_170], %get3A_166 masked %ne3A_169 {strides = array<i32>} : memref<272xi32, #tpu.memory_space<vmem>>, vector<16xi32>, vector<16xi1>
        %mul3A_172 = arith.constant 16 : i32
        %mul3A_173 = arith.muli %scan3A_161, %mul3A_172 : i32
        %add3A_174 = vector.broadcast %mul3A_173 : i32 to vector<16xi32>
        %add3A_175 = arith.addi %add3A_174, %iota3A : vector<16xi32>
        %swap3A_176 = arith.index_cast %add3A_159 : i32 to index
        %swap3A_177 = tpu.vector_load %arg6[%swap3A_176] masked %ne3A_169 {strides = array<i32>} : memref<272xi32, #tpu.memory_space<vmem>>, vector<16xi32>, vector<16xi1>
        tpu.vector_store %arg6[%swap3A_176], %add3A_175 masked %ne3A_169 {strides = array<i32>} : memref<272xi32, #tpu.memory_space<vmem>>, vector<16xi32>, vector<16xi1>
        %all_reduce_population_count3A_178 = tpu.all_reduce %ne3A_169 {dim = 0 : i64, kind = #tpu.reduction_kind<sum>} : vector<16xi1> -> vector<16xi32>
        %slice3A_179 = vector.extract_strided_slice %all_reduce_population_count3A_178 {offsets = [0], sizes = [1], strides = [1]} : vector<16xi32> to vector<1xi32>
        %squeeze3A_180 = vector.extract %slice3A_179[0] : i32 from vector<1xi32>
        %add3A_181 = arith.addi %add3A_159, %squeeze3A_180 : i32
        %scan3A_182 = arith.constant 3 : i32
        %scan3A_183 = arith.addi %scan3A_117, %scan3A_182 : i32
        %mul3A_184 = arith.constant 16 : i32
        %mul3A_185 = arith.muli %scan3A_183, %mul3A_184 : i32
        %get3A_186 = arith.index_cast %scan3A_79 : i32 to index
        %get3A_187 = arith.index_cast %mul3A_185 : i32 to index
        %get3A_188 = tpu.vector_load %arg4[%get3A_186, %get3A_187] {strides = array<i32>} : memref<64x256xi32, #tpu.memory_space<vmem>>, vector<16xi32>,
        %ne3A_189 = arith.constant 0 : i32
        %ne3A_190 = vector.broadcast %ne3A_189 : i32 to vector<16xi32>
        %ne3A_191 = arith.cmpi ne, %get3A_188, %ne3A_190 : vector<16xi32>
        %swap3A_192 = arith.index_cast %add3A_181 : i32 to index
        %swap3A_193 = tpu.vector_load %arg5[%swap3A_192] masked %ne3A_191 {strides = array<i32>} : memref<272xi32, #tpu.memory_space<vmem>>, vector<16xi32>, vector<16xi1>
        tpu.vector_store %arg5[%swap3A_192], %get3A_188 masked %ne3A_191 {strides = array<i32>} : memref<272xi32, #tpu.memory_space<vmem>>, vector<16xi32>, vector<16xi1>
        %mul3A_194 = arith.constant 16 : i32
        %mul3A_195 = arith.muli %scan3A_183, %mul3A_194 : i32
        %add3A_196 = vector.broadcast %mul3A_195 : i32 to vector<16xi32>
        %add3A_197 = arith.addi %add3A_196, %iota3A : vector<16xi32>
        %swap3A_198 = arith.index_cast %add3A_181 : i32 to index
        %swap3A_199 = tpu.vector_load %arg6[%swap3A_198] masked %ne3A_191 {strides = array<i32>} : memref<272xi32, #tpu.memory_space<vmem>>, vector<16xi32>, vector<16xi1>
        tpu.vector_store %arg6[%swap3A_198], %add3A_197 masked %ne3A_191 {strides = array<i32>} : memref<272xi32, #tpu.memory_space<vmem>>, vector<16xi32>, vector<16xi1>
        %all_reduce_population_count3A_200 = tpu.all_reduce %ne3A_191 {dim = 0 : i64, kind = #tpu.reduction_kind<sum>} : vector<16xi1> -> vector<16xi32>
        %slice3A_201 = vector.extract_strided_slice %all_reduce_population_count3A_200 {offsets = [0], sizes = [1], strides = [1]} : vector<16xi32> to vector<1xi32>
        %squeeze3A_202 = vector.extract %slice3A_201[0] : i32 from vector<1xi32>
        %add3A_203 = arith.addi %add3A_181, %squeeze3A_202 : i32
        scf.yield %add3A_203 : i32
      }
      %scan3A_87 = arith.constant 16 : i32
      %broadcast_in_dim3A = arith.constant 0 : i32
      %broadcast_in_dim3A_88 = vector.broadcast %broadcast_in_dim3A : i32 to vector<16xi32>
      %swap3A = arith.constant 0 : index
      %swap3A_89 = tpu.vector_load %arg7[%swap3A] {strides = array<i32>} : memref<96xi32, #tpu.memory_space<vmem>>, vector<16xi32>,
      tpu.vector_store %arg7[%swap3A], %broadcast_in_dim3A_88 {strides = array<i32>} : memref<96xi32, #tpu.memory_space<vmem>>, vector<16xi32>,
      %while3A = arith.constant 0 : i32
      %while3A_90 = arith.constant 0 : i32
      %while3A_91:2 = scf.while (%while3A_117 = %while3A, %while3A_118 = %while3A_90) : (i32, i32) -> (i32, i32) {
        %lt3A_119 = arith.cmpi slt, %while3A_117, %scan3A_86 : i32
        %lt3A_120 = arith.constant 32 : i32
        %lt3A_121 = arith.cmpi slt, %while3A_118, %lt3A_120 : i32
        %and3A_122 = arith.andi %lt3A_119, %lt3A_121 : i1
        scf.condition(%and3A_122) %while3A_117, %while3A_118 : i32, i32
      } do {
      ^bb0(%while3A_117: i32, %while3A_118: i32):
        %get3A_119 = arith.index_cast %while3A_117 : i32 to index
        %get3A_120 = tpu.vector_load %arg5[%get3A_119] {strides = array<i32>} : memref<272xi32, #tpu.memory_space<vmem>>, vector<16xi32>,
        %slice3A_121 = vector.extract_strided_slice %get3A_120 {offsets = [0], sizes = [1], strides = [1]} : vector<16xi32> to vector<1xi32>
        %squeeze3A_122 = vector.extract %slice3A_121[0] : i32 from vector<1xi32>
        %broadcast_in_dim3A_123 = vector.broadcast %squeeze3A_122 : i32 to vector<16xi32>
        %get3A_124 = arith.index_cast %while3A_117 : i32 to index
        %get3A_125 = tpu.vector_load %arg6[%get3A_124] {strides = array<i32>} : memref<272xi32, #tpu.memory_space<vmem>>, vector<16xi32>,
        %slice3A_126 = vector.extract_strided_slice %get3A_125 {offsets = [0], sizes = [1], strides = [1]} : vector<16xi32> to vector<1xi32>
        %squeeze3A_127 = vector.extract %slice3A_126[0] : i32 from vector<1xi32>
        %shift_right_arithmetic3A = arith.shrsi %broadcast_in_dim3A_123, %iota3A : vector<16xi32>
        %and3A_128 = arith.constant 1 : i32
        %and3A_129 = vector.broadcast %and3A_128 : i32 to vector<16xi32>
        %and3A_130 = arith.andi %shift_right_arithmetic3A, %and3A_129 : vector<16xi32>
        %ne3A_131 = arith.constant 0 : i32
        %ne3A_132 = vector.broadcast %ne3A_131 : i32 to vector<16xi32>
        %ne3A_133 = arith.cmpi ne, %and3A_130, %ne3A_132 : vector<16xi32>
        %add3A_134 = arith.constant 16 : i32
        %add3A_135 = vector.broadcast %add3A_134 : i32 to vector<16xi32>
        %add3A_136 = arith.addi %iota3A, %add3A_135 : vector<16xi32>
        %shift_right_arithmetic3A_137 = arith.shrsi %broadcast_in_dim3A_123, %add3A_136 : vector<16xi32>
        %and3A_138 = arith.constant 1 : i32
        %and3A_139 = vector.broadcast %and3A_138 : i32 to vector<16xi32>
        %and3A_140 = arith.andi %shift_right_arithmetic3A_137, %and3A_139 : vector<16xi32>
        %ne3A_141 = arith.constant 0 : i32
        %ne3A_142 = vector.broadcast %ne3A_141 : i32 to vector<16xi32>
        %ne3A_143 = arith.cmpi ne, %and3A_140, %ne3A_142 : vector<16xi32>
        %mul3A_144 = arith.constant 32 : i32
        %mul3A_145 = arith.muli %squeeze3A_127, %mul3A_144 : i32
        %add3A_146 = vector.broadcast %mul3A_145 : i32 to vector<16xi32>
        %add3A_147 = arith.addi %add3A_146, %iota3A : vector<16xi32>
        %swap3A_148 = arith.index_cast %while3A_118 : i32 to index
        %swap3A_149 = tpu.vector_load %arg7[%swap3A_148] masked %ne3A_133 {strides = array<i32>} : memref<96xi32, #tpu.memory_space<vmem>>, vector<16xi32>, vector<16xi1>
        tpu.vector_store %arg7[%swap3A_148], %add3A_147 masked %ne3A_133 {strides = array<i32>} : memref<96xi32, #tpu.memory_space<vmem>>, vector<16xi32>, vector<16xi1>
        %all_reduce_population_count3A = tpu.all_reduce %ne3A_133 {dim = 0 : i64, kind = #tpu.reduction_kind<sum>} : vector<16xi1> -> vector<16xi32>
        %slice3A_150 = vector.extract_strided_slice %all_reduce_population_count3A {offsets = [0], sizes = [1], strides = [1]} : vector<16xi32> to vector<1xi32>
        %squeeze3A_151 = vector.extract %slice3A_150[0] : i32 from vector<1xi32>
        %add3A_152 = arith.addi %while3A_118, %squeeze3A_151 : i32
        %add3A_153 = arith.constant 16 : i32
        %add3A_154 = vector.broadcast %add3A_153 : i32 to vector<16xi32>
        %add3A_155 = arith.addi %add3A_147, %add3A_154 : vector<16xi32>
        %swap3A_156 = arith.index_cast %add3A_152 : i32 to index
        %swap3A_157 = tpu.vector_load %arg7[%swap3A_156] masked %ne3A_143 {strides = array<i32>} : memref<96xi32, #tpu.memory_space<vmem>>, vector<16xi32>, vector<16xi1>
        tpu.vector_store %arg7[%swap3A_156], %add3A_155 masked %ne3A_143 {strides = array<i32>} : memref<96xi32, #tpu.memory_space<vmem>>, vector<16xi32>, vector<16xi1>
        %all_reduce_population_count3A_158 = tpu.all_reduce %ne3A_143 {dim = 0 : i64, kind = #tpu.reduction_kind<sum>} : vector<16xi1> -> vector<16xi32>
        %slice3A_159 = vector.extract_strided_slice %all_reduce_population_count3A_158 {offsets = [0], sizes = [1], strides = [1]} : vector<16xi32> to vector<1xi32>
        %squeeze3A_160 = vector.extract %slice3A_159[0] : i32 from vector<1xi32>
        %add3A_161 = arith.addi %add3A_152, %squeeze3A_160 : i32
        %add3A_162 = arith.constant 1 : i32
        %add3A_163 = arith.addi %while3A_117, %add3A_162 : i32
        scf.yield %add3A_163, %add3A_161 : i32, i32
      }
      %min3A = arith.constant 32 : i32
      %min3A_92 = arith.minsi %while3A_91#1, %min3A : i32
      %get3A = arith.constant 0 : index
      %get3A_93 = tpu.vector_load %arg7[%get3A] {strides = array<i32>} : memref<96xi32, #tpu.memory_space<vmem>>, vector<16xi32>,
      %get3A_94 = arith.constant 16 : index
      %get3A_95 = tpu.vector_load %arg7[%get3A_94] {strides = array<i32>} : memref<96xi32, #tpu.memory_space<vmem>>, vector<16xi32>,
      %slice3A = vector.extract_strided_slice %get3A_93 {offsets = [0], sizes = [1], strides = [1]} : vector<16xi32> to vector<1xi32>
      %squeeze3A = vector.extract %slice3A[0] : i32 from vector<1xi32>
      %broadcast_in_dim3A_96 = vector.broadcast %squeeze3A : i32 to vector<16xi32>
      %lt3A_97 = vector.broadcast %min3A_92 : i32 to vector<16xi32>
      %lt3A_98 = arith.cmpi slt, %iota3A, %lt3A_97 : vector<16xi32>
      %select_n3A_99 = arith.select %lt3A_98, %get3A_93, %broadcast_in_dim3A_96 : vector<16xi1>, vector<16xi32>
      %mul3A_100 = arith.constant 32 : i32
      %mul3A_101 = arith.muli %scan3A_79, %mul3A_100 : i32
      %swap3A_102 = arith.index_cast %mul3A_101 : i32 to index
      %swap3A_103 = tpu.vector_load %arg8[%swap3A_102] {strides = array<i32>} : memref<2048xi32, #tpu.memory_space<vmem>>, vector<16xi32>,
      tpu.vector_store %arg8[%swap3A_102], %select_n3A_99 {strides = array<i32>} : memref<2048xi32, #tpu.memory_space<vmem>>, vector<16xi32>,
      %add3A_104 = arith.constant 16 : i32
      %add3A_105 = vector.broadcast %add3A_104 : i32 to vector<16xi32>
      %add3A_106 = arith.addi %iota3A, %add3A_105 : vector<16xi32>
      %lt3A_107 = vector.broadcast %min3A_92 : i32 to vector<16xi32>
      %lt3A_108 = arith.cmpi slt, %add3A_106, %lt3A_107 : vector<16xi32>
      %select_n3A_109 = arith.select %lt3A_108, %get3A_95, %broadcast_in_dim3A_96 : vector<16xi1>, vector<16xi32>
      %mul3A_110 = arith.constant 32 : i32
      %mul3A_111 = arith.muli %scan3A_79, %mul3A_110 : i32
      %add3A_112 = arith.constant 16 : i32
      %add3A_113 = arith.addi %mul3A_111, %add3A_112 : i32
      %swap3A_114 = arith.index_cast %add3A_113 : i32 to index
      %swap3A_115 = tpu.vector_load %arg8[%swap3A_114] {strides = array<i32>} : memref<2048xi32, #tpu.memory_space<vmem>>, vector<16xi32>,
      tpu.vector_store %arg8[%swap3A_114], %select_n3A_109 {strides = array<i32>} : memref<2048xi32, #tpu.memory_space<vmem>>, vector<16xi32>,
      %scan3A_116 = arith.constant 0 : i32
      scf.yield %scan3A_116 : i32
    }
    %scan3A_63 = arith.constant 64 : i32
    %mul3A_64 = arith.constant 32 : i32
    %mul3A_65 = arith.muli %add3A_56, %mul3A_64 : i32
    %run_scoped3A_66 = arith.constant 0 : i32
    "tpu.region"() ({
      %run_scoped3A_79 = tpu.sem_alloc : memref<!tpu.dma_semaphore, #tpu.memory_space<semaphore_mem>>
      %dma_start3A = tpu.memref_slice %arg3[%select_n3A, %run_scoped3A_66, %mul3A_65] : memref<4x1x65536xi32, #tpu.memory_space<hbm>> -> memref<1x1x2048xi32, #tpu.memory_space<hbm>>
      %dma_start3A_80 = tpu.memref_squeeze %dma_start3A : memref<1x1x2048xi32, #tpu.memory_space<hbm>> -> memref<2048xi32, #tpu.memory_space<hbm>>
      %dma_start3A_81 = tpu.memref_slice %arg3[%select_n3A, %run_scoped3A_66, %mul3A_65] : memref<4x1x65536xi32, #tpu.memory_space<hbm>> -> memref<1x1x2048xi32, #tpu.memory_space<hbm>>
      %dma_start3A_82 = tpu.memref_squeeze %dma_start3A_81 : memref<1x1x2048xi32, #tpu.memory_space<hbm>> -> memref<2048xi32, #tpu.memory_space<hbm>>
      tpu.enqueue_dma source(%arg8 : memref<2048xi32, #tpu.memory_space<vmem>>) target(%dma_start3A_82 : memref<2048xi32, #tpu.memory_space<hbm>>) target_semaphore(%run_scoped3A_79 : memref<!tpu.dma_semaphore, #tpu.memory_space<semaphore_mem>>)
      %dma_wait3A = tpu.memref_slice %arg3[%select_n3A, %run_scoped3A_66, %mul3A_65] : memref<4x1x65536xi32, #tpu.memory_space<hbm>> -> memref<1x1x2048xi32, #tpu.memory_space<hbm>>
      %dma_wait3A_83 = tpu.memref_squeeze %dma_wait3A : memref<1x1x2048xi32, #tpu.memory_space<hbm>> -> memref<2048xi32, #tpu.memory_space<hbm>>
      %dma_wait3A_84 = tpu.memref_slice %arg3[%select_n3A, %run_scoped3A_66, %mul3A_65] : memref<4x1x65536xi32, #tpu.memory_space<hbm>> -> memref<1x1x2048xi32, #tpu.memory_space<hbm>>
      %dma_wait3A_85 = tpu.memref_squeeze %dma_wait3A_84 : memref<1x1x2048xi32, #tpu.memory_space<hbm>> -> memref<2048xi32, #tpu.memory_space<hbm>>
      tpu.wait_dma2 semaphore(%run_scoped3A_79 : memref<!tpu.dma_semaphore, #tpu.memory_space<semaphore_mem>>) src(%arg8 : memref<2048xi32, #tpu.memory_space<vmem>>) dst(%dma_wait3A_85 : memref<2048xi32, #tpu.memory_space<hbm>>)
      tpu.yield
    }) : () -> ()
    %add3A_67 = arith.constant 192 : i32
    %add3A_68 = arith.addi %select_n3A_32, %add3A_67 : i32
    "tpu.region"() ({
      %run_scoped3A_79 = tpu.sem_alloc : memref<!tpu.dma_semaphore, #tpu.memory_space<semaphore_mem>>
      %dma_start3A = arith.constant 0 : i32
      %dma_start3A_80 = tpu.memref_slice %arg2[%select_n3A, %add3A_68, %dma_start3A] : memref<4x2048x256xi32, #tpu.memory_space<hbm>> -> memref<1x64x256xi32, #tpu.memory_space<hbm>>
      %dma_start3A_81 = tpu.memref_squeeze %dma_start3A_80 : memref<1x64x256xi32, #tpu.memory_space<hbm>> -> memref<64x256xi32, #tpu.memory_space<hbm>>
      %dma_start3A_82 = arith.constant 0 : i32
      %dma_start3A_83 = tpu.memref_slice %arg2[%select_n3A, %add3A_68, %dma_start3A_82] : memref<4x2048x256xi32, #tpu.memory_space<hbm>> -> memref<1x64x256xi32, #tpu.memory_space<hbm>>
      %dma_start3A_84 = tpu.memref_squeeze %dma_start3A_83 : memref<1x64x256xi32, #tpu.memory_space<hbm>> -> memref<64x256xi32, #tpu.memory_space<hbm>>
      tpu.enqueue_dma source(%dma_start3A_84 : memref<64x256xi32, #tpu.memory_space<hbm>>) target(%arg4 : memref<64x256xi32, #tpu.memory_space<vmem>>) target_semaphore(%run_scoped3A_79 : memref<!tpu.dma_semaphore, #tpu.memory_space<semaphore_mem>>)
      %dma_wait3A = arith.constant 0 : i32
      %dma_wait3A_85 = tpu.memref_slice %arg2[%select_n3A, %add3A_68, %dma_wait3A] : memref<4x2048x256xi32, #tpu.memory_space<hbm>> -> memref<1x64x256xi32, #tpu.memory_space<hbm>>
      %dma_wait3A_86 = tpu.memref_squeeze %dma_wait3A_85 : memref<1x64x256xi32, #tpu.memory_space<hbm>> -> memref<64x256xi32, #tpu.memory_space<hbm>>
      %dma_wait3A_87 = arith.constant 0 : i32
      %dma_wait3A_88 = tpu.memref_slice %arg2[%select_n3A, %add3A_68, %dma_wait3A_87] : memref<4x2048x256xi32, #tpu.memory_space<hbm>> -> memref<1x64x256xi32, #tpu.memory_space<hbm>>
      %dma_wait3A_89 = tpu.memref_squeeze %dma_wait3A_88 : memref<1x64x256xi32, #tpu.memory_space<hbm>> -> memref<64x256xi32, #tpu.memory_space<hbm>>
      tpu.wait_dma2 semaphore(%run_scoped3A_79 : memref<!tpu.dma_semaphore, #tpu.memory_space<semaphore_mem>>) src(%dma_wait3A_89 : memref<64x256xi32, #tpu.memory_space<hbm>>) dst(%arg4 : memref<64x256xi32, #tpu.memory_space<vmem>>)
      tpu.yield
    }) : () -> ()
    %scan3A_69 = arith.constant 0 : i32
    %scan3A_70 = arith.constant 0 : i32
    %scan3A_71 = arith.constant 64 : i32
    %scan3A_72 = arith.addi %scan3A_70, %scan3A_71 : i32
    %scan3A_73 = arith.constant 1 : i32
    %scan3A_74 = scf.for %scan3A_79 = %scan3A_70 to %scan3A_72 step %scan3A_73 iter_args(%scan3A_80 = %scan3A_69) -> (i32)  : i32 {
      %scan3A_81 = arith.constant 0 : i32
      %scan3A_82 = arith.constant 0 : i32
      %scan3A_83 = arith.constant 16 : i32
      %scan3A_84 = arith.addi %scan3A_82, %scan3A_83 : i32
      %scan3A_85 = arith.constant 4 : i32
      %scan3A_86 = scf.for %scan3A_117 = %scan3A_82 to %scan3A_84 step %scan3A_85 iter_args(%scan3A_118 = %scan3A_81) -> (i32)  : i32 {
        %mul3A_119 = arith.constant 16 : i32
        %mul3A_120 = arith.muli %scan3A_117, %mul3A_119 : i32
        %get3A_121 = arith.index_cast %scan3A_79 : i32 to index
        %get3A_122 = arith.index_cast %mul3A_120 : i32 to index
        %get3A_123 = tpu.vector_load %arg4[%get3A_121, %get3A_122] {strides = array<i32>} : memref<64x256xi32, #tpu.memory_space<vmem>>, vector<16xi32>,
        %ne3A_124 = arith.constant 0 : i32
        %ne3A_125 = vector.broadcast %ne3A_124 : i32 to vector<16xi32>
        %ne3A_126 = arith.cmpi ne, %get3A_123, %ne3A_125 : vector<16xi32>
        %swap3A_127 = arith.index_cast %scan3A_118 : i32 to index
        %swap3A_128 = tpu.vector_load %arg5[%swap3A_127] masked %ne3A_126 {strides = array<i32>} : memref<272xi32, #tpu.memory_space<vmem>>, vector<16xi32>, vector<16xi1>
        tpu.vector_store %arg5[%swap3A_127], %get3A_123 masked %ne3A_126 {strides = array<i32>} : memref<272xi32, #tpu.memory_space<vmem>>, vector<16xi32>, vector<16xi1>
        %mul3A_129 = arith.constant 16 : i32
        %mul3A_130 = arith.muli %scan3A_117, %mul3A_129 : i32
        %add3A_131 = vector.broadcast %mul3A_130 : i32 to vector<16xi32>
        %add3A_132 = arith.addi %add3A_131, %iota3A : vector<16xi32>
        %swap3A_133 = arith.index_cast %scan3A_118 : i32 to index
        %swap3A_134 = tpu.vector_load %arg6[%swap3A_133] masked %ne3A_126 {strides = array<i32>} : memref<272xi32, #tpu.memory_space<vmem>>, vector<16xi32>, vector<16xi1>
        tpu.vector_store %arg6[%swap3A_133], %add3A_132 masked %ne3A_126 {strides = array<i32>} : memref<272xi32, #tpu.memory_space<vmem>>, vector<16xi32>, vector<16xi1>
        %all_reduce_population_count3A = tpu.all_reduce %ne3A_126 {dim = 0 : i64, kind = #tpu.reduction_kind<sum>} : vector<16xi1> -> vector<16xi32>
        %slice3A_135 = vector.extract_strided_slice %all_reduce_population_count3A {offsets = [0], sizes = [1], strides = [1]} : vector<16xi32> to vector<1xi32>
        %squeeze3A_136 = vector.extract %slice3A_135[0] : i32 from vector<1xi32>
        %add3A_137 = arith.addi %scan3A_118, %squeeze3A_136 : i32
        %scan3A_138 = arith.constant 1 : i32
        %scan3A_139 = arith.addi %scan3A_117, %scan3A_138 : i32
        %mul3A_140 = arith.constant 16 : i32
        %mul3A_141 = arith.muli %scan3A_139, %mul3A_140 : i32
        %get3A_142 = arith.index_cast %scan3A_79 : i32 to index
        %get3A_143 = arith.index_cast %mul3A_141 : i32 to index
        %get3A_144 = tpu.vector_load %arg4[%get3A_142, %get3A_143] {strides = array<i32>} : memref<64x256xi32, #tpu.memory_space<vmem>>, vector<16xi32>,
        %ne3A_145 = arith.constant 0 : i32
        %ne3A_146 = vector.broadcast %ne3A_145 : i32 to vector<16xi32>
        %ne3A_147 = arith.cmpi ne, %get3A_144, %ne3A_146 : vector<16xi32>
        %swap3A_148 = arith.index_cast %add3A_137 : i32 to index
        %swap3A_149 = tpu.vector_load %arg5[%swap3A_148] masked %ne3A_147 {strides = array<i32>} : memref<272xi32, #tpu.memory_space<vmem>>, vector<16xi32>, vector<16xi1>
        tpu.vector_store %arg5[%swap3A_148], %get3A_144 masked %ne3A_147 {strides = array<i32>} : memref<272xi32, #tpu.memory_space<vmem>>, vector<16xi32>, vector<16xi1>
        %mul3A_150 = arith.constant 16 : i32
        %mul3A_151 = arith.muli %scan3A_139, %mul3A_150 : i32
        %add3A_152 = vector.broadcast %mul3A_151 : i32 to vector<16xi32>
        %add3A_153 = arith.addi %add3A_152, %iota3A : vector<16xi32>
        %swap3A_154 = arith.index_cast %add3A_137 : i32 to index
        %swap3A_155 = tpu.vector_load %arg6[%swap3A_154] masked %ne3A_147 {strides = array<i32>} : memref<272xi32, #tpu.memory_space<vmem>>, vector<16xi32>, vector<16xi1>
        tpu.vector_store %arg6[%swap3A_154], %add3A_153 masked %ne3A_147 {strides = array<i32>} : memref<272xi32, #tpu.memory_space<vmem>>, vector<16xi32>, vector<16xi1>
        %all_reduce_population_count3A_156 = tpu.all_reduce %ne3A_147 {dim = 0 : i64, kind = #tpu.reduction_kind<sum>} : vector<16xi1> -> vector<16xi32>
        %slice3A_157 = vector.extract_strided_slice %all_reduce_population_count3A_156 {offsets = [0], sizes = [1], strides = [1]} : vector<16xi32> to vector<1xi32>
        %squeeze3A_158 = vector.extract %slice3A_157[0] : i32 from vector<1xi32>
        %add3A_159 = arith.addi %add3A_137, %squeeze3A_158 : i32
        %scan3A_160 = arith.constant 2 : i32
        %scan3A_161 = arith.addi %scan3A_117, %scan3A_160 : i32
        %mul3A_162 = arith.constant 16 : i32
        %mul3A_163 = arith.muli %scan3A_161, %mul3A_162 : i32
        %get3A_164 = arith.index_cast %scan3A_79 : i32 to index
        %get3A_165 = arith.index_cast %mul3A_163 : i32 to index
        %get3A_166 = tpu.vector_load %arg4[%get3A_164, %get3A_165] {strides = array<i32>} : memref<64x256xi32, #tpu.memory_space<vmem>>, vector<16xi32>,
        %ne3A_167 = arith.constant 0 : i32
        %ne3A_168 = vector.broadcast %ne3A_167 : i32 to vector<16xi32>
        %ne3A_169 = arith.cmpi ne, %get3A_166, %ne3A_168 : vector<16xi32>
        %swap3A_170 = arith.index_cast %add3A_159 : i32 to index
        %swap3A_171 = tpu.vector_load %arg5[%swap3A_170] masked %ne3A_169 {strides = array<i32>} : memref<272xi32, #tpu.memory_space<vmem>>, vector<16xi32>, vector<16xi1>
        tpu.vector_store %arg5[%swap3A_170], %get3A_166 masked %ne3A_169 {strides = array<i32>} : memref<272xi32, #tpu.memory_space<vmem>>, vector<16xi32>, vector<16xi1>
        %mul3A_172 = arith.constant 16 : i32
        %mul3A_173 = arith.muli %scan3A_161, %mul3A_172 : i32
        %add3A_174 = vector.broadcast %mul3A_173 : i32 to vector<16xi32>
        %add3A_175 = arith.addi %add3A_174, %iota3A : vector<16xi32>
        %swap3A_176 = arith.index_cast %add3A_159 : i32 to index
        %swap3A_177 = tpu.vector_load %arg6[%swap3A_176] masked %ne3A_169 {strides = array<i32>} : memref<272xi32, #tpu.memory_space<vmem>>, vector<16xi32>, vector<16xi1>
        tpu.vector_store %arg6[%swap3A_176], %add3A_175 masked %ne3A_169 {strides = array<i32>} : memref<272xi32, #tpu.memory_space<vmem>>, vector<16xi32>, vector<16xi1>
        %all_reduce_population_count3A_178 = tpu.all_reduce %ne3A_169 {dim = 0 : i64, kind = #tpu.reduction_kind<sum>} : vector<16xi1> -> vector<16xi32>
        %slice3A_179 = vector.extract_strided_slice %all_reduce_population_count3A_178 {offsets = [0], sizes = [1], strides = [1]} : vector<16xi32> to vector<1xi32>
        %squeeze3A_180 = vector.extract %slice3A_179[0] : i32 from vector<1xi32>
        %add3A_181 = arith.addi %add3A_159, %squeeze3A_180 : i32
        %scan3A_182 = arith.constant 3 : i32
        %scan3A_183 = arith.addi %scan3A_117, %scan3A_182 : i32
        %mul3A_184 = arith.constant 16 : i32
        %mul3A_185 = arith.muli %scan3A_183, %mul3A_184 : i32
        %get3A_186 = arith.index_cast %scan3A_79 : i32 to index
        %get3A_187 = arith.index_cast %mul3A_185 : i32 to index
        %get3A_188 = tpu.vector_load %arg4[%get3A_186, %get3A_187] {strides = array<i32>} : memref<64x256xi32, #tpu.memory_space<vmem>>, vector<16xi32>,
        %ne3A_189 = arith.constant 0 : i32
        %ne3A_190 = vector.broadcast %ne3A_189 : i32 to vector<16xi32>
        %ne3A_191 = arith.cmpi ne, %get3A_188, %ne3A_190 : vector<16xi32>
        %swap3A_192 = arith.index_cast %add3A_181 : i32 to index
        %swap3A_193 = tpu.vector_load %arg5[%swap3A_192] masked %ne3A_191 {strides = array<i32>} : memref<272xi32, #tpu.memory_space<vmem>>, vector<16xi32>, vector<16xi1>
        tpu.vector_store %arg5[%swap3A_192], %get3A_188 masked %ne3A_191 {strides = array<i32>} : memref<272xi32, #tpu.memory_space<vmem>>, vector<16xi32>, vector<16xi1>
        %mul3A_194 = arith.constant 16 : i32
        %mul3A_195 = arith.muli %scan3A_183, %mul3A_194 : i32
        %add3A_196 = vector.broadcast %mul3A_195 : i32 to vector<16xi32>
        %add3A_197 = arith.addi %add3A_196, %iota3A : vector<16xi32>
        %swap3A_198 = arith.index_cast %add3A_181 : i32 to index
        %swap3A_199 = tpu.vector_load %arg6[%swap3A_198] masked %ne3A_191 {strides = array<i32>} : memref<272xi32, #tpu.memory_space<vmem>>, vector<16xi32>, vector<16xi1>
        tpu.vector_store %arg6[%swap3A_198], %add3A_197 masked %ne3A_191 {strides = array<i32>} : memref<272xi32, #tpu.memory_space<vmem>>, vector<16xi32>, vector<16xi1>
        %all_reduce_population_count3A_200 = tpu.all_reduce %ne3A_191 {dim = 0 : i64, kind = #tpu.reduction_kind<sum>} : vector<16xi1> -> vector<16xi32>
        %slice3A_201 = vector.extract_strided_slice %all_reduce_population_count3A_200 {offsets = [0], sizes = [1], strides = [1]} : vector<16xi32> to vector<1xi32>
        %squeeze3A_202 = vector.extract %slice3A_201[0] : i32 from vector<1xi32>
        %add3A_203 = arith.addi %add3A_181, %squeeze3A_202 : i32
        scf.yield %add3A_203 : i32
      }
      %scan3A_87 = arith.constant 16 : i32
      %broadcast_in_dim3A = arith.constant 0 : i32
      %broadcast_in_dim3A_88 = vector.broadcast %broadcast_in_dim3A : i32 to vector<16xi32>
      %swap3A = arith.constant 0 : index
      %swap3A_89 = tpu.vector_load %arg7[%swap3A] {strides = array<i32>} : memref<96xi32, #tpu.memory_space<vmem>>, vector<16xi32>,
      tpu.vector_store %arg7[%swap3A], %broadcast_in_dim3A_88 {strides = array<i32>} : memref<96xi32, #tpu.memory_space<vmem>>, vector<16xi32>,
      %while3A = arith.constant 0 : i32
      %while3A_90 = arith.constant 0 : i32
      %while3A_91:2 = scf.while (%while3A_117 = %while3A, %while3A_118 = %while3A_90) : (i32, i32) -> (i32, i32) {
        %lt3A_119 = arith.cmpi slt, %while3A_117, %scan3A_86 : i32
        %lt3A_120 = arith.constant 32 : i32
        %lt3A_121 = arith.cmpi slt, %while3A_118, %lt3A_120 : i32
        %and3A_122 = arith.andi %lt3A_119, %lt3A_121 : i1
        scf.condition(%and3A_122) %while3A_117, %while3A_118 : i32, i32
      } do {
      ^bb0(%while3A_117: i32, %while3A_118: i32):
        %get3A_119 = arith.index_cast %while3A_117 : i32 to index
        %get3A_120 = tpu.vector_load %arg5[%get3A_119] {strides = array<i32>} : memref<272xi32, #tpu.memory_space<vmem>>, vector<16xi32>,
        %slice3A_121 = vector.extract_strided_slice %get3A_120 {offsets = [0], sizes = [1], strides = [1]} : vector<16xi32> to vector<1xi32>
        %squeeze3A_122 = vector.extract %slice3A_121[0] : i32 from vector<1xi32>
        %broadcast_in_dim3A_123 = vector.broadcast %squeeze3A_122 : i32 to vector<16xi32>
        %get3A_124 = arith.index_cast %while3A_117 : i32 to index
        %get3A_125 = tpu.vector_load %arg6[%get3A_124] {strides = array<i32>} : memref<272xi32, #tpu.memory_space<vmem>>, vector<16xi32>,
        %slice3A_126 = vector.extract_strided_slice %get3A_125 {offsets = [0], sizes = [1], strides = [1]} : vector<16xi32> to vector<1xi32>
        %squeeze3A_127 = vector.extract %slice3A_126[0] : i32 from vector<1xi32>
        %shift_right_arithmetic3A = arith.shrsi %broadcast_in_dim3A_123, %iota3A : vector<16xi32>
        %and3A_128 = arith.constant 1 : i32
        %and3A_129 = vector.broadcast %and3A_128 : i32 to vector<16xi32>
        %and3A_130 = arith.andi %shift_right_arithmetic3A, %and3A_129 : vector<16xi32>
        %ne3A_131 = arith.constant 0 : i32
        %ne3A_132 = vector.broadcast %ne3A_131 : i32 to vector<16xi32>
        %ne3A_133 = arith.cmpi ne, %and3A_130, %ne3A_132 : vector<16xi32>
        %add3A_134 = arith.constant 16 : i32
        %add3A_135 = vector.broadcast %add3A_134 : i32 to vector<16xi32>
        %add3A_136 = arith.addi %iota3A, %add3A_135 : vector<16xi32>
        %shift_right_arithmetic3A_137 = arith.shrsi %broadcast_in_dim3A_123, %add3A_136 : vector<16xi32>
        %and3A_138 = arith.constant 1 : i32
        %and3A_139 = vector.broadcast %and3A_138 : i32 to vector<16xi32>
        %and3A_140 = arith.andi %shift_right_arithmetic3A_137, %and3A_139 : vector<16xi32>
        %ne3A_141 = arith.constant 0 : i32
        %ne3A_142 = vector.broadcast %ne3A_141 : i32 to vector<16xi32>
        %ne3A_143 = arith.cmpi ne, %and3A_140, %ne3A_142 : vector<16xi32>
        %mul3A_144 = arith.constant 32 : i32
        %mul3A_145 = arith.muli %squeeze3A_127, %mul3A_144 : i32
        %add3A_146 = vector.broadcast %mul3A_145 : i32 to vector<16xi32>
        %add3A_147 = arith.addi %add3A_146, %iota3A : vector<16xi32>
        %swap3A_148 = arith.index_cast %while3A_118 : i32 to index
        %swap3A_149 = tpu.vector_load %arg7[%swap3A_148] masked %ne3A_133 {strides = array<i32>} : memref<96xi32, #tpu.memory_space<vmem>>, vector<16xi32>, vector<16xi1>
        tpu.vector_store %arg7[%swap3A_148], %add3A_147 masked %ne3A_133 {strides = array<i32>} : memref<96xi32, #tpu.memory_space<vmem>>, vector<16xi32>, vector<16xi1>
        %all_reduce_population_count3A = tpu.all_reduce %ne3A_133 {dim = 0 : i64, kind = #tpu.reduction_kind<sum>} : vector<16xi1> -> vector<16xi32>
        %slice3A_150 = vector.extract_strided_slice %all_reduce_population_count3A {offsets = [0], sizes = [1], strides = [1]} : vector<16xi32> to vector<1xi32>
        %squeeze3A_151 = vector.extract %slice3A_150[0] : i32 from vector<1xi32>
        %add3A_152 = arith.addi %while3A_118, %squeeze3A_151 : i32
        %add3A_153 = arith.constant 16 : i32
        %add3A_154 = vector.broadcast %add3A_153 : i32 to vector<16xi32>
        %add3A_155 = arith.addi %add3A_147, %add3A_154 : vector<16xi32>
        %swap3A_156 = arith.index_cast %add3A_152 : i32 to index
        %swap3A_157 = tpu.vector_load %arg7[%swap3A_156] masked %ne3A_143 {strides = array<i32>} : memref<96xi32, #tpu.memory_space<vmem>>, vector<16xi32>, vector<16xi1>
        tpu.vector_store %arg7[%swap3A_156], %add3A_155 masked %ne3A_143 {strides = array<i32>} : memref<96xi32, #tpu.memory_space<vmem>>, vector<16xi32>, vector<16xi1>
        %all_reduce_population_count3A_158 = tpu.all_reduce %ne3A_143 {dim = 0 : i64, kind = #tpu.reduction_kind<sum>} : vector<16xi1> -> vector<16xi32>
        %slice3A_159 = vector.extract_strided_slice %all_reduce_population_count3A_158 {offsets = [0], sizes = [1], strides = [1]} : vector<16xi32> to vector<1xi32>
        %squeeze3A_160 = vector.extract %slice3A_159[0] : i32 from vector<1xi32>
        %add3A_161 = arith.addi %add3A_152, %squeeze3A_160 : i32
        %add3A_162 = arith.constant 1 : i32
        %add3A_163 = arith.addi %while3A_117, %add3A_162 : i32
        scf.yield %add3A_163, %add3A_161 : i32, i32
      }
      %min3A = arith.constant 32 : i32
      %min3A_92 = arith.minsi %while3A_91#1, %min3A : i32
      %get3A = arith.constant 0 : index
      %get3A_93 = tpu.vector_load %arg7[%get3A] {strides = array<i32>} : memref<96xi32, #tpu.memory_space<vmem>>, vector<16xi32>,
      %get3A_94 = arith.constant 16 : index
      %get3A_95 = tpu.vector_load %arg7[%get3A_94] {strides = array<i32>} : memref<96xi32, #tpu.memory_space<vmem>>, vector<16xi32>,
      %slice3A = vector.extract_strided_slice %get3A_93 {offsets = [0], sizes = [1], strides = [1]} : vector<16xi32> to vector<1xi32>
      %squeeze3A = vector.extract %slice3A[0] : i32 from vector<1xi32>
      %broadcast_in_dim3A_96 = vector.broadcast %squeeze3A : i32 to vector<16xi32>
      %lt3A_97 = vector.broadcast %min3A_92 : i32 to vector<16xi32>
      %lt3A_98 = arith.cmpi slt, %iota3A, %lt3A_97 : vector<16xi32>
      %select_n3A_99 = arith.select %lt3A_98, %get3A_93, %broadcast_in_dim3A_96 : vector<16xi1>, vector<16xi32>
      %mul3A_100 = arith.constant 32 : i32
      %mul3A_101 = arith.muli %scan3A_79, %mul3A_100 : i32
      %swap3A_102 = arith.index_cast %mul3A_101 : i32 to index
      %swap3A_103 = tpu.vector_load %arg8[%swap3A_102] {strides = array<i32>} : memref<2048xi32, #tpu.memory_space<vmem>>, vector<16xi32>,
      tpu.vector_store %arg8[%swap3A_102], %select_n3A_99 {strides = array<i32>} : memref<2048xi32, #tpu.memory_space<vmem>>, vector<16xi32>,
      %add3A_104 = arith.constant 16 : i32
      %add3A_105 = vector.broadcast %add3A_104 : i32 to vector<16xi32>
      %add3A_106 = arith.addi %iota3A, %add3A_105 : vector<16xi32>
      %lt3A_107 = vector.broadcast %min3A_92 : i32 to vector<16xi32>
      %lt3A_108 = arith.cmpi slt, %add3A_106, %lt3A_107 : vector<16xi32>
      %select_n3A_109 = arith.select %lt3A_108, %get3A_95, %broadcast_in_dim3A_96 : vector<16xi1>, vector<16xi32>
      %mul3A_110 = arith.constant 32 : i32
      %mul3A_111 = arith.muli %scan3A_79, %mul3A_110 : i32
      %add3A_112 = arith.constant 16 : i32
      %add3A_113 = arith.addi %mul3A_111, %add3A_112 : i32
      %swap3A_114 = arith.index_cast %add3A_113 : i32 to index
      %swap3A_115 = tpu.vector_load %arg8[%swap3A_114] {strides = array<i32>} : memref<2048xi32, #tpu.memory_space<vmem>>, vector<16xi32>,
      tpu.vector_store %arg8[%swap3A_114], %select_n3A_109 {strides = array<i32>} : memref<2048xi32, #tpu.memory_space<vmem>>, vector<16xi32>,
      %scan3A_116 = arith.constant 0 : i32
      scf.yield %scan3A_116 : i32
    }
    %scan3A_75 = arith.constant 64 : i32
    %mul3A_76 = arith.constant 32 : i32
    %mul3A_77 = arith.muli %add3A_68, %mul3A_76 : i32
    %run_scoped3A_78 = arith.constant 0 : i32
    "tpu.region"() ({
      %run_scoped3A_79 = tpu.sem_alloc : memref<!tpu.dma_semaphore, #tpu.memory_space<semaphore_mem>>
      %dma_start3A = tpu.memref_slice %arg3[%select_n3A, %run_scoped3A_78, %mul3A_77] : memref<4x1x65536xi32, #tpu.memory_space<hbm>> -> memref<1x1x2048xi32, #tpu.memory_space<hbm>>
      %dma_start3A_80 = tpu.memref_squeeze %dma_start3A : memref<1x1x2048xi32, #tpu.memory_space<hbm>> -> memref<2048xi32, #tpu.memory_space<hbm>>
      %dma_start3A_81 = tpu.memref_slice %arg3[%select_n3A, %run_scoped3A_78, %mul3A_77] : memref<4x1x65536xi32, #tpu.memory_space<hbm>> -> memref<1x1x2048xi32, #tpu.memory_space<hbm>>
      %dma_start3A_82 = tpu.memref_squeeze %dma_start3A_81 : memref<1x1x2048xi32, #tpu.memory_space<hbm>> -> memref<2048xi32, #tpu.memory_space<hbm>>
      tpu.enqueue_dma source(%arg8 : memref<2048xi32, #tpu.memory_space<vmem>>) target(%dma_start3A_82 : memref<2048xi32, #tpu.memory_space<hbm>>) target_semaphore(%run_scoped3A_79 : memref<!tpu.dma_semaphore, #tpu.memory_space<semaphore_mem>>)
      %dma_wait3A = tpu.memref_slice %arg3[%select_n3A, %run_scoped3A_78, %mul3A_77] : memref<4x1x65536xi32, #tpu.memory_space<hbm>> -> memref<1x1x2048xi32, #tpu.memory_space<hbm>>
      %dma_wait3A_83 = tpu.memref_squeeze %dma_wait3A : memref<1x1x2048xi32, #tpu.memory_space<hbm>> -> memref<2048xi32, #tpu.memory_space<hbm>>
      %dma_wait3A_84 = tpu.memref_slice %arg3[%select_n3A, %run_scoped3A_78, %mul3A_77] : memref<4x1x65536xi32, #tpu.memory_space<hbm>> -> memref<1x1x2048xi32, #tpu.memory_space<hbm>>
      %dma_wait3A_85 = tpu.memref_squeeze %dma_wait3A_84 : memref<1x1x2048xi32, #tpu.memory_space<hbm>> -> memref<2048xi32, #tpu.memory_space<hbm>>
      tpu.wait_dma2 semaphore(%run_scoped3A_79 : memref<!tpu.dma_semaphore, #tpu.memory_space<semaphore_mem>>) src(%arg8 : memref<2048xi32, #tpu.memory_space<vmem>>) dst(%dma_wait3A_85 : memref<2048xi32, #tpu.memory_space<hbm>>)
      tpu.yield
    }) : () -> ()
    return
  }
}

module attributes {stable_mosaic.version = 14 : i64} {
  func.func @_ball_pack_body(%arg0: i32, %arg1: i32, %arg2: memref<1x8192x3xf32, #tpu.memory_space<vmem>>, %arg3: memref<1x1x8192xf32, #tpu.memory_space<vmem>>, %arg4: memref<1x256x3xf32, #tpu.memory_space<vmem>>, %arg5: memref<512x16xf32, #tpu.memory_space<vmem>>, %arg6: memref<512x16xf32, #tpu.memory_space<vmem>>, %arg7: memref<1x1x256xf32, #tpu.memory_space<vmem>>, %arg8: memref<1x256x256xi32, #tpu.memory_space<vmem>>) attributes {dimension_semantics = [#tpu.dimension_semantics<arbitrary>, #tpu.dimension_semantics<arbitrary>], iteration_bounds = array<i64: 4, 8>, scalar_prefetch = 0 : i64, scratch_operands = 0 : i64, tpu.core_type = #tpu.core_type<tc>, window_params = [{transform_indices = @transform_0, window_bounds = array<i64: 1, 8192, 3>}, {transform_indices = @transform_1, window_bounds = array<i64: 1, 1, 8192>}, {transform_indices = @transform_2, window_bounds = array<i64: 1, 256, 3>}, {pipeline_mode = #tpu.pipeline_mode<synchronous>, transform_indices = @transform_3, window_bounds = array<i64: 512, 16>}, {pipeline_mode = #tpu.pipeline_mode<synchronous>, transform_indices = @transform_4, window_bounds = array<i64: 512, 16>}, {transform_indices = @transform_5, window_bounds = array<i64: 1, 1, 256>}, {transform_indices = @transform_6, window_bounds = array<i64: 1, 256, 256>}]} {
    %get3A = arith.constant 0 : index
    %get3A_0 = arith.constant 0 : index
    %get3A_1 = arith.constant 0 : index
    %get3A_2 = vector.load %arg4[%get3A, %get3A_0, %get3A_1] : memref<1x256x3xf32, #tpu.memory_space<vmem>>, vector<1x256x3xf32>
    %get3A_3 = vector.shape_cast %get3A_2 : vector<1x256x3xf32> to vector<256x3xf32>
    %mul3A = arith.mulf %get3A_3, %get3A_3 : vector<256x3xf32>
    %reduce_sum3A = arith.constant dense<0.000000e+00> : vector<256xf32>
    %reduce_sum3A_4 = vector.multi_reduction <add>, %mul3A, %reduce_sum3A [1] : vector<256x3xf32> to vector<256xf32>
    %broadcast_in_dim3A = vector.shape_cast %reduce_sum3A_4 : vector<256xf32> to vector<256x1xf32>
    %get3A_5 = arith.constant 0 : index
    %get3A_6 = arith.constant 0 : index
    %get3A_7 = vector.load %arg5[%get3A_5, %get3A_6] : memref<512x16xf32, #tpu.memory_space<vmem>>, vector<512x16xf32>
    %get3A_8 = arith.constant 0 : index
    %get3A_9 = arith.constant 0 : index
    %get3A_10 = vector.load %arg6[%get3A_8, %get3A_9] : memref<512x16xf32, #tpu.memory_space<vmem>>, vector<512x16xf32>
    %broadcast_in_dim3A_11 = arith.constant 1.000000e+00 : f32
    %broadcast_in_dim3A_12 = vector.broadcast %broadcast_in_dim3A_11 : f32 to vector<512x1xf32>
    %broadcast_in_dim3A_13 = arith.constant 0.000000e+00 : f32
    %broadcast_in_dim3A_14 = vector.broadcast %broadcast_in_dim3A_13 : f32 to vector<256x1xf32>
    %get3A_15 = arith.constant 0 : index
    %get3A_16 = arith.constant 0 : index
    %get3A_17 = arith.constant 0 : index
    %get3A_18 = vector.load %arg2[%get3A_15, %get3A_16, %get3A_17] : memref<1x8192x3xf32, #tpu.memory_space<vmem>>, vector<1x512x3xf32>
    %get3A_19 = vector.shape_cast %get3A_18 : vector<1x512x3xf32> to vector<512x3xf32>
    %get3A_20 = arith.constant 0 : index
    %get3A_21 = arith.constant 0 : index
    %get3A_22 = arith.constant 0 : index
    %get3A_23 = vector.load %arg3[%get3A_20, %get3A_21, %get3A_22] : memref<1x1x8192xf32, #tpu.memory_space<vmem>>, vector<1x1x512xf32>
    %get3A_24 = vector.shape_cast %get3A_23 : vector<1x1x512xf32> to vector<1x512xf32>
    %transpose3A = tpu.transpose %get3A_19, [1, 0] : vector<512x3xf32> -> vector<3x512xf32>
    %dot_general3A = arith.constant dense<0.000000e+00> : vector<256x512xf32>
    %dot_general3A_25 = tpu.matmul %get3A_3, %transpose3A, %dot_general3A {dimension_numbers = #tpu.dot_dimension_numbers<[1], [0], [0], [1], [0, 0, 1, 1], [], []>, transpose_lhs_hint = false} : vector<256x3xf32>, vector<3x512xf32>, vector<256x512xf32> -> vector<256x512xf32>
    %add3A = vector.broadcast %broadcast_in_dim3A : vector<256x1xf32> to vector<256x512xf32>
    %add3A_26 = vector.broadcast %get3A_24 : vector<1x512xf32> to vector<256x512xf32>
    %add3A_27 = arith.addf %add3A, %add3A_26 : vector<256x512xf32>
    %mul3A_28 = arith.constant 2.000000e+00 : f32
    %mul3A_29 = vector.broadcast %mul3A_28 : f32 to vector<256x512xf32>
    %mul3A_30 = arith.mulf %mul3A_29, %dot_general3A_25 : vector<256x512xf32>
    %sub3A = arith.subf %add3A_27, %mul3A_30 : vector<256x512xf32>
    %lt3A = arith.constant 1.440000e-02 : f32
    %lt3A_31 = vector.broadcast %lt3A : f32 to vector<256x512xf32>
    %lt3A_32 = arith.cmpf olt, %sub3A, %lt3A_31 : vector<256x512xf32>
    %convert_element_type3A = arith.extui %lt3A_32 : vector<256x512xi1> to vector<256x512xi32>
    %convert_element_type3A_33 = arith.sitofp %convert_element_type3A : vector<256x512xi32> to vector<256x512xf32>
    %dot_general3A_34 = arith.constant dense<0.000000e+00> : vector<256x16xf32>
    %dot_general3A_35 = tpu.matmul %convert_element_type3A_33, %get3A_7, %dot_general3A_34 {dimension_numbers = #tpu.dot_dimension_numbers<[1], [0], [0], [1], [0, 0, 1, 1], [], []>, transpose_lhs_hint = false} : vector<256x512xf32>, vector<512x16xf32>, vector<256x16xf32> -> vector<256x16xf32>
    %dot_general3A_36 = arith.constant dense<0.000000e+00> : vector<256x16xf32>
    %dot_general3A_37 = tpu.matmul %convert_element_type3A_33, %get3A_10, %dot_general3A_36 {dimension_numbers = #tpu.dot_dimension_numbers<[1], [0], [0], [1], [0, 0, 1, 1], [], []>, transpose_lhs_hint = false} : vector<256x512xf32>, vector<512x16xf32>, vector<256x16xf32> -> vector<256x16xf32>
    %convert_element_type3A_38 = arith.fptosi %dot_general3A_35 : vector<256x16xf32> to vector<256x16xi32>
    %convert_element_type3A_39 = arith.fptosi %dot_general3A_37 : vector<256x16xf32> to vector<256x16xi32>
    %shift_left3A = arith.constant 16 : i32
    %shift_left3A_40 = vector.broadcast %shift_left3A : i32 to vector<256x16xi32>
    %shift_left3A_41 = arith.shli %convert_element_type3A_39, %shift_left3A_40 : vector<256x16xi32>
    %or3A = arith.ori %convert_element_type3A_38, %shift_left3A_41 : vector<256x16xi32>
    %dot_general3A_42 = arith.constant dense<0.000000e+00> : vector<256x1xf32>
    %dot_general3A_43 = tpu.matmul %convert_element_type3A_33, %broadcast_in_dim3A_12, %dot_general3A_42 {dimension_numbers = #tpu.dot_dimension_numbers<[1], [0], [0], [1], [0, 0, 1, 1], [], []>, transpose_lhs_hint = false} : vector<256x512xf32>, vector<512x1xf32>, vector<256x1xf32> -> vector<256x1xf32>
    %add3A_44 = arith.addf %broadcast_in_dim3A_14, %dot_general3A_43 : vector<256x1xf32>
    %get3A_45 = arith.constant 0 : index
    %get3A_46 = arith.constant 512 : index
    %get3A_47 = arith.constant 0 : index
    %get3A_48 = vector.load %arg2[%get3A_45, %get3A_46, %get3A_47] : memref<1x8192x3xf32, #tpu.memory_space<vmem>>, vector<1x512x3xf32>
    %get3A_49 = vector.shape_cast %get3A_48 : vector<1x512x3xf32> to vector<512x3xf32>
    %get3A_50 = arith.constant 0 : index
    %get3A_51 = arith.constant 0 : index
    %get3A_52 = arith.constant 512 : index
    %get3A_53 = vector.load %arg3[%get3A_50, %get3A_51, %get3A_52] : memref<1x1x8192xf32, #tpu.memory_space<vmem>>, vector<1x1x512xf32>
    %get3A_54 = vector.shape_cast %get3A_53 : vector<1x1x512xf32> to vector<1x512xf32>
    %transpose3A_55 = tpu.transpose %get3A_49, [1, 0] : vector<512x3xf32> -> vector<3x512xf32>
    %dot_general3A_56 = arith.constant dense<0.000000e+00> : vector<256x512xf32>
    %dot_general3A_57 = tpu.matmul %get3A_3, %transpose3A_55, %dot_general3A_56 {dimension_numbers = #tpu.dot_dimension_numbers<[1], [0], [0], [1], [0, 0, 1, 1], [], []>, transpose_lhs_hint = false} : vector<256x3xf32>, vector<3x512xf32>, vector<256x512xf32> -> vector<256x512xf32>
    %add3A_58 = vector.broadcast %broadcast_in_dim3A : vector<256x1xf32> to vector<256x512xf32>
    %add3A_59 = vector.broadcast %get3A_54 : vector<1x512xf32> to vector<256x512xf32>
    %add3A_60 = arith.addf %add3A_58, %add3A_59 : vector<256x512xf32>
    %mul3A_61 = arith.constant 2.000000e+00 : f32
    %mul3A_62 = vector.broadcast %mul3A_61 : f32 to vector<256x512xf32>
    %mul3A_63 = arith.mulf %mul3A_62, %dot_general3A_57 : vector<256x512xf32>
    %sub3A_64 = arith.subf %add3A_60, %mul3A_63 : vector<256x512xf32>
    %lt3A_65 = arith.constant 1.440000e-02 : f32
    %lt3A_66 = vector.broadcast %lt3A_65 : f32 to vector<256x512xf32>
    %lt3A_67 = arith.cmpf olt, %sub3A_64, %lt3A_66 : vector<256x512xf32>
    %convert_element_type3A_68 = arith.extui %lt3A_67 : vector<256x512xi1> to vector<256x512xi32>
    %convert_element_type3A_69 = arith.sitofp %convert_element_type3A_68 : vector<256x512xi32> to vector<256x512xf32>
    %dot_general3A_70 = arith.constant dense<0.000000e+00> : vector<256x16xf32>
    %dot_general3A_71 = tpu.matmul %convert_element_type3A_69, %get3A_7, %dot_general3A_70 {dimension_numbers = #tpu.dot_dimension_numbers<[1], [0], [0], [1], [0, 0, 1, 1], [], []>, transpose_lhs_hint = false} : vector<256x512xf32>, vector<512x16xf32>, vector<256x16xf32> -> vector<256x16xf32>
    %dot_general3A_72 = arith.constant dense<0.000000e+00> : vector<256x16xf32>
    %dot_general3A_73 = tpu.matmul %convert_element_type3A_69, %get3A_10, %dot_general3A_72 {dimension_numbers = #tpu.dot_dimension_numbers<[1], [0], [0], [1], [0, 0, 1, 1], [], []>, transpose_lhs_hint = false} : vector<256x512xf32>, vector<512x16xf32>, vector<256x16xf32> -> vector<256x16xf32>
    %convert_element_type3A_74 = arith.fptosi %dot_general3A_71 : vector<256x16xf32> to vector<256x16xi32>
    %convert_element_type3A_75 = arith.fptosi %dot_general3A_73 : vector<256x16xf32> to vector<256x16xi32>
    %shift_left3A_76 = arith.constant 16 : i32
    %shift_left3A_77 = vector.broadcast %shift_left3A_76 : i32 to vector<256x16xi32>
    %shift_left3A_78 = arith.shli %convert_element_type3A_75, %shift_left3A_77 : vector<256x16xi32>
    %or3A_79 = arith.ori %convert_element_type3A_74, %shift_left3A_78 : vector<256x16xi32>
    %dot_general3A_80 = arith.constant dense<0.000000e+00> : vector<256x1xf32>
    %dot_general3A_81 = tpu.matmul %convert_element_type3A_69, %broadcast_in_dim3A_12, %dot_general3A_80 {dimension_numbers = #tpu.dot_dimension_numbers<[1], [0], [0], [1], [0, 0, 1, 1], [], []>, transpose_lhs_hint = false} : vector<256x512xf32>, vector<512x1xf32>, vector<256x1xf32> -> vector<256x1xf32>
    %add3A_82 = arith.addf %add3A_44, %dot_general3A_81 : vector<256x1xf32>
    %get3A_83 = arith.constant 0 : index
    %get3A_84 = arith.constant 1024 : index
    %get3A_85 = arith.constant 0 : index
    %get3A_86 = vector.load %arg2[%get3A_83, %get3A_84, %get3A_85] : memref<1x8192x3xf32, #tpu.memory_space<vmem>>, vector<1x512x3xf32>
    %get3A_87 = vector.shape_cast %get3A_86 : vector<1x512x3xf32> to vector<512x3xf32>
    %get3A_88 = arith.constant 0 : index
    %get3A_89 = arith.constant 0 : index
    %get3A_90 = arith.constant 1024 : index
    %get3A_91 = vector.load %arg3[%get3A_88, %get3A_89, %get3A_90] : memref<1x1x8192xf32, #tpu.memory_space<vmem>>, vector<1x1x512xf32>
    %get3A_92 = vector.shape_cast %get3A_91 : vector<1x1x512xf32> to vector<1x512xf32>
    %transpose3A_93 = tpu.transpose %get3A_87, [1, 0] : vector<512x3xf32> -> vector<3x512xf32>
    %dot_general3A_94 = arith.constant dense<0.000000e+00> : vector<256x512xf32>
    %dot_general3A_95 = tpu.matmul %get3A_3, %transpose3A_93, %dot_general3A_94 {dimension_numbers = #tpu.dot_dimension_numbers<[1], [0], [0], [1], [0, 0, 1, 1], [], []>, transpose_lhs_hint = false} : vector<256x3xf32>, vector<3x512xf32>, vector<256x512xf32> -> vector<256x512xf32>
    %add3A_96 = vector.broadcast %broadcast_in_dim3A : vector<256x1xf32> to vector<256x512xf32>
    %add3A_97 = vector.broadcast %get3A_92 : vector<1x512xf32> to vector<256x512xf32>
    %add3A_98 = arith.addf %add3A_96, %add3A_97 : vector<256x512xf32>
    %mul3A_99 = arith.constant 2.000000e+00 : f32
    %mul3A_100 = vector.broadcast %mul3A_99 : f32 to vector<256x512xf32>
    %mul3A_101 = arith.mulf %mul3A_100, %dot_general3A_95 : vector<256x512xf32>
    %sub3A_102 = arith.subf %add3A_98, %mul3A_101 : vector<256x512xf32>
    %lt3A_103 = arith.constant 1.440000e-02 : f32
    %lt3A_104 = vector.broadcast %lt3A_103 : f32 to vector<256x512xf32>
    %lt3A_105 = arith.cmpf olt, %sub3A_102, %lt3A_104 : vector<256x512xf32>
    %convert_element_type3A_106 = arith.extui %lt3A_105 : vector<256x512xi1> to vector<256x512xi32>
    %convert_element_type3A_107 = arith.sitofp %convert_element_type3A_106 : vector<256x512xi32> to vector<256x512xf32>
    %dot_general3A_108 = arith.constant dense<0.000000e+00> : vector<256x16xf32>
    %dot_general3A_109 = tpu.matmul %convert_element_type3A_107, %get3A_7, %dot_general3A_108 {dimension_numbers = #tpu.dot_dimension_numbers<[1], [0], [0], [1], [0, 0, 1, 1], [], []>, transpose_lhs_hint = false} : vector<256x512xf32>, vector<512x16xf32>, vector<256x16xf32> -> vector<256x16xf32>
    %dot_general3A_110 = arith.constant dense<0.000000e+00> : vector<256x16xf32>
    %dot_general3A_111 = tpu.matmul %convert_element_type3A_107, %get3A_10, %dot_general3A_110 {dimension_numbers = #tpu.dot_dimension_numbers<[1], [0], [0], [1], [0, 0, 1, 1], [], []>, transpose_lhs_hint = false} : vector<256x512xf32>, vector<512x16xf32>, vector<256x16xf32> -> vector<256x16xf32>
    %convert_element_type3A_112 = arith.fptosi %dot_general3A_109 : vector<256x16xf32> to vector<256x16xi32>
    %convert_element_type3A_113 = arith.fptosi %dot_general3A_111 : vector<256x16xf32> to vector<256x16xi32>
    %shift_left3A_114 = arith.constant 16 : i32
    %shift_left3A_115 = vector.broadcast %shift_left3A_114 : i32 to vector<256x16xi32>
    %shift_left3A_116 = arith.shli %convert_element_type3A_113, %shift_left3A_115 : vector<256x16xi32>
    %or3A_117 = arith.ori %convert_element_type3A_112, %shift_left3A_116 : vector<256x16xi32>
    %dot_general3A_118 = arith.constant dense<0.000000e+00> : vector<256x1xf32>
    %dot_general3A_119 = tpu.matmul %convert_element_type3A_107, %broadcast_in_dim3A_12, %dot_general3A_118 {dimension_numbers = #tpu.dot_dimension_numbers<[1], [0], [0], [1], [0, 0, 1, 1], [], []>, transpose_lhs_hint = false} : vector<256x512xf32>, vector<512x1xf32>, vector<256x1xf32> -> vector<256x1xf32>
    %add3A_120 = arith.addf %add3A_82, %dot_general3A_119 : vector<256x1xf32>
    %get3A_121 = arith.constant 0 : index
    %get3A_122 = arith.constant 1536 : index
    %get3A_123 = arith.constant 0 : index
    %get3A_124 = vector.load %arg2[%get3A_121, %get3A_122, %get3A_123] : memref<1x8192x3xf32, #tpu.memory_space<vmem>>, vector<1x512x3xf32>
    %get3A_125 = vector.shape_cast %get3A_124 : vector<1x512x3xf32> to vector<512x3xf32>
    %get3A_126 = arith.constant 0 : index
    %get3A_127 = arith.constant 0 : index
    %get3A_128 = arith.constant 1536 : index
    %get3A_129 = vector.load %arg3[%get3A_126, %get3A_127, %get3A_128] : memref<1x1x8192xf32, #tpu.memory_space<vmem>>, vector<1x1x512xf32>
    %get3A_130 = vector.shape_cast %get3A_129 : vector<1x1x512xf32> to vector<1x512xf32>
    %transpose3A_131 = tpu.transpose %get3A_125, [1, 0] : vector<512x3xf32> -> vector<3x512xf32>
    %dot_general3A_132 = arith.constant dense<0.000000e+00> : vector<256x512xf32>
    %dot_general3A_133 = tpu.matmul %get3A_3, %transpose3A_131, %dot_general3A_132 {dimension_numbers = #tpu.dot_dimension_numbers<[1], [0], [0], [1], [0, 0, 1, 1], [], []>, transpose_lhs_hint = false} : vector<256x3xf32>, vector<3x512xf32>, vector<256x512xf32> -> vector<256x512xf32>
    %add3A_134 = vector.broadcast %broadcast_in_dim3A : vector<256x1xf32> to vector<256x512xf32>
    %add3A_135 = vector.broadcast %get3A_130 : vector<1x512xf32> to vector<256x512xf32>
    %add3A_136 = arith.addf %add3A_134, %add3A_135 : vector<256x512xf32>
    %mul3A_137 = arith.constant 2.000000e+00 : f32
    %mul3A_138 = vector.broadcast %mul3A_137 : f32 to vector<256x512xf32>
    %mul3A_139 = arith.mulf %mul3A_138, %dot_general3A_133 : vector<256x512xf32>
    %sub3A_140 = arith.subf %add3A_136, %mul3A_139 : vector<256x512xf32>
    %lt3A_141 = arith.constant 1.440000e-02 : f32
    %lt3A_142 = vector.broadcast %lt3A_141 : f32 to vector<256x512xf32>
    %lt3A_143 = arith.cmpf olt, %sub3A_140, %lt3A_142 : vector<256x512xf32>
    %convert_element_type3A_144 = arith.extui %lt3A_143 : vector<256x512xi1> to vector<256x512xi32>
    %convert_element_type3A_145 = arith.sitofp %convert_element_type3A_144 : vector<256x512xi32> to vector<256x512xf32>
    %dot_general3A_146 = arith.constant dense<0.000000e+00> : vector<256x16xf32>
    %dot_general3A_147 = tpu.matmul %convert_element_type3A_145, %get3A_7, %dot_general3A_146 {dimension_numbers = #tpu.dot_dimension_numbers<[1], [0], [0], [1], [0, 0, 1, 1], [], []>, transpose_lhs_hint = false} : vector<256x512xf32>, vector<512x16xf32>, vector<256x16xf32> -> vector<256x16xf32>
    %dot_general3A_148 = arith.constant dense<0.000000e+00> : vector<256x16xf32>
    %dot_general3A_149 = tpu.matmul %convert_element_type3A_145, %get3A_10, %dot_general3A_148 {dimension_numbers = #tpu.dot_dimension_numbers<[1], [0], [0], [1], [0, 0, 1, 1], [], []>, transpose_lhs_hint = false} : vector<256x512xf32>, vector<512x16xf32>, vector<256x16xf32> -> vector<256x16xf32>
    %convert_element_type3A_150 = arith.fptosi %dot_general3A_147 : vector<256x16xf32> to vector<256x16xi32>
    %convert_element_type3A_151 = arith.fptosi %dot_general3A_149 : vector<256x16xf32> to vector<256x16xi32>
    %shift_left3A_152 = arith.constant 16 : i32
    %shift_left3A_153 = vector.broadcast %shift_left3A_152 : i32 to vector<256x16xi32>
    %shift_left3A_154 = arith.shli %convert_element_type3A_151, %shift_left3A_153 : vector<256x16xi32>
    %or3A_155 = arith.ori %convert_element_type3A_150, %shift_left3A_154 : vector<256x16xi32>
    %dot_general3A_156 = arith.constant dense<0.000000e+00> : vector<256x1xf32>
    %dot_general3A_157 = tpu.matmul %convert_element_type3A_145, %broadcast_in_dim3A_12, %dot_general3A_156 {dimension_numbers = #tpu.dot_dimension_numbers<[1], [0], [0], [1], [0, 0, 1, 1], [], []>, transpose_lhs_hint = false} : vector<256x512xf32>, vector<512x1xf32>, vector<256x1xf32> -> vector<256x1xf32>
    %add3A_158 = arith.addf %add3A_120, %dot_general3A_157 : vector<256x1xf32>
    %get3A_159 = arith.constant 0 : index
    %get3A_160 = arith.constant 2048 : index
    %get3A_161 = arith.constant 0 : index
    %get3A_162 = vector.load %arg2[%get3A_159, %get3A_160, %get3A_161] : memref<1x8192x3xf32, #tpu.memory_space<vmem>>, vector<1x512x3xf32>
    %get3A_163 = vector.shape_cast %get3A_162 : vector<1x512x3xf32> to vector<512x3xf32>
    %get3A_164 = arith.constant 0 : index
    %get3A_165 = arith.constant 0 : index
    %get3A_166 = arith.constant 2048 : index
    %get3A_167 = vector.load %arg3[%get3A_164, %get3A_165, %get3A_166] : memref<1x1x8192xf32, #tpu.memory_space<vmem>>, vector<1x1x512xf32>
    %get3A_168 = vector.shape_cast %get3A_167 : vector<1x1x512xf32> to vector<1x512xf32>
    %transpose3A_169 = tpu.transpose %get3A_163, [1, 0] : vector<512x3xf32> -> vector<3x512xf32>
    %dot_general3A_170 = arith.constant dense<0.000000e+00> : vector<256x512xf32>
    %dot_general3A_171 = tpu.matmul %get3A_3, %transpose3A_169, %dot_general3A_170 {dimension_numbers = #tpu.dot_dimension_numbers<[1], [0], [0], [1], [0, 0, 1, 1], [], []>, transpose_lhs_hint = false} : vector<256x3xf32>, vector<3x512xf32>, vector<256x512xf32> -> vector<256x512xf32>
    %add3A_172 = vector.broadcast %broadcast_in_dim3A : vector<256x1xf32> to vector<256x512xf32>
    %add3A_173 = vector.broadcast %get3A_168 : vector<1x512xf32> to vector<256x512xf32>
    %add3A_174 = arith.addf %add3A_172, %add3A_173 : vector<256x512xf32>
    %mul3A_175 = arith.constant 2.000000e+00 : f32
    %mul3A_176 = vector.broadcast %mul3A_175 : f32 to vector<256x512xf32>
    %mul3A_177 = arith.mulf %mul3A_176, %dot_general3A_171 : vector<256x512xf32>
    %sub3A_178 = arith.subf %add3A_174, %mul3A_177 : vector<256x512xf32>
    %lt3A_179 = arith.constant 1.440000e-02 : f32
    %lt3A_180 = vector.broadcast %lt3A_179 : f32 to vector<256x512xf32>
    %lt3A_181 = arith.cmpf olt, %sub3A_178, %lt3A_180 : vector<256x512xf32>
    %convert_element_type3A_182 = arith.extui %lt3A_181 : vector<256x512xi1> to vector<256x512xi32>
    %convert_element_type3A_183 = arith.sitofp %convert_element_type3A_182 : vector<256x512xi32> to vector<256x512xf32>
    %dot_general3A_184 = arith.constant dense<0.000000e+00> : vector<256x16xf32>
    %dot_general3A_185 = tpu.matmul %convert_element_type3A_183, %get3A_7, %dot_general3A_184 {dimension_numbers = #tpu.dot_dimension_numbers<[1], [0], [0], [1], [0, 0, 1, 1], [], []>, transpose_lhs_hint = false} : vector<256x512xf32>, vector<512x16xf32>, vector<256x16xf32> -> vector<256x16xf32>
    %dot_general3A_186 = arith.constant dense<0.000000e+00> : vector<256x16xf32>
    %dot_general3A_187 = tpu.matmul %convert_element_type3A_183, %get3A_10, %dot_general3A_186 {dimension_numbers = #tpu.dot_dimension_numbers<[1], [0], [0], [1], [0, 0, 1, 1], [], []>, transpose_lhs_hint = false} : vector<256x512xf32>, vector<512x16xf32>, vector<256x16xf32> -> vector<256x16xf32>
    %convert_element_type3A_188 = arith.fptosi %dot_general3A_185 : vector<256x16xf32> to vector<256x16xi32>
    %convert_element_type3A_189 = arith.fptosi %dot_general3A_187 : vector<256x16xf32> to vector<256x16xi32>
    %shift_left3A_190 = arith.constant 16 : i32
    %shift_left3A_191 = vector.broadcast %shift_left3A_190 : i32 to vector<256x16xi32>
    %shift_left3A_192 = arith.shli %convert_element_type3A_189, %shift_left3A_191 : vector<256x16xi32>
    %or3A_193 = arith.ori %convert_element_type3A_188, %shift_left3A_192 : vector<256x16xi32>
    %dot_general3A_194 = arith.constant dense<0.000000e+00> : vector<256x1xf32>
    %dot_general3A_195 = tpu.matmul %convert_element_type3A_183, %broadcast_in_dim3A_12, %dot_general3A_194 {dimension_numbers = #tpu.dot_dimension_numbers<[1], [0], [0], [1], [0, 0, 1, 1], [], []>, transpose_lhs_hint = false} : vector<256x512xf32>, vector<512x1xf32>, vector<256x1xf32> -> vector<256x1xf32>
    %add3A_196 = arith.addf %add3A_158, %dot_general3A_195 : vector<256x1xf32>
    %get3A_197 = arith.constant 0 : index
    %get3A_198 = arith.constant 2560 : index
    %get3A_199 = arith.constant 0 : index
    %get3A_200 = vector.load %arg2[%get3A_197, %get3A_198, %get3A_199] : memref<1x8192x3xf32, #tpu.memory_space<vmem>>, vector<1x512x3xf32>
    %get3A_201 = vector.shape_cast %get3A_200 : vector<1x512x3xf32> to vector<512x3xf32>
    %get3A_202 = arith.constant 0 : index
    %get3A_203 = arith.constant 0 : index
    %get3A_204 = arith.constant 2560 : index
    %get3A_205 = vector.load %arg3[%get3A_202, %get3A_203, %get3A_204] : memref<1x1x8192xf32, #tpu.memory_space<vmem>>, vector<1x1x512xf32>
    %get3A_206 = vector.shape_cast %get3A_205 : vector<1x1x512xf32> to vector<1x512xf32>
    %transpose3A_207 = tpu.transpose %get3A_201, [1, 0] : vector<512x3xf32> -> vector<3x512xf32>
    %dot_general3A_208 = arith.constant dense<0.000000e+00> : vector<256x512xf32>
    %dot_general3A_209 = tpu.matmul %get3A_3, %transpose3A_207, %dot_general3A_208 {dimension_numbers = #tpu.dot_dimension_numbers<[1], [0], [0], [1], [0, 0, 1, 1], [], []>, transpose_lhs_hint = false} : vector<256x3xf32>, vector<3x512xf32>, vector<256x512xf32> -> vector<256x512xf32>
    %add3A_210 = vector.broadcast %broadcast_in_dim3A : vector<256x1xf32> to vector<256x512xf32>
    %add3A_211 = vector.broadcast %get3A_206 : vector<1x512xf32> to vector<256x512xf32>
    %add3A_212 = arith.addf %add3A_210, %add3A_211 : vector<256x512xf32>
    %mul3A_213 = arith.constant 2.000000e+00 : f32
    %mul3A_214 = vector.broadcast %mul3A_213 : f32 to vector<256x512xf32>
    %mul3A_215 = arith.mulf %mul3A_214, %dot_general3A_209 : vector<256x512xf32>
    %sub3A_216 = arith.subf %add3A_212, %mul3A_215 : vector<256x512xf32>
    %lt3A_217 = arith.constant 1.440000e-02 : f32
    %lt3A_218 = vector.broadcast %lt3A_217 : f32 to vector<256x512xf32>
    %lt3A_219 = arith.cmpf olt, %sub3A_216, %lt3A_218 : vector<256x512xf32>
    %convert_element_type3A_220 = arith.extui %lt3A_219 : vector<256x512xi1> to vector<256x512xi32>
    %convert_element_type3A_221 = arith.sitofp %convert_element_type3A_220 : vector<256x512xi32> to vector<256x512xf32>
    %dot_general3A_222 = arith.constant dense<0.000000e+00> : vector<256x16xf32>
    %dot_general3A_223 = tpu.matmul %convert_element_type3A_221, %get3A_7, %dot_general3A_222 {dimension_numbers = #tpu.dot_dimension_numbers<[1], [0], [0], [1], [0, 0, 1, 1], [], []>, transpose_lhs_hint = false} : vector<256x512xf32>, vector<512x16xf32>, vector<256x16xf32> -> vector<256x16xf32>
    %dot_general3A_224 = arith.constant dense<0.000000e+00> : vector<256x16xf32>
    %dot_general3A_225 = tpu.matmul %convert_element_type3A_221, %get3A_10, %dot_general3A_224 {dimension_numbers = #tpu.dot_dimension_numbers<[1], [0], [0], [1], [0, 0, 1, 1], [], []>, transpose_lhs_hint = false} : vector<256x512xf32>, vector<512x16xf32>, vector<256x16xf32> -> vector<256x16xf32>
    %convert_element_type3A_226 = arith.fptosi %dot_general3A_223 : vector<256x16xf32> to vector<256x16xi32>
    %convert_element_type3A_227 = arith.fptosi %dot_general3A_225 : vector<256x16xf32> to vector<256x16xi32>
    %shift_left3A_228 = arith.constant 16 : i32
    %shift_left3A_229 = vector.broadcast %shift_left3A_228 : i32 to vector<256x16xi32>
    %shift_left3A_230 = arith.shli %convert_element_type3A_227, %shift_left3A_229 : vector<256x16xi32>
    %or3A_231 = arith.ori %convert_element_type3A_226, %shift_left3A_230 : vector<256x16xi32>
    %dot_general3A_232 = arith.constant dense<0.000000e+00> : vector<256x1xf32>
    %dot_general3A_233 = tpu.matmul %convert_element_type3A_221, %broadcast_in_dim3A_12, %dot_general3A_232 {dimension_numbers = #tpu.dot_dimension_numbers<[1], [0], [0], [1], [0, 0, 1, 1], [], []>, transpose_lhs_hint = false} : vector<256x512xf32>, vector<512x1xf32>, vector<256x1xf32> -> vector<256x1xf32>
    %add3A_234 = arith.addf %add3A_196, %dot_general3A_233 : vector<256x1xf32>
    %get3A_235 = arith.constant 0 : index
    %get3A_236 = arith.constant 3072 : index
    %get3A_237 = arith.constant 0 : index
    %get3A_238 = vector.load %arg2[%get3A_235, %get3A_236, %get3A_237] : memref<1x8192x3xf32, #tpu.memory_space<vmem>>, vector<1x512x3xf32>
    %get3A_239 = vector.shape_cast %get3A_238 : vector<1x512x3xf32> to vector<512x3xf32>
    %get3A_240 = arith.constant 0 : index
    %get3A_241 = arith.constant 0 : index
    %get3A_242 = arith.constant 3072 : index
    %get3A_243 = vector.load %arg3[%get3A_240, %get3A_241, %get3A_242] : memref<1x1x8192xf32, #tpu.memory_space<vmem>>, vector<1x1x512xf32>
    %get3A_244 = vector.shape_cast %get3A_243 : vector<1x1x512xf32> to vector<1x512xf32>
    %transpose3A_245 = tpu.transpose %get3A_239, [1, 0] : vector<512x3xf32> -> vector<3x512xf32>
    %dot_general3A_246 = arith.constant dense<0.000000e+00> : vector<256x512xf32>
    %dot_general3A_247 = tpu.matmul %get3A_3, %transpose3A_245, %dot_general3A_246 {dimension_numbers = #tpu.dot_dimension_numbers<[1], [0], [0], [1], [0, 0, 1, 1], [], []>, transpose_lhs_hint = false} : vector<256x3xf32>, vector<3x512xf32>, vector<256x512xf32> -> vector<256x512xf32>
    %add3A_248 = vector.broadcast %broadcast_in_dim3A : vector<256x1xf32> to vector<256x512xf32>
    %add3A_249 = vector.broadcast %get3A_244 : vector<1x512xf32> to vector<256x512xf32>
    %add3A_250 = arith.addf %add3A_248, %add3A_249 : vector<256x512xf32>
    %mul3A_251 = arith.constant 2.000000e+00 : f32
    %mul3A_252 = vector.broadcast %mul3A_251 : f32 to vector<256x512xf32>
    %mul3A_253 = arith.mulf %mul3A_252, %dot_general3A_247 : vector<256x512xf32>
    %sub3A_254 = arith.subf %add3A_250, %mul3A_253 : vector<256x512xf32>
    %lt3A_255 = arith.constant 1.440000e-02 : f32
    %lt3A_256 = vector.broadcast %lt3A_255 : f32 to vector<256x512xf32>
    %lt3A_257 = arith.cmpf olt, %sub3A_254, %lt3A_256 : vector<256x512xf32>
    %convert_element_type3A_258 = arith.extui %lt3A_257 : vector<256x512xi1> to vector<256x512xi32>
    %convert_element_type3A_259 = arith.sitofp %convert_element_type3A_258 : vector<256x512xi32> to vector<256x512xf32>
    %dot_general3A_260 = arith.constant dense<0.000000e+00> : vector<256x16xf32>
    %dot_general3A_261 = tpu.matmul %convert_element_type3A_259, %get3A_7, %dot_general3A_260 {dimension_numbers = #tpu.dot_dimension_numbers<[1], [0], [0], [1], [0, 0, 1, 1], [], []>, transpose_lhs_hint = false} : vector<256x512xf32>, vector<512x16xf32>, vector<256x16xf32> -> vector<256x16xf32>
    %dot_general3A_262 = arith.constant dense<0.000000e+00> : vector<256x16xf32>
    %dot_general3A_263 = tpu.matmul %convert_element_type3A_259, %get3A_10, %dot_general3A_262 {dimension_numbers = #tpu.dot_dimension_numbers<[1], [0], [0], [1], [0, 0, 1, 1], [], []>, transpose_lhs_hint = false} : vector<256x512xf32>, vector<512x16xf32>, vector<256x16xf32> -> vector<256x16xf32>
    %convert_element_type3A_264 = arith.fptosi %dot_general3A_261 : vector<256x16xf32> to vector<256x16xi32>
    %convert_element_type3A_265 = arith.fptosi %dot_general3A_263 : vector<256x16xf32> to vector<256x16xi32>
    %shift_left3A_266 = arith.constant 16 : i32
    %shift_left3A_267 = vector.broadcast %shift_left3A_266 : i32 to vector<256x16xi32>
    %shift_left3A_268 = arith.shli %convert_element_type3A_265, %shift_left3A_267 : vector<256x16xi32>
    %or3A_269 = arith.ori %convert_element_type3A_264, %shift_left3A_268 : vector<256x16xi32>
    %dot_general3A_270 = arith.constant dense<0.000000e+00> : vector<256x1xf32>
    %dot_general3A_271 = tpu.matmul %convert_element_type3A_259, %broadcast_in_dim3A_12, %dot_general3A_270 {dimension_numbers = #tpu.dot_dimension_numbers<[1], [0], [0], [1], [0, 0, 1, 1], [], []>, transpose_lhs_hint = false} : vector<256x512xf32>, vector<512x1xf32>, vector<256x1xf32> -> vector<256x1xf32>
    %add3A_272 = arith.addf %add3A_234, %dot_general3A_271 : vector<256x1xf32>
    %get3A_273 = arith.constant 0 : index
    %get3A_274 = arith.constant 3584 : index
    %get3A_275 = arith.constant 0 : index
    %get3A_276 = vector.load %arg2[%get3A_273, %get3A_274, %get3A_275] : memref<1x8192x3xf32, #tpu.memory_space<vmem>>, vector<1x512x3xf32>
    %get3A_277 = vector.shape_cast %get3A_276 : vector<1x512x3xf32> to vector<512x3xf32>
    %get3A_278 = arith.constant 0 : index
    %get3A_279 = arith.constant 0 : index
    %get3A_280 = arith.constant 3584 : index
    %get3A_281 = vector.load %arg3[%get3A_278, %get3A_279, %get3A_280] : memref<1x1x8192xf32, #tpu.memory_space<vmem>>, vector<1x1x512xf32>
    %get3A_282 = vector.shape_cast %get3A_281 : vector<1x1x512xf32> to vector<1x512xf32>
    %transpose3A_283 = tpu.transpose %get3A_277, [1, 0] : vector<512x3xf32> -> vector<3x512xf32>
    %dot_general3A_284 = arith.constant dense<0.000000e+00> : vector<256x512xf32>
    %dot_general3A_285 = tpu.matmul %get3A_3, %transpose3A_283, %dot_general3A_284 {dimension_numbers = #tpu.dot_dimension_numbers<[1], [0], [0], [1], [0, 0, 1, 1], [], []>, transpose_lhs_hint = false} : vector<256x3xf32>, vector<3x512xf32>, vector<256x512xf32> -> vector<256x512xf32>
    %add3A_286 = vector.broadcast %broadcast_in_dim3A : vector<256x1xf32> to vector<256x512xf32>
    %add3A_287 = vector.broadcast %get3A_282 : vector<1x512xf32> to vector<256x512xf32>
    %add3A_288 = arith.addf %add3A_286, %add3A_287 : vector<256x512xf32>
    %mul3A_289 = arith.constant 2.000000e+00 : f32
    %mul3A_290 = vector.broadcast %mul3A_289 : f32 to vector<256x512xf32>
    %mul3A_291 = arith.mulf %mul3A_290, %dot_general3A_285 : vector<256x512xf32>
    %sub3A_292 = arith.subf %add3A_288, %mul3A_291 : vector<256x512xf32>
    %lt3A_293 = arith.constant 1.440000e-02 : f32
    %lt3A_294 = vector.broadcast %lt3A_293 : f32 to vector<256x512xf32>
    %lt3A_295 = arith.cmpf olt, %sub3A_292, %lt3A_294 : vector<256x512xf32>
    %convert_element_type3A_296 = arith.extui %lt3A_295 : vector<256x512xi1> to vector<256x512xi32>
    %convert_element_type3A_297 = arith.sitofp %convert_element_type3A_296 : vector<256x512xi32> to vector<256x512xf32>
    %dot_general3A_298 = arith.constant dense<0.000000e+00> : vector<256x16xf32>
    %dot_general3A_299 = tpu.matmul %convert_element_type3A_297, %get3A_7, %dot_general3A_298 {dimension_numbers = #tpu.dot_dimension_numbers<[1], [0], [0], [1], [0, 0, 1, 1], [], []>, transpose_lhs_hint = false} : vector<256x512xf32>, vector<512x16xf32>, vector<256x16xf32> -> vector<256x16xf32>
    %dot_general3A_300 = arith.constant dense<0.000000e+00> : vector<256x16xf32>
    %dot_general3A_301 = tpu.matmul %convert_element_type3A_297, %get3A_10, %dot_general3A_300 {dimension_numbers = #tpu.dot_dimension_numbers<[1], [0], [0], [1], [0, 0, 1, 1], [], []>, transpose_lhs_hint = false} : vector<256x512xf32>, vector<512x16xf32>, vector<256x16xf32> -> vector<256x16xf32>
    %convert_element_type3A_302 = arith.fptosi %dot_general3A_299 : vector<256x16xf32> to vector<256x16xi32>
    %convert_element_type3A_303 = arith.fptosi %dot_general3A_301 : vector<256x16xf32> to vector<256x16xi32>
    %shift_left3A_304 = arith.constant 16 : i32
    %shift_left3A_305 = vector.broadcast %shift_left3A_304 : i32 to vector<256x16xi32>
    %shift_left3A_306 = arith.shli %convert_element_type3A_303, %shift_left3A_305 : vector<256x16xi32>
    %or3A_307 = arith.ori %convert_element_type3A_302, %shift_left3A_306 : vector<256x16xi32>
    %dot_general3A_308 = arith.constant dense<0.000000e+00> : vector<256x1xf32>
    %dot_general3A_309 = tpu.matmul %convert_element_type3A_297, %broadcast_in_dim3A_12, %dot_general3A_308 {dimension_numbers = #tpu.dot_dimension_numbers<[1], [0], [0], [1], [0, 0, 1, 1], [], []>, transpose_lhs_hint = false} : vector<256x512xf32>, vector<512x1xf32>, vector<256x1xf32> -> vector<256x1xf32>
    %add3A_310 = arith.addf %add3A_272, %dot_general3A_309 : vector<256x1xf32>
    %get3A_311 = arith.constant 0 : index
    %get3A_312 = arith.constant 4096 : index
    %get3A_313 = arith.constant 0 : index
    %get3A_314 = vector.load %arg2[%get3A_311, %get3A_312, %get3A_313] : memref<1x8192x3xf32, #tpu.memory_space<vmem>>, vector<1x512x3xf32>
    %get3A_315 = vector.shape_cast %get3A_314 : vector<1x512x3xf32> to vector<512x3xf32>
    %get3A_316 = arith.constant 0 : index
    %get3A_317 = arith.constant 0 : index
    %get3A_318 = arith.constant 4096 : index
    %get3A_319 = vector.load %arg3[%get3A_316, %get3A_317, %get3A_318] : memref<1x1x8192xf32, #tpu.memory_space<vmem>>, vector<1x1x512xf32>
    %get3A_320 = vector.shape_cast %get3A_319 : vector<1x1x512xf32> to vector<1x512xf32>
    %transpose3A_321 = tpu.transpose %get3A_315, [1, 0] : vector<512x3xf32> -> vector<3x512xf32>
    %dot_general3A_322 = arith.constant dense<0.000000e+00> : vector<256x512xf32>
    %dot_general3A_323 = tpu.matmul %get3A_3, %transpose3A_321, %dot_general3A_322 {dimension_numbers = #tpu.dot_dimension_numbers<[1], [0], [0], [1], [0, 0, 1, 1], [], []>, transpose_lhs_hint = false} : vector<256x3xf32>, vector<3x512xf32>, vector<256x512xf32> -> vector<256x512xf32>
    %add3A_324 = vector.broadcast %broadcast_in_dim3A : vector<256x1xf32> to vector<256x512xf32>
    %add3A_325 = vector.broadcast %get3A_320 : vector<1x512xf32> to vector<256x512xf32>
    %add3A_326 = arith.addf %add3A_324, %add3A_325 : vector<256x512xf32>
    %mul3A_327 = arith.constant 2.000000e+00 : f32
    %mul3A_328 = vector.broadcast %mul3A_327 : f32 to vector<256x512xf32>
    %mul3A_329 = arith.mulf %mul3A_328, %dot_general3A_323 : vector<256x512xf32>
    %sub3A_330 = arith.subf %add3A_326, %mul3A_329 : vector<256x512xf32>
    %lt3A_331 = arith.constant 1.440000e-02 : f32
    %lt3A_332 = vector.broadcast %lt3A_331 : f32 to vector<256x512xf32>
    %lt3A_333 = arith.cmpf olt, %sub3A_330, %lt3A_332 : vector<256x512xf32>
    %convert_element_type3A_334 = arith.extui %lt3A_333 : vector<256x512xi1> to vector<256x512xi32>
    %convert_element_type3A_335 = arith.sitofp %convert_element_type3A_334 : vector<256x512xi32> to vector<256x512xf32>
    %dot_general3A_336 = arith.constant dense<0.000000e+00> : vector<256x16xf32>
    %dot_general3A_337 = tpu.matmul %convert_element_type3A_335, %get3A_7, %dot_general3A_336 {dimension_numbers = #tpu.dot_dimension_numbers<[1], [0], [0], [1], [0, 0, 1, 1], [], []>, transpose_lhs_hint = false} : vector<256x512xf32>, vector<512x16xf32>, vector<256x16xf32> -> vector<256x16xf32>
    %dot_general3A_338 = arith.constant dense<0.000000e+00> : vector<256x16xf32>
    %dot_general3A_339 = tpu.matmul %convert_element_type3A_335, %get3A_10, %dot_general3A_338 {dimension_numbers = #tpu.dot_dimension_numbers<[1], [0], [0], [1], [0, 0, 1, 1], [], []>, transpose_lhs_hint = false} : vector<256x512xf32>, vector<512x16xf32>, vector<256x16xf32> -> vector<256x16xf32>
    %convert_element_type3A_340 = arith.fptosi %dot_general3A_337 : vector<256x16xf32> to vector<256x16xi32>
    %convert_element_type3A_341 = arith.fptosi %dot_general3A_339 : vector<256x16xf32> to vector<256x16xi32>
    %shift_left3A_342 = arith.constant 16 : i32
    %shift_left3A_343 = vector.broadcast %shift_left3A_342 : i32 to vector<256x16xi32>
    %shift_left3A_344 = arith.shli %convert_element_type3A_341, %shift_left3A_343 : vector<256x16xi32>
    %or3A_345 = arith.ori %convert_element_type3A_340, %shift_left3A_344 : vector<256x16xi32>
    %dot_general3A_346 = arith.constant dense<0.000000e+00> : vector<256x1xf32>
    %dot_general3A_347 = tpu.matmul %convert_element_type3A_335, %broadcast_in_dim3A_12, %dot_general3A_346 {dimension_numbers = #tpu.dot_dimension_numbers<[1], [0], [0], [1], [0, 0, 1, 1], [], []>, transpose_lhs_hint = false} : vector<256x512xf32>, vector<512x1xf32>, vector<256x1xf32> -> vector<256x1xf32>
    %add3A_348 = arith.addf %add3A_310, %dot_general3A_347 : vector<256x1xf32>
    %get3A_349 = arith.constant 0 : index
    %get3A_350 = arith.constant 4608 : index
    %get3A_351 = arith.constant 0 : index
    %get3A_352 = vector.load %arg2[%get3A_349, %get3A_350, %get3A_351] : memref<1x8192x3xf32, #tpu.memory_space<vmem>>, vector<1x512x3xf32>
    %get3A_353 = vector.shape_cast %get3A_352 : vector<1x512x3xf32> to vector<512x3xf32>
    %get3A_354 = arith.constant 0 : index
    %get3A_355 = arith.constant 0 : index
    %get3A_356 = arith.constant 4608 : index
    %get3A_357 = vector.load %arg3[%get3A_354, %get3A_355, %get3A_356] : memref<1x1x8192xf32, #tpu.memory_space<vmem>>, vector<1x1x512xf32>
    %get3A_358 = vector.shape_cast %get3A_357 : vector<1x1x512xf32> to vector<1x512xf32>
    %transpose3A_359 = tpu.transpose %get3A_353, [1, 0] : vector<512x3xf32> -> vector<3x512xf32>
    %dot_general3A_360 = arith.constant dense<0.000000e+00> : vector<256x512xf32>
    %dot_general3A_361 = tpu.matmul %get3A_3, %transpose3A_359, %dot_general3A_360 {dimension_numbers = #tpu.dot_dimension_numbers<[1], [0], [0], [1], [0, 0, 1, 1], [], []>, transpose_lhs_hint = false} : vector<256x3xf32>, vector<3x512xf32>, vector<256x512xf32> -> vector<256x512xf32>
    %add3A_362 = vector.broadcast %broadcast_in_dim3A : vector<256x1xf32> to vector<256x512xf32>
    %add3A_363 = vector.broadcast %get3A_358 : vector<1x512xf32> to vector<256x512xf32>
    %add3A_364 = arith.addf %add3A_362, %add3A_363 : vector<256x512xf32>
    %mul3A_365 = arith.constant 2.000000e+00 : f32
    %mul3A_366 = vector.broadcast %mul3A_365 : f32 to vector<256x512xf32>
    %mul3A_367 = arith.mulf %mul3A_366, %dot_general3A_361 : vector<256x512xf32>
    %sub3A_368 = arith.subf %add3A_364, %mul3A_367 : vector<256x512xf32>
    %lt3A_369 = arith.constant 1.440000e-02 : f32
    %lt3A_370 = vector.broadcast %lt3A_369 : f32 to vector<256x512xf32>
    %lt3A_371 = arith.cmpf olt, %sub3A_368, %lt3A_370 : vector<256x512xf32>
    %convert_element_type3A_372 = arith.extui %lt3A_371 : vector<256x512xi1> to vector<256x512xi32>
    %convert_element_type3A_373 = arith.sitofp %convert_element_type3A_372 : vector<256x512xi32> to vector<256x512xf32>
    %dot_general3A_374 = arith.constant dense<0.000000e+00> : vector<256x16xf32>
    %dot_general3A_375 = tpu.matmul %convert_element_type3A_373, %get3A_7, %dot_general3A_374 {dimension_numbers = #tpu.dot_dimension_numbers<[1], [0], [0], [1], [0, 0, 1, 1], [], []>, transpose_lhs_hint = false} : vector<256x512xf32>, vector<512x16xf32>, vector<256x16xf32> -> vector<256x16xf32>
    %dot_general3A_376 = arith.constant dense<0.000000e+00> : vector<256x16xf32>
    %dot_general3A_377 = tpu.matmul %convert_element_type3A_373, %get3A_10, %dot_general3A_376 {dimension_numbers = #tpu.dot_dimension_numbers<[1], [0], [0], [1], [0, 0, 1, 1], [], []>, transpose_lhs_hint = false} : vector<256x512xf32>, vector<512x16xf32>, vector<256x16xf32> -> vector<256x16xf32>
    %convert_element_type3A_378 = arith.fptosi %dot_general3A_375 : vector<256x16xf32> to vector<256x16xi32>
    %convert_element_type3A_379 = arith.fptosi %dot_general3A_377 : vector<256x16xf32> to vector<256x16xi32>
    %shift_left3A_380 = arith.constant 16 : i32
    %shift_left3A_381 = vector.broadcast %shift_left3A_380 : i32 to vector<256x16xi32>
    %shift_left3A_382 = arith.shli %convert_element_type3A_379, %shift_left3A_381 : vector<256x16xi32>
    %or3A_383 = arith.ori %convert_element_type3A_378, %shift_left3A_382 : vector<256x16xi32>
    %dot_general3A_384 = arith.constant dense<0.000000e+00> : vector<256x1xf32>
    %dot_general3A_385 = tpu.matmul %convert_element_type3A_373, %broadcast_in_dim3A_12, %dot_general3A_384 {dimension_numbers = #tpu.dot_dimension_numbers<[1], [0], [0], [1], [0, 0, 1, 1], [], []>, transpose_lhs_hint = false} : vector<256x512xf32>, vector<512x1xf32>, vector<256x1xf32> -> vector<256x1xf32>
    %add3A_386 = arith.addf %add3A_348, %dot_general3A_385 : vector<256x1xf32>
    %get3A_387 = arith.constant 0 : index
    %get3A_388 = arith.constant 5120 : index
    %get3A_389 = arith.constant 0 : index
    %get3A_390 = vector.load %arg2[%get3A_387, %get3A_388, %get3A_389] : memref<1x8192x3xf32, #tpu.memory_space<vmem>>, vector<1x512x3xf32>
    %get3A_391 = vector.shape_cast %get3A_390 : vector<1x512x3xf32> to vector<512x3xf32>
    %get3A_392 = arith.constant 0 : index
    %get3A_393 = arith.constant 0 : index
    %get3A_394 = arith.constant 5120 : index
    %get3A_395 = vector.load %arg3[%get3A_392, %get3A_393, %get3A_394] : memref<1x1x8192xf32, #tpu.memory_space<vmem>>, vector<1x1x512xf32>
    %get3A_396 = vector.shape_cast %get3A_395 : vector<1x1x512xf32> to vector<1x512xf32>
    %transpose3A_397 = tpu.transpose %get3A_391, [1, 0] : vector<512x3xf32> -> vector<3x512xf32>
    %dot_general3A_398 = arith.constant dense<0.000000e+00> : vector<256x512xf32>
    %dot_general3A_399 = tpu.matmul %get3A_3, %transpose3A_397, %dot_general3A_398 {dimension_numbers = #tpu.dot_dimension_numbers<[1], [0], [0], [1], [0, 0, 1, 1], [], []>, transpose_lhs_hint = false} : vector<256x3xf32>, vector<3x512xf32>, vector<256x512xf32> -> vector<256x512xf32>
    %add3A_400 = vector.broadcast %broadcast_in_dim3A : vector<256x1xf32> to vector<256x512xf32>
    %add3A_401 = vector.broadcast %get3A_396 : vector<1x512xf32> to vector<256x512xf32>
    %add3A_402 = arith.addf %add3A_400, %add3A_401 : vector<256x512xf32>
    %mul3A_403 = arith.constant 2.000000e+00 : f32
    %mul3A_404 = vector.broadcast %mul3A_403 : f32 to vector<256x512xf32>
    %mul3A_405 = arith.mulf %mul3A_404, %dot_general3A_399 : vector<256x512xf32>
    %sub3A_406 = arith.subf %add3A_402, %mul3A_405 : vector<256x512xf32>
    %lt3A_407 = arith.constant 1.440000e-02 : f32
    %lt3A_408 = vector.broadcast %lt3A_407 : f32 to vector<256x512xf32>
    %lt3A_409 = arith.cmpf olt, %sub3A_406, %lt3A_408 : vector<256x512xf32>
    %convert_element_type3A_410 = arith.extui %lt3A_409 : vector<256x512xi1> to vector<256x512xi32>
    %convert_element_type3A_411 = arith.sitofp %convert_element_type3A_410 : vector<256x512xi32> to vector<256x512xf32>
    %dot_general3A_412 = arith.constant dense<0.000000e+00> : vector<256x16xf32>
    %dot_general3A_413 = tpu.matmul %convert_element_type3A_411, %get3A_7, %dot_general3A_412 {dimension_numbers = #tpu.dot_dimension_numbers<[1], [0], [0], [1], [0, 0, 1, 1], [], []>, transpose_lhs_hint = false} : vector<256x512xf32>, vector<512x16xf32>, vector<256x16xf32> -> vector<256x16xf32>
    %dot_general3A_414 = arith.constant dense<0.000000e+00> : vector<256x16xf32>
    %dot_general3A_415 = tpu.matmul %convert_element_type3A_411, %get3A_10, %dot_general3A_414 {dimension_numbers = #tpu.dot_dimension_numbers<[1], [0], [0], [1], [0, 0, 1, 1], [], []>, transpose_lhs_hint = false} : vector<256x512xf32>, vector<512x16xf32>, vector<256x16xf32> -> vector<256x16xf32>
    %convert_element_type3A_416 = arith.fptosi %dot_general3A_413 : vector<256x16xf32> to vector<256x16xi32>
    %convert_element_type3A_417 = arith.fptosi %dot_general3A_415 : vector<256x16xf32> to vector<256x16xi32>
    %shift_left3A_418 = arith.constant 16 : i32
    %shift_left3A_419 = vector.broadcast %shift_left3A_418 : i32 to vector<256x16xi32>
    %shift_left3A_420 = arith.shli %convert_element_type3A_417, %shift_left3A_419 : vector<256x16xi32>
    %or3A_421 = arith.ori %convert_element_type3A_416, %shift_left3A_420 : vector<256x16xi32>
    %dot_general3A_422 = arith.constant dense<0.000000e+00> : vector<256x1xf32>
    %dot_general3A_423 = tpu.matmul %convert_element_type3A_411, %broadcast_in_dim3A_12, %dot_general3A_422 {dimension_numbers = #tpu.dot_dimension_numbers<[1], [0], [0], [1], [0, 0, 1, 1], [], []>, transpose_lhs_hint = false} : vector<256x512xf32>, vector<512x1xf32>, vector<256x1xf32> -> vector<256x1xf32>
    %add3A_424 = arith.addf %add3A_386, %dot_general3A_423 : vector<256x1xf32>
    %get3A_425 = arith.constant 0 : index
    %get3A_426 = arith.constant 5632 : index
    %get3A_427 = arith.constant 0 : index
    %get3A_428 = vector.load %arg2[%get3A_425, %get3A_426, %get3A_427] : memref<1x8192x3xf32, #tpu.memory_space<vmem>>, vector<1x512x3xf32>
    %get3A_429 = vector.shape_cast %get3A_428 : vector<1x512x3xf32> to vector<512x3xf32>
    %get3A_430 = arith.constant 0 : index
    %get3A_431 = arith.constant 0 : index
    %get3A_432 = arith.constant 5632 : index
    %get3A_433 = vector.load %arg3[%get3A_430, %get3A_431, %get3A_432] : memref<1x1x8192xf32, #tpu.memory_space<vmem>>, vector<1x1x512xf32>
    %get3A_434 = vector.shape_cast %get3A_433 : vector<1x1x512xf32> to vector<1x512xf32>
    %transpose3A_435 = tpu.transpose %get3A_429, [1, 0] : vector<512x3xf32> -> vector<3x512xf32>
    %dot_general3A_436 = arith.constant dense<0.000000e+00> : vector<256x512xf32>
    %dot_general3A_437 = tpu.matmul %get3A_3, %transpose3A_435, %dot_general3A_436 {dimension_numbers = #tpu.dot_dimension_numbers<[1], [0], [0], [1], [0, 0, 1, 1], [], []>, transpose_lhs_hint = false} : vector<256x3xf32>, vector<3x512xf32>, vector<256x512xf32> -> vector<256x512xf32>
    %add3A_438 = vector.broadcast %broadcast_in_dim3A : vector<256x1xf32> to vector<256x512xf32>
    %add3A_439 = vector.broadcast %get3A_434 : vector<1x512xf32> to vector<256x512xf32>
    %add3A_440 = arith.addf %add3A_438, %add3A_439 : vector<256x512xf32>
    %mul3A_441 = arith.constant 2.000000e+00 : f32
    %mul3A_442 = vector.broadcast %mul3A_441 : f32 to vector<256x512xf32>
    %mul3A_443 = arith.mulf %mul3A_442, %dot_general3A_437 : vector<256x512xf32>
    %sub3A_444 = arith.subf %add3A_440, %mul3A_443 : vector<256x512xf32>
    %lt3A_445 = arith.constant 1.440000e-02 : f32
    %lt3A_446 = vector.broadcast %lt3A_445 : f32 to vector<256x512xf32>
    %lt3A_447 = arith.cmpf olt, %sub3A_444, %lt3A_446 : vector<256x512xf32>
    %convert_element_type3A_448 = arith.extui %lt3A_447 : vector<256x512xi1> to vector<256x512xi32>
    %convert_element_type3A_449 = arith.sitofp %convert_element_type3A_448 : vector<256x512xi32> to vector<256x512xf32>
    %dot_general3A_450 = arith.constant dense<0.000000e+00> : vector<256x16xf32>
    %dot_general3A_451 = tpu.matmul %convert_element_type3A_449, %get3A_7, %dot_general3A_450 {dimension_numbers = #tpu.dot_dimension_numbers<[1], [0], [0], [1], [0, 0, 1, 1], [], []>, transpose_lhs_hint = false} : vector<256x512xf32>, vector<512x16xf32>, vector<256x16xf32> -> vector<256x16xf32>
    %dot_general3A_452 = arith.constant dense<0.000000e+00> : vector<256x16xf32>
    %dot_general3A_453 = tpu.matmul %convert_element_type3A_449, %get3A_10, %dot_general3A_452 {dimension_numbers = #tpu.dot_dimension_numbers<[1], [0], [0], [1], [0, 0, 1, 1], [], []>, transpose_lhs_hint = false} : vector<256x512xf32>, vector<512x16xf32>, vector<256x16xf32> -> vector<256x16xf32>
    %convert_element_type3A_454 = arith.fptosi %dot_general3A_451 : vector<256x16xf32> to vector<256x16xi32>
    %convert_element_type3A_455 = arith.fptosi %dot_general3A_453 : vector<256x16xf32> to vector<256x16xi32>
    %shift_left3A_456 = arith.constant 16 : i32
    %shift_left3A_457 = vector.broadcast %shift_left3A_456 : i32 to vector<256x16xi32>
    %shift_left3A_458 = arith.shli %convert_element_type3A_455, %shift_left3A_457 : vector<256x16xi32>
    %or3A_459 = arith.ori %convert_element_type3A_454, %shift_left3A_458 : vector<256x16xi32>
    %dot_general3A_460 = arith.constant dense<0.000000e+00> : vector<256x1xf32>
    %dot_general3A_461 = tpu.matmul %convert_element_type3A_449, %broadcast_in_dim3A_12, %dot_general3A_460 {dimension_numbers = #tpu.dot_dimension_numbers<[1], [0], [0], [1], [0, 0, 1, 1], [], []>, transpose_lhs_hint = false} : vector<256x512xf32>, vector<512x1xf32>, vector<256x1xf32> -> vector<256x1xf32>
    %add3A_462 = arith.addf %add3A_424, %dot_general3A_461 : vector<256x1xf32>
    %get3A_463 = arith.constant 0 : index
    %get3A_464 = arith.constant 6144 : index
    %get3A_465 = arith.constant 0 : index
    %get3A_466 = vector.load %arg2[%get3A_463, %get3A_464, %get3A_465] : memref<1x8192x3xf32, #tpu.memory_space<vmem>>, vector<1x512x3xf32>
    %get3A_467 = vector.shape_cast %get3A_466 : vector<1x512x3xf32> to vector<512x3xf32>
    %get3A_468 = arith.constant 0 : index
    %get3A_469 = arith.constant 0 : index
    %get3A_470 = arith.constant 6144 : index
    %get3A_471 = vector.load %arg3[%get3A_468, %get3A_469, %get3A_470] : memref<1x1x8192xf32, #tpu.memory_space<vmem>>, vector<1x1x512xf32>
    %get3A_472 = vector.shape_cast %get3A_471 : vector<1x1x512xf32> to vector<1x512xf32>
    %transpose3A_473 = tpu.transpose %get3A_467, [1, 0] : vector<512x3xf32> -> vector<3x512xf32>
    %dot_general3A_474 = arith.constant dense<0.000000e+00> : vector<256x512xf32>
    %dot_general3A_475 = tpu.matmul %get3A_3, %transpose3A_473, %dot_general3A_474 {dimension_numbers = #tpu.dot_dimension_numbers<[1], [0], [0], [1], [0, 0, 1, 1], [], []>, transpose_lhs_hint = false} : vector<256x3xf32>, vector<3x512xf32>, vector<256x512xf32> -> vector<256x512xf32>
    %add3A_476 = vector.broadcast %broadcast_in_dim3A : vector<256x1xf32> to vector<256x512xf32>
    %add3A_477 = vector.broadcast %get3A_472 : vector<1x512xf32> to vector<256x512xf32>
    %add3A_478 = arith.addf %add3A_476, %add3A_477 : vector<256x512xf32>
    %mul3A_479 = arith.constant 2.000000e+00 : f32
    %mul3A_480 = vector.broadcast %mul3A_479 : f32 to vector<256x512xf32>
    %mul3A_481 = arith.mulf %mul3A_480, %dot_general3A_475 : vector<256x512xf32>
    %sub3A_482 = arith.subf %add3A_478, %mul3A_481 : vector<256x512xf32>
    %lt3A_483 = arith.constant 1.440000e-02 : f32
    %lt3A_484 = vector.broadcast %lt3A_483 : f32 to vector<256x512xf32>
    %lt3A_485 = arith.cmpf olt, %sub3A_482, %lt3A_484 : vector<256x512xf32>
    %convert_element_type3A_486 = arith.extui %lt3A_485 : vector<256x512xi1> to vector<256x512xi32>
    %convert_element_type3A_487 = arith.sitofp %convert_element_type3A_486 : vector<256x512xi32> to vector<256x512xf32>
    %dot_general3A_488 = arith.constant dense<0.000000e+00> : vector<256x16xf32>
    %dot_general3A_489 = tpu.matmul %convert_element_type3A_487, %get3A_7, %dot_general3A_488 {dimension_numbers = #tpu.dot_dimension_numbers<[1], [0], [0], [1], [0, 0, 1, 1], [], []>, transpose_lhs_hint = false} : vector<256x512xf32>, vector<512x16xf32>, vector<256x16xf32> -> vector<256x16xf32>
    %dot_general3A_490 = arith.constant dense<0.000000e+00> : vector<256x16xf32>
    %dot_general3A_491 = tpu.matmul %convert_element_type3A_487, %get3A_10, %dot_general3A_490 {dimension_numbers = #tpu.dot_dimension_numbers<[1], [0], [0], [1], [0, 0, 1, 1], [], []>, transpose_lhs_hint = false} : vector<256x512xf32>, vector<512x16xf32>, vector<256x16xf32> -> vector<256x16xf32>
    %convert_element_type3A_492 = arith.fptosi %dot_general3A_489 : vector<256x16xf32> to vector<256x16xi32>
    %convert_element_type3A_493 = arith.fptosi %dot_general3A_491 : vector<256x16xf32> to vector<256x16xi32>
    %shift_left3A_494 = arith.constant 16 : i32
    %shift_left3A_495 = vector.broadcast %shift_left3A_494 : i32 to vector<256x16xi32>
    %shift_left3A_496 = arith.shli %convert_element_type3A_493, %shift_left3A_495 : vector<256x16xi32>
    %or3A_497 = arith.ori %convert_element_type3A_492, %shift_left3A_496 : vector<256x16xi32>
    %dot_general3A_498 = arith.constant dense<0.000000e+00> : vector<256x1xf32>
    %dot_general3A_499 = tpu.matmul %convert_element_type3A_487, %broadcast_in_dim3A_12, %dot_general3A_498 {dimension_numbers = #tpu.dot_dimension_numbers<[1], [0], [0], [1], [0, 0, 1, 1], [], []>, transpose_lhs_hint = false} : vector<256x512xf32>, vector<512x1xf32>, vector<256x1xf32> -> vector<256x1xf32>
    %add3A_500 = arith.addf %add3A_462, %dot_general3A_499 : vector<256x1xf32>
    %get3A_501 = arith.constant 0 : index
    %get3A_502 = arith.constant 6656 : index
    %get3A_503 = arith.constant 0 : index
    %get3A_504 = vector.load %arg2[%get3A_501, %get3A_502, %get3A_503] : memref<1x8192x3xf32, #tpu.memory_space<vmem>>, vector<1x512x3xf32>
    %get3A_505 = vector.shape_cast %get3A_504 : vector<1x512x3xf32> to vector<512x3xf32>
    %get3A_506 = arith.constant 0 : index
    %get3A_507 = arith.constant 0 : index
    %get3A_508 = arith.constant 6656 : index
    %get3A_509 = vector.load %arg3[%get3A_506, %get3A_507, %get3A_508] : memref<1x1x8192xf32, #tpu.memory_space<vmem>>, vector<1x1x512xf32>
    %get3A_510 = vector.shape_cast %get3A_509 : vector<1x1x512xf32> to vector<1x512xf32>
    %transpose3A_511 = tpu.transpose %get3A_505, [1, 0] : vector<512x3xf32> -> vector<3x512xf32>
    %dot_general3A_512 = arith.constant dense<0.000000e+00> : vector<256x512xf32>
    %dot_general3A_513 = tpu.matmul %get3A_3, %transpose3A_511, %dot_general3A_512 {dimension_numbers = #tpu.dot_dimension_numbers<[1], [0], [0], [1], [0, 0, 1, 1], [], []>, transpose_lhs_hint = false} : vector<256x3xf32>, vector<3x512xf32>, vector<256x512xf32> -> vector<256x512xf32>
    %add3A_514 = vector.broadcast %broadcast_in_dim3A : vector<256x1xf32> to vector<256x512xf32>
    %add3A_515 = vector.broadcast %get3A_510 : vector<1x512xf32> to vector<256x512xf32>
    %add3A_516 = arith.addf %add3A_514, %add3A_515 : vector<256x512xf32>
    %mul3A_517 = arith.constant 2.000000e+00 : f32
    %mul3A_518 = vector.broadcast %mul3A_517 : f32 to vector<256x512xf32>
    %mul3A_519 = arith.mulf %mul3A_518, %dot_general3A_513 : vector<256x512xf32>
    %sub3A_520 = arith.subf %add3A_516, %mul3A_519 : vector<256x512xf32>
    %lt3A_521 = arith.constant 1.440000e-02 : f32
    %lt3A_522 = vector.broadcast %lt3A_521 : f32 to vector<256x512xf32>
    %lt3A_523 = arith.cmpf olt, %sub3A_520, %lt3A_522 : vector<256x512xf32>
    %convert_element_type3A_524 = arith.extui %lt3A_523 : vector<256x512xi1> to vector<256x512xi32>
    %convert_element_type3A_525 = arith.sitofp %convert_element_type3A_524 : vector<256x512xi32> to vector<256x512xf32>
    %dot_general3A_526 = arith.constant dense<0.000000e+00> : vector<256x16xf32>
    %dot_general3A_527 = tpu.matmul %convert_element_type3A_525, %get3A_7, %dot_general3A_526 {dimension_numbers = #tpu.dot_dimension_numbers<[1], [0], [0], [1], [0, 0, 1, 1], [], []>, transpose_lhs_hint = false} : vector<256x512xf32>, vector<512x16xf32>, vector<256x16xf32> -> vector<256x16xf32>
    %dot_general3A_528 = arith.constant dense<0.000000e+00> : vector<256x16xf32>
    %dot_general3A_529 = tpu.matmul %convert_element_type3A_525, %get3A_10, %dot_general3A_528 {dimension_numbers = #tpu.dot_dimension_numbers<[1], [0], [0], [1], [0, 0, 1, 1], [], []>, transpose_lhs_hint = false} : vector<256x512xf32>, vector<512x16xf32>, vector<256x16xf32> -> vector<256x16xf32>
    %convert_element_type3A_530 = arith.fptosi %dot_general3A_527 : vector<256x16xf32> to vector<256x16xi32>
    %convert_element_type3A_531 = arith.fptosi %dot_general3A_529 : vector<256x16xf32> to vector<256x16xi32>
    %shift_left3A_532 = arith.constant 16 : i32
    %shift_left3A_533 = vector.broadcast %shift_left3A_532 : i32 to vector<256x16xi32>
    %shift_left3A_534 = arith.shli %convert_element_type3A_531, %shift_left3A_533 : vector<256x16xi32>
    %or3A_535 = arith.ori %convert_element_type3A_530, %shift_left3A_534 : vector<256x16xi32>
    %dot_general3A_536 = arith.constant dense<0.000000e+00> : vector<256x1xf32>
    %dot_general3A_537 = tpu.matmul %convert_element_type3A_525, %broadcast_in_dim3A_12, %dot_general3A_536 {dimension_numbers = #tpu.dot_dimension_numbers<[1], [0], [0], [1], [0, 0, 1, 1], [], []>, transpose_lhs_hint = false} : vector<256x512xf32>, vector<512x1xf32>, vector<256x1xf32> -> vector<256x1xf32>
    %add3A_538 = arith.addf %add3A_500, %dot_general3A_537 : vector<256x1xf32>
    %get3A_539 = arith.constant 0 : index
    %get3A_540 = arith.constant 7168 : index
    %get3A_541 = arith.constant 0 : index
    %get3A_542 = vector.load %arg2[%get3A_539, %get3A_540, %get3A_541] : memref<1x8192x3xf32, #tpu.memory_space<vmem>>, vector<1x512x3xf32>
    %get3A_543 = vector.shape_cast %get3A_542 : vector<1x512x3xf32> to vector<512x3xf32>
    %get3A_544 = arith.constant 0 : index
    %get3A_545 = arith.constant 0 : index
    %get3A_546 = arith.constant 7168 : index
    %get3A_547 = vector.load %arg3[%get3A_544, %get3A_545, %get3A_546] : memref<1x1x8192xf32, #tpu.memory_space<vmem>>, vector<1x1x512xf32>
    %get3A_548 = vector.shape_cast %get3A_547 : vector<1x1x512xf32> to vector<1x512xf32>
    %transpose3A_549 = tpu.transpose %get3A_543, [1, 0] : vector<512x3xf32> -> vector<3x512xf32>
    %dot_general3A_550 = arith.constant dense<0.000000e+00> : vector<256x512xf32>
    %dot_general3A_551 = tpu.matmul %get3A_3, %transpose3A_549, %dot_general3A_550 {dimension_numbers = #tpu.dot_dimension_numbers<[1], [0], [0], [1], [0, 0, 1, 1], [], []>, transpose_lhs_hint = false} : vector<256x3xf32>, vector<3x512xf32>, vector<256x512xf32> -> vector<256x512xf32>
    %add3A_552 = vector.broadcast %broadcast_in_dim3A : vector<256x1xf32> to vector<256x512xf32>
    %add3A_553 = vector.broadcast %get3A_548 : vector<1x512xf32> to vector<256x512xf32>
    %add3A_554 = arith.addf %add3A_552, %add3A_553 : vector<256x512xf32>
    %mul3A_555 = arith.constant 2.000000e+00 : f32
    %mul3A_556 = vector.broadcast %mul3A_555 : f32 to vector<256x512xf32>
    %mul3A_557 = arith.mulf %mul3A_556, %dot_general3A_551 : vector<256x512xf32>
    %sub3A_558 = arith.subf %add3A_554, %mul3A_557 : vector<256x512xf32>
    %lt3A_559 = arith.constant 1.440000e-02 : f32
    %lt3A_560 = vector.broadcast %lt3A_559 : f32 to vector<256x512xf32>
    %lt3A_561 = arith.cmpf olt, %sub3A_558, %lt3A_560 : vector<256x512xf32>
    %convert_element_type3A_562 = arith.extui %lt3A_561 : vector<256x512xi1> to vector<256x512xi32>
    %convert_element_type3A_563 = arith.sitofp %convert_element_type3A_562 : vector<256x512xi32> to vector<256x512xf32>
    %dot_general3A_564 = arith.constant dense<0.000000e+00> : vector<256x16xf32>
    %dot_general3A_565 = tpu.matmul %convert_element_type3A_563, %get3A_7, %dot_general3A_564 {dimension_numbers = #tpu.dot_dimension_numbers<[1], [0], [0], [1], [0, 0, 1, 1], [], []>, transpose_lhs_hint = false} : vector<256x512xf32>, vector<512x16xf32>, vector<256x16xf32> -> vector<256x16xf32>
    %dot_general3A_566 = arith.constant dense<0.000000e+00> : vector<256x16xf32>
    %dot_general3A_567 = tpu.matmul %convert_element_type3A_563, %get3A_10, %dot_general3A_566 {dimension_numbers = #tpu.dot_dimension_numbers<[1], [0], [0], [1], [0, 0, 1, 1], [], []>, transpose_lhs_hint = false} : vector<256x512xf32>, vector<512x16xf32>, vector<256x16xf32> -> vector<256x16xf32>
    %convert_element_type3A_568 = arith.fptosi %dot_general3A_565 : vector<256x16xf32> to vector<256x16xi32>
    %convert_element_type3A_569 = arith.fptosi %dot_general3A_567 : vector<256x16xf32> to vector<256x16xi32>
    %shift_left3A_570 = arith.constant 16 : i32
    %shift_left3A_571 = vector.broadcast %shift_left3A_570 : i32 to vector<256x16xi32>
    %shift_left3A_572 = arith.shli %convert_element_type3A_569, %shift_left3A_571 : vector<256x16xi32>
    %or3A_573 = arith.ori %convert_element_type3A_568, %shift_left3A_572 : vector<256x16xi32>
    %dot_general3A_574 = arith.constant dense<0.000000e+00> : vector<256x1xf32>
    %dot_general3A_575 = tpu.matmul %convert_element_type3A_563, %broadcast_in_dim3A_12, %dot_general3A_574 {dimension_numbers = #tpu.dot_dimension_numbers<[1], [0], [0], [1], [0, 0, 1, 1], [], []>, transpose_lhs_hint = false} : vector<256x512xf32>, vector<512x1xf32>, vector<256x1xf32> -> vector<256x1xf32>
    %add3A_576 = arith.addf %add3A_538, %dot_general3A_575 : vector<256x1xf32>
    %get3A_577 = arith.constant 0 : index
    %get3A_578 = arith.constant 7680 : index
    %get3A_579 = arith.constant 0 : index
    %get3A_580 = vector.load %arg2[%get3A_577, %get3A_578, %get3A_579] : memref<1x8192x3xf32, #tpu.memory_space<vmem>>, vector<1x512x3xf32>
    %get3A_581 = vector.shape_cast %get3A_580 : vector<1x512x3xf32> to vector<512x3xf32>
    %get3A_582 = arith.constant 0 : index
    %get3A_583 = arith.constant 0 : index
    %get3A_584 = arith.constant 7680 : index
    %get3A_585 = vector.load %arg3[%get3A_582, %get3A_583, %get3A_584] : memref<1x1x8192xf32, #tpu.memory_space<vmem>>, vector<1x1x512xf32>
    %get3A_586 = vector.shape_cast %get3A_585 : vector<1x1x512xf32> to vector<1x512xf32>
    %transpose3A_587 = tpu.transpose %get3A_581, [1, 0] : vector<512x3xf32> -> vector<3x512xf32>
    %dot_general3A_588 = arith.constant dense<0.000000e+00> : vector<256x512xf32>
    %dot_general3A_589 = tpu.matmul %get3A_3, %transpose3A_587, %dot_general3A_588 {dimension_numbers = #tpu.dot_dimension_numbers<[1], [0], [0], [1], [0, 0, 1, 1], [], []>, transpose_lhs_hint = false} : vector<256x3xf32>, vector<3x512xf32>, vector<256x512xf32> -> vector<256x512xf32>
    %add3A_590 = vector.broadcast %broadcast_in_dim3A : vector<256x1xf32> to vector<256x512xf32>
    %add3A_591 = vector.broadcast %get3A_586 : vector<1x512xf32> to vector<256x512xf32>
    %add3A_592 = arith.addf %add3A_590, %add3A_591 : vector<256x512xf32>
    %mul3A_593 = arith.constant 2.000000e+00 : f32
    %mul3A_594 = vector.broadcast %mul3A_593 : f32 to vector<256x512xf32>
    %mul3A_595 = arith.mulf %mul3A_594, %dot_general3A_589 : vector<256x512xf32>
    %sub3A_596 = arith.subf %add3A_592, %mul3A_595 : vector<256x512xf32>
    %lt3A_597 = arith.constant 1.440000e-02 : f32
    %lt3A_598 = vector.broadcast %lt3A_597 : f32 to vector<256x512xf32>
    %lt3A_599 = arith.cmpf olt, %sub3A_596, %lt3A_598 : vector<256x512xf32>
    %convert_element_type3A_600 = arith.extui %lt3A_599 : vector<256x512xi1> to vector<256x512xi32>
    %convert_element_type3A_601 = arith.sitofp %convert_element_type3A_600 : vector<256x512xi32> to vector<256x512xf32>
    %dot_general3A_602 = arith.constant dense<0.000000e+00> : vector<256x16xf32>
    %dot_general3A_603 = tpu.matmul %convert_element_type3A_601, %get3A_7, %dot_general3A_602 {dimension_numbers = #tpu.dot_dimension_numbers<[1], [0], [0], [1], [0, 0, 1, 1], [], []>, transpose_lhs_hint = false} : vector<256x512xf32>, vector<512x16xf32>, vector<256x16xf32> -> vector<256x16xf32>
    %dot_general3A_604 = arith.constant dense<0.000000e+00> : vector<256x16xf32>
    %dot_general3A_605 = tpu.matmul %convert_element_type3A_601, %get3A_10, %dot_general3A_604 {dimension_numbers = #tpu.dot_dimension_numbers<[1], [0], [0], [1], [0, 0, 1, 1], [], []>, transpose_lhs_hint = false} : vector<256x512xf32>, vector<512x16xf32>, vector<256x16xf32> -> vector<256x16xf32>
    %convert_element_type3A_606 = arith.fptosi %dot_general3A_603 : vector<256x16xf32> to vector<256x16xi32>
    %convert_element_type3A_607 = arith.fptosi %dot_general3A_605 : vector<256x16xf32> to vector<256x16xi32>
    %shift_left3A_608 = arith.constant 16 : i32
    %shift_left3A_609 = vector.broadcast %shift_left3A_608 : i32 to vector<256x16xi32>
    %shift_left3A_610 = arith.shli %convert_element_type3A_607, %shift_left3A_609 : vector<256x16xi32>
    %or3A_611 = arith.ori %convert_element_type3A_606, %shift_left3A_610 : vector<256x16xi32>
    %dot_general3A_612 = arith.constant dense<0.000000e+00> : vector<256x1xf32>
    %dot_general3A_613 = tpu.matmul %convert_element_type3A_601, %broadcast_in_dim3A_12, %dot_general3A_612 {dimension_numbers = #tpu.dot_dimension_numbers<[1], [0], [0], [1], [0, 0, 1, 1], [], []>, transpose_lhs_hint = false} : vector<256x512xf32>, vector<512x1xf32>, vector<256x1xf32> -> vector<256x1xf32>
    %add3A_614 = arith.addf %add3A_576, %dot_general3A_613 : vector<256x1xf32>
    %concatenate3A = tpu.concatenate %or3A, %or3A_79, %or3A_117, %or3A_155, %or3A_193, %or3A_231, %or3A_269, %or3A_307, %or3A_345, %or3A_383, %or3A_421, %or3A_459, %or3A_497, %or3A_535, %or3A_573, %or3A_611 in 1 : vector<256x16xi32>, vector<256x16xi32>, vector<256x16xi32>, vector<256x16xi32>, vector<256x16xi32>, vector<256x16xi32>, vector<256x16xi32>, vector<256x16xi32>, vector<256x16xi32>, vector<256x16xi32>, vector<256x16xi32>, vector<256x16xi32>, vector<256x16xi32>, vector<256x16xi32>, vector<256x16xi32>, vector<256x16xi32> -> vector<256x256xi32>
    %swap3A = arith.constant 0 : index
    %swap3A_615 = arith.constant 0 : index
    %swap3A_616 = arith.constant 0 : index
    %swap3A_617 = vector.load %arg8[%swap3A, %swap3A_615, %swap3A_616] : memref<1x256x256xi32, #tpu.memory_space<vmem>>, vector<1x256x256xi32>
    %swap3A_618 = vector.shape_cast %swap3A_617 : vector<1x256x256xi32> to vector<256x256xi32>
    %swap3A_619 = vector.shape_cast %concatenate3A : vector<256x256xi32> to vector<1x256x256xi32>
    tpu.vector_store %arg8[%swap3A, %swap3A_615, %swap3A_616], %swap3A_619 {strides = array<i32>} : memref<1x256x256xi32, #tpu.memory_space<vmem>>, vector<1x256x256xi32>,
    %min3A = arith.constant 3.200000e+01 : f32
    %min3A_620 = vector.broadcast %min3A : f32 to vector<256x1xf32>
    %min3A_621 = arith.minimumf %add3A_614, %min3A_620 : vector<256x1xf32>
    %squeeze3A = vector.shape_cast %min3A_621 : vector<256x1xf32> to vector<256xf32>
    %swap3A_622 = arith.constant 0 : index
    %swap3A_623 = arith.constant 0 : index
    %swap3A_624 = arith.constant 0 : index
    %swap3A_625 = vector.load %arg7[%swap3A_622, %swap3A_623, %swap3A_624] : memref<1x1x256xf32, #tpu.memory_space<vmem>>, vector<1x1x256xf32>
    %swap3A_626 = vector.shape_cast %swap3A_625 : vector<1x1x256xf32> to vector<256xf32>
    %swap3A_627 = vector.shape_cast %squeeze3A : vector<256xf32> to vector<1x1x256xf32>
    tpu.vector_store %arg7[%swap3A_622, %swap3A_623, %swap3A_624], %swap3A_627 {strides = array<i32>} : memref<1x1x256xf32, #tpu.memory_space<vmem>>, vector<1x1x256xf32>,
    return
  }
  func.func @transform_0(%arg0: i32, %arg1: i32) -> (i32, i32, i32) {
    %c0_i32 = arith.constant 0 : i32
    %c0_i32_0 = arith.constant 0 : i32
    %c0_i32_1 = arith.constant 0 : i32
    return %arg0, %c0_i32, %c0_i32_0 : i32, i32, i32
  }
  func.func @transform_1(%arg0: i32, %arg1: i32) -> (i32, i32, i32) {
    %c0_i32 = arith.constant 0 : i32
    %c0_i32_0 = arith.constant 0 : i32
    %c0_i32_1 = arith.constant 0 : i32
    return %arg0, %c0_i32, %c0_i32_0 : i32, i32, i32
  }
  func.func @transform_2(%arg0: i32, %arg1: i32) -> (i32, i32, i32) {
    %c0_i32 = arith.constant 0 : i32
    %c0_i32_0 = arith.constant 0 : i32
    return %arg0, %arg1, %c0_i32 : i32, i32, i32
  }
  func.func @transform_3(%arg0: i32, %arg1: i32) -> (i32, i32) {
    %c0_i32 = arith.constant 0 : i32
    %c0_i32_0 = arith.constant 0 : i32
    %c0_i32_1 = arith.constant 0 : i32
    return %c0_i32, %c0_i32_0 : i32, i32
  }
  func.func @transform_4(%arg0: i32, %arg1: i32) -> (i32, i32) {
    %c0_i32 = arith.constant 0 : i32
    %c0_i32_0 = arith.constant 0 : i32
    %c0_i32_1 = arith.constant 0 : i32
    return %c0_i32, %c0_i32_0 : i32, i32
  }
  func.func @transform_5(%arg0: i32, %arg1: i32) -> (i32, i32, i32) {
    %c0_i32 = arith.constant 0 : i32
    %c0_i32_0 = arith.constant 0 : i32
    return %arg0, %c0_i32, %arg1 : i32, i32, i32
  }
  func.func @transform_6(%arg0: i32, %arg1: i32) -> (i32, i32, i32) {
    %c0_i32 = arith.constant 0 : i32
    %c0_i32_0 = arith.constant 0 : i32
    return %arg0, %arg1, %c0_i32 : i32, i32, i32
  }
}

</mosaic_0001>

<sc_bundles>
// kernel: kernel.5.cloned.1.call-start
scs
__scs_entry_jumppad:
0x0: {  	(pc) =	sbr.rel $0x88, $3  }
0x1: {  	(tag) =	ssettag $0x0;
	lr =	simm.s32 $0x1  }
0x2: {  	[smem:$0x3F9E] =	sst lr;
	_ =	strace $0xD0000000  }
0x3: {  	_ = 	snop  }
0x4: {  	_ = 	snop  }
0x5: {  	_ = 	snop  }
0x6: {  	_ = 	snop  }
0x7: {  	_ = 	snop  }
__scs_overlays_trampoline_lowered:
0x8: {  	[smem:$0x3FAD] =	sst s0  }
0x9: {  	[smem:$0x3FAE] =	sst s1  }
0xa: {  	[smem:$0x3FAF] =	sst s2  }
0xb: {  	[smem:$0x3FB0] =	sst s3  }
0xc: {  	[smem:$0x3FB1] =	sst s4  }
0xd: {  	[smem:$0x3FB2] =	sst s5  }
0xe: {  	[smem:$0x3FB3] =	sst s6  }
0xf: {  	[smem:$0x3FB4] =	sst s7  }
0x10: {  	[smem:$0x3FB5] =	sst s8  }
0x11: {  	[smem:$0x3FB6] =	sst s9;
	s0 =	simm.s32 @!p0 $0x0  }
0x12: {  	s1 =	sld [smem:$0x3F9C];
	s0 =	simm.s32 @p0 $0x1  }
0x13: {  	[smem:$0x3FB7] =	sst s0;
	s0 =	simm.s32 @!p1 $0x0  }
0x14: {  	s2 =	sld [smem:$0x3F9B];
	s0 =	simm.s32 @p1 $0x1  }
0x15: {  	[smem:$0x3FB8] =	sst s0;
	s0 =	simm.s32 @!p2 $0x0  }
0x16: {  	s3 =	sld [smem:$0x3FDB];
	s0 =	simm.s32 @p2 $0x1  }
0x17: {  	s4 =	simm.s32 $0x1BF5;
	[smem:$0x3FBA] =	sst s0  }
0x18: {  	s0 =	sld [smem:$0x3F9D];
	_ =	swait.ge [sflag:s4], $0x0  }
0x19: {  	s7 =	sld [smem:$0x3F9E]  }
0x1a: {  	s8 =	sadd.s32 $0xFFFFE003, lr  }
0x1b: {  	s9 =	sadd.s32 $0xFFFFFEF7, lr;
	s5 =	simm.s32 $0xFFFFFFFF;
	p2 =	slt.u32 s8, $0xFFFFF086  }
0x1c: {  	p1 =	slt.u32 s9, $0xF7A;
	s5 =	simm.s32 @!p2 $0x0  }
0x1d: {  	s5 =	simm.s32 @p1 $0x1;
	p0 =	seq.s32 s7, s2  }
0x1e: {  	s7 =	smul.u32 @!p0 $0xF7A, s2;
	p2 =	seq.s32 @!p0 s5, $0x0  }
0x1f: {  	s9 =	smul.u32 $0xF7A, s1;
	s8 =	simm.s32 @!p0 $0x1BF5;
	p2 =	por !p2, p0  }
0x20: {  	[sflag:s8] =	ssyncset.s32 @!p0 $0xFFFFF086;
	s6 =	sadd.s32 @!p0 s3, s7;
	s7 =	simm.s32 @!p0 $0x108  }
0x21: {  	s3 =	sadd.s32 s3, s9;
	s6 =	sadd.s32 @!p0 $0x88, s6;
	s7 =	simm.s32 @p2 $0x1082  }
0x22: {  	[simem:s7], [sflag:s8] =	dma.local @!p0 [hbm:s6], $0xF7A  }
0x23: {  	s9 =	sor.u32 $0xD0000000, s2;
	s6 =	simm.s32 $0x108;
	_ =	swait.ge @!p0 [sflag:s8], $0x0  }
0x24: {  	s3 =	sadd.s32 $0x88, s3;
	s6 =	simm.s32 @!p1 $0x1082;
	[sflag:s4] =	ssyncset.s32 $0xFFFFF086  }
0x25: {  	[simem:s6], [sflag:s4] =	dma.local [hbm:s3], $0xF7A  }
0x26: {  	[smem:$0x3F9E] =	sst s1;
	(tag) =	ssettag s2;
	_ =	strace s9  }
0x27: {  	s1 =	sld [smem:$0x3FAE]  }
0x28: {  	s2 =	sld [smem:$0x3FAF]  }
0x29: {  	s4 =	sld [smem:$0x3FB1]  }
0x2a: {  	p0 =	seq.s32 s5, $0x0;
	s5 =	sld [smem:$0x3FB2]  }
0x2b: {  	s6 =	sld [smem:$0x3FB3]  }
0x2c: {  	s7 =	sld [smem:$0x3FB4]  }
0x2d: {  	s3 =	simm.s32 $0x108;
	s8 =	sld [smem:$0x3FB5]  }
0x2e: {  	s3 =	simm.s32 @!p0 $0x1082;
	s9 =	sld [smem:$0x3FB6]  }
0x2f: {  	lr =	sadd.s32 s0, s3;
	s0 =	sld [smem:$0x3FAD]  }
0x30: {  	s3 =	sld [smem:$0x3FB0]  }
0x31: {  	[smem:$0x3FB9] =	sst s10  }
0x32: {  	s10 =	sld [smem:$0x3FB7];
	_ =	sdelay $0x3  }
0x33: {  	p0 =	seq.s32 s10, $0x1;
	s10 =	sld [smem:$0x3FB9];
	_ =	sdelay $0x3  }
0x34: {  	[smem:$0x3FB9] =	sst s10  }
0x35: {  	s10 =	sld [smem:$0x3FB8];
	_ =	sdelay $0x3  }
0x36: {  	p1 =	seq.s32 s10, $0x1;
	s10 =	sld [smem:$0x3FB9];
	_ =	sdelay $0x3  }
0x37: {  	[smem:$0x3FB9] =	sst s10  }
0x38: {  	s10 =	sld [smem:$0x3FBA]  }
0x39: {  	_ = 	snop;
	(pc) =	sbr.ind lr, $3  }
0x3a: {  	_ = 	snop  }
0x3b: {  	_ = 	snop  }
0x3c: {  	p2 =	seq.s32 s10, $0x1;
	s10 =	sld [smem:$0x3FB9]  }
0x3d: {  	_ =	shalt  }
0x3e: {  	_ =	shalt  }
0x3f: {  	_ =	shalt  }
0x40: {  	_ =	shalt  }
0x41: {  	_ =	shalt  }
0x42: {  	_ =	shalt  }
0x43: {  	_ =	shalt  }
0x44: {  	_ =	shalt  }
0x45: {  	_ =	shalt  }
0x46: {  	_ =	shalt  }
0x47: {  	_ =	shalt  }
0x48: {  	_ =	shalt  }
0x49: {  	_ =	shalt  }
0x4a: {  	_ =	shalt  }
0x4b: {  	_ =	shalt  }
0x4c: {  	_ =	shalt  }
0x4d: {  	_ =	shalt  }
0x4e: {  	_ =	shalt  }
0x4f: {  	_ =	shalt  }
0x50: {  	_ =	shalt  }
0x51: {  	_ =	shalt  }
0x52: {  	_ =	shalt  }
0x53: {  	_ =	shalt  }
0x54: {  	_ =	shalt  }
0x55: {  	_ =	shalt  }
0x56: {  	_ =	shalt  }
0x57: {  	_ =	shalt  }
0x58: {  	_ =	shalt  }
0x59: {  	_ =	shalt  }
0x5a: {  	_ =	shalt  }
0x5b: {  	_ =	shalt  }
0x5c: {  	_ =	shalt  }
0x5d: {  	_ =	shalt  }
0x5e: {  	_ =	shalt  }
0x5f: {  	_ =	shalt  }
0x60: {  	_ =	shalt  }
0x61: {  	_ =	shalt  }
0x62: {  	_ =	shalt  }
0x63: {  	_ =	shalt  }
0x64: {  	_ =	shalt  }
0x65: {  	_ =	shalt  }
0x66: {  	_ =	shalt  }
0x67: {  	_ =	shalt  }
0x68: {  	_ =	shalt  }
0x69: {  	_ =	shalt  }
0x6a: {  	_ =	shalt  }
0x6b: {  	_ =	shalt  }
0x6c: {  	_ =	shalt  }
0x6d: {  	_ =	shalt  }
0x6e: {  	_ =	shalt  }
0x6f: {  	_ =	shalt  }
0x70: {  	_ =	shalt  }
0x71: {  	_ =	shalt  }
0x72: {  	_ =	shalt  }
0x73: {  	_ =	shalt  }
0x74: {  	_ =	shalt  }
0x75: {  	_ =	shalt  }
0x76: {  	_ =	shalt  }
0x77: {  	_ =	shalt  }
0x78: {  	_ =	shalt  }
0x79: {  	_ =	shalt  }
0x7a: {  	_ =	shalt  }
0x7b: {  	_ =	shalt  }
0x7c: {  	_ =	shalt  }
0x7d: {  	_ =	shalt  }
0x7e: {  	_ =	shalt  }
0x7f: {  	_ =	shalt  }
0x80: {  	_ =	shalt  }
0x81: {  	_ =	shalt  }
0x82: {  	_ =	shalt  }
0x83: {  	_ =	shalt  }
0x84: {  	_ =	shalt  }
0x85: {  	_ =	shalt  }
0x86: {  	_ =	shalt  }
0x87: {  	_ =	shalt  }
.Lfunc_end0:
.L_simem_size_0:
called_computation.1_lowered:
.L_overlay_start_0:
0x88: {  	s2 =	sld [smem:$0x3FD9]  }
0x89: {  	s3 =	sld [smem:$0x3FFE];
	_ =	sdelay $0x1  }
0x8a: {  	s1 =	srdreg.scid  }
0x8b: {  	s0 =	sand.u32 $0x1, s1  }
0x8c: {  	s14 =	sshll.u32 s0, $0xA;
	s2 =	sadd.s32 s3, s2  }
0x8d: {  	s2 =	sadd.s32 s2, s14  }
0x8e: {  	[smem:$0x3FC5] =	sst s2  }
0x8f: {  	_ = 	snop  }
0x90: {  	s2 =	sld [smem:$0x3FD0];
	_ =	sdelay $0x2  }
0x91: {  	s15 =	simm.s32 $0xA;
	s4 =	simm.s32 $0x10  }
0x92: {  	[smem:s4], [sflag:s15] =	dma.local [hbm:s2], $0x1  }
0x93: {  	_ =	swait.eq [sflag:s15], $0x1  }
0x94: {  	[sflag:s15] =	ssyncset.done $0x0  }
0x95: {  	[sflag:s15] =	ssyncadd.s32 $0xFFFFFFFF  }
0x96: {  	s16 =	sld [smem:$0x11];
	(tm) =	ssettm $0x1  }
0x97: {  	s17 =	sld [smem:$0x3FFB];
	_ =	sdelay $0x3  }
0x98: {  	_ =	strace s17  }
0x99: {  	s3 =	sld [smem:$0x3FFC];
	_ =	sdelay $0x3  }
0x9a: {  	_ =	strace s3  }
0x9b: {  	s3 =	sld [smem:$0x3FFD];
	_ =	sdelay $0x3  }
0x9c: {  	_ =	strace s3  }
0x9d: {  	_ =	strace $0x8FFFFFFF  }
0x9e: {  	s18 =	sld [smem:$0x3FDB];
	_ =	sdelay $0x1  }
0x9f: {  	s19 =	simm.s32 $_scs_section_size  }
0xa0: {  	s5 =	simm.s32 $_size__tile_overlayer_lowered;
	s6 =	simm.s32 $_tile_overlayer_lowered  }
0xa1: {  	s22 =	simm.s32 $0x1BFF;
	s21 =	sshll.u32 s6, $0x1;
	s3 =	sadd.s32 s19, s18  }
0xa2: {  	s7 =	simm.s32 $0x0;
	s20 =	sshll.u32 s5, $0x1;
	s5 =	sadd.s32 s21, s3  }
0xa3: {  	[timem:s7], [sflag:s22] =	dma.local [hbm:s5], s20  }
0xa4: {  	_ =	swait.ge [sflag:s22], s20  }
0xa5: {  	s4 =	ssub.s32 $0x0, s20;
	[sflag:s22] =	ssyncset.done $0x0  }
0xa6: {  	[sflag:s22] =	ssyncadd.s32 s4;
	_ =	sdelay $0x1  }
0xa7: {  	s23 =	simm.s32 $0x1B8B  }
0xa8: {  	_ =	swait.ge [sflag:s23], $0x1  }
0xa9: {  	[sflag:s23] =	ssyncset.done $0x0  }
0xaa: {  	s25 =	simm.s32 $0x1B8E;
	s24 =	sld [smem:$0x3FFE];
	[sflag:s23] =	ssyncadd.s32 $0xFFFFFFFF  }
0xab: {  	s26 =	simm.s32 $execute0_lowered;
	[smem:$0x3FD2] =	sst s25  }
0xac: {  	s5 =	sshll.u32 s26, $0x1;
	_ =	strace $0x80000046;
	[dreg:$0x1] =	wrdreg $0xFFFFFFFF  }
0xad: {  	s28 =	simm.s32 $_size_execute0_lowered;
	s3 =	sadd.s32 s3, s5;
	[dreg:$0x0] =	wrdreg $0x0  }
0xae: {  	s5 =	sshll.u32 s28, $0x1;
	[dreg:$0x2] =	wrdreg s3  }
0xaf: {  	[dreg:$0x3] =	wrdreg s5  }
0xb0: {  	[dreg:$0x4] =	wrdreg $0xC0  }
0xb1: {  	_ =	task [dreg:s7], $0x5FFFF  }
0xb2: {  	[dreg:$0x1] =	wrdreg $0xFFFFFFFF  }
0xb3: {  	[dreg:$0x0] =	wrdreg $0x60  }
0xb4: {  	[dreg:$0x2] =	wrdreg s16  }
0xb5: {  	[dreg:$0x3] =	wrdreg s24  }
0xb6: {  	[dreg:$0x4] =	wrdreg $0x9  }
0xb7: {  	_ =	task.clear_ibuf [dreg:s7], $0x5FFFF;
	_ =	strace $0x90000046  }
0xb8: {  	s29 =	simm.s32 $0x9;
	_ =	strace $0x80000048  }
0xb9: {  	_ =	swait.ge [sflag:s29], $0x1  }
0xba: {  	[sflag:s29] =	ssyncadd.s32 $0xFFFFFFFF  }
0xbb: {  	_ =	strace $0x90000048  }
0xbc: {  	_ =	sfence  }
0xbd: {  	s30 =	sld [smem:$0x0];
	_ =	sdelay $0x2  }
0xbe: {  	s31 =	sshll.u32 s1, $0xD;
	s1 =	sshrl.u32 s1, $0x2  }
0xbf: {  	s3 =	sand.u32 $0x4000, s31;
	s1 =	sadd.s32 s1, s30  }
0xc0: {  	s0 =	sor.u32 s3, s0;
	s1 =	sshll.u32 s1, $0x11  }
0xc1: {  	s0 =	sor.u32 s1, s0  }
0xc2: {  	s0 =	sadd.s32 $0x8F2B, s0  }
0xc3: {  	[sflag:s0] =	ssyncadd.remote.s32 $0x1  }
0xc4: {  	_ =	sfence.sel $0xFFFF  }
0xc5: {  	[dreg:$0x0] =	wrdreg $0xFFFFFFFF;
	(pc) =	sbr.abs _section_cstart, $3  }
0xc6: {  	[dreg:$0x1] =	wrdreg $0xFFFFFFFF  }
0xc7: {  	_ =	task.clear_ibuf [dreg:s7], $0x2FFFF;
	_ =	strace $0x9FFFFFFF  }
0xc8: {  	(tm) =	ssettm $0x7FFFFFFF  }
0xc9: {  	_ =	shalt  }
tec
execute0_lowered:
.L_overlay_start_1:
0x0: {  	(tag) =	ssettag $0x1  }
0x1: {  	s1 =	srdreg.scid;
	s10 =	rddreg [dreg:$0x0]  }
0x2: {  	s0 =	stileid.u32;
	s4 =	rddreg [dreg:$0x1]  }
0x3: {  	s3 =	sand.u32 $0x1, s1;
	s5 =	sshll.u32 s0, $0x8;
	s1 =	rddreg [dreg:$0x2]  }
0x4: {  	s11 =	sadd.s32 $0x1800, s4;
	s2 =	sshll.u32 s3, $0xC;
	s9 =	sand.u32 $0x700, s5  }
0x5: {  	s3 =	ssub.s32 $0x2, s3;
	s6 =	sor.u32 s5, s2;
	s2 =	simm.s32 $0x0  }
0x6: {  	p1 =	sne.s32 s9, $0x0;
	s5 =	simm.s32 $0x1;
	s22 =	sshrl.u32 s3, $0x1  }
0x7: {  	v0 =	vlaneseq.u32;
	v1 =	vimm.s32 $0x0;
	s23 =	sshll.u32 s9, $0x8;
	s25 =	sshll.u32 s9, $0x5;
	s26 =	sor.u32 $0x40, s9  }
0x8: {  	v2 =	vimm.s32 $0x8040201;
	v3 =	vimm.s32 $0x80000000;
	vm0 =	vcmask $0x300;
	s15 =	sor.u32 $0x80, s9;
	s9 =	sor.u32 $0xC0, s9;
	p0 =	seq.s32 s6, $0x0  }
0x9: {  	vm13 =	vcmask $0x704;
	vm1 =	vcmask $0xF00;
	v3 =	vsel vm0, $0x10000, v3;
	[smem:$0x7FF] =	sst s2;
	s6 =	sshrl.u32 s6, $0xB;
	s12 =	ssub.s32 s3, s22  }
0xa: {  	vm14 =	vcmask $0xB08;
	v4 =	vimm.s32 $0x80402010;
	v3 =	vsel vm13, $0x20000, v3;
	s3 =	simm.s32 $0x1;
	s7 =	sshll.u32 s26, $0x8;
	p0 =	por !p0, !p1  }
0xb: {  	vm15 =	vcmask $0xF0C;
	vm4 =	vcmask $0x1310;
	v3 =	vsel vm14, $0x40000, v3;
	s8 =	sshll.u32 s15, $0x8;
	s15 =	sshll.u32 s15, $0x5;
	p0 =	por !p0, !p0  }
0xc: {  	vm5 =	vcmask $0x1714;
	vm6 =	vcmask $0x1B18;
	v3 =	vsel vm15, $0x80000, v3;
	s29 =	sshll.u32 s9, $0x8;
	s9 =	sshll.u32 s9, $0x5;
	s5 =	simm.s32 @!p0 $0x0  }
0xd: {  	v2 =	vunpack.c.0.s8.s32 v2;
	v4 =	vunpack.c.0.s8.s32 v4;
	_ =	strace $0x80000047;
	v3 =	vsel vm4, $0x100000, v3;
	s12 =	smax.u32 s12, $0x1;
	s5 =	ssub.s32 s6, s5  }
0xe: {  	vm7 =	vcmask $0x1F10;
	vm8 =	vcmask $0x1F1C;
	v3 =	vsel vm5, $0x200000, v3;
	s6 =	sshll.u32 s26, $0x5;
	s13 =	sshll.u32 s5, $0x13;
	s14 =	sshll.u32 s5, $0x10  }
0xf: {  	v2 =	vnsel vm1, $0x8000, v2;
	v4 =	vand.u32 $0xFF, v4;
	v3 =	vsel vm6, $0x400000, v3;
	s24 =	sor.u32 s23, s13;
	s5 =	sor.u32 s25, s14;
	s7 =	sor.u32 s7, s13  }
0x10: {  	vm9 =	vcmask $0x2320;
	v2 =	vsel vm7, v4, v2;
	v3 =	vsel vm8, $0x800000, v3;
	s16 =	sor.u32 s6, s14;
	s8 =	sor.u32 s8, s13;
	s15 =	sor.u32 s15, s14  }
0x11: {  	vm10 =	vcmask $0x2724;
	v2 =	vsel vm9, $0x100, v2;
	v3 =	vsel vm9, $0x1000000, v3;
	s13 =	sor.u32 s29, s13;
	s9 =	sor.u32 s9, s14;
	s14 =	simm.s32 $0x0  }
0x12: {  	vm11 =	vcmask $0x2B28;
	v2 =	vsel vm10, $0x200, v2;
	v3 =	vsel vm10, $0x2000000, v3;
	s4 =	sshrl.u32 s24, $0x3;
	s5 =	sshrl.u32 s5, $0x3;
	s7 =	sshrl.u32 s7, $0x3  }
.Ltmp0:
0x13: {  	vm12 =	vcmask $0x2F2C;
	v2 =	vsel vm11, $0x400, v2;
	s28 =	sshrl.u32 s16, $0x3;
	s8 =	sshrl.u32 s8, $0x3;
	v3 =	vsel vm11, $0x4000000, v3;
	(pc) =	sbr.rel .LBB2_1-.Ltmp0, $4  }
0x14: {  	vm13 =	vcmask $0x3330;
	v2 =	vsel vm12, $0x800, v2;
	s30 =	sshrl.u32 s15, $0x3;
	s13 =	sshrl.u32 s13, $0x3;
	s31 =	sshrl.u32 s9, $0x3;
	v3 =	vsel vm12, $0x8000000, v3  }
0x15: {  	vm14 =	vcmask $0x3734;
	v2 =	vsel vm13, $0x1000, v2;
	s4 =	sadd.s32 s10, s4;
	s5 =	sadd.s32 s11, s5;
	s6 =	sadd.s32 s10, s7;
	v3 =	vsel vm13, $0x10000000, v3  }
0x16: {  	vm15 =	vcmask $0x3B38;
	v2 =	vsel vm14, $0x2000, v2;
	s7 =	sadd.s32 s11, s28;
	s8 =	sadd.s32 s10, s8;
	s9 =	sadd.s32 s11, s30;
	v3 =	vsel vm14, $0x20000000, v3  }
0x17: {  	v4 =	vor.u32 $0x10, v0;
	v2 =	vsel vm15, $0x4000, v2;
	s10 =	sadd.s32 s10, s13;
	s11 =	sadd.s32 s11, s31;
	s13 =	simm.s32 $0x4380;
	v3 =	vsel vm15, $0x40000000, v3  }
.LBB2_33:
0x18: {  	s14 =	sadd.s32 $0x1, s14  }
0x19: {  	p0 =	sne.s32 s14, s12  }
.Ltmp1:
0x1a: {  	_ = 	snop;
	(pc) =	sbr.rel @!p0 .LBB2_34-.Ltmp1, $4  }
0x1b: {  	[hbm4b:s11+s2] =	stream.linear.scatter [tilespmem:s13], [sflag:$0x1], $0x800, $0x38;
	[tilespmem:$0x4B80] =	vst v63  }
0x1c: {  	_ =	swait.ge [sflag:s3], $0x800  }
0x1d: {  	[sflag:s3] =	ssyncset.done $0x0  }
0x1e: {  	[sflag:s3] =	ssyncadd.s32 $0xFFFFF800  }
.LBB2_1:
.Ltmp2:
0x1f: {  	(pc) =	sbr.rel .LBB2_2-.Ltmp2, $4  }
0x20: {  	[tilespmem:s2], [sflag:$0x1] =	stream.linear.gather [hbm4b:s4+s2], $0x4000, $0x38;
	[tilespmem:$0x4B80] =	vst v63  }
0x21: {  	_ =	swait.ge [sflag:s3], $0x4000  }
0x22: {  	[sflag:s3] =	ssyncset.done $0x0  }
0x23: {  	s15 =	simm.s32 $0x0;
	[sflag:s3] =	ssyncadd.s32 $0xFFFFC000  }
.LBB2_8:
0x24: {  	v5 =	vld [tilespmem:$0x4300];
	_ =	sdelay $0x2  }
0x25: {  	v6 =	vld [tilespmem:$0x4310];
	s15 =	sadd.s32 $0x1, s15  }
0x26: {  	p0 =	sne.s32 s15, $0x40  }
.Ltmp3:
0x27: {  	v8 =	vmov s17;
	v7 =	vbroadcast v5, $0x0;
	(pc) =	sbr.rel @!p0 .LBB2_9-.Ltmp3, $4  }
0x28: {  	vm0 =	vgt.s32 v8, v0  }
0x29: {  	s16 =	sshrl.u32 s16, $0x2;
	vm15 =	vgt.s32 v8, v4;
	v5 =	vsel vm0, v5, v7  }
0x2a: {  	[tilespmem:s16+$0x4380] =	vst v5;
	v5 =	vsel vm15, v6, v7  }
0x2b: {  	[tilespmem:s16+$0x4390] =	vst v5  }
.LBB2_2:
0x2c: {  	s16 =	sshll.u32 s15, $0x7  }
0x2d: {  	s17 =	sand.u32 $0x380, s16  }
0x2e: {  	v5 =	vmov s17  }
0x2f: {  	s29 =	sshll.u32 s15, $0x8;
	s18 =	simm.s32 $0x0  }
0x30: {  	s19 =	simm.s32 $0x0;
	s20 =	sand.u32 $0x400, s18;
	s17 =	sand.u32 $0x3800, s29  }
0x31: {  	s21 =	sand.u32 $0x40, s19;
	s20 =	sadd.s32 s20, s17  }
0x32: {  	s21 =	sadd.s32 s21, s20  }
0x33: {  	v6 =	vld.idx.msk [tilespmem:v5+s21+$0x0 ss:$0x1], $0xffff;
	_ =	sdelay $0x4  }
0x34: {  	s30 =	simm.s32 $0x10;
	vm0 =	vne.s32 v6, $0x0  }
0x35: {  	s31 =	sand.u32 $0x50, s30;
	[tilespmem:s18+$0x4000] =	vst.msk vm0, v6;
	v6 =	vor.u32 s19, v0;
	v7 =	vmpcnt.ones.xlane vm0  }
0x36: {  	s22 =	sadd.s32 s31, s20;
	[tilespmem:s18+$0x4180] =	vst.msk vm0, v6  }
0x37: {  	v6 =	vld.idx.msk [tilespmem:v5+s22+$0x0 ss:$0x1], $0xffff;
	(v2sf) =	vpush v7, $0x0;
	_ =	sdelay $0x4  }
0x38: {  	vm13 =	vne.s32 v6, $0x0  }
0x39: {  	v7 =	vmpcnt.ones.xlane vm13;
	_ =	sdelay $0x1  }
0x3a: {  	(v2sf) =	vpush v7, $0x0;
	_ =	sdelay $0x6  }
0x3b: {  	s23 =	spop (v2sf)  }
0x3c: {  	s24 =	simm.s32 $0x20;
	s18 =	sadd.s32 $0x0, s23  }
0x3d: {  	s25 =	sand.u32 $0x60, s24;
	[tilespmem:s18+$0x4000] =	vst.msk vm13, v6;
	v6 =	vor.u32 s30, v0  }
0x3e: {  	s21 =	sadd.s32 s25, s20;
	[tilespmem:s18+$0x4180] =	vst.msk vm13, v6  }
0x3f: {  	v6 =	vld.idx.msk [tilespmem:v5+s21+$0x0 ss:$0x1], $0xffff;
	_ =	sdelay $0x3  }
0x40: {  	s26 =	spop (v2sf)  }
0x41: {  	s22 =	simm.s32 $0x30;
	s18 =	sadd.s32 s18, s26;
	vm14 =	vne.s32 v6, $0x0  }
0x42: {  	s28 =	sand.u32 $0x70, s22;
	[tilespmem:s18+$0x4000] =	vst.msk vm14, v6;
	v6 =	vor.u32 s24, v0;
	v7 =	vmpcnt.ones.xlane vm14  }
0x43: {  	s19 =	sadd.s32 s28, s20;
	[tilespmem:s18+$0x4180] =	vst.msk vm14, v6  }
0x44: {  	v6 =	vld.idx.msk [tilespmem:v5+s19+$0x0 ss:$0x1], $0xffff;
	(v2sf) =	vpush v7, $0x0;
	_ =	sdelay $0x4  }
0x45: {  	vm15 =	vne.s32 v6, $0x0  }
0x46: {  	v7 =	vmpcnt.ones.xlane vm15;
	_ =	sdelay $0x1  }
0x47: {  	(v2sf) =	vpush v7, $0x0;
	_ =	sdelay $0x6  }
0x48: {  	s20 =	simm.s32 $0x200;
	s29 =	spop (v2sf)  }
0x49: {  	s23 =	simm.s32 $0x40;
	s30 =	sand.u32 $0x400, s20;
	s24 =	sadd.s32 s18, s29  }
0x4a: {  	s31 =	sand.u32 $0x40, s23;
	s21 =	sadd.s32 s30, s17;
	[tilespmem:s24+$0x4000] =	vst.msk vm15, v6;
	v6 =	vor.u32 s22, v0  }
0x4b: {  	s18 =	sadd.s32 s31, s21;
	[tilespmem:s24+$0x4180] =	vst.msk vm15, v6  }
0x4c: {  	v6 =	vld.idx.msk [tilespmem:v5+s18+$0x0 ss:$0x1], $0xffff;
	_ =	sdelay $0x2  }
0x4d: {  	s19 =	simm.s32 $0x70  }
0x4e: {  	s22 =	simm.s32 $0x4;
	s18 =	simm.s32 $0x70;
	s25 =	spop (v2sf)  }
.LBB2_3:
0x4f: {  	s22 =	sadd.s32 $0x4, s22;
	vm0 =	vne.s32 v6, $0x0;
	s26 =	sadd.s32 $0xFFFFFFE0, s19;
	s24 =	sadd.s32 s24, s25  }
0x50: {  	p0 =	slt.u32 s22, $0xC;
	[tilespmem:s24+$0x4000] =	vst.msk vm0, v6;
	v6 =	vor.u32 s23, v0;
	v7 =	vmpcnt.ones.xlane vm0;
	s23 =	sand.u32 $0x50, s26  }
0x51: {  	[tilespmem:s24+$0x4180] =	vst.msk vm0, v6;
	s23 =	sadd.s32 s23, s21  }
0x52: {  	v6 =	vld.idx.msk [tilespmem:v5+s23+$0x0 ss:$0x1], $0xffff;
	(v2sf) =	vpush v7, $0x0;
	_ =	sdelay $0x5  }
0x53: {  	vm0 =	vne.s32 v6, $0x0  }
0x54: {  	v7 =	vmpcnt.ones.xlane vm0;
	_ =	sdelay $0x1  }
0x55: {  	(v2sf) =	vpush v7, $0x0;
	_ =	sdelay $0x5  }
0x56: {  	s23 =	spop (v2sf)  }
0x57: {  	s23 =	sadd.s32 s24, s23;
	s24 =	sadd.s32 $0xFFFFFFF0, s19  }
0x58: {  	[tilespmem:s23+$0x4000] =	vst.msk vm0, v6;
	v6 =	vor.u32 s26, v0;
	s25 =	sand.u32 $0x60, s24  }
0x59: {  	[tilespmem:s23+$0x4180] =	vst.msk vm0, v6;
	s25 =	sadd.s32 s25, s21  }
0x5a: {  	v6 =	vld.idx.msk [tilespmem:v5+s25+$0x0 ss:$0x1], $0xffff;
	_ =	sdelay $0x4  }
0x5b: {  	s25 =	spop (v2sf)  }
0x5c: {  	vm0 =	vne.s32 v6, $0x0;
	s25 =	sadd.s32 s23, s25  }
0x5d: {  	v7 =	vmpcnt.ones.xlane vm0;
	s23 =	sand.u32 $0x70, s19;
	[tilespmem:s25+$0x4000] =	vst.msk vm0, v6;
	v6 =	vor.u32 s24, v0  }
0x5e: {  	s21 =	sadd.s32 s23, s21;
	[tilespmem:s25+$0x4180] =	vst.msk vm0, v6  }
0x5f: {  	v6 =	vld.idx.msk [tilespmem:v5+s21+$0x0 ss:$0x1], $0xffff;
	(v2sf) =	vpush v7, $0x0;
	_ =	sdelay $0x5  }
0x60: {  	vm0 =	vne.s32 v6, $0x0  }
0x61: {  	v7 =	vmpcnt.ones.xlane vm0;
	_ =	sdelay $0x1  }
0x62: {  	(v2sf) =	vpush v7, $0x0;
	_ =	sdelay $0x5  }
0x63: {  	s20 =	sadd.s32 $0x200, s20;
	s19 =	sadd.s32 $0x40, s19;
	s21 =	spop (v2sf)  }
0x64: {  	s26 =	sand.u32 $0x400, s20;
	s23 =	sadd.s32 $0xFFFFFFD0, s19;
	s24 =	sadd.s32 s25, s21  }
0x65: {  	s25 =	sand.u32 $0x40, s23;
	s21 =	sadd.s32 s26, s17;
	[tilespmem:s24+$0x4000] =	vst.msk vm0, v6;
	v6 =	vor.u32 s18, v0;
	s18 =	smov.u32 s19  }
0x66: {  	s25 =	sadd.s32 s25, s21;
	[tilespmem:s24+$0x4180] =	vst.msk vm0, v6  }
0x67: {  	v6 =	vld.idx.msk [tilespmem:v5+s25+$0x0 ss:$0x1], $0xffff  }
.Ltmp4:
0x68: {  	(pc) =	sbr.rel @p0 .LBB2_3-.Ltmp4, $2  }
0x69: {  	_ =	sdelay $0x2  }
0x6a: {  	s25 =	spop (v2sf)  }
0x6b: {  	_ = 	snop  }
0x6c: {  	vm0 =	vne.s32 v6, $0x0;
	s17 =	sadd.s32 $0xFFFFFFE0, s19;
	s20 =	sadd.s32 s24, s25  }
0x6d: {  	[tilespmem:s20+$0x4000] =	vst.msk vm0, v6;
	v6 =	vor.u32 s23, v0;
	v7 =	vmpcnt.ones.xlane vm0;
	s22 =	sand.u32 $0x50, s17  }
0x6e: {  	[tilespmem:s20+$0x4180] =	vst.msk vm0, v6;
	s22 =	sadd.s32 s22, s21  }
0x6f: {  	v6 =	vld.idx.msk [tilespmem:v5+s22+$0x0 ss:$0x1], $0xffff;
	(v2sf) =	vpush v7, $0x0;
	_ =	sdelay $0x4  }
0x70: {  	vm13 =	vne.s32 v6, $0x0  }
0x71: {  	v7 =	vmpcnt.ones.xlane vm13;
	_ =	sdelay $0x1  }
0x72: {  	(v2sf) =	vpush v7, $0x0;
	_ =	sdelay $0x6  }
0x73: {  	s24 =	spop (v2sf)  }
0x74: {  	s25 =	sadd.s32 $0xFFFFFFF0, s19;
	s20 =	sadd.s32 s20, s24  }
0x75: {  	s26 =	sand.u32 $0x60, s25;
	[tilespmem:s20+$0x4000] =	vst.msk vm13, v6;
	v6 =	vor.u32 s17, v0  }
0x76: {  	s17 =	sadd.s32 s26, s21;
	[tilespmem:s20+$0x4180] =	vst.msk vm13, v6  }
0x77: {  	v6 =	vld.idx.msk [tilespmem:v5+s17+$0x0 ss:$0x1], $0xffff;
	_ =	sdelay $0x3  }
0x78: {  	s28 =	spop (v2sf)  }
0x79: {  	s17 =	sadd.s32 s20, s28;
	vm14 =	vne.s32 v6, $0x0  }
0x7a: {  	s29 =	sand.u32 $0x70, s19;
	[tilespmem:s17+$0x4000] =	vst.msk vm14, v6;
	v6 =	vor.u32 s25, v0  }
0x7b: {  	s19 =	sadd.s32 s29, s21;
	[tilespmem:s17+$0x4180] =	vst.msk vm14, v6  }
0x7c: {  	v5 =	vld.idx.msk [tilespmem:v5+s19+$0x0 ss:$0x1], $0xffff;
	_ =	sdelay $0x4  }
0x7d: {  	v6 =	vmpcnt.ones.xlane vm14;
	vm15 =	vne.s32 v5, $0x0  }
0x7e: {  	v7 =	vmpcnt.ones.xlane vm15  }
0x7f: {  	(v2sf) =	vpush v6, $0x0  }
0x80: {  	(v2sf) =	vpush v7, $0x0;
	_ =	sdelay $0xd  }
0x81: {  	s30 =	spop (v2sf)  }
0x82: {  	s17 =	sadd.s32 s17, s30;
	s31 =	spop (v2sf)  }
0x83: {  	[tilespmem:s17+$0x4000] =	vst.msk vm15, v5;
	v5 =	vor.u32 s18, v0;
	s18 =	sadd.s32 s17, s31  }
0x84: {  	p0 =	slt.s32 s18, $0x1  }
.Ltmp5:
0x85: {  	_ = 	snop;
	(pc) =	sbr.rel @p0 .LBB2_8-.Ltmp5, $3  }
0x86: {  	_ =	sdelay $0x1  }
0x87: {  	[tilespmem:s17+$0x4180] =	vst.msk vm15, v5  }
0x88: {  	[tilespmem:$0x4300] =	vst v1;
	s17 =	simm.s32 $0x0  }
0x89: {  	s19 =	simm.s32 $0x1;
	s20 =	simm.s32 $0x4180;
	s21 =	simm.s32 $0x4000  }
.LBB2_6:
0x8a: {  	v5 =	vld.msk [tilespmem:s21+$0x0 ss:$0x0], $0xffff;
	_ =	sdelay $0x2  }
0x8b: {  	v6 =	vld [tilespmem:s20+$0x0];
	_ =	sdelay $0x1  }
0x8c: {  	v7 =	vand.u32 v2, v5  }
0x8d: {  	v5 =	vand.u32 v3, v5;
	vm0 =	vne.s32 v7, $0x0  }
0x8e: {  	vm1 =	vne.s32 v5, $0x0;
	v5 =	vmpcnt.ones.xlane vm0  }
0x8f: {  	(v2sf) =	vpush v6, $0x0;
	v6 =	vmpcnt.ones.xlane vm1  }
0x90: {  	(v2sf) =	vpush v5, $0x0  }
0x91: {  	(v2sf) =	vpush v6, $0x0;
	_ =	sdelay $0xc  }
0x92: {  	s22 =	spop (v2sf)  }
0x93: {  	s22 =	sshll.u32 s22, $0x5;
	s23 =	spop (v2sf)  }
0x94: {  	v5 =	vor.u32 s22, v0;
	s23 =	sadd.s32 s17, s23;
	s31 =	spop (v2sf)  }
0x95: {  	p0 =	sge.s32 s19, s18;
	[tilespmem:s17+$0x4300] =	vst.msk vm0, v5;
	s17 =	sadd.s32 s23, s31  }
0x96: {  	p1 =	slt.s32 @!p0 s17, $0x20  }
0x97: {  	p0 =	por p0, !p1  }
.Ltmp6:
0x98: {  	_ = 	snop;
	(pc) =	sbr.rel @!p0 .LBB2_6-.Ltmp6, $3  }
0x99: {  	_ =	sdelay $0x1  }
0x9a: {  	v5 =	vor.u32 s22, v4  }
0x9b: {  	s19 =	sadd.s32 $0x1, s19;
	s20 =	sadd.s32 $0x1, s20;
	s21 =	sadd.s32 $0x1, s21;
	[tilespmem:s23+$0x4300] =	vst.msk vm1, v5  }
.Ltmp7:
0x9c: {  	(pc) =	sbr.rel .LBB2_8-.Ltmp7, $3  }
0x9d: {  	_ =	sdelay $0x1  }
0x9e: {  	p0 =	slt.s32 s17, $0x20  }
0x9f: {  	s17 =	simm.s32 @!p0 $0x20  }
.LBB2_9:
0xa0: {  	s15 =	simm.s32 $0x0  }
0xa1: {  	[hbm4b:s5+s15] =	stream.linear.scatter [tilespmem:s13], [sflag:$0x1], $0x800, $0x38;
	[tilespmem:$0x4B80] =	vst v63  }
0xa2: {  	_ =	swait.ge [sflag:s3], $0x800  }
0xa3: {  	[sflag:s3] =	ssyncset.done $0x0  }
.Ltmp8:
0xa4: {  	[sflag:s3] =	ssyncadd.s32 $0xFFFFF800;
	(pc) =	sbr.rel .LBB2_10-.Ltmp8, $4  }
0xa5: {  	[tilespmem:s15], [sflag:$0x1] =	stream.linear.gather [hbm4b:s6+s15], $0x4000, $0x38;
	[tilespmem:$0x4B80] =	vst v63  }
0xa6: {  	_ =	swait.ge [sflag:s3], $0x4000  }
0xa7: {  	[sflag:s3] =	ssyncset.done $0x0  }
0xa8: {  	s16 =	simm.s32 $0x0;
	[sflag:s3] =	ssyncadd.s32 $0xFFFFC000  }
.LBB2_16:
0xa9: {  	v5 =	vld [tilespmem:$0x4300];
	_ =	sdelay $0x2  }
0xaa: {  	v6 =	vld [tilespmem:$0x4310];
	s16 =	sadd.s32 $0x1, s16  }
0xab: {  	p0 =	sne.s32 s16, $0x40  }
.Ltmp9:
0xac: {  	v8 =	vmov s18;
	v7 =	vbroadcast v5, $0x0;
	(pc) =	sbr.rel @!p0 .LBB2_17-.Ltmp9, $4  }
0xad: {  	vm0 =	vgt.s32 v8, v0  }
0xae: {  	s17 =	sshrl.u32 s17, $0x2;
	vm15 =	vgt.s32 v8, v4;
	v5 =	vsel vm0, v5, v7  }
0xaf: {  	[tilespmem:s17+$0x4380] =	vst v5;
	v5 =	vsel vm15, v6, v7  }
0xb0: {  	[tilespmem:s17+$0x4390] =	vst v5  }
.LBB2_10:
0xb1: {  	s17 =	sshll.u32 s16, $0x7  }
0xb2: {  	s18 =	sand.u32 $0x380, s17  }
0xb3: {  	v5 =	vmov s18  }
0xb4: {  	s30 =	sshll.u32 s16, $0x8  }
0xb5: {  	s19 =	simm.s32 $0x0;
	s20 =	sand.u32 $0x400, s15;
	s18 =	sand.u32 $0x3800, s30  }
0xb6: {  	s21 =	sand.u32 $0x40, s19;
	s20 =	sadd.s32 s20, s18  }
0xb7: {  	s21 =	sadd.s32 s21, s20  }
0xb8: {  	v6 =	vld.idx.msk [tilespmem:v5+s21+$0x0 ss:$0x1], $0xffff;
	_ =	sdelay $0x4  }
0xb9: {  	s31 =	simm.s32 $0x10;
	vm0 =	vne.s32 v6, $0x0  }
0xba: {  	s23 =	sand.u32 $0x50, s31;
	[tilespmem:s15+$0x4000] =	vst.msk vm0, v6;
	v6 =	vor.u32 s19, v0;
	v7 =	vmpcnt.ones.xlane vm0  }
0xbb: {  	s19 =	sadd.s32 s23, s20;
	[tilespmem:s15+$0x4180] =	vst.msk vm0, v6  }
0xbc: {  	v6 =	vld.idx.msk [tilespmem:v5+s19+$0x0 ss:$0x1], $0xffff;
	(v2sf) =	vpush v7, $0x0;
	_ =	sdelay $0x4  }
0xbd: {  	vm13 =	vne.s32 v6, $0x0  }
0xbe: {  	v7 =	vmpcnt.ones.xlane vm13;
	_ =	sdelay $0x1  }
0xbf: {  	(v2sf) =	vpush v7, $0x0;
	_ =	sdelay $0x6  }
0xc0: {  	s24 =	spop (v2sf)  }
0xc1: {  	s22 =	simm.s32 $0x20;
	s19 =	sadd.s32 $0x0, s24  }
0xc2: {  	s25 =	sand.u32 $0x60, s22;
	[tilespmem:s19+$0x4000] =	vst.msk vm13, v6;
	v6 =	vor.u32 s31, v0  }
0xc3: {  	s21 =	sadd.s32 s25, s20;
	[tilespmem:s19+$0x4180] =	vst.msk vm13, v6  }
0xc4: {  	v6 =	vld.idx.msk [tilespmem:v5+s21+$0x0 ss:$0x1], $0xffff;
	_ =	sdelay $0x3  }
0xc5: {  	s26 =	spop (v2sf)  }
0xc6: {  	s23 =	simm.s32 $0x30;
	s19 =	sadd.s32 s19, s26;
	vm14 =	vne.s32 v6, $0x0  }
0xc7: {  	s28 =	sand.u32 $0x70, s23;
	[tilespmem:s19+$0x4000] =	vst.msk vm14, v6;
	v6 =	vor.u32 s22, v0;
	v7 =	vmpcnt.ones.xlane vm14  }
0xc8: {  	s20 =	sadd.s32 s28, s20;
	[tilespmem:s19+$0x4180] =	vst.msk vm14, v6  }
0xc9: {  	v6 =	vld.idx.msk [tilespmem:v5+s20+$0x0 ss:$0x1], $0xffff;
	(v2sf) =	vpush v7, $0x0;
	_ =	sdelay $0x4  }
0xca: {  	vm15 =	vne.s32 v6, $0x0  }
0xcb: {  	v7 =	vmpcnt.ones.xlane vm15;
	_ =	sdelay $0x1  }
0xcc: {  	(v2sf) =	vpush v7, $0x0;
	_ =	sdelay $0x6  }
0xcd: {  	s21 =	simm.s32 $0x200;
	s29 =	spop (v2sf)  }
0xce: {  	s24 =	simm.s32 $0x40;
	s30 =	sand.u32 $0x400, s21;
	s25 =	sadd.s32 s19, s29  }
0xcf: {  	s31 =	sand.u32 $0x40, s24;
	s22 =	sadd.s32 s30, s18;
	[tilespmem:s25+$0x4000] =	vst.msk vm15, v6;
	v6 =	vor.u32 s23, v0  }
0xd0: {  	s19 =	sadd.s32 s31, s22;
	[tilespmem:s25+$0x4180] =	vst.msk vm15, v6  }
0xd1: {  	v6 =	vld.idx.msk [tilespmem:v5+s19+$0x0 ss:$0x1], $0xffff;
	_ =	sdelay $0x2  }
0xd2: {  	s20 =	simm.s32 $0x70  }
0xd3: {  	s23 =	simm.s32 $0x4;
	s19 =	simm.s32 $0x70;
	s26 =	spop (v2sf)  }
.LBB2_11:
0xd4: {  	s23 =	sadd.s32 $0x4, s23;
	vm0 =	vne.s32 v6, $0x0;
	s28 =	sadd.s32 $0xFFFFFFE0, s20;
	s25 =	sadd.s32 s25, s26  }
0xd5: {  	p0 =	slt.u32 s23, $0xC;
	[tilespmem:s25+$0x4000] =	vst.msk vm0, v6;
	v6 =	vor.u32 s24, v0;
	v7 =	vmpcnt.ones.xlane vm0;
	s24 =	sand.u32 $0x50, s28  }
0xd6: {  	[tilespmem:s25+$0x4180] =	vst.msk vm0, v6;
	s24 =	sadd.s32 s24, s22  }
0xd7: {  	v6 =	vld.idx.msk [tilespmem:v5+s24+$0x0 ss:$0x1], $0xffff;
	(v2sf) =	vpush v7, $0x0;
	_ =	sdelay $0x5  }
0xd8: {  	vm0 =	vne.s32 v6, $0x0  }
0xd9: {  	v7 =	vmpcnt.ones.xlane vm0;
	_ =	sdelay $0x1  }
0xda: {  	(v2sf) =	vpush v7, $0x0;
	_ =	sdelay $0x5  }
0xdb: {  	s24 =	spop (v2sf)  }
0xdc: {  	s24 =	sadd.s32 s25, s24;
	s25 =	sadd.s32 $0xFFFFFFF0, s20  }
0xdd: {  	[tilespmem:s24+$0x4000] =	vst.msk vm0, v6;
	v6 =	vor.u32 s28, v0;
	s26 =	sand.u32 $0x60, s25  }
0xde: {  	[tilespmem:s24+$0x4180] =	vst.msk vm0, v6;
	s26 =	sadd.s32 s26, s22  }
0xdf: {  	v6 =	vld.idx.msk [tilespmem:v5+s26+$0x0 ss:$0x1], $0xffff;
	_ =	sdelay $0x4  }
0xe0: {  	s26 =	spop (v2sf)  }
0xe1: {  	vm0 =	vne.s32 v6, $0x0;
	s26 =	sadd.s32 s24, s26  }
0xe2: {  	v7 =	vmpcnt.ones.xlane vm0;
	s24 =	sand.u32 $0x70, s20;
	[tilespmem:s26+$0x4000] =	vst.msk vm0, v6;
	v6 =	vor.u32 s25, v0  }
0xe3: {  	s22 =	sadd.s32 s24, s22;
	[tilespmem:s26+$0x4180] =	vst.msk vm0, v6  }
0xe4: {  	v6 =	vld.idx.msk [tilespmem:v5+s22+$0x0 ss:$0x1], $0xffff;
	(v2sf) =	vpush v7, $0x0;
	_ =	sdelay $0x5  }
0xe5: {  	vm0 =	vne.s32 v6, $0x0  }
0xe6: {  	v7 =	vmpcnt.ones.xlane vm0;
	_ =	sdelay $0x1  }
0xe7: {  	(v2sf) =	vpush v7, $0x0;
	_ =	sdelay $0x5  }
0xe8: {  	s21 =	sadd.s32 $0x200, s21;
	s20 =	sadd.s32 $0x40, s20;
	s22 =	spop (v2sf)  }
0xe9: {  	s28 =	sand.u32 $0x400, s21;
	s24 =	sadd.s32 $0xFFFFFFD0, s20;
	s25 =	sadd.s32 s26, s22  }
0xea: {  	s26 =	sand.u32 $0x40, s24;
	s22 =	sadd.s32 s28, s18;
	[tilespmem:s25+$0x4000] =	vst.msk vm0, v6;
	v6 =	vor.u32 s19, v0;
	s19 =	smov.u32 s20  }
0xeb: {  	s26 =	sadd.s32 s26, s22;
	[tilespmem:s25+$0x4180] =	vst.msk vm0, v6  }
0xec: {  	v6 =	vld.idx.msk [tilespmem:v5+s26+$0x0 ss:$0x1], $0xffff  }
.Ltmp10:
0xed: {  	(pc) =	sbr.rel @p0 .LBB2_11-.Ltmp10, $2  }
0xee: {  	_ =	sdelay $0x2  }
0xef: {  	s26 =	spop (v2sf)  }
0xf0: {  	_ = 	snop  }
0xf1: {  	vm0 =	vne.s32 v6, $0x0;
	s18 =	sadd.s32 $0xFFFFFFE0, s20;
	s21 =	sadd.s32 s25, s26  }
0xf2: {  	[tilespmem:s21+$0x4000] =	vst.msk vm0, v6;
	v6 =	vor.u32 s24, v0;
	v7 =	vmpcnt.ones.xlane vm0;
	s23 =	sand.u32 $0x50, s18  }
0xf3: {  	[tilespmem:s21+$0x4180] =	vst.msk vm0, v6;
	s23 =	sadd.s32 s23, s22  }
0xf4: {  	v6 =	vld.idx.msk [tilespmem:v5+s23+$0x0 ss:$0x1], $0xffff;
	(v2sf) =	vpush v7, $0x0;
	_ =	sdelay $0x4  }
0xf5: {  	vm13 =	vne.s32 v6, $0x0  }
0xf6: {  	v7 =	vmpcnt.ones.xlane vm13;
	_ =	sdelay $0x1  }
0xf7: {  	(v2sf) =	vpush v7, $0x0;
	_ =	sdelay $0x6  }
0xf8: {  	s24 =	spop (v2sf)  }
0xf9: {  	s25 =	sadd.s32 $0xFFFFFFF0, s20;
	s21 =	sadd.s32 s21, s24  }
0xfa: {  	s26 =	sand.u32 $0x60, s25;
	[tilespmem:s21+$0x4000] =	vst.msk vm13, v6;
	v6 =	vor.u32 s18, v0  }
0xfb: {  	s18 =	sadd.s32 s26, s22;
	[tilespmem:s21+$0x4180] =	vst.msk vm13, v6  }
0xfc: {  	v6 =	vld.idx.msk [tilespmem:v5+s18+$0x0 ss:$0x1], $0xffff;
	_ =	sdelay $0x3  }
0xfd: {  	s28 =	spop (v2sf)  }
0xfe: {  	s18 =	sadd.s32 s21, s28;
	vm14 =	vne.s32 v6, $0x0  }
0xff: {  	s29 =	sand.u32 $0x70, s20;
	[tilespmem:s18+$0x4000] =	vst.msk vm14, v6;
	v6 =	vor.u32 s25, v0  }
0x100: {  	s20 =	sadd.s32 s29, s22;
	[tilespmem:s18+$0x4180] =	vst.msk vm14, v6  }
0x101: {  	v5 =	vld.idx.msk [tilespmem:v5+s20+$0x0 ss:$0x1], $0xffff;
	_ =	sdelay $0x4  }
0x102: {  	v6 =	vmpcnt.ones.xlane vm14;
	vm15 =	vne.s32 v5, $0x0  }
0x103: {  	v7 =	vmpcnt.ones.xlane vm15  }
0x104: {  	(v2sf) =	vpush v6, $0x0  }
0x105: {  	(v2sf) =	vpush v7, $0x0;
	_ =	sdelay $0xd  }
0x106: {  	s30 =	spop (v2sf)  }
0x107: {  	s18 =	sadd.s32 s18, s30;
	s31 =	spop (v2sf)  }
0x108: {  	[tilespmem:s18+$0x4000] =	vst.msk vm15, v5;
	v5 =	vor.u32 s19, v0;
	s19 =	sadd.s32 s18, s31  }
0x109: {  	p0 =	slt.s32 s19, $0x1  }
.Ltmp11:
0x10a: {  	_ = 	snop;
	(pc) =	sbr.rel @p0 .LBB2_16-.Ltmp11, $3  }
0x10b: {  	_ =	sdelay $0x1  }
0x10c: {  	[tilespmem:s18+$0x4180] =	vst.msk vm15, v5  }
0x10d: {  	[tilespmem:$0x4300] =	vst v1;
	s18 =	simm.s32 $0x0  }
0x10e: {  	s20 =	simm.s32 $0x1;
	s21 =	simm.s32 $0x4180;
	s22 =	simm.s32 $0x4000  }
.LBB2_14:
0x10f: {  	v5 =	vld.msk [tilespmem:s22+$0x0 ss:$0x0], $0xffff;
	_ =	sdelay $0x2  }
0x110: {  	v6 =	vld [tilespmem:s21+$0x0];
	_ =	sdelay $0x1  }
0x111: {  	v7 =	vand.u32 v2, v5  }
0x112: {  	v5 =	vand.u32 v3, v5;
	vm0 =	vne.s32 v7, $0x0  }
0x113: {  	vm1 =	vne.s32 v5, $0x0;
	v5 =	vmpcnt.ones.xlane vm0  }
0x114: {  	(v2sf) =	vpush v6, $0x0;
	v6 =	vmpcnt.ones.xlane vm1  }
0x115: {  	(v2sf) =	vpush v5, $0x0  }
0x116: {  	(v2sf) =	vpush v6, $0x0;
	_ =	sdelay $0xc  }
0x117: {  	s23 =	spop (v2sf)  }
0x118: {  	s23 =	sshll.u32 s23, $0x5;
	s24 =	spop (v2sf)  }
0x119: {  	v5 =	vor.u32 s23, v0;
	s24 =	sadd.s32 s18, s24;
	s31 =	spop (v2sf)  }
0x11a: {  	p0 =	sge.s32 s20, s19;
	[tilespmem:s18+$0x4300] =	vst.msk vm0, v5;
	s18 =	sadd.s32 s24, s31  }
0x11b: {  	p1 =	slt.s32 @!p0 s18, $0x20  }
0x11c: {  	p0 =	por p0, !p1  }
.Ltmp12:
0x11d: {  	_ = 	snop;
	(pc) =	sbr.rel @!p0 .LBB2_14-.Ltmp12, $3  }
0x11e: {  	_ =	sdelay $0x1  }
0x11f: {  	v5 =	vor.u32 s23, v4  }
0x120: {  	s20 =	sadd.s32 $0x1, s20;
	s21 =	sadd.s32 $0x1, s21;
	s22 =	sadd.s32 $0x1, s22;
	[tilespmem:s24+$0x4300] =	vst.msk vm1, v5  }
.Ltmp13:
0x121: {  	(pc) =	sbr.rel .LBB2_16-.Ltmp13, $3  }
0x122: {  	_ =	sdelay $0x1  }
0x123: {  	p0 =	slt.s32 s18, $0x20  }
0x124: {  	s18 =	simm.s32 @!p0 $0x20  }
.LBB2_17:
0x125: {  	s15 =	simm.s32 $0x0  }
0x126: {  	[hbm4b:s7+s15] =	stream.linear.scatter [tilespmem:s13], [sflag:$0x1], $0x800, $0x38;
	[tilespmem:$0x4B80] =	vst v63  }
0x127: {  	_ =	swait.ge [sflag:s3], $0x800  }
0x128: {  	[sflag:s3] =	ssyncset.done $0x0  }
.Ltmp14:
0x129: {  	[sflag:s3] =	ssyncadd.s32 $0xFFFFF800;
	(pc) =	sbr.rel .LBB2_18-.Ltmp14, $4  }
0x12a: {  	[tilespmem:s15], [sflag:$0x1] =	stream.linear.gather [hbm4b:s8+s15], $0x4000, $0x38;
	[tilespmem:$0x4B80] =	vst v63  }
0x12b: {  	_ =	swait.ge [sflag:s3], $0x4000  }
0x12c: {  	[sflag:s3] =	ssyncset.done $0x0  }
0x12d: {  	s16 =	simm.s32 $0x0;
	[sflag:s3] =	ssyncadd.s32 $0xFFFFC000  }
.LBB2_24:
0x12e: {  	v5 =	vld [tilespmem:$0x4300];
	_ =	sdelay $0x2  }
0x12f: {  	v6 =	vld [tilespmem:$0x4310];
	s16 =	sadd.s32 $0x1, s16  }
0x130: {  	p0 =	sne.s32 s16, $0x40  }
.Ltmp15:
0x131: {  	v8 =	vmov s18;
	v7 =	vbroadcast v5, $0x0;
	(pc) =	sbr.rel @!p0 .LBB2_25-.Ltmp15, $4  }
0x132: {  	vm0 =	vgt.s32 v8, v0  }
0x133: {  	s17 =	sshrl.u32 s17, $0x2;
	vm15 =	vgt.s32 v8, v4;
	v5 =	vsel vm0, v5, v7  }
0x134: {  	[tilespmem:s17+$0x4380] =	vst v5;
	v5 =	vsel vm15, v6, v7  }
0x135: {  	[tilespmem:s17+$0x4390] =	vst v5  }
.LBB2_18:
0x136: {  	s17 =	sshll.u32 s16, $0x7  }
0x137: {  	s18 =	sand.u32 $0x380, s17  }
0x138: {  	v5 =	vmov s18  }
0x139: {  	s30 =	sshll.u32 s16, $0x8  }
0x13a: {  	s19 =	simm.s32 $0x0;
	s20 =	sand.u32 $0x400, s15;
	s18 =	sand.u32 $0x3800, s30  }
0x13b: {  	s21 =	sand.u32 $0x40, s19;
	s20 =	sadd.s32 s20, s18  }
0x13c: {  	s21 =	sadd.s32 s21, s20  }
0x13d: {  	v6 =	vld.idx.msk [tilespmem:v5+s21+$0x0 ss:$0x1], $0xffff;
	_ =	sdelay $0x4  }
0x13e: {  	s31 =	simm.s32 $0x10;
	vm0 =	vne.s32 v6, $0x0  }
0x13f: {  	s23 =	sand.u32 $0x50, s31;
	[tilespmem:s15+$0x4000] =	vst.msk vm0, v6;
	v6 =	vor.u32 s19, v0;
	v7 =	vmpcnt.ones.xlane vm0  }
0x140: {  	s19 =	sadd.s32 s23, s20;
	[tilespmem:s15+$0x4180] =	vst.msk vm0, v6  }
0x141: {  	v6 =	vld.idx.msk [tilespmem:v5+s19+$0x0 ss:$0x1], $0xffff;
	(v2sf) =	vpush v7, $0x0;
	_ =	sdelay $0x4  }
0x142: {  	vm13 =	vne.s32 v6, $0x0  }
0x143: {  	v7 =	vmpcnt.ones.xlane vm13;
	_ =	sdelay $0x1  }
0x144: {  	(v2sf) =	vpush v7, $0x0;
	_ =	sdelay $0x6  }
0x145: {  	s24 =	spop (v2sf)  }
0x146: {  	s22 =	simm.s32 $0x20;
	s19 =	sadd.s32 $0x0, s24  }
0x147: {  	s25 =	sand.u32 $0x60, s22;
	[tilespmem:s19+$0x4000] =	vst.msk vm13, v6;
	v6 =	vor.u32 s31, v0  }
0x148: {  	s21 =	sadd.s32 s25, s20;
	[tilespmem:s19+$0x4180] =	vst.msk vm13, v6  }
0x149: {  	v6 =	vld.idx.msk [tilespmem:v5+s21+$0x0 ss:$0x1], $0xffff;
	_ =	sdelay $0x3  }
0x14a: {  	s26 =	spop (v2sf)  }
0x14b: {  	s23 =	simm.s32 $0x30;
	s19 =	sadd.s32 s19, s26;
	vm14 =	vne.s32 v6, $0x0  }
0x14c: {  	s28 =	sand.u32 $0x70, s23;
	[tilespmem:s19+$0x4000] =	vst.msk vm14, v6;
	v6 =	vor.u32 s22, v0;
	v7 =	vmpcnt.ones.xlane vm14  }
0x14d: {  	s20 =	sadd.s32 s28, s20;
	[tilespmem:s19+$0x4180] =	vst.msk vm14, v6  }
0x14e: {  	v6 =	vld.idx.msk [tilespmem:v5+s20+$0x0 ss:$0x1], $0xffff;
	(v2sf) =	vpush v7, $0x0;
	_ =	sdelay $0x4  }
0x14f: {  	vm15 =	vne.s32 v6, $0x0  }
0x150: {  	v7 =	vmpcnt.ones.xlane vm15;
	_ =	sdelay $0x1  }
0x151: {  	(v2sf) =	vpush v7, $0x0;
	_ =	sdelay $0x6  }
0x152: {  	s21 =	simm.s32 $0x200;
	s29 =	spop (v2sf)  }
0x153: {  	s24 =	simm.s32 $0x40;
	s30 =	sand.u32 $0x400, s21;
	s25 =	sadd.s32 s19, s29  }
0x154: {  	s31 =	sand.u32 $0x40, s24;
	s22 =	sadd.s32 s30, s18;
	[tilespmem:s25+$0x4000] =	vst.msk vm15, v6;
	v6 =	vor.u32 s23, v0  }
0x155: {  	s19 =	sadd.s32 s31, s22;
	[tilespmem:s25+$0x4180] =	vst.msk vm15, v6  }
0x156: {  	v6 =	vld.idx.msk [tilespmem:v5+s19+$0x0 ss:$0x1], $0xffff;
	_ =	sdelay $0x2  }
0x157: {  	s20 =	simm.s32 $0x70  }
0x158: {  	s23 =	simm.s32 $0x4;
	s19 =	simm.s32 $0x70;
	s26 =	spop (v2sf)  }
.LBB2_19:
0x159: {  	s23 =	sadd.s32 $0x4, s23;
	vm0 =	vne.s32 v6, $0x0;
	s28 =	sadd.s32 $0xFFFFFFE0, s20;
	s25 =	sadd.s32 s25, s26  }
0x15a: {  	p0 =	slt.u32 s23, $0xC;
	[tilespmem:s25+$0x4000] =	vst.msk vm0, v6;
	v6 =	vor.u32 s24, v0;
	v7 =	vmpcnt.ones.xlane vm0;
	s24 =	sand.u32 $0x50, s28  }
0x15b: {  	[tilespmem:s25+$0x4180] =	vst.msk vm0, v6;
	s24 =	sadd.s32 s24, s22  }
0x15c: {  	v6 =	vld.idx.msk [tilespmem:v5+s24+$0x0 ss:$0x1], $0xffff;
	(v2sf) =	vpush v7, $0x0;
	_ =	sdelay $0x5  }
0x15d: {  	vm0 =	vne.s32 v6, $0x0  }
0x15e: {  	v7 =	vmpcnt.ones.xlane vm0;
	_ =	sdelay $0x1  }
0x15f: {  	(v2sf) =	vpush v7, $0x0;
	_ =	sdelay $0x5  }
0x160: {  	s24 =	spop (v2sf)  }
0x161: {  	s24 =	sadd.s32 s25, s24;
	s25 =	sadd.s32 $0xFFFFFFF0, s20  }
0x162: {  	[tilespmem:s24+$0x4000] =	vst.msk vm0, v6;
	v6 =	vor.u32 s28, v0;
	s26 =	sand.u32 $0x60, s25  }
0x163: {  	[tilespmem:s24+$0x4180] =	vst.msk vm0, v6;
	s26 =	sadd.s32 s26, s22  }
0x164: {  	v6 =	vld.idx.msk [tilespmem:v5+s26+$0x0 ss:$0x1], $0xffff;
	_ =	sdelay $0x4  }
0x165: {  	s26 =	spop (v2sf)  }
0x166: {  	vm0 =	vne.s32 v6, $0x0;
	s26 =	sadd.s32 s24, s26  }
0x167: {  	v7 =	vmpcnt.ones.xlane vm0;
	s24 =	sand.u32 $0x70, s20;
	[tilespmem:s26+$0x4000] =	vst.msk vm0, v6;
	v6 =	vor.u32 s25, v0  }
0x168: {  	s22 =	sadd.s32 s24, s22;
	[tilespmem:s26+$0x4180] =	vst.msk vm0, v6  }
0x169: {  	v6 =	vld.idx.msk [tilespmem:v5+s22+$0x0 ss:$0x1], $0xffff;
	(v2sf) =	vpush v7, $0x0;
	_ =	sdelay $0x5  }
0x16a: {  	vm0 =	vne.s32 v6, $0x0  }
0x16b: {  	v7 =	vmpcnt.ones.xlane vm0;
	_ =	sdelay $0x1  }
0x16c: {  	(v2sf) =	vpush v7, $0x0;
	_ =	sdelay $0x5  }
0x16d: {  	s21 =	sadd.s32 $0x200, s21;
	s20 =	sadd.s32 $0x40, s20;
	s22 =	spop (v2sf)  }
0x16e: {  	s28 =	sand.u32 $0x400, s21;
	s24 =	sadd.s32 $0xFFFFFFD0, s20;
	s25 =	sadd.s32 s26, s22  }
0x16f: {  	s26 =	sand.u32 $0x40, s24;
	s22 =	sadd.s32 s28, s18;
	[tilespmem:s25+$0x4000] =	vst.msk vm0, v6;
	v6 =	vor.u32 s19, v0;
	s19 =	smov.u32 s20  }
0x170: {  	s26 =	sadd.s32 s26, s22;
	[tilespmem:s25+$0x4180] =	vst.msk vm0, v6  }
0x171: {  	v6 =	vld.idx.msk [tilespmem:v5+s26+$0x0 ss:$0x1], $0xffff  }
.Ltmp16:
0x172: {  	(pc) =	sbr.rel @p0 .LBB2_19-.Ltmp16, $2  }
0x173: {  	_ =	sdelay $0x2  }
0x174: {  	s26 =	spop (v2sf)  }
0x175: {  	_ = 	snop  }
0x176: {  	vm0 =	vne.s32 v6, $0x0;
	s18 =	sadd.s32 $0xFFFFFFE0, s20;
	s21 =	sadd.s32 s25, s26  }
0x177: {  	[tilespmem:s21+$0x4000] =	vst.msk vm0, v6;
	v6 =	vor.u32 s24, v0;
	v7 =	vmpcnt.ones.xlane vm0;
	s23 =	sand.u32 $0x50, s18  }
0x178: {  	[tilespmem:s21+$0x4180] =	vst.msk vm0, v6;
	s23 =	sadd.s32 s23, s22  }
0x179: {  	v6 =	vld.idx.msk [tilespmem:v5+s23+$0x0 ss:$0x1], $0xffff;
	(v2sf) =	vpush v7, $0x0;
	_ =	sdelay $0x4  }
0x17a: {  	vm13 =	vne.s32 v6, $0x0  }
0x17b: {  	v7 =	vmpcnt.ones.xlane vm13;
	_ =	sdelay $0x1  }
0x17c: {  	(v2sf) =	vpush v7, $0x0;
	_ =	sdelay $0x6  }
0x17d: {  	s24 =	spop (v2sf)  }
0x17e: {  	s25 =	sadd.s32 $0xFFFFFFF0, s20;
	s21 =	sadd.s32 s21, s24  }
0x17f: {  	s26 =	sand.u32 $0x60, s25;
	[tilespmem:s21+$0x4000] =	vst.msk vm13, v6;
	v6 =	vor.u32 s18, v0  }
0x180: {  	s18 =	sadd.s32 s26, s22;
	[tilespmem:s21+$0x4180] =	vst.msk vm13, v6  }
0x181: {  	v6 =	vld.idx.msk [tilespmem:v5+s18+$0x0 ss:$0x1], $0xffff;
	_ =	sdelay $0x3  }
0x182: {  	s28 =	spop (v2sf)  }
0x183: {  	s18 =	sadd.s32 s21, s28;
	vm14 =	vne.s32 v6, $0x0  }
0x184: {  	s29 =	sand.u32 $0x70, s20;
	[tilespmem:s18+$0x4000] =	vst.msk vm14, v6;
	v6 =	vor.u32 s25, v0  }
0x185: {  	s20 =	sadd.s32 s29, s22;
	[tilespmem:s18+$0x4180] =	vst.msk vm14, v6  }
0x186: {  	v5 =	vld.idx.msk [tilespmem:v5+s20+$0x0 ss:$0x1], $0xffff;
	_ =	sdelay $0x4  }
0x187: {  	v6 =	vmpcnt.ones.xlane vm14;
	vm15 =	vne.s32 v5, $0x0  }
0x188: {  	v7 =	vmpcnt.ones.xlane vm15  }
0x189: {  	(v2sf) =	vpush v6, $0x0  }
0x18a: {  	(v2sf) =	vpush v7, $0x0;
	_ =	sdelay $0xd  }
0x18b: {  	s30 =	spop (v2sf)  }
0x18c: {  	s18 =	sadd.s32 s18, s30;
	s31 =	spop (v2sf)  }
0x18d: {  	[tilespmem:s18+$0x4000] =	vst.msk vm15, v5;
	v5 =	vor.u32 s19, v0;
	s19 =	sadd.s32 s18, s31  }
0x18e: {  	p0 =	slt.s32 s19, $0x1  }
.Ltmp17:
0x18f: {  	_ = 	snop;
	(pc) =	sbr.rel @p0 .LBB2_24-.Ltmp17, $3  }
0x190: {  	_ =	sdelay $0x1  }
0x191: {  	[tilespmem:s18+$0x4180] =	vst.msk vm15, v5  }
0x192: {  	[tilespmem:$0x4300] =	vst v1;
	s18 =	simm.s32 $0x0  }
0x193: {  	s20 =	simm.s32 $0x1;
	s21 =	simm.s32 $0x4180;
	s22 =	simm.s32 $0x4000  }
.LBB2_22:
0x194: {  	v5 =	vld.msk [tilespmem:s22+$0x0 ss:$0x0], $0xffff;
	_ =	sdelay $0x2  }
0x195: {  	v6 =	vld [tilespmem:s21+$0x0];
	_ =	sdelay $0x1  }
0x196: {  	v7 =	vand.u32 v2, v5  }
0x197: {  	v5 =	vand.u32 v3, v5;
	vm0 =	vne.s32 v7, $0x0  }
0x198: {  	vm1 =	vne.s32 v5, $0x0;
	v5 =	vmpcnt.ones.xlane vm0  }
0x199: {  	(v2sf) =	vpush v6, $0x0;
	v6 =	vmpcnt.ones.xlane vm1  }
0x19a: {  	(v2sf) =	vpush v5, $0x0  }
0x19b: {  	(v2sf) =	vpush v6, $0x0;
	_ =	sdelay $0xc  }
0x19c: {  	s23 =	spop (v2sf)  }
0x19d: {  	s23 =	sshll.u32 s23, $0x5;
	s24 =	spop (v2sf)  }
0x19e: {  	v5 =	vor.u32 s23, v0;
	s24 =	sadd.s32 s18, s24;
	s31 =	spop (v2sf)  }
0x19f: {  	p0 =	sge.s32 s20, s19;
	[tilespmem:s18+$0x4300] =	vst.msk vm0, v5;
	s18 =	sadd.s32 s24, s31  }
0x1a0: {  	p1 =	slt.s32 @!p0 s18, $0x20  }
0x1a1: {  	p0 =	por p0, !p1  }
.Ltmp18:
0x1a2: {  	_ = 	snop;
	(pc) =	sbr.rel @!p0 .LBB2_22-.Ltmp18, $3  }
0x1a3: {  	_ =	sdelay $0x1  }
0x1a4: {  	v5 =	vor.u32 s23, v4  }
0x1a5: {  	s20 =	sadd.s32 $0x1, s20;
	s21 =	sadd.s32 $0x1, s21;
	s22 =	sadd.s32 $0x1, s22;
	[tilespmem:s24+$0x4300] =	vst.msk vm1, v5  }
.Ltmp19:
0x1a6: {  	(pc) =	sbr.rel .LBB2_24-.Ltmp19, $3  }
0x1a7: {  	_ =	sdelay $0x1  }
0x1a8: {  	p0 =	slt.s32 s18, $0x20  }
0x1a9: {  	s18 =	simm.s32 @!p0 $0x20  }
.LBB2_25:
0x1aa: {  	s15 =	simm.s32 $0x0  }
0x1ab: {  	[hbm4b:s9+s15] =	stream.linear.scatter [tilespmem:s13], [sflag:$0x1], $0x800, $0x38;
	[tilespmem:$0x4B80] =	vst v63  }
0x1ac: {  	_ =	swait.ge [sflag:s3], $0x800  }
0x1ad: {  	[sflag:s3] =	ssyncset.done $0x0  }
.Ltmp20:
0x1ae: {  	[sflag:s3] =	ssyncadd.s32 $0xFFFFF800;
	(pc) =	sbr.rel .LBB2_26-.Ltmp20, $4  }
0x1af: {  	[tilespmem:s15], [sflag:$0x1] =	stream.linear.gather [hbm4b:s10+s15], $0x4000, $0x38;
	[tilespmem:$0x4B80] =	vst v63  }
0x1b0: {  	_ =	swait.ge [sflag:s3], $0x4000  }
0x1b1: {  	[sflag:s3] =	ssyncset.done $0x0  }
0x1b2: {  	s16 =	simm.s32 $0x0;
	[sflag:s3] =	ssyncadd.s32 $0xFFFFC000  }
.LBB2_32:
0x1b3: {  	v5 =	vld [tilespmem:$0x4300];
	_ =	sdelay $0x2  }
0x1b4: {  	v6 =	vld [tilespmem:$0x4310];
	s16 =	sadd.s32 $0x1, s16  }
0x1b5: {  	p0 =	sne.s32 s16, $0x40  }
.Ltmp21:
0x1b6: {  	v8 =	vmov s18;
	v7 =	vbroadcast v5, $0x0;
	(pc) =	sbr.rel @!p0 .LBB2_33-.Ltmp21, $4  }
0x1b7: {  	vm0 =	vgt.s32 v8, v0  }
0x1b8: {  	s17 =	sshrl.u32 s17, $0x2;
	vm15 =	vgt.s32 v8, v4;
	v5 =	vsel vm0, v5, v7  }
0x1b9: {  	[tilespmem:s17+$0x4380] =	vst v5;
	v5 =	vsel vm15, v6, v7  }
0x1ba: {  	[tilespmem:s17+$0x4390] =	vst v5  }
.LBB2_26:
0x1bb: {  	s17 =	sshll.u32 s16, $0x7  }
0x1bc: {  	s18 =	sand.u32 $0x380, s17  }
0x1bd: {  	v5 =	vmov s18  }
0x1be: {  	s30 =	sshll.u32 s16, $0x8  }
0x1bf: {  	s19 =	simm.s32 $0x0;
	s20 =	sand.u32 $0x400, s15;
	s18 =	sand.u32 $0x3800, s30  }
0x1c0: {  	s21 =	sand.u32 $0x40, s19;
	s20 =	sadd.s32 s20, s18  }
0x1c1: {  	s21 =	sadd.s32 s21, s20  }
0x1c2: {  	v6 =	vld.idx.msk [tilespmem:v5+s21+$0x0 ss:$0x1], $0xffff;
	_ =	sdelay $0x4  }
0x1c3: {  	s31 =	simm.s32 $0x10;
	vm0 =	vne.s32 v6, $0x0  }
0x1c4: {  	s23 =	sand.u32 $0x50, s31;
	[tilespmem:s15+$0x4000] =	vst.msk vm0, v6;
	v6 =	vor.u32 s19, v0;
	v7 =	vmpcnt.ones.xlane vm0  }
0x1c5: {  	s19 =	sadd.s32 s23, s20;
	[tilespmem:s15+$0x4180] =	vst.msk vm0, v6  }
0x1c6: {  	v6 =	vld.idx.msk [tilespmem:v5+s19+$0x0 ss:$0x1], $0xffff;
	(v2sf) =	vpush v7, $0x0;
	_ =	sdelay $0x4  }
0x1c7: {  	vm13 =	vne.s32 v6, $0x0  }
0x1c8: {  	v7 =	vmpcnt.ones.xlane vm13;
	_ =	sdelay $0x1  }
0x1c9: {  	(v2sf) =	vpush v7, $0x0;
	_ =	sdelay $0x6  }
0x1ca: {  	s24 =	spop (v2sf)  }
0x1cb: {  	s22 =	simm.s32 $0x20;
	s19 =	sadd.s32 $0x0, s24  }
0x1cc: {  	s25 =	sand.u32 $0x60, s22;
	[tilespmem:s19+$0x4000] =	vst.msk vm13, v6;
	v6 =	vor.u32 s31, v0  }
0x1cd: {  	s21 =	sadd.s32 s25, s20;
	[tilespmem:s19+$0x4180] =	vst.msk vm13, v6  }
0x1ce: {  	v6 =	vld.idx.msk [tilespmem:v5+s21+$0x0 ss:$0x1], $0xffff;
	_ =	sdelay $0x3  }
0x1cf: {  	s26 =	spop (v2sf)  }
0x1d0: {  	s23 =	simm.s32 $0x30;
	s19 =	sadd.s32 s19, s26;
	vm14 =	vne.s32 v6, $0x0  }
0x1d1: {  	s28 =	sand.u32 $0x70, s23;
	[tilespmem:s19+$0x4000] =	vst.msk vm14, v6;
	v6 =	vor.u32 s22, v0;
	v7 =	vmpcnt.ones.xlane vm14  }
0x1d2: {  	s20 =	sadd.s32 s28, s20;
	[tilespmem:s19+$0x4180] =	vst.msk vm14, v6  }
0x1d3: {  	v6 =	vld.idx.msk [tilespmem:v5+s20+$0x0 ss:$0x1], $0xffff;
	(v2sf) =	vpush v7, $0x0;
	_ =	sdelay $0x4  }
0x1d4: {  	vm15 =	vne.s32 v6, $0x0  }
0x1d5: {  	v7 =	vmpcnt.ones.xlane vm15;
	_ =	sdelay $0x1  }
0x1d6: {  	(v2sf) =	vpush v7, $0x0;
	_ =	sdelay $0x6  }
0x1d7: {  	s21 =	simm.s32 $0x200;
	s29 =	spop (v2sf)  }
0x1d8: {  	s24 =	simm.s32 $0x40;
	s30 =	sand.u32 $0x400, s21;
	s25 =	sadd.s32 s19, s29  }
0x1d9: {  	s31 =	sand.u32 $0x40, s24;
	s22 =	sadd.s32 s30, s18;
	[tilespmem:s25+$0x4000] =	vst.msk vm15, v6;
	v6 =	vor.u32 s23, v0  }
0x1da: {  	s19 =	sadd.s32 s31, s22;
	[tilespmem:s25+$0x4180] =	vst.msk vm15, v6  }
0x1db: {  	v6 =	vld.idx.msk [tilespmem:v5+s19+$0x0 ss:$0x1], $0xffff;
	_ =	sdelay $0x2  }
0x1dc: {  	s20 =	simm.s32 $0x70  }
0x1dd: {  	s23 =	simm.s32 $0x4;
	s19 =	simm.s32 $0x70;
	s26 =	spop (v2sf)  }
.LBB2_27:
0x1de: {  	s23 =	sadd.s32 $0x4, s23;
	vm0 =	vne.s32 v6, $0x0;
	s28 =	sadd.s32 $0xFFFFFFE0, s20;
	s25 =	sadd.s32 s25, s26  }
0x1df: {  	p0 =	slt.u32 s23, $0xC;
	[tilespmem:s25+$0x4000] =	vst.msk vm0, v6;
	v6 =	vor.u32 s24, v0;
	v7 =	vmpcnt.ones.xlane vm0;
	s24 =	sand.u32 $0x50, s28  }
0x1e0: {  	[tilespmem:s25+$0x4180] =	vst.msk vm0, v6;
	s24 =	sadd.s32 s24, s22  }
0x1e1: {  	v6 =	vld.idx.msk [tilespmem:v5+s24+$0x0 ss:$0x1], $0xffff;
	(v2sf) =	vpush v7, $0x0;
	_ =	sdelay $0x5  }
0x1e2: {  	vm0 =	vne.s32 v6, $0x0  }
0x1e3: {  	v7 =	vmpcnt.ones.xlane vm0;
	_ =	sdelay $0x1  }
0x1e4: {  	(v2sf) =	vpush v7, $0x0;
	_ =	sdelay $0x5  }
0x1e5: {  	s24 =	spop (v2sf)  }
0x1e6: {  	s24 =	sadd.s32 s25, s24;
	s25 =	sadd.s32 $0xFFFFFFF0, s20  }
0x1e7: {  	[tilespmem:s24+$0x4000] =	vst.msk vm0, v6;
	v6 =	vor.u32 s28, v0;
	s26 =	sand.u32 $0x60, s25  }
0x1e8: {  	[tilespmem:s24+$0x4180] =	vst.msk vm0, v6;
	s26 =	sadd.s32 s26, s22  }
0x1e9: {  	v6 =	vld.idx.msk [tilespmem:v5+s26+$0x0 ss:$0x1], $0xffff;
	_ =	sdelay $0x4  }
0x1ea: {  	s26 =	spop (v2sf)  }
0x1eb: {  	vm0 =	vne.s32 v6, $0x0;
	s26 =	sadd.s32 s24, s26  }
0x1ec: {  	v7 =	vmpcnt.ones.xlane vm0;
	s24 =	sand.u32 $0x70, s20;
	[tilespmem:s26+$0x4000] =	vst.msk vm0, v6;
	v6 =	vor.u32 s25, v0  }
0x1ed: {  	s22 =	sadd.s32 s24, s22;
	[tilespmem:s26+$0x4180] =	vst.msk vm0, v6  }
0x1ee: {  	v6 =	vld.idx.msk [tilespmem:v5+s22+$0x0 ss:$0x1], $0xffff;
	(v2sf) =	vpush v7, $0x0;
	_ =	sdelay $0x5  }
0x1ef: {  	vm0 =	vne.s32 v6, $0x0  }
0x1f0: {  	v7 =	vmpcnt.ones.xlane vm0;
	_ =	sdelay $0x1  }
0x1f1: {  	(v2sf) =	vpush v7, $0x0;
	_ =	sdelay $0x5  }
0x1f2: {  	s21 =	sadd.s32 $0x200, s21;
	s20 =	sadd.s32 $0x40, s20;
	s22 =	spop (v2sf)  }
0x1f3: {  	s28 =	sand.u32 $0x400, s21;
	s24 =	sadd.s32 $0xFFFFFFD0, s20;
	s25 =	sadd.s32 s26, s22  }
0x1f4: {  	s26 =	sand.u32 $0x40, s24;
	s22 =	sadd.s32 s28, s18;
	[tilespmem:s25+$0x4000] =	vst.msk vm0, v6;
	v6 =	vor.u32 s19, v0;
	s19 =	smov.u32 s20  }
0x1f5: {  	s26 =	sadd.s32 s26, s22;
	[tilespmem:s25+$0x4180] =	vst.msk vm0, v6  }
0x1f6: {  	v6 =	vld.idx.msk [tilespmem:v5+s26+$0x0 ss:$0x1], $0xffff  }
.Ltmp22:
0x1f7: {  	(pc) =	sbr.rel @p0 .LBB2_27-.Ltmp22, $2  }
0x1f8: {  	_ =	sdelay $0x2  }
0x1f9: {  	s26 =	spop (v2sf)  }
0x1fa: {  	_ = 	snop  }
0x1fb: {  	vm0 =	vne.s32 v6, $0x0;
	s18 =	sadd.s32 $0xFFFFFFE0, s20;
	s21 =	sadd.s32 s25, s26  }
0x1fc: {  	[tilespmem:s21+$0x4000] =	vst.msk vm0, v6;
	v6 =	vor.u32 s24, v0;
	v7 =	vmpcnt.ones.xlane vm0;
	s23 =	sand.u32 $0x50, s18  }
0x1fd: {  	[tilespmem:s21+$0x4180] =	vst.msk vm0, v6;
	s23 =	sadd.s32 s23, s22  }
0x1fe: {  	v6 =	vld.idx.msk [tilespmem:v5+s23+$0x0 ss:$0x1], $0xffff;
	(v2sf) =	vpush v7, $0x0;
	_ =	sdelay $0x4  }
0x1ff: {  	vm13 =	vne.s32 v6, $0x0  }
0x200: {  	v7 =	vmpcnt.ones.xlane vm13;
	_ =	sdelay $0x1  }
0x201: {  	(v2sf) =	vpush v7, $0x0;
	_ =	sdelay $0x6  }
0x202: {  	s24 =	spop (v2sf)  }
0x203: {  	s25 =	sadd.s32 $0xFFFFFFF0, s20;
	s21 =	sadd.s32 s21, s24  }
0x204: {  	s26 =	sand.u32 $0x60, s25;
	[tilespmem:s21+$0x4000] =	vst.msk vm13, v6;
	v6 =	vor.u32 s18, v0  }
0x205: {  	s18 =	sadd.s32 s26, s22;
	[tilespmem:s21+$0x4180] =	vst.msk vm13, v6  }
0x206: {  	v6 =	vld.idx.msk [tilespmem:v5+s18+$0x0 ss:$0x1], $0xffff;
	_ =	sdelay $0x3  }
0x207: {  	s28 =	spop (v2sf)  }
0x208: {  	s18 =	sadd.s32 s21, s28;
	vm14 =	vne.s32 v6, $0x0  }
0x209: {  	s29 =	sand.u32 $0x70, s20;
	[tilespmem:s18+$0x4000] =	vst.msk vm14, v6;
	v6 =	vor.u32 s25, v0  }
0x20a: {  	s20 =	sadd.s32 s29, s22;
	[tilespmem:s18+$0x4180] =	vst.msk vm14, v6  }
0x20b: {  	v5 =	vld.idx.msk [tilespmem:v5+s20+$0x0 ss:$0x1], $0xffff;
	_ =	sdelay $0x4  }
0x20c: {  	v6 =	vmpcnt.ones.xlane vm14;
	vm15 =	vne.s32 v5, $0x0  }
0x20d: {  	v7 =	vmpcnt.ones.xlane vm15  }
0x20e: {  	(v2sf) =	vpush v6, $0x0  }
0x20f: {  	(v2sf) =	vpush v7, $0x0;
	_ =	sdelay $0xd  }
0x210: {  	s30 =	spop (v2sf)  }
0x211: {  	s18 =	sadd.s32 s18, s30;
	s31 =	spop (v2sf)  }
0x212: {  	[tilespmem:s18+$0x4000] =	vst.msk vm15, v5;
	v5 =	vor.u32 s19, v0;
	s19 =	sadd.s32 s18, s31  }
0x213: {  	p0 =	slt.s32 s19, $0x1  }
.Ltmp23:
0x214: {  	_ = 	snop;
	(pc) =	sbr.rel @p0 .LBB2_32-.Ltmp23, $3  }
0x215: {  	_ =	sdelay $0x1  }
0x216: {  	[tilespmem:s18+$0x4180] =	vst.msk vm15, v5  }
0x217: {  	[tilespmem:$0x4300] =	vst v1;
	s18 =	simm.s32 $0x0  }
0x218: {  	s20 =	simm.s32 $0x1;
	s21 =	simm.s32 $0x4180;
	s22 =	simm.s32 $0x4000  }
.LBB2_30:
0x219: {  	v5 =	vld.msk [tilespmem:s22+$0x0 ss:$0x0], $0xffff;
	_ =	sdelay $0x2  }
0x21a: {  	v6 =	vld [tilespmem:s21+$0x0];
	_ =	sdelay $0x1  }
0x21b: {  	v7 =	vand.u32 v2, v5  }
0x21c: {  	v5 =	vand.u32 v3, v5;
	vm0 =	vne.s32 v7, $0x0  }
0x21d: {  	vm1 =	vne.s32 v5, $0x0;
	v5 =	vmpcnt.ones.xlane vm0  }
0x21e: {  	(v2sf) =	vpush v6, $0x0;
	v6 =	vmpcnt.ones.xlane vm1  }
0x21f: {  	(v2sf) =	vpush v5, $0x0  }
0x220: {  	(v2sf) =	vpush v6, $0x0;
	_ =	sdelay $0xc  }
0x221: {  	s23 =	spop (v2sf)  }
0x222: {  	s23 =	sshll.u32 s23, $0x5;
	s24 =	spop (v2sf)  }
0x223: {  	v5 =	vor.u32 s23, v0;
	s24 =	sadd.s32 s18, s24;
	s31 =	spop (v2sf)  }
0x224: {  	p0 =	sge.s32 s20, s19;
	[tilespmem:s18+$0x4300] =	vst.msk vm0, v5;
	s18 =	sadd.s32 s24, s31  }
0x225: {  	p1 =	slt.s32 @!p0 s18, $0x20  }
0x226: {  	p0 =	por p0, !p1  }
.Ltmp24:
0x227: {  	_ = 	snop;
	(pc) =	sbr.rel @!p0 .LBB2_30-.Ltmp24, $3  }
0x228: {  	_ =	sdelay $0x1  }
0x229: {  	v5 =	vor.u32 s23, v4  }
0x22a: {  	s20 =	sadd.s32 $0x1, s20;
	s21 =	sadd.s32 $0x1, s21;
	s22 =	sadd.s32 $0x1, s22;
	[tilespmem:s24+$0x4300] =	vst.msk vm1, v5  }
.Ltmp25:
0x22b: {  	(pc) =	sbr.rel .LBB2_32-.Ltmp25, $3  }
0x22c: {  	_ =	sdelay $0x1  }
0x22d: {  	p0 =	slt.s32 s18, $0x20  }
0x22e: {  	s18 =	simm.s32 @!p0 $0x20  }
.LBB2_34:
0x22f: {  	_ =	sfence.sel $0x180000  }
0x230: {  	[bflag:$0x0] =	sbarrier.arrive $0xFFFF  }
0x231: {  	p0 =	sne.s32 s0, $0x0;
	_ =	strace $0x90000047  }
0x232: {  	s0 =	sadd.s32 @!p0 $0x100000, s1;
	[bflag:$0x2] =	sbarrier.arrive $0xFFFF  }
0x233: {  	[sflag:s0] =	ssyncadd.tile.s32 @!p0 $0x1;
	_ =	shalt  }
.Lfunc_end2:
_tile_overlayer_lowered:
.L_overlay_start_2:
0x234: {  	(tag) =	ssettag $0x2  }
0x235: {  	s0 =	rddreg [dreg:$0x0];
	s2 =	stileid.u32  }
0x236: {  	s1 =	rddreg [dreg:$0x1];
	p0 =	sne.s32 s2, $0x0  }
0x237: {  	s3 =	rddreg [dreg:$0x2];
	[bflag:$0x3] =	sbarrier.arrive $0xFFFF;
	s2 =	simm.s32 @!p0 $0x1C01  }
0x238: {  	[timem:s3], [sflag:s2] =	dma.local @!p0 [hbm:s0], s1  }
0x239: {  	s0 =	simm.s32 @!p0 $0x1  }
0x23a: {  	_ =	swait.ge @!p0 [sflag:s0], s1  }
0x23b: {  	s1 =	ssub.s32 @!p0 $0x0, s1;
	[sflag:s0] =	ssyncset.done @!p0 $0x0  }
0x23c: {  	[sflag:s0] =	ssyncadd.s32 @!p0 s1  }
0x23d: {  	[bflag:$0x3] =	sbarrier.arrive $0xFFFF  }
0x23e: {  	_ =	shalt  }

// kernel: kernel.8.cloned.1.call-start
scs
__scs_entry_jumppad:
0x0: {  	(pc) =	sbr.rel $0x88, $3  }
0x1: {  	(tag) =	ssettag $0x0;
	lr =	simm.s32 $0x1  }
0x2: {  	[smem:$0x3F9E] =	sst lr;
	_ =	strace $0xD0000000  }
0x3: {  	_ = 	snop  }
0x4: {  	_ = 	snop  }
0x5: {  	_ = 	snop  }
0x6: {  	_ = 	snop  }
0x7: {  	_ = 	snop  }
__scs_overlays_trampoline_lowered:
0x8: {  	[smem:$0x3FAD] =	sst s0  }
0x9: {  	[smem:$0x3FAE] =	sst s1  }
0xa: {  	[smem:$0x3FAF] =	sst s2  }
0xb: {  	[smem:$0x3FB0] =	sst s3  }
0xc: {  	[smem:$0x3FB1] =	sst s4  }
0xd: {  	[smem:$0x3FB2] =	sst s5  }
0xe: {  	[smem:$0x3FB3] =	sst s6  }
0xf: {  	[smem:$0x3FB4] =	sst s7  }
0x10: {  	[smem:$0x3FB5] =	sst s8  }
0x11: {  	[smem:$0x3FB6] =	sst s9;
	s0 =	simm.s32 @!p0 $0x0  }
0x12: {  	s1 =	sld [smem:$0x3F9C];
	s0 =	simm.s32 @p0 $0x1  }
0x13: {  	[smem:$0x3FB7] =	sst s0;
	s0 =	simm.s32 @!p1 $0x0  }
0x14: {  	s2 =	sld [smem:$0x3F9B];
	s0 =	simm.s32 @p1 $0x1  }
0x15: {  	[smem:$0x3FB8] =	sst s0;
	s0 =	simm.s32 @!p2 $0x0  }
0x16: {  	s3 =	sld [smem:$0x3FDB];
	s0 =	simm.s32 @p2 $0x1  }
0x17: {  	s4 =	simm.s32 $0x1BF5;
	[smem:$0x3FBA] =	sst s0  }
0x18: {  	s0 =	sld [smem:$0x3F9D];
	_ =	swait.ge [sflag:s4], $0x0  }
0x19: {  	s7 =	sld [smem:$0x3F9E]  }
0x1a: {  	s8 =	sadd.s32 $0xFFFFE003, lr  }
0x1b: {  	s9 =	sadd.s32 $0xFFFFFEF7, lr;
	s5 =	simm.s32 $0xFFFFFFFF;
	p2 =	slt.u32 s8, $0xFFFFF086  }
0x1c: {  	p1 =	slt.u32 s9, $0xF7A;
	s5 =	simm.s32 @!p2 $0x0  }
0x1d: {  	s5 =	simm.s32 @p1 $0x1;
	p0 =	seq.s32 s7, s2  }
0x1e: {  	s7 =	smul.u32 @!p0 $0xF7A, s2;
	p2 =	seq.s32 @!p0 s5, $0x0  }
0x1f: {  	s9 =	smul.u32 $0xF7A, s1;
	s8 =	simm.s32 @!p0 $0x1BF5;
	p2 =	por !p2, p0  }
0x20: {  	[sflag:s8] =	ssyncset.s32 @!p0 $0xFFFFF086;
	s6 =	sadd.s32 @!p0 s3, s7;
	s7 =	simm.s32 @!p0 $0x108  }
0x21: {  	s3 =	sadd.s32 s3, s9;
	s6 =	sadd.s32 @!p0 $0x88, s6;
	s7 =	simm.s32 @p2 $0x1082  }
0x22: {  	[simem:s7], [sflag:s8] =	dma.local @!p0 [hbm:s6], $0xF7A  }
0x23: {  	s9 =	sor.u32 $0xD0000000, s2;
	s6 =	simm.s32 $0x108;
	_ =	swait.ge @!p0 [sflag:s8], $0x0  }
0x24: {  	s3 =	sadd.s32 $0x88, s3;
	s6 =	simm.s32 @!p1 $0x1082;
	[sflag:s4] =	ssyncset.s32 $0xFFFFF086  }
0x25: {  	[simem:s6], [sflag:s4] =	dma.local [hbm:s3], $0xF7A  }
0x26: {  	[smem:$0x3F9E] =	sst s1;
	(tag) =	ssettag s2;
	_ =	strace s9  }
0x27: {  	s1 =	sld [smem:$0x3FAE]  }
0x28: {  	s2 =	sld [smem:$0x3FAF]  }
0x29: {  	s4 =	sld [smem:$0x3FB1]  }
0x2a: {  	p0 =	seq.s32 s5, $0x0;
	s5 =	sld [smem:$0x3FB2]  }
0x2b: {  	s6 =	sld [smem:$0x3FB3]  }
0x2c: {  	s7 =	sld [smem:$0x3FB4]  }
0x2d: {  	s3 =	simm.s32 $0x108;
	s8 =	sld [smem:$0x3FB5]  }
0x2e: {  	s3 =	simm.s32 @!p0 $0x1082;
	s9 =	sld [smem:$0x3FB6]  }
0x2f: {  	lr =	sadd.s32 s0, s3;
	s0 =	sld [smem:$0x3FAD]  }
0x30: {  	s3 =	sld [smem:$0x3FB0]  }
0x31: {  	[smem:$0x3FB9] =	sst s10  }
0x32: {  	s10 =	sld [smem:$0x3FB7];
	_ =	sdelay $0x3  }
0x33: {  	p0 =	seq.s32 s10, $0x1;
	s10 =	sld [smem:$0x3FB9];
	_ =	sdelay $0x3  }
0x34: {  	[smem:$0x3FB9] =	sst s10  }
0x35: {  	s10 =	sld [smem:$0x3FB8];
	_ =	sdelay $0x3  }
0x36: {  	p1 =	seq.s32 s10, $0x1;
	s10 =	sld [smem:$0x3FB9];
	_ =	sdelay $0x3  }
0x37: {  	[smem:$0x3FB9] =	sst s10  }
0x38: {  	s10 =	sld [smem:$0x3FBA]  }
0x39: {  	_ = 	snop;
	(pc) =	sbr.ind lr, $3  }
0x3a: {  	_ = 	snop  }
0x3b: {  	_ = 	snop  }
0x3c: {  	p2 =	seq.s32 s10, $0x1;
	s10 =	sld [smem:$0x3FB9]  }
0x3d: {  	_ =	shalt  }
0x3e: {  	_ =	shalt  }
0x3f: {  	_ =	shalt  }
0x40: {  	_ =	shalt  }
0x41: {  	_ =	shalt  }
0x42: {  	_ =	shalt  }
0x43: {  	_ =	shalt  }
0x44: {  	_ =	shalt  }
0x45: {  	_ =	shalt  }
0x46: {  	_ =	shalt  }
0x47: {  	_ =	shalt  }
0x48: {  	_ =	shalt  }
0x49: {  	_ =	shalt  }
0x4a: {  	_ =	shalt  }
0x4b: {  	_ =	shalt  }
0x4c: {  	_ =	shalt  }
0x4d: {  	_ =	shalt  }
0x4e: {  	_ =	shalt  }
0x4f: {  	_ =	shalt  }
0x50: {  	_ =	shalt  }
0x51: {  	_ =	shalt  }
0x52: {  	_ =	shalt  }
0x53: {  	_ =	shalt  }
0x54: {  	_ =	shalt  }
0x55: {  	_ =	shalt  }
0x56: {  	_ =	shalt  }
0x57: {  	_ =	shalt  }
0x58: {  	_ =	shalt  }
0x59: {  	_ =	shalt  }
0x5a: {  	_ =	shalt  }
0x5b: {  	_ =	shalt  }
0x5c: {  	_ =	shalt  }
0x5d: {  	_ =	shalt  }
0x5e: {  	_ =	shalt  }
0x5f: {  	_ =	shalt  }
0x60: {  	_ =	shalt  }
0x61: {  	_ =	shalt  }
0x62: {  	_ =	shalt  }
0x63: {  	_ =	shalt  }
0x64: {  	_ =	shalt  }
0x65: {  	_ =	shalt  }
0x66: {  	_ =	shalt  }
0x67: {  	_ =	shalt  }
0x68: {  	_ =	shalt  }
0x69: {  	_ =	shalt  }
0x6a: {  	_ =	shalt  }
0x6b: {  	_ =	shalt  }
0x6c: {  	_ =	shalt  }
0x6d: {  	_ =	shalt  }
0x6e: {  	_ =	shalt  }
0x6f: {  	_ =	shalt  }
0x70: {  	_ =	shalt  }
0x71: {  	_ =	shalt  }
0x72: {  	_ =	shalt  }
0x73: {  	_ =	shalt  }
0x74: {  	_ =	shalt  }
0x75: {  	_ =	shalt  }
0x76: {  	_ =	shalt  }
0x77: {  	_ =	shalt  }
0x78: {  	_ =	shalt  }
0x79: {  	_ =	shalt  }
0x7a: {  	_ =	shalt  }
0x7b: {  	_ =	shalt  }
0x7c: {  	_ =	shalt  }
0x7d: {  	_ =	shalt  }
0x7e: {  	_ =	shalt  }
0x7f: {  	_ =	shalt  }
0x80: {  	_ =	shalt  }
0x81: {  	_ =	shalt  }
0x82: {  	_ =	shalt  }
0x83: {  	_ =	shalt  }
0x84: {  	_ =	shalt  }
0x85: {  	_ =	shalt  }
0x86: {  	_ =	shalt  }
0x87: {  	_ =	shalt  }
.Lfunc_end0:
.L_simem_size_0:
called_computation.2_lowered:
.L_overlay_start_0:
0x88: {  	s2 =	sld [smem:$0x3FD9]  }
0x89: {  	s3 =	sld [smem:$0x3FFE];
	_ =	sdelay $0x1  }
0x8a: {  	s1 =	srdreg.scid  }
0x8b: {  	s0 =	sand.u32 $0x1, s1  }
0x8c: {  	s14 =	sshll.u32 s0, $0xA;
	s2 =	sadd.s32 s3, s2  }
0x8d: {  	s2 =	sadd.s32 s2, s14  }
0x8e: {  	[smem:$0x3FC5] =	sst s2  }
0x8f: {  	_ = 	snop  }
0x90: {  	s2 =	sld [smem:$0x3FD0];
	_ =	sdelay $0x2  }
0x91: {  	s15 =	simm.s32 $0xA;
	s4 =	simm.s32 $0x10  }
0x92: {  	[smem:s4], [sflag:s15] =	dma.local [hbm:s2], $0x1  }
0x93: {  	_ =	swait.eq [sflag:s15], $0x1  }
0x94: {  	[sflag:s15] =	ssyncset.done $0x0  }
0x95: {  	[sflag:s15] =	ssyncadd.s32 $0xFFFFFFFF  }
0x96: {  	s16 =	sld [smem:$0x11];
	(tm) =	ssettm $0x1  }
0x97: {  	s17 =	sld [smem:$0x3FFB];
	_ =	sdelay $0x3  }
0x98: {  	_ =	strace s17  }
0x99: {  	s3 =	sld [smem:$0x3FFC];
	_ =	sdelay $0x3  }
0x9a: {  	_ =	strace s3  }
0x9b: {  	s3 =	sld [smem:$0x3FFD];
	_ =	sdelay $0x3  }
0x9c: {  	_ =	strace s3  }
0x9d: {  	_ =	strace $0x8FFFFFFF  }
0x9e: {  	s18 =	sld [smem:$0x3FDB];
	_ =	sdelay $0x1  }
0x9f: {  	s19 =	simm.s32 $_scs_section_size  }
0xa0: {  	s5 =	simm.s32 $_size__tile_overlayer_lowered;
	s6 =	simm.s32 $_tile_overlayer_lowered  }
0xa1: {  	s22 =	simm.s32 $0x1BFF;
	s21 =	sshll.u32 s6, $0x1;
	s3 =	sadd.s32 s19, s18  }
0xa2: {  	s7 =	simm.s32 $0x0;
	s20 =	sshll.u32 s5, $0x1;
	s5 =	sadd.s32 s21, s3  }
0xa3: {  	[timem:s7], [sflag:s22] =	dma.local [hbm:s5], s20  }
0xa4: {  	_ =	swait.ge [sflag:s22], s20  }
0xa5: {  	s4 =	ssub.s32 $0x0, s20;
	[sflag:s22] =	ssyncset.done $0x0  }
0xa6: {  	[sflag:s22] =	ssyncadd.s32 s4;
	_ =	sdelay $0x1  }
0xa7: {  	s23 =	simm.s32 $0x1B8B  }
0xa8: {  	_ =	swait.ge [sflag:s23], $0x1  }
0xa9: {  	[sflag:s23] =	ssyncset.done $0x0  }
0xaa: {  	s25 =	simm.s32 $0x1B8E;
	s24 =	sld [smem:$0x3FFE];
	[sflag:s23] =	ssyncadd.s32 $0xFFFFFFFF  }
0xab: {  	s26 =	simm.s32 $execute0_lowered;
	[smem:$0x3FD2] =	sst s25  }
0xac: {  	s5 =	sshll.u32 s26, $0x1;
	_ =	strace $0x80000049;
	[dreg:$0x1] =	wrdreg $0xFFFFFFFF  }
0xad: {  	s28 =	simm.s32 $_size_execute0_lowered;
	s3 =	sadd.s32 s3, s5;
	[dreg:$0x0] =	wrdreg $0x0  }
0xae: {  	s5 =	sshll.u32 s28, $0x1;
	[dreg:$0x2] =	wrdreg s3  }
0xaf: {  	[dreg:$0x3] =	wrdreg s5  }
0xb0: {  	[dreg:$0x4] =	wrdreg $0xC0  }
0xb1: {  	_ =	task [dreg:s7], $0x5FFFF  }
0xb2: {  	[dreg:$0x1] =	wrdreg $0xFFFFFFFF  }
0xb3: {  	[dreg:$0x0] =	wrdreg $0x60  }
0xb4: {  	[dreg:$0x2] =	wrdreg s24  }
0xb5: {  	[dreg:$0x3] =	wrdreg s16  }
0xb6: {  	[dreg:$0x4] =	wrdreg $0x9  }
0xb7: {  	_ =	task.clear_ibuf [dreg:s7], $0x5FFFF;
	_ =	strace $0x90000049  }
0xb8: {  	s29 =	simm.s32 $0x9;
	_ =	strace $0x8000004B  }
0xb9: {  	_ =	swait.ge [sflag:s29], $0x1  }
0xba: {  	[sflag:s29] =	ssyncadd.s32 $0xFFFFFFFF  }
0xbb: {  	_ =	strace $0x9000004B  }
0xbc: {  	_ =	sfence  }
0xbd: {  	s30 =	sld [smem:$0x0];
	_ =	sdelay $0x2  }
0xbe: {  	s31 =	sshll.u32 s1, $0xD;
	s1 =	sshrl.u32 s1, $0x2  }
0xbf: {  	s3 =	sand.u32 $0x4000, s31;
	s1 =	sadd.s32 s1, s30  }
0xc0: {  	s0 =	sor.u32 s3, s0;
	s1 =	sshll.u32 s1, $0x11  }
0xc1: {  	s0 =	sor.u32 s1, s0  }
0xc2: {  	s0 =	sadd.s32 $0x8F2B, s0  }
0xc3: {  	[sflag:s0] =	ssyncadd.remote.s32 $0x1  }
0xc4: {  	_ =	sfence.sel $0xFFFF  }
0xc5: {  	[dreg:$0x0] =	wrdreg $0xFFFFFFFF;
	(pc) =	sbr.abs _section_cstart, $3  }
0xc6: {  	[dreg:$0x1] =	wrdreg $0xFFFFFFFF  }
0xc7: {  	_ =	task.clear_ibuf [dreg:s7], $0x2FFFF;
	_ =	strace $0x9FFFFFFF  }
0xc8: {  	(tm) =	ssettm $0x7FFFFFFF  }
0xc9: {  	_ =	shalt  }
tec
execute0_lowered:
.L_overlay_start_1:
0x0: {  	(tag) =	ssettag $0x1  }
0x1: {  	s0 =	srdreg.scid  }
0x2: {  	s10 =	stileid.u32;
	s2 =	rddreg [dreg:$0x0]  }
0x3: {  	s6 =	simm.s32 $0x1;
	s20 =	simm.s32 $0x19000;
	s0 =	sand.u32 $0x1, s0  }
0x4: {  	s4 =	sand.u32 $0x1, s10;
	s5 =	sand.u32 $0x7, s10;
	s13 =	sadd.s32 $0x9800, s2  }
0x5: {  	s14 =	sadd.s32 $0x4D400, s2;
	s29 =	sshll.u32 s10, $0x3;
	s1 =	sshll.u32 s0, $0x2  }
0x6: {  	s3 =	sshll.u32 s0, $0x4;
	p1 =	seq.s32 s4, $0x1;
	p3 =	sne.s32 s5, $0x0  }
0x7: {  	s4 =	simm.s32 $0x1;
	s23 =	sshll.u32 s5, $0x10;
	s0 =	ssub.s32 $0x2, s0  }
0x8: {  	s5 =	sshll.u32 s5, $0x13;
	s31 =	sand.u32 $0x8, s29;
	s1 =	sadd.s32 s10, s1  }
0x9: {  	s3 =	sor.u32 s10, s3;
	s24 =	sshrl.u32 s0, $0x1;
	p0 =	seq.s32 s1, $0x0  }
0xa: {  	p2 =	seq.s32 s3, $0x0;
	s1 =	sshrl.u32 s1, $0x1;
	s22 =	sshrl.u32 s3, $0x3  }
0xb: {  	s3 =	simm.s32 $0x0;
	s0 =	ssub.s32 s0, s24;
	p0 =	por !p0, !p1  }
0xc: {  	p6 =	por !p3, !p2;
	[smem:$0x7FF] =	sst s3;
	s0 =	smax.u32 s0, $0x1  }
0xd: {  	p0 =	por !p0, !p0;
	_ =	strace $0x8000004A;
	[dreg:$0xd] =	wrdreg s0  }
0xe: {  	[dreg:$0x9] =	wrdreg s31;
	s4 =	simm.s32 @!p0 $0x0;
	p0 =	por !p6, !p6  }
0xf: {  	[dreg:$0x3] =	wrdreg s13;
	s1 =	ssub.s32 s1, s4;
	s6 =	simm.s32 @!p0 $0x0  }
0x10: {  	[dreg:$0x4] =	wrdreg s14;
	s7 =	smul.u32 $0x6000, s1;
	s8 =	ssub.s32 s22, s6  }
0x11: {  	s15 =	sshll.u32 s1, $0x10;
	s17 =	smul.u32 $0x1800, s1;
	s18 =	sshll.u32 s1, $0x12  }
0x12: {  	s4 =	sshll.u32 s8, $0x13;
	s26 =	sshll.u32 s8, $0x10;
	[dreg:$0xa] =	wrdreg s15  }
0x13: {  	s28 =	sshll.u32 s8, $0x16;
	[dreg:$0xc] =	wrdreg s18;
	s6 =	sor.u32 s23, s4  }
0x14: {  	s7 =	sshrl.u32 s7, $0x3;
	[dreg:$0x6] =	wrdreg s26;
	s6 =	sshrl.u32 s6, $0x3  }
0x15: {  	[dreg:$0xb] =	wrdreg s17;
	s7 =	sadd.s32 s7, s2;
	s9 =	sadd.s32 s6, s2  }
.Ltmp0:
0x16: {  	s6 =	sadd.s32 $0x1800, s2;
	s2 =	sor.u32 s5, s28;
	(pc) =	sbr.rel .LBB2_1-.Ltmp0, $4  }
0x17: {  	s21 =	simm.s32 $0x200;
	s30 =	sadd.s32 $0xA400, s7;
	[dreg:$0x7] =	wrdreg s2  }
0x18: {  	p0 =	sgt.u32 s10, $0x3;
	s25 =	sadd.s32 $0xD400, s9;
	[dreg:$0x8] =	wrdreg s30  }
0x19: {  	s22 =	simm.s32 $0x40000;
	s30 =	sor.u32 $0x7, s31;
	[dreg:$0x5] =	wrdreg s25  }
0x1a: {  	s1 =	simm.s32 $0x0;
	s4 =	simm.s32 $0x1;
	[dreg:$0xe] =	wrdreg s30  }
.LBB2_14:
0x1b: {  	s1 =	rddreg [dreg:$0xf]  }
0x1c: {  	s0 =	rddreg [dreg:$0xd];
	s1 =	sadd.s32 $0x1, s1  }
0x1d: {  	p1 =	sne.s32 s1, s0  }
.Ltmp1:
0x1e: {  	_ = 	snop;
	(pc) =	sbr.rel @!p1 .LBB2_15-.Ltmp1, $1  }
0x1f: {  	_ =	sdelay $0x3  }
.LBB2_1:
0x20: {  	[dreg:$0xf] =	wrdreg s1  }
0x21: {  	s0 =	rddreg [dreg:$0x5]  }
0x22: {  	[tilespmem:s3], [sflag:$0x1] =	stream.linear.gather [hbm4b:s0+s3], $0x10000, $0x38;
	[tilespmem:$0x19180] =	vst v63  }
0x23: {  	_ =	swait.ge [sflag:s4], $0x10000  }
0x24: {  	[sflag:s4] =	ssyncset.done $0x0  }
0x25: {  	s24 =	simm.s32 $0x0;
	[sflag:s4] =	ssyncadd.s32 $0xFFFF0000  }
.LBB2_2:
0x26: {  	s0 =	sshll.u32 s24, $0xC;
	s1 =	rddreg [dreg:$0x6]  }
0x27: {  	s0 =	sadd.s32 s1, s0  }
0x28: {  	s0 =	sshrl.u32 s0, $0x3  }
0x29: {  	s14 =	simm.s32 $0x0;
	s2 =	simm.s32 $0x10000;
	s0 =	sadd.s32 s6, s0  }
0x2a: {  	[tilespmem:s2], [sflag:$0x1] =	stream.linear.gather [hbm4b:s0+s14], $0x1000, $0x38;
	[tilespmem:$0x19180] =	vst v63  }
0x2b: {  	s15 =	sand.u32 $0x40, s14;
	s5 =	sand.u32 $0xF80, s14;
	_ =	swait.ge [sflag:s4], $0x1000  }
0x2c: {  	s5 =	sor.u32 $0x10000, s5;
	s7 =	sor.u32 $0x30, s15;
	[sflag:s4] =	ssyncset.done $0x0  }
0x2d: {  	s11 =	sor.u32 $0x10, s15;
	s8 =	sor.u32 s7, s5;
	[sflag:s4] =	ssyncadd.s32 $0xFFFFF000  }
0x2e: {  	s12 =	sor.u32 $0x20, s15;
	s16 =	sor.u32 s11, s5;
	v5 =	vld [tilespmem:s8+$0x0]  }
0x2f: {  	s5 =	sor.u32 s12, s5;
	v4 =	vld [tilespmem:s16+$0x0]  }
0x30: {  	v3 =	vld [tilespmem:s5+$0x0]  }
0x31: {  	v0 =	vld [tilespmem:s2+$0x0];
	_ =	sdelay $0x4  }
0x32: {  	v1 =	vld.idx.msk [tilespmem:v5+s3+$0x0], $0xffff  }
0x33: {  	v2 =	vadd.s32 $0x2000, v5;
	v6 =	vld.idx.msk [tilespmem:v4+s3+$0x0], $0xffff  }
0x34: {  	s1 =	sand.u32 $0x7C00, s14;
	v7 =	vadd.s32 $0x2000, v4;
	v8 =	vld.idx.msk [tilespmem:v3+s3+$0x0], $0xffff  }
0x35: {  	s1 =	sadd.s32 $0x11000, s1;
	v10 =	vadd.s32 $0x2000, v3;
	v9 =	vld.idx.msk [tilespmem:v0+s3+$0x0], $0xffff  }
0x36: {  	s17 =	sor.u32 s7, s1;
	v11 =	vadd.s32 $0x2000, v0  }
0x37: {  	s18 =	sor.u32 s11, s1;
	[tilespmem:s17+$0x0] =	vst v1  }
0x38: {  	s19 =	sor.u32 s12, s1;
	[tilespmem:s18+$0x0] =	vst v6;
	v1 =	vld.idx.msk [tilespmem:v2+s3+$0x0], $0xffff  }
0x39: {  	s23 =	sor.u32 s15, s1;
	[tilespmem:s19+$0x0] =	vst v8;
	v2 =	vadd.s32 $0x4000, v5;
	v6 =	vld.idx.msk [tilespmem:v7+s3+$0x0], $0xffff  }
0x3a: {  	[tilespmem:s23+$0x0] =	vst v9;
	v7 =	vadd.s32 $0x4000, v4;
	v8 =	vld.idx.msk [tilespmem:v10+s3+$0x0], $0xffff  }
0x3b: {  	v9 =	vadd.s32 $0x4000, v3;
	v10 =	vld.idx.msk [tilespmem:v11+s3+$0x0], $0xffff  }
0x3c: {  	v11 =	vadd.s32 $0x4000, v0  }
0x3d: {  	[tilespmem:s17+$0x80] =	vst v1  }
0x3e: {  	[tilespmem:s18+$0x80] =	vst v6;
	v1 =	vld.idx.msk [tilespmem:v2+s3+$0x0], $0xffff  }
0x3f: {  	[tilespmem:s19+$0x80] =	vst v8;
	v2 =	vadd.s32 $0x6000, v5;
	v6 =	vld.idx.msk [tilespmem:v7+s3+$0x0], $0xffff  }
0x40: {  	[tilespmem:s23+$0x80] =	vst v10;
	v7 =	vadd.s32 $0x6000, v4;
	v8 =	vld.idx.msk [tilespmem:v9+s3+$0x0], $0xffff  }
0x41: {  	v9 =	vadd.s32 $0x6000, v3;
	v10 =	vld.idx.msk [tilespmem:v11+s3+$0x0], $0xffff  }
0x42: {  	s25 =	simm.s32 $0x10040;
	v11 =	vadd.s32 $0x6000, v0  }
0x43: {  	[tilespmem:s17+$0x100] =	vst v1;
	v1 =	vld [tilespmem:s25+$0x0]  }
0x44: {  	[tilespmem:s18+$0x100] =	vst v6;
	s25 =	simm.s32 $0x40;
	v12 =	vld.idx.msk [tilespmem:v2+s3+$0x0], $0xffff  }
0x45: {  	[tilespmem:s19+$0x100] =	vst v8;
	v7 =	vld.idx.msk [tilespmem:v7+s3+$0x0], $0xffff;
	s0 =	sand.u32 $0x40, s25;
	s26 =	sand.u32 $0xF80, s25  }
0x46: {  	[tilespmem:s23+$0x100] =	vst v10;
	v8 =	vld.idx.msk [tilespmem:v9+s3+$0x0], $0xffff;
	s1 =	sor.u32 $0x10000, s26;
	s12 =	sor.u32 $0x30, s0  }
0x47: {  	v6 =	vadd.s32 $0x8000, v5;
	v10 =	vld.idx.msk [tilespmem:v11+s3+$0x0], $0xffff;
	s13 =	sor.u32 $0x10, s0;
	s9 =	sor.u32 s12, s1  }
0x48: {  	v9 =	vadd.s32 $0x8000, v4;
	s14 =	sor.u32 $0x20, s0;
	s10 =	sor.u32 s13, s1;
	v2 =	vld [tilespmem:s9+$0x0]  }
0x49: {  	v11 =	vadd.s32 $0x8000, v3;
	s1 =	sor.u32 s14, s1;
	v15 =	vld [tilespmem:s10+$0x0]  }
0x4a: {  	v16 =	vld [tilespmem:s1+$0x0];
	[tilespmem:s17+$0x180] =	vst v12;
	v12 =	vadd.s32 $0x8000, v0  }
0x4b: {  	p1 =	por $0x0, $0x0;
	s11 =	simm.s32 $0x1  }
0x4c: {  	s11 =	simm.s32 @!p1 $0x0;
	[tilespmem:s18+$0x180] =	vst v7;
	v6 =	vld.idx.msk [tilespmem:v6+s3+$0x0], $0xffff  }
0x4d: {  	s15 =	sshll.u32 s11, $0x6;
	[tilespmem:s19+$0x180] =	vst v8;
	v8 =	vld.idx.msk [tilespmem:v9+s3+$0x0], $0xffff  }
0x4e: {  	s1 =	sadd.s32 $0x0, s15;
	v7 =	vadd.s32 $0xA000, v5;
	[tilespmem:s23+$0x180] =	vst v10;
	v9 =	vld.idx.msk [tilespmem:v11+s3+$0x0], $0xffff  }
0x4f: {  	s5 =	sadd.s32 $0x30, s1;
	v11 =	vadd.s32 $0xA000, v4;
	v10 =	vld.idx.msk [tilespmem:v12+s3+$0x0], $0xffff  }
0x50: {  	s11 =	sadd.s32 $0x10, s1;
	s16 =	sor.u32 $0x200, s5;
	v14 =	vld.idx.msk [tilespmem:v2+s3+$0x0], $0xffff  }
0x51: {  	s26 =	simm.s32 $0x200;
	s7 =	sadd.s32 $0x20, s1;
	s17 =	sor.u32 $0x200, s11;
	[tilespmem:s16+$0x11000] =	vst v6;
	v6 =	vadd.s32 $0xA000, v3;
	v17 =	vld.idx.msk [tilespmem:v15+s3+$0x0], $0xffff  }
0x52: {  	v13 =	vadd.s32 $0xA000, v0;
	s18 =	sor.u32 $0x200, s7;
	s23 =	sand.u32 $0x7C00, s26;
	[tilespmem:s17+$0x11000] =	vst v8;
	v8 =	vld.idx.msk [tilespmem:v16+s3+$0x0], $0xffff  }
0x53: {  	s19 =	sor.u32 $0x200, s1;
	s9 =	sadd.s32 $0x11000, s23;
	v19 =	vadd.s32 $0x2000, v2;
	[tilespmem:s18+$0x11000] =	vst v9;
	v7 =	vld.idx.msk [tilespmem:v7+s3+$0x0], $0xffff  }
0x54: {  	s23 =	sor.u32 s12, s9;
	v9 =	vld.idx.msk [tilespmem:v11+s3+$0x0], $0xffff;
	v11 =	vadd.s32 $0x2000, v16;
	[tilespmem:s19+$0x11000] =	vst v10  }
0x55: {  	v18 =	vadd.s32 $0xC000, v5;
	s8 =	sor.u32 s13, s9;
	v12 =	vld.idx.msk [tilespmem:v1+s3+$0x0], $0xffff;
	[tilespmem:s23+$0x0] =	vst v14  }
0x56: {  	s12 =	sor.u32 s14, s9;
	v20 =	vadd.s32 $0x2000, v15;
	v6 =	vld.idx.msk [tilespmem:v6+s3+$0x0], $0xffff;
	[tilespmem:s8+$0x0] =	vst v17  }
0x57: {  	s10 =	sor.u32 $0x280, s5;
	v10 =	vadd.s32 $0x2000, v1;
	v21 =	vld.idx.msk [tilespmem:v13+s3+$0x0], $0xffff;
	[tilespmem:s12+$0x0] =	vst v8  }
0x58: {  	[tilespmem:s10+$0x11000] =	vst v7;
	v7 =	vadd.s32 $0xC000, v4;
	v17 =	vld.idx.msk [tilespmem:v19+s3+$0x0], $0xffff  }
0x59: {  	s2 =	sor.u32 s0, s9;
	v14 =	vadd.s32 $0xC000, v3;
	v8 =	vld.idx.msk [tilespmem:v11+s3+$0x0], $0xffff  }
0x5a: {  	s15 =	sor.u32 $0x280, s11;
	[tilespmem:s2+$0x0] =	vst v12;
	v11 =	vadd.s32 $0x4000, v2;
	v13 =	vld.idx.msk [tilespmem:v18+s3+$0x0], $0xffff  }
0x5b: {  	v5 =	vadd.s32 $0xE000, v5;
	s16 =	sor.u32 $0x280, s7;
	[tilespmem:s15+$0x11000] =	vst v9;
	v18 =	vld.idx.msk [tilespmem:v20+s3+$0x0], $0xffff  }
0x5c: {  	s18 =	sor.u32 $0x280, s1;
	v19 =	vadd.s32 $0x4000, v16;
	v10 =	vld.idx.msk [tilespmem:v10+s3+$0x0], $0xffff;
	[tilespmem:s16+$0x11000] =	vst v6  }
0x5d: {  	v12 =	vadd.s32 $0x4000, v15;
	[tilespmem:s18+$0x11000] =	vst v21;
	v22 =	vld.idx.msk [tilespmem:v7+s3+$0x0], $0xffff  }
0x5e: {  	v23 =	vadd.s32 $0xC000, v0;
	s17 =	sor.u32 $0x300, s5;
	v14 =	vld.idx.msk [tilespmem:v14+s3+$0x0], $0xffff;
	[tilespmem:s23+$0x80] =	vst v17  }
0x5f: {  	v6 =	vadd.s32 $0x4000, v1;
	[tilespmem:s17+$0x11000] =	vst v13;
	v17 =	vld.idx.msk [tilespmem:v11+s3+$0x0], $0xffff  }
0x60: {  	v25 =	vadd.s32 $0xE000, v4;
	[tilespmem:s12+$0x80] =	vst v8;
	v24 =	vld.idx.msk [tilespmem:v5+s3+$0x0], $0xffff  }
0x61: {  	s19 =	sor.u32 $0x300, s11;
	v3 =	vadd.s32 $0xE000, v3;
	[tilespmem:s8+$0x80] =	vst v18;
	v19 =	vld.idx.msk [tilespmem:v19+s3+$0x0], $0xffff  }
0x62: {  	v9 =	vadd.s32 $0x8000, v15;
	v4 =	vadd.s32 $0xE000, v15;
	v18 =	vld.idx.msk [tilespmem:v12+s3+$0x0], $0xffff;
	[tilespmem:s19+$0x11000] =	vst v22;
	v22 =	vadd.s32 $0x6000, v2  }
0x63: {  	s30 =	simm.s32 $0x4;
	s28 =	sor.u32 $0x380, s1;
	v7 =	vadd.s32 $0xA000, v15;
	v12 =	vadd.s32 $0x6000, v15;
	v5 =	vadd.s32 $0xC000, v15;
	v15 =	vld.idx.msk [tilespmem:v23+s3+$0x0], $0xffff;
	[tilespmem:s2+$0x80] =	vst v10  }
0x64: {  	s31 =	sor.u32 $0x380, s11;
	s29 =	sor.u32 $0x380, s7;
	s5 =	sor.u32 $0x380, s5;
	v21 =	vadd.s32 $0x6000, v1;
	v8 =	vadd.s32 $0xA000, v16;
	v13 =	vadd.s32 $0x6000, v16;
	v20 =	vld.idx.msk [tilespmem:v6+s3+$0x0], $0xffff  }
0x65: {  	s0 =	sor.u32 $0x300, s1;
	s11 =	simm.s32 $0x10080;
	s16 =	sor.u32 $0x300, s7;
	v11 =	vadd.s32 $0xE000, v16;
	v10 =	vadd.s32 $0x8000, v16;
	v6 =	vadd.s32 $0xC000, v16;
	v16 =	vld.idx.msk [tilespmem:v25+s3+$0x0], $0xffff;
	[tilespmem:s5+$0x11000] =	vst v24  }
.LBB2_3:
0x66: {  	v23 =	vld [tilespmem:s11+$0x0];
	[tilespmem:s23+$0x100] =	vst v17  }
0x67: {  	[tilespmem:s8+$0x100] =	vst v18;
	v17 =	vld.idx.msk [tilespmem:v22+s3+$0x0], $0xffff;
	v18 =	vadd.s32 $0xE000, v0;
	v0 =	vmov v1  }
0x68: {  	v12 =	vld.idx.msk [tilespmem:v12+s3+$0x0], $0xffff;
	[tilespmem:s12+$0x100] =	vst v19  }
0x69: {  	s25 =	sadd.s32 $0x40, s25;
	v19 =	vadd.s32 $0x8000, v2;
	[tilespmem:s2+$0x100] =	vst v20;
	v13 =	vld.idx.msk [tilespmem:v13+s3+$0x0], $0xffff  }
0x6a: {  	s1 =	sand.u32 $0x40, s25;
	s5 =	sand.u32 $0xF80, s25;
	v20 =	vld.idx.msk [tilespmem:v21+s3+$0x0], $0xffff;
	[tilespmem:s16+$0x11000] =	vst v14  }
0x6b: {  	s30 =	sadd.s32 $0x4, s30;
	s14 =	sor.u32 $0x10000, s5;
	s5 =	sor.u32 $0x30, s1;
	[tilespmem:s0+$0x11000] =	vst v15;
	v14 =	vld.idx.msk [tilespmem:v3+s3+$0x0], $0xffff;
	v1 =	vmov v23;
	v3 =	vmov v11  }
0x6c: {  	p2 =	slt.u32 s30, $0xFC;
	s7 =	sor.u32 $0x10, s1;
	s0 =	sor.u32 s5, s14;
	v11 =	vld.idx.msk [tilespmem:v18+s3+$0x0], $0xffff;
	[tilespmem:s31+$0x11000] =	vst v16  }
0x6d: {  	s13 =	sor.u32 $0x20, s1;
	s15 =	sor.u32 s7, s14;
	v15 =	vld [tilespmem:s0+$0x0];
	[tilespmem:s23+$0x180] =	vst v17  }
0x6e: {  	p1 =	por !p1, !p1;
	v16 =	vadd.s32 $0x8000, v0;
	s0 =	sor.u32 s13, s14;
	[tilespmem:s8+$0x180] =	vst v12;
	v17 =	vld.idx.msk [tilespmem:v19+s3+$0x0], $0xffff;
	s8 =	simm.s32 $0x1  }
0x6f: {  	v18 =	vld [tilespmem:s15+$0x0];
	s8 =	simm.s32 @!p1 $0x0;
	[tilespmem:s12+$0x180] =	vst v13  }
0x70: {  	v19 =	vld [tilespmem:s0+$0x0];
	s0 =	sshll.u32 s8, $0x6;
	[tilespmem:s2+$0x180] =	vst v20;
	v20 =	vadd.s32 $0xA000, v2  }
0x71: {  	s2 =	sadd.s32 s0, s26;
	v21 =	vld.idx.msk [tilespmem:v9+s3+$0x0], $0xffff;
	[tilespmem:s29+$0x11000] =	vst v14  }
0x72: {  	s8 =	sadd.s32 $0x10, s2;
	v14 =	vld.idx.msk [tilespmem:v10+s3+$0x0], $0xffff;
	s12 =	sadd.s32 $0x20, s2;
	s19 =	sadd.s32 $0x30, s2;
	[tilespmem:s28+$0x11000] =	vst v11  }
0x73: {  	v22 =	vadd.s32 $0xA000, v0;
	v16 =	vld.idx.msk [tilespmem:v16+s3+$0x0], $0xffff;
	s23 =	sor.u32 $0x200, s8;
	s9 =	sor.u32 $0x200, s12;
	s0 =	sor.u32 $0x200, s19  }
0x74: {  	s10 =	sor.u32 $0x200, s2;
	s18 =	sor.u32 $0x280, s8;
	s17 =	sor.u32 $0x280, s12;
	v23 =	vld.idx.msk [tilespmem:v23+s3+$0x0], $0xffff;
	v24 =	vadd.s32 $0x2000, v18;
	v25 =	vadd.s32 $0x4000, v18;
	v12 =	vadd.s32 $0x6000, v18;
	[tilespmem:s0+$0x11000] =	vst v17  }
0x75: {  	s15 =	sor.u32 $0x280, s2;
	s14 =	sor.u32 $0x300, s8;
	s16 =	sor.u32 $0x300, s12;
	v17 =	vadd.s32 $0x2000, v19;
	v26 =	vadd.s32 $0x4000, v19;
	v13 =	vadd.s32 $0x6000, v19;
	v20 =	vld.idx.msk [tilespmem:v20+s3+$0x0], $0xffff  }
0x76: {  	s31 =	sor.u32 $0x380, s8;
	s29 =	sor.u32 $0x380, s12;
	v9 =	vadd.s32 $0x8000, v18;
	v27 =	vadd.s32 $0xA000, v18;
	s0 =	sor.u32 $0x300, s2;
	v10 =	vadd.s32 $0x8000, v19;
	v28 =	vld.idx.msk [tilespmem:v15+s3+$0x0], $0xffff  }
0x77: {  	s28 =	sor.u32 $0x380, s2;
	v30 =	vadd.s32 $0xC000, v18;
	v31 =	vadd.s32 $0xA000, v19;
	v29 =	vld.idx.msk [tilespmem:v18+s3+$0x0], $0xffff;
	[tilespmem:s23+$0x11000] =	vst v21;
	v21 =	vadd.s32 $0xC000, v2  }
0x78: {  	s26 =	sadd.s32 $0x200, s26;
	v34 =	vadd.s32 $0x2000, v15;
	v32 =	vadd.s32 $0xE000, v18;
	v33 =	vadd.s32 $0xC000, v19;
	v18 =	vld.idx.msk [tilespmem:v19+s3+$0x0], $0xffff;
	[tilespmem:s9+$0x11000] =	vst v14  }
0x79: {  	s2 =	sand.u32 $0x7C00, s26;
	v11 =	vadd.s32 $0xE000, v19;
	[tilespmem:s10+$0x11000] =	vst v16;
	v14 =	vld.idx.msk [tilespmem:v7+s3+$0x0], $0xffff;
	v7 =	vmov v27  }
0x7a: {  	s9 =	sadd.s32 $0x11000, s2;
	s10 =	sor.u32 $0x280, s19;
	v16 =	vld.idx.msk [tilespmem:v8+s3+$0x0], $0xffff;
	v8 =	vmov v31  }
0x7b: {  	v19 =	vadd.s32 $0x2000, v1;
	s2 =	sor.u32 s1, s9;
	s8 =	sor.u32 s7, s9;
	s23 =	sor.u32 s5, s9;
	v27 =	vld.idx.msk [tilespmem:v22+s3+$0x0], $0xffff;
	[tilespmem:s10+$0x11000] =	vst v20  }
0x7c: {  	s12 =	sor.u32 s13, s9;
	[tilespmem:s23+$0x0] =	vst v28;
	v20 =	vld.idx.msk [tilespmem:v21+s3+$0x0], $0xffff  }
0x7d: {  	[tilespmem:s8+$0x0] =	vst v29;
	v21 =	vld.idx.msk [tilespmem:v34+s3+$0x0], $0xffff  }
0x7e: {  	v22 =	vld.idx.msk [tilespmem:v24+s3+$0x0], $0xffff;
	[tilespmem:s12+$0x0] =	vst v18;
	v18 =	vadd.s32 $0xE000, v2;
	v2 =	vmov v15  }
0x7f: {  	[tilespmem:s2+$0x0] =	vst v23;
	v15 =	vld.idx.msk [tilespmem:v17+s3+$0x0], $0xffff;
	v17 =	vadd.s32 $0x4000, v2  }
0x80: {  	v19 =	vld.idx.msk [tilespmem:v19+s3+$0x0], $0xffff;
	[tilespmem:s18+$0x11000] =	vst v14  }
0x81: {  	s1 =	sor.u32 $0x300, s19;
	v23 =	vld.idx.msk [tilespmem:v5+s3+$0x0], $0xffff;
	[tilespmem:s17+$0x11000] =	vst v16;
	v5 =	vmov v30  }
0x82: {  	v16 =	vadd.s32 $0x4000, v1;
	v14 =	vld.idx.msk [tilespmem:v6+s3+$0x0], $0xffff;
	[tilespmem:s1+$0x11000] =	vst v20;
	v6 =	vmov v33  }
0x83: {  	[tilespmem:s23+$0x80] =	vst v21;
	v21 =	vadd.s32 $0xC000, v0;
	v24 =	vld.idx.msk [tilespmem:v18+s3+$0x0], $0xffff  }
0x84: {  	[tilespmem:s8+$0x80] =	vst v22;
	v17 =	vld.idx.msk [tilespmem:v17+s3+$0x0], $0xffff  }
.Ltmp2:
0x85: {  	v18 =	vld.idx.msk [tilespmem:v25+s3+$0x0], $0xffff;
	[tilespmem:s12+$0x80] =	vst v15;
	(pc) =	sbr.rel @p2 .LBB2_3-.Ltmp2, $4  }
0x86: {  	v22 =	vadd.s32 $0x6000, v2;
	[tilespmem:s2+$0x80] =	vst v19;
	v19 =	vld.idx.msk [tilespmem:v26+s3+$0x0], $0xffff  }
0x87: {  	v20 =	vld.idx.msk [tilespmem:v16+s3+$0x0], $0xffff;
	[tilespmem:s15+$0x11000] =	vst v27  }
0x88: {  	s1 =	sor.u32 $0x380, s19;
	v15 =	vld.idx.msk [tilespmem:v21+s3+$0x0], $0xffff;
	[tilespmem:s14+$0x11000] =	vst v23  }
0x89: {  	s11 =	sadd.s32 $0x40, s11;
	v21 =	vadd.s32 $0x6000, v1;
	v16 =	vld.idx.msk [tilespmem:v4+s3+$0x0], $0xffff;
	[tilespmem:s1+$0x11000] =	vst v24;
	v4 =	vmov v32  }
0x8a: {  	_ =	sdelay $0x2  }
0x8b: {  	[tilespmem:s23+$0x100] =	vst v17  }
0x8c: {  	[tilespmem:s8+$0x100] =	vst v18;
	v17 =	vld.idx.msk [tilespmem:v22+s3+$0x0], $0xffff  }
0x8d: {  	v50 =	vadd.s32 $0x8000, v2;
	v12 =	vld.idx.msk [tilespmem:v12+s3+$0x0], $0xffff;
	_ =	sdelay $0x1  }
0x8e: {  	[tilespmem:s12+$0x100] =	vst v19  }
0x8f: {  	[tilespmem:s2+$0x100] =	vst v20;
	v13 =	vld.idx.msk [tilespmem:v13+s3+$0x0], $0xffff  }
0x90: {  	p1 =	por !p1, !p1;
	s1 =	simm.s32 $0x1;
	v51 =	vld.idx.msk [tilespmem:v21+s3+$0x0], $0xffff;
	[tilespmem:s23+$0x180] =	vst v17  }
0x91: {  	v52 =	vadd.s32 $0x8000, v1;
	s1 =	simm.s32 @!p1 $0x0;
	[tilespmem:s8+$0x180] =	vst v12;
	v53 =	vld.idx.msk [tilespmem:v50+s3+$0x0], $0xffff  }
0x92: {  	v54 =	vadd.s32 $0xA000, v2;
	s1 =	sshll.u32 s1, $0x6;
	v9 =	vld.idx.msk [tilespmem:v9+s3+$0x0], $0xffff  }
0x93: {  	s1 =	sadd.s32 s1, s26  }
0x94: {  	s8 =	sadd.s32 $0x30, s1;
	[tilespmem:s12+$0x180] =	vst v13  }
0x95: {  	s5 =	sadd.s32 $0x10, s1;
	s7 =	sor.u32 $0x200, s8;
	[tilespmem:s2+$0x180] =	vst v51;
	v10 =	vld.idx.msk [tilespmem:v10+s3+$0x0], $0xffff  }
0x96: {  	s9 =	sor.u32 $0x200, s5;
	v55 =	vld.idx.msk [tilespmem:v52+s3+$0x0], $0xffff;
	[tilespmem:s7+$0x11000] =	vst v53  }
0x97: {  	v56 =	vadd.s32 $0xA000, v1;
	[tilespmem:s9+$0x11000] =	vst v9;
	v12 =	vld.idx.msk [tilespmem:v54+s3+$0x0], $0xffff  }
0x98: {  	v57 =	vadd.s32 $0xC000, v2;
	s10 =	sadd.s32 $0x20, s1;
	v7 =	vld.idx.msk [tilespmem:v7+s3+$0x0], $0xffff  }
0x99: {  	[tilespmem:s16+$0x11000] =	vst v14;
	s11 =	sor.u32 $0x200, s10  }
0x9a: {  	s12 =	sor.u32 $0x200, s1;
	[tilespmem:s11+$0x11000] =	vst v10  }
0x9b: {  	v0 =	vadd.s32 $0xE000, v0;
	s13 =	sor.u32 $0x280, s8;
	[tilespmem:s12+$0x11000] =	vst v55;
	v8 =	vld.idx.msk [tilespmem:v8+s3+$0x0], $0xffff  }
0x9c: {  	s14 =	sor.u32 $0x280, s5;
	v58 =	vld.idx.msk [tilespmem:v56+s3+$0x0], $0xffff;
	[tilespmem:s13+$0x11000] =	vst v12  }
0x9d: {  	v59 =	vadd.s32 $0xC000, v1;
	[tilespmem:s14+$0x11000] =	vst v7;
	v9 =	vld.idx.msk [tilespmem:v57+s3+$0x0], $0xffff  }
0x9e: {  	v60 =	vadd.s32 $0xE000, v2;
	[tilespmem:s0+$0x11000] =	vst v15;
	v5 =	vld.idx.msk [tilespmem:v5+s3+$0x0], $0xffff  }
0x9f: {  	v3 =	vld.idx.msk [tilespmem:v3+s3+$0x0], $0xffff;
	[tilespmem:s31+$0x11000] =	vst v16;
	s15 =	sor.u32 $0x280, s10  }
0xa0: {  	s16 =	sor.u32 $0x280, s1;
	v0 =	vld.idx.msk [tilespmem:v0+s3+$0x0], $0xffff;
	[tilespmem:s15+$0x11000] =	vst v8  }
0xa1: {  	s17 =	sor.u32 $0x300, s8;
	v6 =	vld.idx.msk [tilespmem:v6+s3+$0x0], $0xffff;
	[tilespmem:s16+$0x11000] =	vst v58  }
0xa2: {  	s18 =	sor.u32 $0x300, s5;
	v61 =	vld.idx.msk [tilespmem:v59+s3+$0x0], $0xffff;
	[tilespmem:s17+$0x11000] =	vst v9  }
0xa3: {  	v62 =	vadd.s32 $0xE000, v1;
	[tilespmem:s18+$0x11000] =	vst v5;
	v2 =	vld.idx.msk [tilespmem:v60+s3+$0x0], $0xffff  }
0xa4: {  	[tilespmem:s29+$0x11000] =	vst v3;
	v4 =	vld.idx.msk [tilespmem:v4+s3+$0x0], $0xffff  }
0xa5: {  	s19 =	sor.u32 $0x300, s10;
	[tilespmem:s28+$0x11000] =	vst v0  }
0xa6: {  	s23 =	sor.u32 $0x300, s1;
	[tilespmem:s19+$0x11000] =	vst v6  }
0xa7: {  	s25 =	sor.u32 $0x380, s8;
	[tilespmem:s23+$0x11000] =	vst v61;
	v63 =	vld.idx.msk [tilespmem:v11+s3+$0x0], $0xffff  }
0xa8: {  	s26 =	sor.u32 $0x380, s5;
	v1 =	vld.idx.msk [tilespmem:v62+s3+$0x0], $0xffff;
	[tilespmem:s25+$0x11000] =	vst v2  }
0xa9: {  	s30 =	rddreg [dreg:$0x1];
	[tilespmem:s26+$0x11000] =	vst v4  }
0xaa: {  	s28 =	sshll.u32 s24, $0xF;
	s2 =	rddreg [dreg:$0x7]  }
0xab: {  	s29 =	sor.u32 $0x380, s10;
	s24 =	sadd.s32 $0x1, s24;
	s0 =	sadd.s32 s2, s28  }
0xac: {  	s1 =	sor.u32 $0x380, s1;
	p1 =	sne.s32 s24, $0x10;
	[tilespmem:s29+$0x11000] =	vst v63;
	s0 =	sshrl.u32 s0, $0x3  }
.Ltmp3:
0xad: {  	s31 =	simm.s32 $0x11000;
	[tilespmem:s1+$0x11000] =	vst v1;
	s0 =	sadd.s32 s30, s0;
	(pc) =	sbr.rel @p1 .LBB2_2-.Ltmp3, $4  }
0xae: {  	[hbm4b:s0+s3] =	stream.linear.scatter [tilespmem:s31], [sflag:$0x1], $0x8000, $0x38;
	[tilespmem:$0x19180] =	vst v63  }
0xaf: {  	_ =	swait.ge [sflag:s4], $0x8000  }
0xb0: {  	[sflag:s4] =	ssyncset.done $0x0  }
0xb1: {  	[sflag:s4] =	ssyncadd.s32 $0xFFFF8000  }
0xb2: {  	s13 =	rddreg [dreg:$0x3]  }
.Ltmp4:
0xb3: {  	s14 =	rddreg [dreg:$0x4];
	(pc) =	sbr.rel @p0 .LBB2_14-.Ltmp4, $4  }
0xb4: {  	s15 =	rddreg [dreg:$0xa]  }
0xb5: {  	s17 =	rddreg [dreg:$0xb]  }
0xb6: {  	s18 =	rddreg [dreg:$0xc]  }
0xb7: {  	s30 =	rddreg [dreg:$0xe];
	s10 =	simm.s32 $0x10000  }
0xb8: {  	s0 =	rddreg [dreg:$0x8]  }
0xb9: {  	[tilespmem:s3], [sflag:$0x1] =	stream.linear.gather [hbm4b:s0+s3], $0x6000, $0x38;
	[tilespmem:$0x19180] =	vst v63  }
0xba: {  	_ =	swait.ge [sflag:s4], $0x6000  }
0xbb: {  	[sflag:s4] =	ssyncset.done $0x0  }
0xbc: {  	s24 =	rddreg [dreg:$0x9];
	[sflag:s4] =	ssyncadd.s32 $0xFFFFA000  }
.LBB2_7:
0xbd: {  	s0 =	sshll.u32 s24, $0xC  }
0xbe: {  	s0 =	sadd.s32 s15, s0  }
0xbf: {  	s0 =	sshrl.u32 s0, $0x3  }
0xc0: {  	s1 =	simm.s32 $0x0;
	s2 =	smul.u32 $0x180, s24;
	s0 =	sadd.s32 s6, s0  }
0xc1: {  	[tilespmem:s10], [sflag:$0x1] =	stream.linear.gather [hbm4b:s0+s1], $0x1000, $0x38;
	[tilespmem:$0x19180] =	vst v63  }
0xc2: {  	s11 =	sadd.s32 s17, s2;
	_ =	swait.ge [sflag:s4], $0x1000  }
0xc3: {  	s0 =	sshrl.u32 s11, $0x3;
	[sflag:s4] =	ssyncset.done $0x0  }
0xc4: {  	s16 =	simm.s32 $0x0;
	s0 =	sadd.s32 s13, s0;
	[sflag:s4] =	ssyncadd.s32 $0xFFFFF000  }
0xc5: {  	v1 =	vmov s16;
	[tilespmem:s20], [sflag:$0x1] =	stream.linear.gather [hbm4b:s0+s1], $0x180, $0x38;
	[tilespmem:$0x19180] =	vst v63  }
0xc6: {  	v2 =	vand.u32 $0xFFFFFFFE, v1;
	_ =	swait.ge [sflag:s4], $0x180  }
0xc7: {  	v2 =	vbroadcast v2, $0x0;
	[sflag:s4] =	ssyncset.done $0x0  }
0xc8: {  	s12 =	simm.s32 $0x10020;
	[sflag:s4] =	ssyncadd.s32 $0xFFFFFE80  }
0xc9: {  	s19 =	simm.s32 $0x3;
	v0 =	vld [tilespmem:s12+$0xFFFFFFE0]  }
0xca: {  	v6 =	vmov s19;
	v3 =	vld [tilespmem:s12+$0xFFFFFFF0]  }
0xcb: {  	v5 =	vld [tilespmem:s12+$0x10]  }
0xcc: {  	v4 =	vld [tilespmem:s12+$0x0]  }
0xcd: {  	v2 =	vld.idx.msk [tilespmem:v2+s20+$0x0], $0xffff  }
0xce: {  	v1 =	vld.idx.msk [tilespmem:v1+s20+$0x0], $0xffff  }
0xcf: {  	v9 =	vld.idx.msk [tilespmem:v6+s20+$0x0], $0xffff  }
0xd0: {  	v6 =	vld.idx.msk [tilespmem:v6+s20+$0x0], $0xffff  }
0xd1: {  	v7 =	vld.idx.msk [tilespmem:v0+s3+$0x0], $0xffff  }
0xd2: {  	v8 =	vld.idx.msk [tilespmem:v3+s3+$0x0], $0xffff  }
0xd3: {  	v15 =	vld.idx.msk [tilespmem:v5+s3+$0x0], $0xffff  }
0xd4: {  	s23 =	simm.s32 $0x1;
	v10 =	vadd.s32 $0x2000, v0  }
0xd5: {  	s25 =	simm.s32 $0x4;
	s5 =	simm.s32 $0x0;
	v12 =	vmov s23;
	s1 =	sand.u32 $0x7C00, s1;
	v11 =	vld.idx.msk [tilespmem:v4+s3+$0x0], $0xffff  }
0xd6: {  	s26 =	sand.u32 $0x40, s5;
	s16 =	simm.s32 $0x10060;
	s1 =	sadd.s32 $0x11000, s1;
	v14 =	vadd.s32 $0x2000, v3;
	v2 =	vsub.f32 v7, v2  }
0xd7: {  	s31 =	simm.s32 $0x10;
	v13 =	vmov s25;
	s12 =	sor.u32 s26, s1;
	v17 =	vld [tilespmem:s16+$0x10];
	v16 =	vadd.s32 $0x2000, v4  }
0xd8: {  	s2 =	sand.u32 $0x50, s31;
	v7 =	vand.u32 $0xFFFFFFFE, v13;
	v1 =	vsub.f32 v8, v1;
	v6 =	vsub.f32 v15, v6;
	v15 =	vld [tilespmem:s16+$0xFFFFFFF0];
	[tilespmem:s12+$0x0] =	vst v2  }
0xd9: {  	s5 =	simm.s32 $0x20;
	s23 =	sor.u32 s2, s1;
	v7 =	vbroadcast v7, $0x0;
	v2 =	vld.idx.msk [tilespmem:v10+s3+$0x0], $0xffff  }
0xda: {  	s7 =	sand.u32 $0x60, s5;
	v9 =	vsub.f32 v11, v9;
	[tilespmem:s23+$0x0] =	vst v1;
	v1 =	vld.idx.msk [tilespmem:v12+s20+$0x0], $0xffff  }
0xdb: {  	s8 =	simm.s32 $0x2;
	s19 =	sor.u32 s7, s1;
	v8 =	vadd.s32 $0x2000, v5;
	v10 =	vld.idx.msk [tilespmem:v14+s3+$0x0], $0xffff  }
0xdc: {  	s9 =	simm.s32 $0x30;
	v11 =	vmov s8;
	[tilespmem:s19+$0x0] =	vst v9;
	v9 =	vld.idx.msk [tilespmem:v12+s20+$0x0], $0xffff  }
0xdd: {  	s11 =	sand.u32 $0x70, s9;
	v12 =	vand.u32 $0xFFFFFFFE, v11;
	v14 =	vld.idx.msk [tilespmem:v16+s3+$0x0], $0xffff  }
0xde: {  	s25 =	sor.u32 s11, s1;
	v16 =	vld [tilespmem:s16+$0x0];
	v12 =	vbroadcast v12, $0x0  }
0xdf: {  	[tilespmem:s25+$0x0] =	vst v6;
	v6 =	vld.idx.msk [tilespmem:v7+s20+$0x0], $0xffff  }
0xe0: {  	v0 =	vadd.s32 $0x4000, v0;
	v7 =	vld.idx.msk [tilespmem:v8+s3+$0x0], $0xffff  }
0xe1: {  	v1 =	vsub.f32 v2, v1;
	v2 =	vld.idx.msk [tilespmem:v13+s20+$0x0], $0xffff  }
0xe2: {  	s31 =	simm.s32 $0x9;
	s26 =	simm.s32 $0x6;
	v13 =	vld [tilespmem:s16+$0xFFFFFFE0];
	v9 =	vsub.f32 v10, v9  }
0xe3: {  	v10 =	vmov s31;
	v19 =	vld.idx.msk [tilespmem:v15+s3+$0x0], $0xffff;
	[tilespmem:s12+$0x80] =	vst v1;
	v1 =	vadd.s32 $0x4000, v3;
	v3 =	vmov s26  }
0xe4: {  	v4 =	vadd.s32 $0x4000, v4;
	v8 =	vld.idx.msk [tilespmem:v12+s20+$0x0], $0xffff;
	v12 =	vand.u32 $0xFFFFFFFE, v3  }
0xe5: {  	v0 =	vld.idx.msk [tilespmem:v0+s3+$0x0], $0xffff;
	v12 =	vbroadcast v12, $0x0  }
0xe6: {  	[tilespmem:s23+$0x80] =	vst v9;
	v21 =	vld.idx.msk [tilespmem:v16+s3+$0x0], $0xffff;
	v6 =	vsub.f32 v14, v6  }
0xe7: {  	v11 =	vld.idx.msk [tilespmem:v11+s20+$0x0], $0xffff  }
0xe8: {  	v9 =	vld.idx.msk [tilespmem:v10+s20+$0x0], $0xffff;
	[tilespmem:s19+$0x80] =	vst v6  }
0xe9: {  	s5 =	simm.s32 $0xA;
	v61 =	vld.idx.msk [tilespmem:v4+s3+$0x0], $0xffff  }
0xea: {  	v23 =	vmov s5;
	v5 =	vadd.s32 $0x4000, v5;
	v18 =	vld.idx.msk [tilespmem:v13+s3+$0x0], $0xffff  }
0xeb: {  	s1 =	simm.s32 $0x5;
	v4 =	vand.u32 $0xFFFFFFFE, v23;
	v12 =	vld.idx.msk [tilespmem:v12+s20+$0x0], $0xffff  }
0xec: {  	v20 =	vmov s1;
	v2 =	vsub.f32 v7, v2;
	v3 =	vld.idx.msk [tilespmem:v3+s20+$0x0], $0xffff;
	v24 =	vbroadcast v4, $0x0  }
0xed: {  	s2 =	simm.s32 $0x7;
	s26 =	simm.s32 $0x200;
	v14 =	vld.idx.msk [tilespmem:v17+s3+$0x0], $0xffff  }
0xee: {  	s7 =	simm.s32 $0x40;
	s31 =	simm.s32 $0x60;
	s8 =	sand.u32 $0x7C00, s26;
	v22 =	vadd.s32 $0x2000, v13;
	v10 =	vld.idx.msk [tilespmem:v10+s20+$0x0], $0xffff;
	[tilespmem:s25+$0x80] =	vst v2  }
0xef: {  	s9 =	sand.u32 $0x40, s7;
	s7 =	sand.u32 $0x60, s31;
	s1 =	sadd.s32 $0x11000, s8;
	v6 =	vmov s2;
	v4 =	vld.idx.msk [tilespmem:v5+s3+$0x0], $0xffff;
	v5 =	vsub.f32 v21, v9  }
0xf0: {  	s11 =	simm.s32 $0x50;
	v7 =	vadd.s32 $0x2000, v15;
	s0 =	sor.u32 s7, s1;
	v1 =	vld.idx.msk [tilespmem:v1+s3+$0x0], $0xffff;
	v12 =	vsub.f32 v18, v12  }
0xf1: {  	s16 =	sand.u32 $0x50, s11;
	s8 =	sor.u32 s9, s1;
	v2 =	vld.idx.msk [tilespmem:v20+s20+$0x0], $0xffff;
	v3 =	vsub.f32 v19, v3;
	[tilespmem:s0+$0x0] =	vst v5  }
0xf2: {  	s11 =	simm.s32 $0x70;
	s2 =	sor.u32 s16, s1;
	v5 =	vsub.f32 v0, v8;
	v9 =	vld.idx.msk [tilespmem:v24+s20+$0x0], $0xffff;
	[tilespmem:s8+$0x0] =	vst v12  }
0xf3: {  	v25 =	vadd.s32 $0x2000, v16;
	s9 =	sand.u32 $0x70, s11;
	[tilespmem:s2+$0x0] =	vst v3;
	v3 =	vsub.f32 v14, v10;
	v62 =	vld.idx.msk [tilespmem:v22+s3+$0x0], $0xffff  }
0xf4: {  	s31 =	simm.s32 $0x8;
	s29 =	sor.u32 s9, s1;
	[tilespmem:s12+$0x100] =	vst v5;
	v12 =	vadd.s32 $0x2000, v17;
	v63 =	vld.idx.msk [tilespmem:v6+s20+$0x0], $0xffff  }
0xf5: {  	v11 =	vsub.f32 v1, v11;
	v5 =	vmov s31;
	v7 =	vld.idx.msk [tilespmem:v7+s3+$0x0], $0xffff;
	[tilespmem:s29+$0x0] =	vst v3;
	v3 =	vadd.s32 $0x4000, v15  }
0xf6: {  	v10 =	vld.idx.msk [tilespmem:v6+s20+$0x0], $0xffff;
	v15 =	vsub.f32 v61, v2;
	v2 =	vadd.s32 $0x4000, v16;
	v16 =	vand.u32 $0xFFFFFFFE, v5  }
0xf7: {  	[tilespmem:s23+$0x100] =	vst v11;
	v14 =	vadd.s32 $0x4000, v13;
	v11 =	vld.idx.msk [tilespmem:v20+s20+$0x0], $0xffff;
	v13 =	vbroadcast v16, $0x0  }
0xf8: {  	v6 =	vld.idx.msk [tilespmem:v25+s3+$0x0], $0xffff  }
0xf9: {  	s16 =	simm.s32 $0xB;
	[tilespmem:s19+$0x100] =	vst v15;
	v8 =	vld.idx.msk [tilespmem:v12+s3+$0x0], $0xffff;
	v15 =	vsub.f32 v62, v63  }
0xfa: {  	s28 =	simm.s32 $0x100A0;
	v0 =	vmov s16;
	v1 =	vadd.s32 $0x4000, v17;
	s12 =	sshll.u32 s24, $0xE;
	s23 =	simm.s32 $0x4;
	v12 =	vld.idx.msk [tilespmem:v23+s20+$0x0], $0xffff  }
.LBB2_8:
0xfb: {  	v16 =	vld [tilespmem:s28+$0xFFFFFFE0];
	[tilespmem:s8+$0x80] =	vst v15;
	v7 =	vsub.f32 v7, v10;
	s16 =	sadd.s32 $0x6, s16  }
0xfc: {  	s1 =	sadd.s32 $0xFFFFFFFB, s16;
	s5 =	sadd.s32 $0xFFFFFFFE, s16;
	s7 =	sadd.s32 $0xFFFFFFFF, s16;
	v17 =	vmov s16;
	v10 =	vld.idx.msk [tilespmem:v14+s3+$0x0], $0xffff  }
0xfd: {  	v14 =	vmov s1;
	v15 =	vmov s5;
	v18 =	vmov s7;
	v13 =	vld.idx.msk [tilespmem:v13+s20+$0x0], $0xffff  }
0xfe: {  	s23 =	sadd.s32 $0x4, s23;
	v6 =	vsub.f32 v6, v9;
	v19 =	vand.u32 $0xFFFFFFFE, v14;
	v20 =	vld [tilespmem:s28+$0xFFFFFFF0];
	v21 =	vand.u32 $0xFFFFFFFE, v18;
	[tilespmem:s2+$0x80] =	vst v7  }
0xff: {  	p1 =	slt.u32 s23, $0xFC;
	v8 =	vsub.f32 v8, v12;
	v7 =	vbroadcast v19, $0x0;
	v9 =	vld [tilespmem:s28+$0x0];
	v19 =	vbroadcast v21, $0x0  }
0x100: {  	v4 =	vsub.f32 v4, v11;
	v12 =	vld [tilespmem:s28+$0x10];
	[tilespmem:s0+$0x80] =	vst v6  }
0x101: {  	v6 =	vld.idx.msk [tilespmem:v3+s3+$0x0], $0xffff;
	[tilespmem:s29+$0x80] =	vst v8  }
0x102: {  	v8 =	vld.idx.msk [tilespmem:v14+s20+$0x0], $0xffff;
	[tilespmem:s25+$0x100] =	vst v4;
	s25 =	smov.u32 s29  }
0x103: {  	v10 =	vsub.f32 v10, v13;
	v11 =	vadd.s32 $0x2000, v20;
	v3 =	vadd.s32 $0x4000, v20;
	v4 =	vld.idx.msk [tilespmem:v15+s20+$0x0], $0xffff  }
0x104: {  	v13 =	vld.idx.msk [tilespmem:v16+s3+$0x0], $0xffff;
	v14 =	vadd.s32 $0x2000, v9;
	v21 =	vadd.s32 $0x4000, v9  }
0x105: {  	v7 =	vld.idx.msk [tilespmem:v7+s20+$0x0], $0xffff;
	v22 =	vadd.s32 $0x2000, v12;
	v23 =	vadd.s32 $0x4000, v12;
	[tilespmem:s8+$0x100] =	vst v10  }
0x106: {  	v10 =	vld.idx.msk [tilespmem:v20+s3+$0x0], $0xffff  }
0x107: {  	v9 =	vld.idx.msk [tilespmem:v9+s3+$0x0], $0xffff  }
0x108: {  	v12 =	vld.idx.msk [tilespmem:v12+s3+$0x0], $0xffff  }
0x109: {  	s11 =	sadd.s32 $0x40, s11;
	s26 =	sadd.s32 $0x200, s26;
	s1 =	sadd.s32 $0xFFFFFFFC, s16;
	v20 =	vadd.s32 $0x2000, v16;
	v15 =	vld.idx.msk [tilespmem:v15+s20+$0x0], $0xffff  }
0x10a: {  	s5 =	sadd.s32 $0xFFFFFFD0, s11;
	s7 =	sand.u32 $0x7C00, s26;
	v24 =	vmov s1;
	s1 =	sadd.s32 $0xFFFFFFE0, s11;
	v5 =	vld.idx.msk [tilespmem:v5+s20+$0x0], $0xffff  }
0x10b: {  	s9 =	sadd.s32 $0xFFFFFFF0, s11;
	s5 =	sand.u32 $0x40, s5;
	s7 =	sadd.s32 $0x11000, s7;
	v7 =	vsub.f32 v13, v7;
	v13 =	vld.idx.msk [tilespmem:v2+s3+$0x0], $0xffff;
	v2 =	vmov v21  }
0x10c: {  	s1 =	sand.u32 $0x50, s1;
	s8 =	sor.u32 s5, s7;
	s5 =	sand.u32 $0x60, s9;
	v8 =	vsub.f32 v10, v8;
	v21 =	vld.idx.msk [tilespmem:v0+s20+$0x0], $0xffff  }
0x10d: {  	s1 =	sor.u32 s1, s7;
	s9 =	sand.u32 $0x70, s11;
	s5 =	sor.u32 s5, s7;
	[tilespmem:s8+$0x0] =	vst v7;
	v7 =	vsub.f32 v9, v4;
	v4 =	vld.idx.msk [tilespmem:v1+s3+$0x0], $0xffff;
	v1 =	vmov v23  }
0x10e: {  	s29 =	sor.u32 s9, s7;
	v20 =	vld.idx.msk [tilespmem:v20+s3+$0x0], $0xffff;
	[tilespmem:s1+$0x0] =	vst v8  }
0x10f: {  	v8 =	vsub.f32 v12, v15;
	v23 =	vld.idx.msk [tilespmem:v24+s20+$0x0], $0xffff;
	[tilespmem:s5+$0x0] =	vst v7  }
0x110: {  	s7 =	sadd.s32 $0xFFFFFFFD, s16;
	v9 =	vsub.f32 v6, v5;
	v7 =	vld.idx.msk [tilespmem:v11+s3+$0x0], $0xffff  }
0x111: {  	v5 =	vmov s7;
	v10 =	vld.idx.msk [tilespmem:v24+s20+$0x0], $0xffff;
	[tilespmem:s29+$0x0] =	vst v8  }
.Ltmp5:
0x112: {  	v8 =	vand.u32 $0xFFFFFFFE, v5;
	v11 =	vsub.f32 v13, v21;
	v6 =	vld.idx.msk [tilespmem:v14+s3+$0x0], $0xffff;
	[tilespmem:s2+$0x100] =	vst v9;
	s2 =	smov.u32 s1;
	(pc) =	sbr.rel @p1 .LBB2_8-.Ltmp5, $4  }
0x113: {  	v14 =	vadd.s32 $0x4000, v16;
	v13 =	vbroadcast v8, $0x0;
	v9 =	vld.idx.msk [tilespmem:v19+s20+$0x0], $0xffff  }
0x114: {  	v8 =	vld.idx.msk [tilespmem:v22+s3+$0x0], $0xffff;
	[tilespmem:s0+$0x100] =	vst v11;
	s0 =	smov.u32 s5  }
0x115: {  	v15 =	vsub.f32 v20, v23;
	v12 =	vld.idx.msk [tilespmem:v18+s20+$0x0], $0xffff  }
0x116: {  	s28 =	sadd.s32 $0x40, s28;
	v11 =	vld.idx.msk [tilespmem:v0+s20+$0x0], $0xffff;
	v0 =	vmov v17  }
0x117: {  	_ =	sdelay $0x2  }
0x118: {  	[tilespmem:s8+$0x80] =	vst v15;
	v7 =	vsub.f32 v7, v10  }
0x119: {  	v60 =	vld.idx.msk [tilespmem:v14+s3+$0x0], $0xffff  }
0x11a: {  	v13 =	vld.idx.msk [tilespmem:v13+s20+$0x0], $0xffff;
	v6 =	vsub.f32 v6, v9;
	[tilespmem:s2+$0x80] =	vst v7  }
0x11b: {  	v3 =	vld.idx.msk [tilespmem:v3+s3+$0x0], $0xffff  }
0x11c: {  	v61 =	vsub.f32 v8, v12;
	[tilespmem:s0+$0x80] =	vst v6;
	v5 =	vld.idx.msk [tilespmem:v5+s20+$0x0], $0xffff  }
0x11d: {  	v2 =	vld.idx.msk [tilespmem:v2+s3+$0x0], $0xffff  }
0x11e: {  	v6 =	vld.idx.msk [tilespmem:v0+s20+$0x0], $0xffff;
	[tilespmem:s29+$0x80] =	vst v61  }
0x11f: {  	v1 =	vld.idx.msk [tilespmem:v1+s3+$0x0], $0xffff  }
0x120: {  	v62 =	vld.idx.msk [tilespmem:v0+s20+$0x0], $0xffff  }
0x121: {  	v4 =	vsub.f32 v4, v11  }
0x122: {  	v63 =	vsub.f32 v60, v13  }
0x123: {  	[tilespmem:s25+$0x100] =	vst v4;
	v3 =	vsub.f32 v3, v5  }
0x124: {  	s1 =	sadd.s32 s18, s12;
	[tilespmem:s8+$0x100] =	vst v63;
	v2 =	vsub.f32 v2, v6  }
0x125: {  	s31 =	sshrl.u32 s1, $0x3;
	[tilespmem:s2+$0x100] =	vst v3;
	v0 =	vsub.f32 v1, v62  }
0x126: {  	s5 =	simm.s32 $0x11400;
	[tilespmem:s0+$0x100] =	vst v2;
	s0 =	sadd.s32 s14, s31  }
0x127: {  	s1 =	simm.s32 $0x11000;
	s2 =	simm.s32 $0x40;
	s7 =	sadd.s32 $0x0, s0;
	[tilespmem:s29+$0x100] =	vst v0  }
.LBB2_10:
0x128: {  	[hbm4b:s7+s21] =	stream.strided.scatter [tilespmem:s1], [sflag:$0x1], $0x0, s22, s21, $0x38;
	[tilespmem:$0x19180] =	vst v63  }
0x129: {  	s7 =	smov.u32 s2;
	s1 =	smov.u32 s5;
	p1 =	seq.s32 s2, $0x7C0  }
.Ltmp6:
0x12a: {  	s2 =	sadd.s32 $0x40, s2;
	(pc) =	sbr.rel @!p1 .LBB2_10-.Ltmp6, $2  }
0x12b: {  	_ =	sdelay $0x2  }
0x12c: {  	s5 =	sadd.s32 $0x400, s5;
	s7 =	sadd.s32 s7, s0  }
0x12d: {  	[hbm4b:s7+s21] =	stream.strided.scatter [tilespmem:s1], [sflag:$0x1], $0x0, s22, s21, $0x38;
	[tilespmem:$0x19180] =	vst v63  }
0x12e: {  	s1 =	simm.s32 $0x11000  }
0x12f: {  	s2 =	simm.s32 $0x40;
	s7 =	sadd.s32 $0x0, s0;
	s5 =	simm.s32 $0x11400  }
.LBB2_12:
0x130: {  	[hbm4b:s7+s3] =	stream.linear.scatter [tilespmem:s1], [sflag:$0x1], $0x180, $0x38;
	[tilespmem:$0x19180] =	vst v63  }
0x131: {  	s7 =	smov.u32 s2;
	s1 =	smov.u32 s5;
	p1 =	sne.s32 s2, $0x7C0  }
.Ltmp7:
0x132: {  	s2 =	sadd.s32 $0x40, s2;
	(pc) =	sbr.rel @p1 .LBB2_12-.Ltmp7, $2  }
0x133: {  	_ =	sdelay $0x2  }
0x134: {  	s5 =	sadd.s32 $0x400, s5;
	s7 =	sadd.s32 s7, s0  }
0x135: {  	[hbm4b:s7+s3] =	stream.linear.scatter [tilespmem:s1], [sflag:$0x1], $0x180, $0x38;
	[tilespmem:$0x19180] =	vst v63  }
0x136: {  	p1 =	sne.s32 s24, s30  }
.Ltmp8:
0x137: {  	_ = 	snop;
	(pc) =	sbr.rel @p1 .LBB2_7-.Ltmp8, $4  }
.Ltmp9:
0x138: {  	_ = 	snop;
	(pc) =	sbr.rel @!p1 .LBB2_14-.Ltmp9, $4  }
0x139: {  	_ =	swait.ge [sflag:s4], $0x3000  }
0x13a: {  	s0 =	sadd.s32 $0x1, s24;
	[sflag:s4] =	ssyncset.done $0x0  }
0x13b: {  	s24 =	smov.u32 s0;
	[sflag:s4] =	ssyncadd.s32 $0xFFFFD000  }
0x13c: {  	_ = 	snop  }
.LBB2_15:
0x13d: {  	_ =	sfence.sel $0x180000  }
0x13e: {  	[bflag:$0x0] =	sbarrier.arrive $0xFFFF  }
0x13f: {  	_ =	strace $0x9000004A  }
0x140: {  	s0 =	stileid.u32;
	[bflag:$0x2] =	sbarrier.arrive $0xFFFF  }
0x141: {  	p0 =	sne.s32 s0, $0x0;
	s0 =	rddreg [dreg:$0x2]  }
0x142: {  	s0 =	sadd.s32 @!p0 $0x100000, s0  }
0x143: {  	[sflag:s0] =	ssyncadd.tile.s32 @!p0 $0x1;
	_ =	shalt  }
.Lfunc_end2:
_tile_overlayer_lowered:
.L_overlay_start_2:
0x144: {  	(tag) =	ssettag $0x2  }
0x145: {  	s0 =	rddreg [dreg:$0x0];
	s2 =	stileid.u32  }
0x146: {  	s1 =	rddreg [dreg:$0x1];
	p0 =	sne.s32 s2, $0x0  }
0x147: {  	s3 =	rddreg [dreg:$0x2];
	[bflag:$0x3] =	sbarrier.arrive $0xFFFF;
	s2 =	simm.s32 @!p0 $0x1C01  }
0x148: {  	[timem:s3], [sflag:s2] =	dma.local @!p0 [hbm:s0], s1  }
0x149: {  	s0 =	simm.s32 @!p0 $0x1  }
0x14a: {  	_ =	swait.ge @!p0 [sflag:s0], s1  }
0x14b: {  	s1 =	ssub.s32 @!p0 $0x0, s1;
	[sflag:s0] =	ssyncset.done @!p0 $0x0  }
0x14c: {  	[sflag:s0] =	ssyncadd.s32 @!p0 s1  }
0x14d: {  	[bflag:$0x3] =	sbarrier.arrive $0xFFFF  }
0x14e: {  	_ =	shalt  }

// kernel: sparse-core-data-format-call.cloned.1.call-start
scs
called_computation_lowered:
.L_overlay_start_0:
0x0: {  	s2 =	sld [smem:$0x3FD9]  }
0x1: {  	s3 =	sld [smem:$0x3FFE];
	_ =	sdelay $0x1  }
0x2: {  	s1 =	srdreg.scid  }
0x3: {  	s0 =	sand.u32 $0x1, s1  }
0x4: {  	s15 =	sshll.u32 s0, $0xA;
	s2 =	sadd.s32 s3, s2  }
0x5: {  	s2 =	sadd.s32 s2, s15  }
0x6: {  	[smem:$0x3FC5] =	sst s2  }
0x7: {  	_ = 	snop  }
0x8: {  	s2 =	sld [smem:$0x3FD0];
	_ =	sdelay $0x2  }
0x9: {  	s16 =	simm.s32 $0xA;
	s4 =	simm.s32 $0x10  }
0xa: {  	[smem:s4], [sflag:s16] =	dma.local [hbm:s2], $0x1  }
0xb: {  	_ =	swait.eq [sflag:s16], $0x1  }
0xc: {  	[sflag:s16] =	ssyncset.done $0x0  }
0xd: {  	[sflag:s16] =	ssyncadd.s32 $0xFFFFFFFF  }
0xe: {  	s17 =	sld [smem:$0x11];
	(tm) =	ssettm $0x1  }
0xf: {  	s18 =	sld [smem:$0x3FFB];
	_ =	sdelay $0x3  }
0x10: {  	_ =	strace s18  }
0x11: {  	s3 =	sld [smem:$0x3FFC];
	_ =	sdelay $0x3  }
0x12: {  	_ =	strace s3  }
0x13: {  	s3 =	sld [smem:$0x3FFD];
	_ =	sdelay $0x3  }
0x14: {  	_ =	strace s3  }
0x15: {  	_ =	strace $0x8FFFFFFF  }
0x16: {  	s19 =	sld [smem:$0x3FDB];
	_ =	sdelay $0x1  }
0x17: {  	s20 =	simm.s32 $_scs_section_size  }
0x18: {  	s5 =	simm.s32 $_size__tile_overlayer_lowered;
	s6 =	simm.s32 $_tile_overlayer_lowered  }
0x19: {  	s23 =	simm.s32 $0x1BFF;
	s22 =	sshll.u32 s6, $0x1;
	s3 =	sadd.s32 s20, s19  }
0x1a: {  	s7 =	simm.s32 $0x0;
	s21 =	sshll.u32 s5, $0x1;
	s5 =	sadd.s32 s22, s3  }
0x1b: {  	[timem:s7], [sflag:s23] =	dma.local [hbm:s5], s21  }
0x1c: {  	_ =	swait.ge [sflag:s23], s21  }
0x1d: {  	s4 =	ssub.s32 $0x0, s21;
	[sflag:s23] =	ssyncset.done $0x0  }
0x1e: {  	[sflag:s23] =	ssyncadd.s32 s4;
	_ =	sdelay $0x1  }
0x1f: {  	s24 =	simm.s32 $0x1B8B  }
0x20: {  	_ =	swait.ge [sflag:s24], $0x1  }
0x21: {  	[sflag:s24] =	ssyncset.done $0x0  }
0x22: {  	s26 =	simm.s32 $0x1B8E;
	s25 =	sld [smem:$0x3FFE];
	[sflag:s24] =	ssyncadd.s32 $0xFFFFFFFF  }
0x23: {  	s27 =	simm.s32 $execute0_lowered;
	[smem:$0x3FD2] =	sst s26  }
0x24: {  	s5 =	sshll.u32 s27, $0x1;
	_ =	strace $0x8000004C;
	[dreg:$0x1] =	wrdreg $0xFFFFFFFF  }
0x25: {  	s28 =	simm.s32 $_size_execute0_lowered;
	s3 =	sadd.s32 s3, s5;
	[dreg:$0x0] =	wrdreg $0x0  }
0x26: {  	s5 =	sshll.u32 s28, $0x1;
	[dreg:$0x2] =	wrdreg s3  }
0x27: {  	[dreg:$0x3] =	wrdreg s5  }
0x28: {  	[dreg:$0x4] =	wrdreg $0xC0  }
0x29: {  	_ =	task [dreg:s7], $0x5FFFF  }
0x2a: {  	[dreg:$0x1] =	wrdreg $0xFFFFFFFF  }
0x2b: {  	[dreg:$0x0] =	wrdreg $0x60  }
0x2c: {  	[dreg:$0x2] =	wrdreg s25  }
0x2d: {  	[dreg:$0x3] =	wrdreg s17  }
0x2e: {  	[dreg:$0x4] =	wrdreg $0x9  }
0x2f: {  	_ =	task.clear_ibuf [dreg:s7], $0x5FFFF;
	_ =	strace $0x9000004C  }
0x30: {  	s29 =	simm.s32 $0x9;
	_ =	strace $0x8000004E  }
0x31: {  	_ =	swait.ge [sflag:s29], $0x1  }
0x32: {  	[sflag:s29] =	ssyncadd.s32 $0xFFFFFFFF  }
0x33: {  	_ =	strace $0x9000004E  }
0x34: {  	_ =	sfence  }
0x35: {  	s30 =	sld [smem:$0x0];
	_ =	sdelay $0x2  }
0x36: {  	s31 =	sshll.u32 s1, $0xD;
	s1 =	sshrl.u32 s1, $0x2  }
0x37: {  	s3 =	sand.u32 $0x4000, s31;
	s1 =	sadd.s32 s1, s30  }
0x38: {  	s0 =	sor.u32 s3, s0;
	s1 =	sshll.u32 s1, $0x11  }
0x39: {  	s0 =	sor.u32 s1, s0  }
0x3a: {  	s0 =	sadd.s32 $0x8F2B, s0  }
0x3b: {  	[sflag:s0] =	ssyncadd.remote.s32 $0x1  }
0x3c: {  	_ =	sfence.sel $0xFFFF  }
0x3d: {  	[dreg:$0x0] =	wrdreg $0xFFFFFFFF;
	(pc) =	sbr.abs _section_cstart, $3  }
0x3e: {  	[dreg:$0x1] =	wrdreg $0xFFFFFFFF  }
0x3f: {  	_ =	task.clear_ibuf [dreg:s7], $0x2FFFF;
	_ =	strace $0x9FFFFFFF  }
0x40: {  	(tm) =	ssettm $0x7FFFFFFF  }
0x41: {  	_ =	shalt  }
tec
execute0_lowered:
.L_overlay_start_1:
0x0: {  	(tag) =	ssettag $0x1  }
0x1: {  	s0 =	stileid.u32;
	s4 =	rddreg [dreg:$0x0]  }
0x2: {  	s1 =	srdreg.scid;
	s3 =	rddreg [dreg:$0x1];
	s7 =	simm.s32 $0x1  }
0x3: {  	s31 =	simm.s32 $0x2;
	s17 =	simm.s32 $0x0;
	s9 =	simm.s32 $0x10000  }
0x4: {  	s18 =	simm.s32 $0x0;
	s2 =	sshll.u32 s0, $0x5;
	s1 =	sshll.u32 s1, $0x9  }
0x5: {  	s19 =	simm.s32 $0x0;
	s10 =	simm.s32 $0x0;
	s1 =	sor.u32 s2, s1  }
0x6: {  	s11 =	simm.s32 $0x0;
	s12 =	simm.s32 $0x0;
	s2 =	sand.u32 $0x380, s1  }
0x7: {  	s13 =	simm.s32 $0x0;
	s16 =	simm.s32 $0x0;
	s5 =	ssub.s32 $0x800, s2  }
0x8: {  	s4 =	sadd.s32 $0x86D400, s4;
	s1 =	rddreg [dreg:$0x2];
	s6 =	sand.u32 $0x380, s5  }
.Ltmp0:
0x9: {  	_ =	strace $0x8000004D;
	p0 =	sne.s32 s6, $0x0;
	(pc) =	sbr.rel .LBB1_1-.Ltmp0, $4  }
0xa: {  	s14 =	smov.u32 s2;
	s8 =	sshrl.u32 s5, $0xA;
	s7 =	simm.s32 @!p0 $0x0  }
0xb: {  	s5 =	sand.u32 $0x3, s0;
	s6 =	simm.s32 $0x1;
	s7 =	sadd.s32 s7, s8  }
0xc: {  	s15 =	smov.u32 s5;
	[sflag:s6] =	ssyncpa.u1 $0x0;
	s7 =	sshll.u32 s7, $0x5  }
0xd: {  	p0 =	por $0x0, $0x0;
	[sflag:s31] =	ssyncpa.u1 $0x0;
	s8 =	sor.u32 $0x1, s7  }
.LBB1_4:
0xe: {  	s25 =	sshll.u32 s10, $0xB;
	s24 =	sshra.s32 s24, $0x2;
	s26 =	sshll.u32 s11, $0x3  }
0xf: {  	p1 =	sgt.s32 s12, $0x3;
	s27 =	smov.u32 s12;
	s28 =	sshra.s32 s12, $0x1F  }
0x10: {  	p2 =	sgt.s32 s11, $0x780;
	s30 =	sshra.s32 s11, $0x1F;
	s25 =	sand.u32 $0xC000, s25  }
0x11: {  	s29 =	sand.u32 $0xFC00, s26;
	s27 =	simm.s32 @!p1 $0x3;
	s28 =	sand.u32 s28, s12  }
0x12: {  	s23 =	sadd.s32 s24, s23;
	s31 =	sand.u32 s30, s11;
	s30 =	sshra.s32 s10, $0x1F  }
0x13: {  	s26 =	sand.u32 $0x400, s26;
	s24 =	sadd.s32 s29, s25;
	s25 =	ssub.s32 s27, s28  }
0x14: {  	s28 =	smov.u32 s11;
	s29 =	smov.u32 s10;
	s27 =	sadd.s32 $0xFFFFFFFD, s25  }
0x15: {  	v5 =	vld [tilespmem:s21+$0xFFFFFFD0];
	[tilespmem:s22+$0x2040 ss:$0x81] =	vst.msk $0xffff, v4;
	s28 =	simm.s32 @!p2 $0x780;
	p2 =	sgt.s32 s10, $0x1F;
	s25 =	ssub.s32 $0x4, s25  }
0x16: {  	v58 =	vld [tilespmem:s21+$0xFFFFFFE0];
	[tilespmem:s22+$0x2850 ss:$0x81] =	vst.msk $0xffff, v3;
	s24 =	sshrl.u32 s24, $0x3;
	p1 =	sgt.s32 s27, $0x0;
	s27 =	ssub.s32 s28, s31  }
0x17: {  	v59 =	vld [tilespmem:s21+$0xFFFFFFF0];
	[tilespmem:s22+$0x3060 ss:$0x81] =	vst.msk $0xffff, v2;
	s29 =	simm.s32 @!p2 $0x1F;
	s28 =	sand.u32 s30, s10;
	s25 =	smul.u32 $0x43, s25  }
0x18: {  	[tilespmem:s22+$0x0 ss:$0x81] =	vst.msk $0xffff, v1;
	v60 =	vld [tilespmem:s21+$0x0];
	s24 =	sand.u32 $0x1F00, s24;
	s28 =	ssub.s32 s29, s28;
	s31 =	sadd.s32 $0xFFFFF880, s27  }
0x19: {  	v61 =	vld [tilespmem:s21+$0x10];
	[tilespmem:s23+$0x3870 ss:$0x81] =	vst.msk $0xffff, v0;
	s27 =	ssub.s32 $0x800, s27;
	s29 =	sshll.u32 s10, $0x7;
	p2 =	sgt.s32 s31, $0x7F  }
0x1a: {  	v62 =	vld [tilespmem:s21+$0x20];
	[tilespmem:s23+$0x810 ss:$0x81] =	vst.msk $0xffff, v5;
	s30 =	sadd.s32 $0xFFFFFFE1, s28;
	s25 =	simm.s32 @p1 $0x0;
	s31 =	sand.u32 $0x78, s11  }
0x1b: {  	v63 =	vld [tilespmem:s21+$0xFFFFFFC0];
	[tilespmem:s23+$0x1020 ss:$0x81] =	vst.msk $0xffff, v58;
	s27 =	simm.s32 @p2 $0x0;
	s22 =	sor.u32 s31, s26;
	s31 =	smul.u32 $0x86000, s12  }
0x1c: {  	[tilespmem:s23+$0x1830 ss:$0x81] =	vst.msk $0xffff, v59;
	p1 =	sgt.s32 s30, $0x0;
	s25 =	smul.u32 s25, s27;
	s27 =	ssub.s32 $0x20, s28  }
0x1d: {  	[tilespmem:s23+$0x2040 ss:$0x81] =	vst.msk $0xffff, v60;
	s30 =	sand.u32 $0x380, s29;
	s29 =	sand.u32 $0x7, s11;
	s27 =	simm.s32 @p1 $0x0  }
0x1e: {  	[tilespmem:s23+$0x2850 ss:$0x81] =	vst.msk $0xffff, v61;
	s21 =	sor.u32 s30, s22;
	s28 =	sadd.s32 s3, s31;
	s27 =	smul.u32 s27, s25  }
0x1f: {  	[tilespmem:s23+$0x3060 ss:$0x81] =	vst.msk $0xffff, v62;
	s30 =	sshll.u32 s29, $0x12;
	s21 =	sshrl.u32 s21, $0x3;
	s24 =	sadd.s32 s24, s28  }
0x20: {  	[tilespmem:s23+$0x0 ss:$0x81] =	vst.msk $0xffff, v63;
	s31 =	sor.u32 $0x80, s30;
	s21 =	sadd.s32 s21, s24;
	s22 =	sand.u32 $0x3FFFFFFF, s27  }
0x21: {  	[hbm4b:s21+s31] =	stream.strided.scatter [tilespmem:s20], [sflag:$0x2], s22, s9, s31, $0x20;
	[tilespmem:$0x10100] =	vst v63  }
.LBB1_5:
0x22: {  	p1 =	slt.u32 s16, $0x2  }
0x23: {  	p2 =	sgt.s32 @!p1 s19, $0x3  }
0x24: {  	s20 =	smov.u32 s19;
	s21 =	sshra.s32 @!p1 s19, $0x1F;
	p2 =	por !p2, p1  }
0x25: {  	p3 =	sgt.s32 @!p1 s18, $0x780;
	s19 =	sand.u32 @!p1 s21, s19;
	s20 =	simm.s32 @p2 $0x3  }
0x26: {  	p3 =	por !p3, p1;
	s19 =	ssub.s32 @!p1 s20, s19  }
0x27: {  	s21 =	sshra.s32 @!p1 s18, $0x1F;
	s20 =	sadd.s32 @!p1 $0xFFFFFFFD, s19;
	s19 =	ssub.s32 @!p1 $0x4, s19  }
0x28: {  	p2 =	sgt.s32 @!p1 s20, $0x0;
	s19 =	smul.u32 @!p1 $0x43, s19;
	s20 =	smov.u32 s18  }
0x29: {  	s18 =	sand.u32 @!p1 s21, s18;
	s20 =	simm.s32 @p3 $0x780;
	p3 =	sgt.s32 @!p1 s17, $0x1F  }
0x2a: {  	s21 =	smov.u32 s17;
	p2 =	por !p2, p1;
	p3 =	por !p3, p1  }
0x2b: {  	s18 =	ssub.s32 @!p1 s20, s18;
	s20 =	sshra.s32 @!p1 s17, $0x1F;
	s19 =	simm.s32 @!p2 $0x0  }
0x2c: {  	s21 =	simm.s32 @p3 $0x1F;
	s17 =	sand.u32 @!p1 s20, s17;
	s20 =	sadd.s32 @!p1 $0xFFFFF880, s18  }
0x2d: {  	s18 =	ssub.s32 @!p1 $0x800, s18;
	s17 =	ssub.s32 @!p1 s21, s17;
	p2 =	sgt.s32 @!p1 s20, $0x7F  }
0x2e: {  	s21 =	smov.u32 s14;
	s20 =	sadd.s32 @!p1 $0xFFFFFFE1, s17;
	p2 =	por !p2, p1  }
0x2f: {  	s17 =	ssub.s32 @!p1 $0x20, s17;
	p3 =	sgt.s32 @!p1 s20, $0x0;
	s18 =	simm.s32 @!p2 $0x0  }
0x30: {  	s20 =	sadd.s32 $0x1, s13;
	p2 =	por !p3, p1;
	s18 =	smul.u32 @!p1 s19, s18  }
0x31: {  	s19 =	sadd.s32 $0x400, s14;
	s17 =	simm.s32 @!p2 $0x0;
	p2 =	sgt.s32 s20, $0x1F  }
0x32: {  	s22 =	smov.u32 s15;
	s21 =	smov.u32 @p2 s19  }
0x33: {  	s17 =	smul.u32 @!p1 s17, s18;
	s18 =	sadd.s32 $0x4, s15;
	p3 =	sgt.s32 s21, $0x7FF  }
0x34: {  	p0 =	por !p0, !p0;
	s23 =	simm.s32 @!p1 $0x2;
	s22 =	smov.u32 @p3 s18  }
0x35: {  	s20 =	simm.s32 @p2 $0x0;
	s19 =	smov.u32 s12;
	p2 =	sgt.s32 s22, $0x3  }
0x36: {  	s12 =	smov.u32 s15;
	s22 =	smov.u32 @p2 s5;
	p2 =	sne.s32 s16, s8  }
.Ltmp1:
0x37: {  	s17 =	sand.u32 @!p1 $0x3FFFFFFF, s17;
	s21 =	smov.u32 @p3 s2;
	(pc) =	sbr.rel @!p2 .LBB1_6-.Ltmp1, $4  }
0x38: {  	s18 =	smov.u32 s11;
	s11 =	smov.u32 s14;
	_ =	swait.ge @!p1 [sflag:s23], s17  }
0x39: {  	s24 =	ssub.s32 @!p1 $0x0, s17;
	s17 =	smov.u32 s10;
	s10 =	smov.u32 s13  }
0x3a: {  	s13 =	smov.u32 s20;
	s14 =	smov.u32 s21;
	[sflag:s23] =	ssyncset.done @!p1 $0x0  }
0x3b: {  	s16 =	sadd.s32 $0x1, s16;
	[sflag:s23] =	ssyncadd.s32 @!p1 s24;
	s15 =	smov.u32 s22  }
.LBB1_1:
0x3c: {  	p1 =	sge.u32 s16, s7;
	s31 =	sadd.s32 $0xFFFFFFFF, s16  }
0x3d: {  	s20 =	sxor.u32 @!p1 $0xFFFFFFFF, s16;
	s21 =	sshll.u32 @!p1 s15, $0x14;
	s22 =	sshll.u32 @!p1 s14, $0x9  }
0x3e: {  	s23 =	sshll.u32 @!p1 s13, $0x4;
	s20 =	sshll.u32 @!p1 s20, $0xE;
	s21 =	sadd.s32 @!p1 s4, s21  }
0x3f: {  	s23 =	sand.u32 @!p1 $0x1F0, s23;
	s20 =	sand.u32 @!p1 $0x4000, s20;
	s21 =	sadd.s32 @!p1 s22, s21  }
0x40: {  	s22 =	simm.s32 @!p1 $0x80;
	s21 =	sadd.s32 @!p1 s23, s21;
	s23 =	simm.s32 @!p1 $0x1000  }
0x41: {  	[tilespmem:s20], [sflag:$0x1] =	stream.strided.gather @!p1 [hbm4b:s21+s22], $0x4000, s23, s22, $0x38;
	[tilespmem:$0x10100] =	vst v63  }
0x42: {  	p1 =	sge.u32 s31, s7  }
.Ltmp2:
0x43: {  	_ = 	snop;
	(pc) =	sbr.rel @p1 .LBB1_5-.Ltmp2, $1  }
0x44: {  	_ =	sdelay $0x3  }
0x45: {  	s20 =	simm.s32 $0x1  }
0x46: {  	_ =	swait.ge [sflag:s6], $0x4000;
	s20 =	simm.s32 @!p0 $0x0  }
0x47: {  	[sflag:s6] =	ssyncset.done $0x0;
	s21 =	sshll.u32 s20, $0xE  }
0x48: {  	[sflag:s6] =	ssyncadd.s32 $0xFFFFC000;
	s21 =	sor.u32 $0x40, s21  }
0x49: {  	s20 =	smul.u32 $0x10200, s20;
	v0 =	vld [tilespmem:s21+$0x30]  }
0x4a: {  	v1 =	vld [tilespmem:s21+$0xFFFFFFD0]  }
0x4b: {  	s20 =	sshrl.u32 s20, $0x2;
	v5 =	vld [tilespmem:s21+$0xFFFFFFE0]  }
0x4c: {  	v6 =	vld [tilespmem:s21+$0xFFFFFFF0];
	s23 =	sor.u32 $0x8000, s20  }
0x4d: {  	s31 =	sand.u32 $0x1, s16;
	v4 =	vld [tilespmem:s21+$0x0];
	s22 =	sadd.s32 $0x0, s23  }
0x4e: {  	v3 =	vld [tilespmem:s21+$0x10];
	s20 =	smul.u32 $0x10200, s31;
	[tilespmem:s22+$0x3870 ss:$0x81] =	vst.msk $0xffff, v0  }
0x4f: {  	v2 =	vld [tilespmem:s21+$0x20];
	[tilespmem:s22+$0x810 ss:$0x81] =	vst.msk $0xffff, v1  }
0x50: {  	s20 =	sshrl.u32 s20, $0x2;
	v1 =	vld [tilespmem:s21+$0xFFFFFFC0];
	[tilespmem:s22+$0x1020 ss:$0x81] =	vst.msk $0xffff, v5;
	s21 =	sadd.s32 $0x80, s21  }
0x51: {  	s24 =	simm.s32 $0x4;
	s25 =	simm.s32 $0x8;
	s20 =	sor.u32 $0x8000, s20;
	[tilespmem:s22+$0x1830 ss:$0x81] =	vst.msk $0xffff, v6;
	v0 =	vld [tilespmem:s21+$0x30]  }
.LBB1_3:
0x52: {  	p1 =	sne.s32 s25, $0x1FC;
	v5 =	vld [tilespmem:s21+$0xFFFFFFD0];
	[tilespmem:s22+$0x2040 ss:$0x81] =	vst.msk $0xffff, v4  }
0x53: {  	v6 =	vld [tilespmem:s21+$0xFFFFFFE0];
	[tilespmem:s22+$0x2850 ss:$0x81] =	vst.msk $0xffff, v3  }
0x54: {  	s26 =	sshra.s32 s24, $0x2;
	s24 =	smov.u32 s25;
	v7 =	vld [tilespmem:s21+$0xFFFFFFF0];
	[tilespmem:s22+$0x3060 ss:$0x81] =	vst.msk $0xffff, v2  }
.Ltmp3:
0x55: {  	v4 =	vld [tilespmem:s21+$0x0];
	[tilespmem:s22+$0x0 ss:$0x81] =	vst.msk $0xffff, v1;
	s22 =	sadd.s32 s26, s23;
	(pc) =	sbr.rel @p1 .LBB1_3-.Ltmp3, $4  }
0x56: {  	v3 =	vld [tilespmem:s21+$0x10];
	[tilespmem:s22+$0x3870 ss:$0x81] =	vst.msk $0xffff, v0  }
0x57: {  	[tilespmem:s22+$0x810 ss:$0x81] =	vst.msk $0xffff, v5;
	v2 =	vld [tilespmem:s21+$0x20]  }
0x58: {  	v1 =	vld [tilespmem:s21+$0xFFFFFFC0];
	[tilespmem:s22+$0x1020 ss:$0x81] =	vst.msk $0xffff, v6;
	s21 =	sadd.s32 $0x80, s21  }
0x59: {  	s25 =	sadd.s32 $0x4, s25;
	v0 =	vld [tilespmem:s21+$0x30];
	[tilespmem:s22+$0x1830 ss:$0x81] =	vst.msk $0xffff, v7  }
.Ltmp4:
0x5a: {  	_ = 	snop;
	(pc) =	sbr.rel .LBB1_4-.Ltmp4, $1  }
0x5b: {  	_ =	sdelay $0x3  }
.LBB1_6:
0x5c: {  	_ =	sfence.sel $0x180000  }
0x5d: {  	s2 =	simm.s32 $0x1;
	[bflag:$0x0] =	sbarrier.arrive $0xFFFF  }
0x5e: {  	s31 =	simm.s32 $0x2;
	[sflag:s2] =	ssyncpa.u1 $0x1  }
0x5f: {  	[sflag:s31] =	ssyncpa.u1 $0x1  }
0x60: {  	p0 =	sne.s32 s0, $0x0;
	_ =	strace $0x9000004D  }
0x61: {  	s0 =	sadd.s32 @!p0 $0x100000, s1;
	[bflag:$0x2] =	sbarrier.arrive $0xFFFF  }
0x62: {  	[sflag:s0] =	ssyncadd.tile.s32 @!p0 $0x1;
	_ =	shalt  }
.Lfunc_end1:
_tile_overlayer_lowered:
.L_overlay_start_2:
0x63: {  	(tag) =	ssettag $0x2  }
0x64: {  	s0 =	rddreg [dreg:$0x0];
	s2 =	stileid.u32  }
0x65: {  	s1 =	rddreg [dreg:$0x1];
	p0 =	sne.s32 s2, $0x0  }
0x66: {  	s3 =	rddreg [dreg:$0x2];
	[bflag:$0x3] =	sbarrier.arrive $0xFFFF;
	s2 =	simm.s32 @!p0 $0x1C01  }
0x67: {  	[timem:s3], [sflag:s2] =	dma.local @!p0 [hbm:s0], s1  }
0x68: {  	s0 =	simm.s32 @!p0 $0x1  }
0x69: {  	_ =	swait.ge @!p0 [sflag:s0], s1  }
0x6a: {  	s1 =	ssub.s32 @!p0 $0x0, s1;
	[sflag:s0] =	ssyncset.done @!p0 $0x0  }
0x6b: {  	[sflag:s0] =	ssyncadd.s32 @!p0 s1  }
0x6c: {  	[bflag:$0x3] =	sbarrier.arrive $0xFFFF  }
0x6d: {  	_ =	shalt  }

</sc_bundles>
